<compile_context>
chip_gen: v7x
topology: tpu7x:2x2x1
jax: 0.10.2.dev20260603
libtpu: 0.0.44.dev20260713+nightly
codegen_flags: <defaults>
</compile_context>

<pallas_src>
import functools

import jax
import jax.numpy as jnp
from jax import lax
from jax.experimental import pallas as pl
from jax.experimental.pallas import tpu as pltpu
from jax.experimental.pallas import tpu_sc as plsc

N = 10000
N2 = 2 * N
E = 160000
D = 256
O = 128

NROWS = 2560
EPAD = NROWS * 128 - 2 * E
NACC = 20096
HC = 128
CB = 64
NCB = 4

ROWS_T_AGG = NROWS // 16
ROWS_T_DEG = NROWS // 32
ACC_STRIPE = NACC // 16

RB = 1000
KB = 4096

S_CHUNK = 32
NBUF = 4
LA = 2


@functools.cache
def _mesh():
    return plsc.VectorSubcoreMesh(
        core_axis_name="c", subcore_axis_name="s",
        num_cores=2, num_subcores=16)



def _deg_body(dst_hbm, ones_hbm, zeros_hbm, out_hbm, dbuf, ones_v, acc):
    c = lax.axis_index("c")
    s = lax.axis_index("s")
    pltpu.sync_copy(ones_hbm, ones_v)
    pltpu.sync_copy(zeros_hbm, acc.at[pl.ds(s * ACC_STRIPE, ACC_STRIPE)])
    row0 = (c * 16 + s) * ROWS_T_DEG
    pltpu.sync_copy(dst_hbm.at[pl.ds(row0, ROWS_T_DEG)], dbuf)
    plsc.subcore_barrier()

    def body(j, carry):
        pltpu.sync_copy(ones_v, acc.at[dbuf.at[j]], add=True)
        return carry

    lax.fori_loop(0, ROWS_T_DEG, body, 0)
    plsc.subcore_barrier()
    pltpu.sync_copy(
        acc.at[pl.ds(s * ACC_STRIPE, ACC_STRIPE)],
        out_hbm.at[c, pl.ds(s * ACC_STRIPE, ACC_STRIPE)],
    )


@functools.cache
def _deg_kernel():
    return pl.kernel(
        _deg_body,
        out_type=jax.ShapeDtypeStruct((2, NACC, 8), jnp.int32),
        mesh=_mesh(),
        compiler_params=pltpu.CompilerParams(use_tc_tiling_on_sc=False),
        scratch_types=[
            pltpu.VMEM((ROWS_T_DEG, 128), jnp.int32),
            pltpu.VMEM((128, 8), jnp.int32),
            pltpu.VMEM_SHARED((NACC, 8), jnp.int32),
        ],
    )


def _deg_call(*args):
    return _deg_kernel()(*args)


def _agg_body(src_hbm, dst_hbm, q01, q23, zeros_hbm, a01, a23,
              sbuf, dbuf, rows, sems_g, sems_s, acc):
    c = lax.axis_index("c")
    s = lax.axis_index("s")
    row0 = s * ROWS_T_AGG

    for c_static in range(2):
        @pl.when(c == c_static)
        def _run():
            q_h = (q01, q23)[c_static]
            a_h = (a01, a23)[c_static]
            pltpu.sync_copy(
                zeros_hbm, acc.at[pl.ds(s * ACC_STRIPE, ACC_STRIPE)])
            plsc.subcore_barrier()

            def stage(kk, carry):
                r0 = row0 + kk * S_CHUNK
                pltpu.sync_copy(src_hbm.at[pl.ds(r0, S_CHUNK)], sbuf)
                pltpu.sync_copy(dst_hbm.at[pl.ds(r0, S_CHUNK)], dbuf)
                for i in range(LA):
                    pltpu.async_copy(
                        q_h.at[sbuf.at[i]], rows.at[i], sems_g.at[i])

                def body(q, carry2):
                    base = q * NBUF
                    for t in range(NBUF):
                        j = base + t
                        la = j + LA
                        sl = (t + LA) % NBUF

                        @pl.when(la < S_CHUNK)
                        def _issue():
                            @pl.when(la - NBUF >= 0)
                            def _drain():
                                pltpu.make_async_copy(
                                    rows.at[sl],
                                    acc.at[dbuf.at[la - NBUF]],
                                    sems_s.at[sl]).wait()

                            pltpu.async_copy(
                                q_h.at[sbuf.at[la]], rows.at[sl],
                                sems_g.at[sl])

                        pltpu.make_async_copy(
                            q_h.at[sbuf.at[j]], rows.at[t],
                            sems_g.at[t]).wait()
                        pltpu.async_copy(
                            rows.at[t], acc.at[dbuf.at[j]],
                            sems_s.at[t], add=True)
                    return carry2

                lax.fori_loop(0, S_CHUNK // NBUF, body, 0)
                for t in range(NBUF):
                    r = S_CHUNK - NBUF + t
                    pltpu.make_async_copy(
                        rows.at[t], acc.at[dbuf.at[r]],
                        sems_s.at[t]).wait()
                return carry

            lax.fori_loop(0, ROWS_T_AGG // S_CHUNK, stage, 0)
            plsc.subcore_barrier()
            pltpu.sync_copy(
                acc.at[pl.ds(s * ACC_STRIPE, ACC_STRIPE)],
                a_h.at[pl.ds(s * ACC_STRIPE, ACC_STRIPE)],
            )


@functools.cache
def _agg_kernel():
    return pl.kernel(
        _agg_body,
        out_type=tuple(
            jax.ShapeDtypeStruct((NACC, HC), jnp.bfloat16) for _ in range(2)),
        mesh=_mesh(),
        compiler_params=pltpu.CompilerParams(
            use_tc_tiling_on_sc=False, needs_layout_passes=False),
        scratch_types=[
            pltpu.VMEM((S_CHUNK, 128), jnp.int32),
            pltpu.VMEM((S_CHUNK, 128), jnp.int32),
            pltpu.VMEM((NBUF, 128, HC), jnp.bfloat16),
            pltpu.SemaphoreType.DMA((NBUF,)),
            pltpu.SemaphoreType.DMA((NBUF,)),
            pltpu.VMEM_SHARED((NACC, HC), jnp.bfloat16),
        ],
    )


def _agg_call(*args):
    return _agg_kernel()(*args)



def _dinv(counts):
    deg = (counts[0] + counts[1] + 1).astype(jnp.float32)
    return lax.rsqrt(deg)


def _mm1_body(counts_ref, x_ref, w_ref, o0, o1, o2, o3, q01, q23):
    dinv = _dinv(counts_ref[...])
    h = jnp.dot(x_ref[...], w_ref[...], preferred_element_type=jnp.float32)
    g = h * dinv
    for k, o in enumerate((o0, o1, o2, o3)):
        o[...] = g[:, k * CB:(k + 1) * CB]
    q01[...] = g[:, :HC].astype(jnp.bfloat16)
    q23[...] = g[:, HC:].astype(jnp.bfloat16)


def _mid_body(counts_ref, a01, a23, g0, g1, g2, g3, b_ref, w_ref,
              o0, o1, o2, o3, q01, q23):
    dinv = _dinv(counts_ref[...])
    agg = jnp.concatenate(
        [a01[...].astype(jnp.float32), a23[...].astype(jnp.float32)], axis=1)
    gcat = jnp.concatenate([g0[...], g1[...], g2[...], g3[...]], axis=1)
    y = jnp.maximum((agg + gcat) * dinv + b_ref[...], 0.0)
    h = jnp.dot(y, w_ref[...], preferred_element_type=jnp.float32)
    g = h * dinv
    for k, o in enumerate((o0, o1, o2, o3)):
        o[...] = g[:, k * CB:(k + 1) * CB]
    q01[...] = g[:, :HC].astype(jnp.bfloat16)
    q23[...] = g[:, HC:].astype(jnp.bfloat16)


def _tail_body(counts_ref, a01, a23, g0, g1, g2, g3, b_ref,
               v_ref, s1, s2):
    i = pl.program_id(0)
    dinv = _dinv(counts_ref[...])
    agg = jnp.concatenate(
        [a01[...].astype(jnp.float32), a23[...].astype(jnp.float32)], axis=1)
    gcat = jnp.concatenate([g0[...], g1[...], g2[...], g3[...]], axis=1)
    y = jnp.maximum((agg + gcat) * dinv + b_ref[...], 0.0)
    colsum = jnp.sum(y, axis=0, keepdims=True)

    @pl.when(i == 0)
    def _init():
        s1[...] = jnp.zeros_like(s1)
        s2[...] = jnp.zeros_like(s2)

    @pl.when(i < N2 // RB // 2)
    def _acc1():
        s1[...] += colsum

    @pl.when(i >= N2 // RB // 2)
    def _acc2():
        s2[...] += colsum

    @pl.when(i == N2 // RB - 1)
    def _fin():
        h1 = s1[...] * (1.0 / N)
        h2 = s2[...] * (1.0 / N)
        v_ref[...] = jnp.transpose(h1) * h2


def _fc_body(v_ref, w_ref, b_ref, o_ref):
    i = pl.program_id(0)

    @pl.when(i == 0)
    def _init():
        o_ref[...] = b_ref[...]

    o_ref[...] += jnp.dot(
        v_ref[...], w_ref[...], preferred_element_type=jnp.float32)


def _counts_spec():
    return pl.BlockSpec((2, RB, 1), lambda i: (0, i, 0))


def _cb_specs():
    return [pl.BlockSpec((RB, CB), lambda i: (i, 0)) for _ in range(NCB)]


def _hc_specs():
    return [pl.BlockSpec((RB, HC), lambda i: (i, 0)) for _ in range(2)]


def _gq_shapes():
    return tuple(
        jax.ShapeDtypeStruct((N2, CB), jnp.float32) for _ in range(NCB)
    ) + tuple(
        jax.ShapeDtypeStruct((N2, HC), jnp.bfloat16) for _ in range(2))


def _mm1_call(counts, x, w1):
    return pl.pallas_call(
        _mm1_body,
        grid=(N2 // RB,),
        in_specs=[
            _counts_spec(),
            pl.BlockSpec((RB, D), lambda i: (i, 0)),
            pl.BlockSpec((D, D), lambda i: (0, 0)),
        ],
        out_specs=_cb_specs() + _hc_specs(),
        out_shape=_gq_shapes(),
    )(counts, x, w1)


def _mid_call(counts, aggs, gs, b, w2):
    return pl.pallas_call(
        _mid_body,
        grid=(N2 // RB,),
        in_specs=[_counts_spec()] + _hc_specs() + _cb_specs() + [
            pl.BlockSpec((1, D), lambda i: (0, 0)),
            pl.BlockSpec((D, D), lambda i: (0, 0)),
        ],
        out_specs=_cb_specs() + _hc_specs(),
        out_shape=_gq_shapes(),
    )(counts, *aggs, *gs, b, w2)


def _tail_call(counts, aggs, gs, b):
    return pl.pallas_call(
        _tail_body,
        grid=(N2 // RB,),
        in_specs=[_counts_spec()] + _hc_specs() + _cb_specs() + [
            pl.BlockSpec((1, D), lambda i: (0, 0)),
        ],
        out_specs=pl.BlockSpec((D, D), lambda i: (0, 0)),
        out_shape=jax.ShapeDtypeStruct((D, D), jnp.float32),
        scratch_shapes=[
            pltpu.VMEM((1, D), jnp.float32),
            pltpu.VMEM((1, D), jnp.float32),
        ],
    )(counts, *aggs, *gs, b)


def _fc_call(v_flat, wfc, bfc):
    return pl.pallas_call(
        _fc_body,
        grid=(D * D // KB,),
        in_specs=[
            pl.BlockSpec((1, KB), lambda i: (0, i)),
            pl.BlockSpec((KB, O), lambda i: (i, 0)),
            pl.BlockSpec((1, O), lambda i: (0, 0)),
        ],
        out_specs=pl.BlockSpec((1, O), lambda i: (0, 0)),
        out_shape=jax.ShapeDtypeStruct((1, O), jnp.float32),
    )(v_flat, wfc, bfc)



@jax.jit
def kernel(x_lig, x_tar, A_inter, lig_e_idx, tar_e_idx,
           W1, b1, W2, b2, Wfc, bfc):
    del A_inter

    x = jnp.concatenate([x_lig, x_tar], axis=0)
    src = jnp.concatenate([
        lig_e_idx[0], tar_e_idx[0] + N,
        jnp.zeros((EPAD,), jnp.int32)]).reshape(NROWS, 128)
    dst = jnp.concatenate([
        lig_e_idx[1], tar_e_idx[1] + N,
        jnp.full((EPAD,), N2, jnp.int32)]).reshape(NROWS, 128)

    ones_deg = jnp.ones((128, 8), jnp.int32)
    zeros_deg = jnp.zeros((ACC_STRIPE, 8), jnp.int32)
    zeros_agg = jnp.zeros((ACC_STRIPE, HC), jnp.bfloat16)

    counts_raw = _deg_call(dst, ones_deg, zeros_deg)
    counts = counts_raw[:, :N2, 0:1]

    r1 = _mm1_call(counts, x, W1)
    g1, q1 = r1[:NCB], r1[NCB:]
    a1 = _agg_call(src, dst, *q1, zeros_agg)
    r2 = _mid_call(counts, a1, g1, b1.reshape(1, D), W2)
    g2, q2 = r2[:NCB], r2[NCB:]
    a2 = _agg_call(src, dst, *q2, zeros_agg)
    v = _tail_call(counts, a2, g2, b2.reshape(1, D))
    out = _fc_call(v.reshape(1, D * D), Wfc, bfc.reshape(1, O))
    return out

# --- scband reference (transcript-rebuilt; emitter-appended) ---
"""Pipeline reference for scband-gnn-1254130451136 (READ-ONLY COPY).

The authoritative reference and input builder live on the scoring server;
editing this copy changes nothing except your own understanding.
"""

import jax, jax.numpy as jnp
import numpy as np

N = 10000
E = 160000
D = 256
H = 256
O = 128


def setup_inputs(seed: int = 0) -> dict:
    key = jax.random.key(seed)
    ks = jax.random.split(key, 12)
    x_lig = jax.random.normal(ks[0], (N, D), dtype=jnp.float32)
    x_tar = jax.random.normal(ks[1], (N, D), dtype=jnp.float32)
    A_inter = jax.random.randint(ks[2], (2, N), 0, N, dtype=jnp.int32)
    lig_e_idx = jax.random.randint(ks[3], (2, E), 0, N, dtype=jnp.int32)
    tar_e_idx = jax.random.randint(ks[4], (2, E), 0, N, dtype=jnp.int32)
    # GCNConv weights (glorot-ish) and biases; conv1/conv2 are shared across both graphs
    W1 = jax.random.normal(ks[5], (D, H), dtype=jnp.float32) * (1.0 / np.sqrt(D))
    b1 = jnp.zeros((H,), dtype=jnp.float32)
    W2 = jax.random.normal(ks[6], (H, H), dtype=jnp.float32) * (1.0 / np.sqrt(H))
    b2 = jnp.zeros((H,), dtype=jnp.float32)
    Wfc = jax.random.normal(ks[7], (H * H, O), dtype=jnp.float32) * (1.0 / np.sqrt(H * H))
    bfc = jnp.zeros((O,), dtype=jnp.float32)
    return {
        "x_lig": x_lig, "x_tar": x_tar, "A_inter": A_inter,
        "lig_e_idx": lig_e_idx, "tar_e_idx": tar_e_idx,
        "W1": W1, "b1": b1, "W2": W2, "b2": b2, "Wfc": Wfc, "bfc": bfc,
    }


def _gcn_conv(x, edge_index, W, b):
    # PyG-style GCNConv: add self-loops, symmetric normalization, linear transform,
    # scatter-add aggregation over destination nodes.
    n = x.shape[0]
    loop = jnp.arange(n, dtype=edge_index.dtype)
    src = jnp.concatenate([edge_index[0], loop])
    dst = jnp.concatenate([edge_index[1], loop])
    h = x @ W
    deg = jnp.zeros((n,), dtype=x.dtype).at[dst].add(1.0)
    deg_inv_sqrt = jnp.where(deg > 0, 1.0 / jnp.sqrt(jnp.maximum(deg, 1.0)), 0.0)
    norm = deg_inv_sqrt[src] * deg_inv_sqrt[dst]
    msgs = h[src] * norm[:, None]
    out = jnp.zeros((n, W.shape[1]), dtype=x.dtype).at[dst].add(msgs)
    return out + b


def reference(x_lig, x_tar, A_inter, lig_e_idx, tar_e_idx, W1, b1, W2, b2, Wfc, bfc):
    # Ligand branch
    h1 = jax.nn.relu(_gcn_conv(x_lig, lig_e_idx, W1, b1))
    h1 = jax.nn.relu(_gcn_conv(h1, lig_e_idx, W2, b2))
    # global_mean_pool with all-zero batch ids -> mean over all nodes, batch size 1
    h1 = jnp.mean(h1, axis=0, keepdims=True)
    # Target branch (shared conv weights, as in the original module)
    h2 = jax.nn.relu(_gcn_conv(x_tar, tar_e_idx, W1, b1))
    h2 = jax.nn.relu(_gcn_conv(h2, tar_e_idx, W2, b2))
    h2 = jnp.mean(h2, axis=0, keepdims=True)
    inter = jnp.einsum('bi,bj->bij', h1, h2)
    inter = inter.reshape(inter.shape[0], -1)
    h_ = inter @ Wfc + bfc
    return h_

if __name__ == "__main__":
    import jax
    _d = setup_inputs()
    print(jax.jit(kernel)(*tuple(_d.values())))

</pallas_src>

<mosaic_0001>
#map = affine_map<(d0, d1) -> (0, 0)>
module attributes {stable_mosaic.version = 14 : i64} {
  func.func @_agg_body(%arg0: i32, %arg1: i32, %arg2: memref<2560x128xi32, #tpu.memory_space<hbm>>, %arg3: memref<2560x128xi32, #tpu.memory_space<hbm>>, %arg4: memref<20000x128xbf16, #tpu.memory_space<hbm>>, %arg5: memref<20000x128xbf16, #tpu.memory_space<hbm>>, %arg6: memref<1256x128xbf16, #tpu.memory_space<hbm>>, %arg7: memref<20096x128xbf16, #tpu.memory_space<hbm>>, %arg8: memref<20096x128xbf16, #tpu.memory_space<hbm>>, %arg9: memref<32x128xi32, #tpu.memory_space<vmem>>, %arg10: memref<32x128xi32, #tpu.memory_space<vmem>>, %arg11: memref<4x128x128xbf16, #tpu.memory_space<vmem>>, %arg12: memref<4x!tpu.dma_semaphore, #tpu.memory_space<semaphore_mem>>, %arg13: memref<4x!tpu.dma_semaphore, #tpu.memory_space<semaphore_mem>>, %arg14: memref<20096x128xbf16, #tpu.memory_space<vmem_shared>>) attributes {dimension_semantics = [#tpu.dimension_semantics<core_parallel>, #tpu.dimension_semantics<subcore_parallel>], iteration_bounds = array<i64: 2, 16>, scalar_prefetch = 0 : i64, scratch_operands = 6 : i64, tpu.core_type = #tpu.core_type<sc_vector_subcore>, window_params = [{transform_indices = #map}, {transform_indices = #map}, {transform_indices = #map}, {transform_indices = #map}, {transform_indices = #map}, {transform_indices = #map}, {transform_indices = #map}]} {
    %mul3A = arith.constant 160 : i32
    %mul3A_0 = arith.muli %arg1, %mul3A : i32
    %eq3A = arith.constant 0 : i32
    %eq3A_1 = arith.cmpi eq, %arg0, %eq3A : i32
    %convert_element_type3A = arith.extui %eq3A_1 : i1 to i32
    %cond3A = arith.constant 0 : i32
    %cond3A_2 = arith.cmpi ne, %convert_element_type3A, %cond3A : i32
    scf.if %cond3A_2 {
      %mul3A_8 = arith.constant 1256 : i32
      %mul3A_9 = arith.muli %arg1, %mul3A_8 : i32
      "tpu.region"() ({
        %run_scoped3A = tpu.sem_alloc : memref<!tpu.dma_semaphore, #tpu.memory_space<semaphore_mem>>
        %dma_start3A = arith.constant 0 : i32
        %dma_start3A_20 = tpu.memref_slice %arg14[%mul3A_9, %dma_start3A] : memref<20096x128xbf16, #tpu.memory_space<vmem_shared>> -> memref<1256x128xbf16, #tpu.memory_space<vmem_shared>>
        tpu.enqueue_dma source(%arg6 : memref<1256x128xbf16, #tpu.memory_space<hbm>>) target(%dma_start3A_20 : memref<1256x128xbf16, #tpu.memory_space<vmem_shared>>) target_semaphore(%run_scoped3A : memref<!tpu.dma_semaphore, #tpu.memory_space<semaphore_mem>>)
        %dma_wait3A = arith.constant 0 : i32
        %dma_wait3A_21 = tpu.memref_slice %arg14[%mul3A_9, %dma_wait3A] : memref<20096x128xbf16, #tpu.memory_space<vmem_shared>> -> memref<1256x128xbf16, #tpu.memory_space<vmem_shared>>
        tpu.wait_dma2 semaphore(%run_scoped3A : memref<!tpu.dma_semaphore, #tpu.memory_space<semaphore_mem>>) src(%arg6 : memref<1256x128xbf16, #tpu.memory_space<hbm>>) dst(%dma_wait3A_21 : memref<1256x128xbf16, #tpu.memory_space<vmem_shared>>)
        tpu.yield
      }) : () -> ()
      %barrier3A = arith.constant 0 : index
      tpu.barrier barrier_id(%barrier3A)
      %scan3A = arith.constant 0 : i32
      %scan3A_10 = arith.constant 0 : i32
      %scan3A_11 = arith.constant 5 : i32
      %scan3A_12 = arith.addi %scan3A_10, %scan3A_11 : i32
      %scan3A_13 = arith.constant 1 : i32
      scf.for %scan3A_20 = %scan3A_10 to %scan3A_12 step %scan3A_13  : i32 {
        %mul3A_21 = arith.constant 32 : i32
        %mul3A_22 = arith.muli %scan3A_20, %mul3A_21 : i32
        %add3A = arith.addi %mul3A_0, %mul3A_22 : i32
        "tpu.region"() ({
          %run_scoped3A = tpu.sem_alloc : memref<!tpu.dma_semaphore, #tpu.memory_space<semaphore_mem>>
          %dma_start3A_117 = arith.constant 0 : i32
          %dma_start3A_118 = tpu.memref_slice %arg2[%add3A, %dma_start3A_117] : memref<2560x128xi32, #tpu.memory_space<hbm>> -> memref<32x128xi32, #tpu.memory_space<hbm>>
          %dma_start3A_119 = arith.constant 0 : i32
          %dma_start3A_120 = tpu.memref_slice %arg2[%add3A, %dma_start3A_119] : memref<2560x128xi32, #tpu.memory_space<hbm>> -> memref<32x128xi32, #tpu.memory_space<hbm>>
          tpu.enqueue_dma source(%dma_start3A_120 : memref<32x128xi32, #tpu.memory_space<hbm>>) target(%arg9 : memref<32x128xi32, #tpu.memory_space<vmem>>) target_semaphore(%run_scoped3A : memref<!tpu.dma_semaphore, #tpu.memory_space<semaphore_mem>>)
          %dma_wait3A_121 = arith.constant 0 : i32
          %dma_wait3A_122 = tpu.memref_slice %arg2[%add3A, %dma_wait3A_121] : memref<2560x128xi32, #tpu.memory_space<hbm>> -> memref<32x128xi32, #tpu.memory_space<hbm>>
          %dma_wait3A_123 = arith.constant 0 : i32
          %dma_wait3A_124 = tpu.memref_slice %arg2[%add3A, %dma_wait3A_123] : memref<2560x128xi32, #tpu.memory_space<hbm>> -> memref<32x128xi32, #tpu.memory_space<hbm>>
          tpu.wait_dma2 semaphore(%run_scoped3A : memref<!tpu.dma_semaphore, #tpu.memory_space<semaphore_mem>>) src(%dma_wait3A_124 : memref<32x128xi32, #tpu.memory_space<hbm>>) dst(%arg9 : memref<32x128xi32, #tpu.memory_space<vmem>>)
          tpu.yield
        }) : () -> ()
        "tpu.region"() ({
          %run_scoped3A = tpu.sem_alloc : memref<!tpu.dma_semaphore, #tpu.memory_space<semaphore_mem>>
          %dma_start3A_117 = arith.constant 0 : i32
          %dma_start3A_118 = tpu.memref_slice %arg3[%add3A, %dma_start3A_117] : memref<2560x128xi32, #tpu.memory_space<hbm>> -> memref<32x128xi32, #tpu.memory_space<hbm>>
          %dma_start3A_119 = arith.constant 0 : i32
          %dma_start3A_120 = tpu.memref_slice %arg3[%add3A, %dma_start3A_119] : memref<2560x128xi32, #tpu.memory_space<hbm>> -> memref<32x128xi32, #tpu.memory_space<hbm>>
          tpu.enqueue_dma source(%dma_start3A_120 : memref<32x128xi32, #tpu.memory_space<hbm>>) target(%arg10 : memref<32x128xi32, #tpu.memory_space<vmem>>) target_semaphore(%run_scoped3A : memref<!tpu.dma_semaphore, #tpu.memory_space<semaphore_mem>>)
          %dma_wait3A_121 = arith.constant 0 : i32
          %dma_wait3A_122 = tpu.memref_slice %arg3[%add3A, %dma_wait3A_121] : memref<2560x128xi32, #tpu.memory_space<hbm>> -> memref<32x128xi32, #tpu.memory_space<hbm>>
          %dma_wait3A_123 = arith.constant 0 : i32
          %dma_wait3A_124 = tpu.memref_slice %arg3[%add3A, %dma_wait3A_123] : memref<2560x128xi32, #tpu.memory_space<hbm>> -> memref<32x128xi32, #tpu.memory_space<hbm>>
          tpu.wait_dma2 semaphore(%run_scoped3A : memref<!tpu.dma_semaphore, #tpu.memory_space<semaphore_mem>>) src(%dma_wait3A_124 : memref<32x128xi32, #tpu.memory_space<hbm>>) dst(%arg10 : memref<32x128xi32, #tpu.memory_space<vmem>>)
          tpu.yield
        }) : () -> ()
        %dma_start3A = arith.constant 0 : i32
        %dma_start3A_23 = arith.constant 0 : i32
        %dma_start3A_24 = arith.constant 0 : i32
        %dma_start3A_25 = arith.constant 0 : i32
        %dma_start3A_26 = arith.constant 0 : i32
        %dma_start3A_27 = tpu.memref_slice %arg11[%dma_start3A_23, %dma_start3A_25, %dma_start3A_26] : memref<4x128x128xbf16, #tpu.memory_space<vmem>> -> memref<1x128x128xbf16, #tpu.memory_space<vmem>>
        %dma_start3A_28 = tpu.memref_squeeze %dma_start3A_27 : memref<1x128x128xbf16, #tpu.memory_space<vmem>> -> memref<128x128xbf16, #tpu.memory_space<vmem>>
        %dma_start3A_29 = arith.constant 0 : i32
        %dma_start3A_30 = tpu.memref_slice %arg9[%dma_start3A, %dma_start3A_29] : memref<32x128xi32, #tpu.memory_space<vmem>> -> memref<1x128xi32, #tpu.memory_space<vmem>>
        %dma_start3A_31 = tpu.memref_squeeze %dma_start3A_30 : memref<1x128xi32, #tpu.memory_space<vmem>> -> memref<128xi32, #tpu.memory_space<vmem>>
        %dma_start3A_32 = arith.constant 0 : i32
        %dma_start3A_33 = arith.constant 0 : i32
        %dma_start3A_34 = tpu.memref_slice %arg4[%dma_start3A_32, %dma_start3A_33] : memref<20000x128xbf16, #tpu.memory_space<hbm>> -> memref<20000x128xbf16, #tpu.memory_space<hbm>>
        %dma_start3A_35 = tpu.memref_slice %arg12[%dma_start3A_24] : memref<4x!tpu.dma_semaphore, #tpu.memory_space<semaphore_mem>> -> memref<1x!tpu.dma_semaphore, #tpu.memory_space<semaphore_mem>>
        %dma_start3A_36 = tpu.memref_squeeze %dma_start3A_35 : memref<1x!tpu.dma_semaphore, #tpu.memory_space<semaphore_mem>> -> memref<!tpu.dma_semaphore, #tpu.memory_space<semaphore_mem>>
        tpu.enqueue_indirect_dma source(%dma_start3A_34 : memref<20000x128xbf16, #tpu.memory_space<hbm>>) target(%dma_start3A_28 : memref<128x128xbf16, #tpu.memory_space<vmem>>) offsets(%dma_start3A_31 : memref<128xi32, #tpu.memory_space<vmem>>) semaphore(%dma_start3A_36 : memref<!tpu.dma_semaphore, #tpu.memory_space<semaphore_mem>>)
        %dma_start3A_37 = arith.constant 1 : i32
        %dma_start3A_38 = arith.constant 1 : i32
        %dma_start3A_39 = arith.constant 1 : i32
        %dma_start3A_40 = arith.constant 0 : i32
        %dma_start3A_41 = arith.constant 0 : i32
        %dma_start3A_42 = tpu.memref_slice %arg11[%dma_start3A_38, %dma_start3A_40, %dma_start3A_41] : memref<4x128x128xbf16, #tpu.memory_space<vmem>> -> memref<1x128x128xbf16, #tpu.memory_space<vmem>>
        %dma_start3A_43 = tpu.memref_squeeze %dma_start3A_42 : memref<1x128x128xbf16, #tpu.memory_space<vmem>> -> memref<128x128xbf16, #tpu.memory_space<vmem>>
        %dma_start3A_44 = arith.constant 0 : i32
        %dma_start3A_45 = tpu.memref_slice %arg9[%dma_start3A_37, %dma_start3A_44] : memref<32x128xi32, #tpu.memory_space<vmem>> -> memref<1x128xi32, #tpu.memory_space<vmem>>
        %dma_start3A_46 = tpu.memref_squeeze %dma_start3A_45 : memref<1x128xi32, #tpu.memory_space<vmem>> -> memref<128xi32, #tpu.memory_space<vmem>>
        %dma_start3A_47 = arith.constant 0 : i32
        %dma_start3A_48 = arith.constant 0 : i32
        %dma_start3A_49 = tpu.memref_slice %arg4[%dma_start3A_47, %dma_start3A_48] : memref<20000x128xbf16, #tpu.memory_space<hbm>> -> memref<20000x128xbf16, #tpu.memory_space<hbm>>
        %dma_start3A_50 = tpu.memref_slice %arg12[%dma_start3A_39] : memref<4x!tpu.dma_semaphore, #tpu.memory_space<semaphore_mem>> -> memref<1x!tpu.dma_semaphore, #tpu.memory_space<semaphore_mem>>
        %dma_start3A_51 = tpu.memref_squeeze %dma_start3A_50 : memref<1x!tpu.dma_semaphore, #tpu.memory_space<semaphore_mem>> -> memref<!tpu.dma_semaphore, #tpu.memory_space<semaphore_mem>>
        tpu.enqueue_indirect_dma source(%dma_start3A_49 : memref<20000x128xbf16, #tpu.memory_space<hbm>>) target(%dma_start3A_43 : memref<128x128xbf16, #tpu.memory_space<vmem>>) offsets(%dma_start3A_46 : memref<128xi32, #tpu.memory_space<vmem>>) semaphore(%dma_start3A_51 : memref<!tpu.dma_semaphore, #tpu.memory_space<semaphore_mem>>)
        %scan3A_52 = arith.constant 0 : i32
        %scan3A_53 = arith.constant 0 : i32
        %scan3A_54 = arith.constant 8 : i32
        %scan3A_55 = arith.addi %scan3A_53, %scan3A_54 : i32
        %scan3A_56 = arith.constant 1 : i32
        scf.for %scan3A_117 = %scan3A_53 to %scan3A_55 step %scan3A_56  : i32 {
          %mul3A_118 = arith.constant 4 : i32
          %mul3A_119 = arith.muli %scan3A_117, %mul3A_118 : i32
          %add3A_120 = arith.constant 0 : i32
          %add3A_121 = arith.addi %mul3A_119, %add3A_120 : i32
          %add3A_122 = arith.constant 2 : i32
          %add3A_123 = arith.addi %add3A_121, %add3A_122 : i32
          %lt3A = arith.constant 32 : i32
          %lt3A_124 = arith.cmpi slt, %add3A_123, %lt3A : i32
          %convert_element_type3A_125 = arith.extui %lt3A_124 : i1 to i32
          %cond3A_126 = arith.constant 0 : i32
          %cond3A_127 = arith.cmpi ne, %convert_element_type3A_125, %cond3A_126 : i32
          scf.if %cond3A_127 {
            %sub3A = arith.constant 4 : i32
            %sub3A_267 = arith.subi %add3A_123, %sub3A : i32
            %ge3A = arith.constant 0 : i32
            %ge3A_268 = arith.cmpi sge, %sub3A_267, %ge3A : i32
            %convert_element_type3A_269 = arith.extui %ge3A_268 : i1 to i32
            %cond3A_270 = arith.constant 0 : i32
            %cond3A_271 = arith.cmpi ne, %convert_element_type3A_269, %cond3A_270 : i32
            scf.if %cond3A_271 {
              %sub3A_286 = arith.constant 4 : i32
              %sub3A_287 = arith.subi %add3A_123, %sub3A_286 : i32
              %dma_wait3A_288 = arith.constant 2 : i32
              %dma_wait3A_289 = arith.constant 2 : i32
              %dma_wait3A_290 = arith.constant 0 : i32
              %dma_wait3A_291 = arith.constant 0 : i32
              %dma_wait3A_292 = tpu.memref_slice %arg11[%dma_wait3A_288, %dma_wait3A_290, %dma_wait3A_291] : memref<4x128x128xbf16, #tpu.memory_space<vmem>> -> memref<1x128x128xbf16, #tpu.memory_space<vmem>>
              %dma_wait3A_293 = tpu.memref_squeeze %dma_wait3A_292 : memref<1x128x128xbf16, #tpu.memory_space<vmem>> -> memref<128x128xbf16, #tpu.memory_space<vmem>>
              %dma_wait3A_294 = arith.constant 0 : i32
              %dma_wait3A_295 = tpu.memref_slice %arg10[%sub3A_287, %dma_wait3A_294] : memref<32x128xi32, #tpu.memory_space<vmem>> -> memref<1x128xi32, #tpu.memory_space<vmem>>
              %dma_wait3A_296 = tpu.memref_squeeze %dma_wait3A_295 : memref<1x128xi32, #tpu.memory_space<vmem>> -> memref<128xi32, #tpu.memory_space<vmem>>
              %dma_wait3A_297 = arith.constant 0 : i32
              %dma_wait3A_298 = arith.constant 0 : i32
              %dma_wait3A_299 = tpu.memref_slice %arg14[%dma_wait3A_297, %dma_wait3A_298] : memref<20096x128xbf16, #tpu.memory_space<vmem_shared>> -> memref<20096x128xbf16, #tpu.memory_space<vmem_shared>>
              %dma_wait3A_300 = tpu.memref_slice %arg13[%dma_wait3A_289] : memref<4x!tpu.dma_semaphore, #tpu.memory_space<semaphore_mem>> -> memref<1x!tpu.dma_semaphore, #tpu.memory_space<semaphore_mem>>
              %dma_wait3A_301 = tpu.memref_squeeze %dma_wait3A_300 : memref<1x!tpu.dma_semaphore, #tpu.memory_space<semaphore_mem>> -> memref<!tpu.dma_semaphore, #tpu.memory_space<semaphore_mem>>
              tpu.wait_indirect_dma semaphore(%dma_wait3A_301 : memref<!tpu.dma_semaphore, #tpu.memory_space<semaphore_mem>>) src(%dma_wait3A_293 : memref<128x128xbf16, #tpu.memory_space<vmem>>) dst(%dma_wait3A_299 : memref<20096x128xbf16, #tpu.memory_space<vmem_shared>>)
            } else {
            }
            %dma_start3A_272 = arith.constant 2 : i32
            %dma_start3A_273 = arith.constant 2 : i32
            %dma_start3A_274 = arith.constant 0 : i32
            %dma_start3A_275 = arith.constant 0 : i32
            %dma_start3A_276 = tpu.memref_slice %arg11[%dma_start3A_272, %dma_start3A_274, %dma_start3A_275] : memref<4x128x128xbf16, #tpu.memory_space<vmem>> -> memref<1x128x128xbf16, #tpu.memory_space<vmem>>
            %dma_start3A_277 = tpu.memref_squeeze %dma_start3A_276 : memref<1x128x128xbf16, #tpu.memory_space<vmem>> -> memref<128x128xbf16, #tpu.memory_space<vmem>>
            %dma_start3A_278 = arith.constant 0 : i32
            %dma_start3A_279 = tpu.memref_slice %arg9[%add3A_123, %dma_start3A_278] : memref<32x128xi32, #tpu.memory_space<vmem>> -> memref<1x128xi32, #tpu.memory_space<vmem>>
            %dma_start3A_280 = tpu.memref_squeeze %dma_start3A_279 : memref<1x128xi32, #tpu.memory_space<vmem>> -> memref<128xi32, #tpu.memory_space<vmem>>
            %dma_start3A_281 = arith.constant 0 : i32
            %dma_start3A_282 = arith.constant 0 : i32
            %dma_start3A_283 = tpu.memref_slice %arg4[%dma_start3A_281, %dma_start3A_282] : memref<20000x128xbf16, #tpu.memory_space<hbm>> -> memref<20000x128xbf16, #tpu.memory_space<hbm>>
            %dma_start3A_284 = tpu.memref_slice %arg12[%dma_start3A_273] : memref<4x!tpu.dma_semaphore, #tpu.memory_space<semaphore_mem>> -> memref<1x!tpu.dma_semaphore, #tpu.memory_space<semaphore_mem>>
            %dma_start3A_285 = tpu.memref_squeeze %dma_start3A_284 : memref<1x!tpu.dma_semaphore, #tpu.memory_space<semaphore_mem>> -> memref<!tpu.dma_semaphore, #tpu.memory_space<semaphore_mem>>
            tpu.enqueue_indirect_dma source(%dma_start3A_283 : memref<20000x128xbf16, #tpu.memory_space<hbm>>) target(%dma_start3A_277 : memref<128x128xbf16, #tpu.memory_space<vmem>>) offsets(%dma_start3A_280 : memref<128xi32, #tpu.memory_space<vmem>>) semaphore(%dma_start3A_285 : memref<!tpu.dma_semaphore, #tpu.memory_space<semaphore_mem>>)
          } else {
          }
          %dma_wait3A_128 = arith.constant 0 : i32
          %dma_wait3A_129 = arith.constant 0 : i32
          %dma_wait3A_130 = arith.constant 0 : i32
          %dma_wait3A_131 = arith.constant 0 : i32
          %dma_wait3A_132 = tpu.memref_slice %arg11[%dma_wait3A_128, %dma_wait3A_130, %dma_wait3A_131] : memref<4x128x128xbf16, #tpu.memory_space<vmem>> -> memref<1x128x128xbf16, #tpu.memory_space<vmem>>
          %dma_wait3A_133 = tpu.memref_squeeze %dma_wait3A_132 : memref<1x128x128xbf16, #tpu.memory_space<vmem>> -> memref<128x128xbf16, #tpu.memory_space<vmem>>
          %dma_wait3A_134 = arith.constant 0 : i32
          %dma_wait3A_135 = tpu.memref_slice %arg9[%add3A_121, %dma_wait3A_134] : memref<32x128xi32, #tpu.memory_space<vmem>> -> memref<1x128xi32, #tpu.memory_space<vmem>>
          %dma_wait3A_136 = tpu.memref_squeeze %dma_wait3A_135 : memref<1x128xi32, #tpu.memory_space<vmem>> -> memref<128xi32, #tpu.memory_space<vmem>>
          %dma_wait3A_137 = arith.constant 0 : i32
          %dma_wait3A_138 = arith.constant 0 : i32
          %dma_wait3A_139 = tpu.memref_slice %arg4[%dma_wait3A_137, %dma_wait3A_138] : memref<20000x128xbf16, #tpu.memory_space<hbm>> -> memref<20000x128xbf16, #tpu.memory_space<hbm>>
          %dma_wait3A_140 = tpu.memref_slice %arg12[%dma_wait3A_129] : memref<4x!tpu.dma_semaphore, #tpu.memory_space<semaphore_mem>> -> memref<1x!tpu.dma_semaphore, #tpu.memory_space<semaphore_mem>>
          %dma_wait3A_141 = tpu.memref_squeeze %dma_wait3A_140 : memref<1x!tpu.dma_semaphore, #tpu.memory_space<semaphore_mem>> -> memref<!tpu.dma_semaphore, #tpu.memory_space<semaphore_mem>>
          tpu.wait_indirect_dma semaphore(%dma_wait3A_141 : memref<!tpu.dma_semaphore, #tpu.memory_space<semaphore_mem>>) src(%dma_wait3A_139 : memref<20000x128xbf16, #tpu.memory_space<hbm>>) dst(%dma_wait3A_133 : memref<128x128xbf16, #tpu.memory_space<vmem>>)
          %dma_start3A_142 = arith.constant 0 : i32
          %dma_start3A_143 = arith.constant 0 : i32
          %dma_start3A_144 = arith.constant 0 : i32
          %dma_start3A_145 = arith.constant 0 : i32
          %dma_start3A_146 = tpu.memref_slice %arg11[%dma_start3A_142, %dma_start3A_144, %dma_start3A_145] : memref<4x128x128xbf16, #tpu.memory_space<vmem>> -> memref<1x128x128xbf16, #tpu.memory_space<vmem>>
          %dma_start3A_147 = tpu.memref_squeeze %dma_start3A_146 : memref<1x128x128xbf16, #tpu.memory_space<vmem>> -> memref<128x128xbf16, #tpu.memory_space<vmem>>
          %dma_start3A_148 = arith.constant 0 : i32
          %dma_start3A_149 = tpu.memref_slice %arg10[%add3A_121, %dma_start3A_148] : memref<32x128xi32, #tpu.memory_space<vmem>> -> memref<1x128xi32, #tpu.memory_space<vmem>>
          %dma_start3A_150 = tpu.memref_squeeze %dma_start3A_149 : memref<1x128xi32, #tpu.memory_space<vmem>> -> memref<128xi32, #tpu.memory_space<vmem>>
          %dma_start3A_151 = arith.constant 0 : i32
          %dma_start3A_152 = arith.constant 0 : i32
          %dma_start3A_153 = tpu.memref_slice %arg14[%dma_start3A_151, %dma_start3A_152] : memref<20096x128xbf16, #tpu.memory_space<vmem_shared>> -> memref<20096x128xbf16, #tpu.memory_space<vmem_shared>>
          %dma_start3A_154 = tpu.memref_slice %arg13[%dma_start3A_143] : memref<4x!tpu.dma_semaphore, #tpu.memory_space<semaphore_mem>> -> memref<1x!tpu.dma_semaphore, #tpu.memory_space<semaphore_mem>>
          %dma_start3A_155 = tpu.memref_squeeze %dma_start3A_154 : memref<1x!tpu.dma_semaphore, #tpu.memory_space<semaphore_mem>> -> memref<!tpu.dma_semaphore, #tpu.memory_space<semaphore_mem>>
          tpu.enqueue_indirect_dma source(%dma_start3A_147 : memref<128x128xbf16, #tpu.memory_space<vmem>>) target(%dma_start3A_153 : memref<20096x128xbf16, #tpu.memory_space<vmem_shared>>) offsets(%dma_start3A_150 : memref<128xi32, #tpu.memory_space<vmem>>) semaphore(%dma_start3A_155 : memref<!tpu.dma_semaphore, #tpu.memory_space<semaphore_mem>>) {add = true}
          %add3A_156 = arith.constant 1 : i32
          %add3A_157 = arith.addi %mul3A_119, %add3A_156 : i32
          %add3A_158 = arith.constant 2 : i32
          %add3A_159 = arith.addi %add3A_157, %add3A_158 : i32
          %lt3A_160 = arith.constant 32 : i32
          %lt3A_161 = arith.cmpi slt, %add3A_159, %lt3A_160 : i32
          %convert_element_type3A_162 = arith.extui %lt3A_161 : i1 to i32
          %cond3A_163 = arith.constant 0 : i32
          %cond3A_164 = arith.cmpi ne, %convert_element_type3A_162, %cond3A_163 : i32
          scf.if %cond3A_164 {
            %sub3A = arith.constant 4 : i32
            %sub3A_267 = arith.subi %add3A_159, %sub3A : i32
            %ge3A = arith.constant 0 : i32
            %ge3A_268 = arith.cmpi sge, %sub3A_267, %ge3A : i32
            %convert_element_type3A_269 = arith.extui %ge3A_268 : i1 to i32
            %cond3A_270 = arith.constant 0 : i32
            %cond3A_271 = arith.cmpi ne, %convert_element_type3A_269, %cond3A_270 : i32
            scf.if %cond3A_271 {
              %sub3A_286 = arith.constant 4 : i32
              %sub3A_287 = arith.subi %add3A_159, %sub3A_286 : i32
              %dma_wait3A_288 = arith.constant 3 : i32
              %dma_wait3A_289 = arith.constant 3 : i32
              %dma_wait3A_290 = arith.constant 0 : i32
              %dma_wait3A_291 = arith.constant 0 : i32
              %dma_wait3A_292 = tpu.memref_slice %arg11[%dma_wait3A_288, %dma_wait3A_290, %dma_wait3A_291] : memref<4x128x128xbf16, #tpu.memory_space<vmem>> -> memref<1x128x128xbf16, #tpu.memory_space<vmem>>
              %dma_wait3A_293 = tpu.memref_squeeze %dma_wait3A_292 : memref<1x128x128xbf16, #tpu.memory_space<vmem>> -> memref<128x128xbf16, #tpu.memory_space<vmem>>
              %dma_wait3A_294 = arith.constant 0 : i32
              %dma_wait3A_295 = tpu.memref_slice %arg10[%sub3A_287, %dma_wait3A_294] : memref<32x128xi32, #tpu.memory_space<vmem>> -> memref<1x128xi32, #tpu.memory_space<vmem>>
              %dma_wait3A_296 = tpu.memref_squeeze %dma_wait3A_295 : memref<1x128xi32, #tpu.memory_space<vmem>> -> memref<128xi32, #tpu.memory_space<vmem>>
              %dma_wait3A_297 = arith.constant 0 : i32
              %dma_wait3A_298 = arith.constant 0 : i32
              %dma_wait3A_299 = tpu.memref_slice %arg14[%dma_wait3A_297, %dma_wait3A_298] : memref<20096x128xbf16, #tpu.memory_space<vmem_shared>> -> memref<20096x128xbf16, #tpu.memory_space<vmem_shared>>
              %dma_wait3A_300 = tpu.memref_slice %arg13[%dma_wait3A_289] : memref<4x!tpu.dma_semaphore, #tpu.memory_space<semaphore_mem>> -> memref<1x!tpu.dma_semaphore, #tpu.memory_space<semaphore_mem>>
              %dma_wait3A_301 = tpu.memref_squeeze %dma_wait3A_300 : memref<1x!tpu.dma_semaphore, #tpu.memory_space<semaphore_mem>> -> memref<!tpu.dma_semaphore, #tpu.memory_space<semaphore_mem>>
              tpu.wait_indirect_dma semaphore(%dma_wait3A_301 : memref<!tpu.dma_semaphore, #tpu.memory_space<semaphore_mem>>) src(%dma_wait3A_293 : memref<128x128xbf16, #tpu.memory_space<vmem>>) dst(%dma_wait3A_299 : memref<20096x128xbf16, #tpu.memory_space<vmem_shared>>)
            } else {
            }
            %dma_start3A_272 = arith.constant 3 : i32
            %dma_start3A_273 = arith.constant 3 : i32
            %dma_start3A_274 = arith.constant 0 : i32
            %dma_start3A_275 = arith.constant 0 : i32
            %dma_start3A_276 = tpu.memref_slice %arg11[%dma_start3A_272, %dma_start3A_274, %dma_start3A_275] : memref<4x128x128xbf16, #tpu.memory_space<vmem>> -> memref<1x128x128xbf16, #tpu.memory_space<vmem>>
            %dma_start3A_277 = tpu.memref_squeeze %dma_start3A_276 : memref<1x128x128xbf16, #tpu.memory_space<vmem>> -> memref<128x128xbf16, #tpu.memory_space<vmem>>
            %dma_start3A_278 = arith.constant 0 : i32
            %dma_start3A_279 = tpu.memref_slice %arg9[%add3A_159, %dma_start3A_278] : memref<32x128xi32, #tpu.memory_space<vmem>> -> memref<1x128xi32, #tpu.memory_space<vmem>>
            %dma_start3A_280 = tpu.memref_squeeze %dma_start3A_279 : memref<1x128xi32, #tpu.memory_space<vmem>> -> memref<128xi32, #tpu.memory_space<vmem>>
            %dma_start3A_281 = arith.constant 0 : i32
            %dma_start3A_282 = arith.constant 0 : i32
            %dma_start3A_283 = tpu.memref_slice %arg4[%dma_start3A_281, %dma_start3A_282] : memref<20000x128xbf16, #tpu.memory_space<hbm>> -> memref<20000x128xbf16, #tpu.memory_space<hbm>>
            %dma_start3A_284 = tpu.memref_slice %arg12[%dma_start3A_273] : memref<4x!tpu.dma_semaphore, #tpu.memory_space<semaphore_mem>> -> memref<1x!tpu.dma_semaphore, #tpu.memory_space<semaphore_mem>>
            %dma_start3A_285 = tpu.memref_squeeze %dma_start3A_284 : memref<1x!tpu.dma_semaphore, #tpu.memory_space<semaphore_mem>> -> memref<!tpu.dma_semaphore, #tpu.memory_space<semaphore_mem>>
            tpu.enqueue_indirect_dma source(%dma_start3A_283 : memref<20000x128xbf16, #tpu.memory_space<hbm>>) target(%dma_start3A_277 : memref<128x128xbf16, #tpu.memory_space<vmem>>) offsets(%dma_start3A_280 : memref<128xi32, #tpu.memory_space<vmem>>) semaphore(%dma_start3A_285 : memref<!tpu.dma_semaphore, #tpu.memory_space<semaphore_mem>>)
          } else {
          }
          %dma_wait3A_165 = arith.constant 1 : i32
          %dma_wait3A_166 = arith.constant 1 : i32
          %dma_wait3A_167 = arith.constant 0 : i32
          %dma_wait3A_168 = arith.constant 0 : i32
          %dma_wait3A_169 = tpu.memref_slice %arg11[%dma_wait3A_165, %dma_wait3A_167, %dma_wait3A_168] : memref<4x128x128xbf16, #tpu.memory_space<vmem>> -> memref<1x128x128xbf16, #tpu.memory_space<vmem>>
          %dma_wait3A_170 = tpu.memref_squeeze %dma_wait3A_169 : memref<1x128x128xbf16, #tpu.memory_space<vmem>> -> memref<128x128xbf16, #tpu.memory_space<vmem>>
          %dma_wait3A_171 = arith.constant 0 : i32
          %dma_wait3A_172 = tpu.memref_slice %arg9[%add3A_157, %dma_wait3A_171] : memref<32x128xi32, #tpu.memory_space<vmem>> -> memref<1x128xi32, #tpu.memory_space<vmem>>
          %dma_wait3A_173 = tpu.memref_squeeze %dma_wait3A_172 : memref<1x128xi32, #tpu.memory_space<vmem>> -> memref<128xi32, #tpu.memory_space<vmem>>
          %dma_wait3A_174 = arith.constant 0 : i32
          %dma_wait3A_175 = arith.constant 0 : i32
          %dma_wait3A_176 = tpu.memref_slice %arg4[%dma_wait3A_174, %dma_wait3A_175] : memref<20000x128xbf16, #tpu.memory_space<hbm>> -> memref<20000x128xbf16, #tpu.memory_space<hbm>>
          %dma_wait3A_177 = tpu.memref_slice %arg12[%dma_wait3A_166] : memref<4x!tpu.dma_semaphore, #tpu.memory_space<semaphore_mem>> -> memref<1x!tpu.dma_semaphore, #tpu.memory_space<semaphore_mem>>
          %dma_wait3A_178 = tpu.memref_squeeze %dma_wait3A_177 : memref<1x!tpu.dma_semaphore, #tpu.memory_space<semaphore_mem>> -> memref<!tpu.dma_semaphore, #tpu.memory_space<semaphore_mem>>
          tpu.wait_indirect_dma semaphore(%dma_wait3A_178 : memref<!tpu.dma_semaphore, #tpu.memory_space<semaphore_mem>>) src(%dma_wait3A_176 : memref<20000x128xbf16, #tpu.memory_space<hbm>>) dst(%dma_wait3A_170 : memref<128x128xbf16, #tpu.memory_space<vmem>>)
          %dma_start3A_179 = arith.constant 1 : i32
          %dma_start3A_180 = arith.constant 1 : i32
          %dma_start3A_181 = arith.constant 0 : i32
          %dma_start3A_182 = arith.constant 0 : i32
          %dma_start3A_183 = tpu.memref_slice %arg11[%dma_start3A_179, %dma_start3A_181, %dma_start3A_182] : memref<4x128x128xbf16, #tpu.memory_space<vmem>> -> memref<1x128x128xbf16, #tpu.memory_space<vmem>>
          %dma_start3A_184 = tpu.memref_squeeze %dma_start3A_183 : memref<1x128x128xbf16, #tpu.memory_space<vmem>> -> memref<128x128xbf16, #tpu.memory_space<vmem>>
          %dma_start3A_185 = arith.constant 0 : i32
          %dma_start3A_186 = tpu.memref_slice %arg10[%add3A_157, %dma_start3A_185] : memref<32x128xi32, #tpu.memory_space<vmem>> -> memref<1x128xi32, #tpu.memory_space<vmem>>
          %dma_start3A_187 = tpu.memref_squeeze %dma_start3A_186 : memref<1x128xi32, #tpu.memory_space<vmem>> -> memref<128xi32, #tpu.memory_space<vmem>>
          %dma_start3A_188 = arith.constant 0 : i32
          %dma_start3A_189 = arith.constant 0 : i32
          %dma_start3A_190 = tpu.memref_slice %arg14[%dma_start3A_188, %dma_start3A_189] : memref<20096x128xbf16, #tpu.memory_space<vmem_shared>> -> memref<20096x128xbf16, #tpu.memory_space<vmem_shared>>
          %dma_start3A_191 = tpu.memref_slice %arg13[%dma_start3A_180] : memref<4x!tpu.dma_semaphore, #tpu.memory_space<semaphore_mem>> -> memref<1x!tpu.dma_semaphore, #tpu.memory_space<semaphore_mem>>
          %dma_start3A_192 = tpu.memref_squeeze %dma_start3A_191 : memref<1x!tpu.dma_semaphore, #tpu.memory_space<semaphore_mem>> -> memref<!tpu.dma_semaphore, #tpu.memory_space<semaphore_mem>>
          tpu.enqueue_indirect_dma source(%dma_start3A_184 : memref<128x128xbf16, #tpu.memory_space<vmem>>) target(%dma_start3A_190 : memref<20096x128xbf16, #tpu.memory_space<vmem_shared>>) offsets(%dma_start3A_187 : memref<128xi32, #tpu.memory_space<vmem>>) semaphore(%dma_start3A_192 : memref<!tpu.dma_semaphore, #tpu.memory_space<semaphore_mem>>) {add = true}
          %add3A_193 = arith.constant 2 : i32
          %add3A_194 = arith.addi %mul3A_119, %add3A_193 : i32
          %add3A_195 = arith.constant 2 : i32
          %add3A_196 = arith.addi %add3A_194, %add3A_195 : i32
          %lt3A_197 = arith.constant 32 : i32
          %lt3A_198 = arith.cmpi slt, %add3A_196, %lt3A_197 : i32
          %convert_element_type3A_199 = arith.extui %lt3A_198 : i1 to i32
          %cond3A_200 = arith.constant 0 : i32
          %cond3A_201 = arith.cmpi ne, %convert_element_type3A_199, %cond3A_200 : i32
          scf.if %cond3A_201 {
            %sub3A = arith.constant 4 : i32
            %sub3A_267 = arith.subi %add3A_196, %sub3A : i32
            %ge3A = arith.constant 0 : i32
            %ge3A_268 = arith.cmpi sge, %sub3A_267, %ge3A : i32
            %convert_element_type3A_269 = arith.extui %ge3A_268 : i1 to i32
            %cond3A_270 = arith.constant 0 : i32
            %cond3A_271 = arith.cmpi ne, %convert_element_type3A_269, %cond3A_270 : i32
            scf.if %cond3A_271 {
              %sub3A_286 = arith.constant 4 : i32
              %sub3A_287 = arith.subi %add3A_196, %sub3A_286 : i32
              %dma_wait3A_288 = arith.constant 0 : i32
              %dma_wait3A_289 = arith.constant 0 : i32
              %dma_wait3A_290 = arith.constant 0 : i32
              %dma_wait3A_291 = arith.constant 0 : i32
              %dma_wait3A_292 = tpu.memref_slice %arg11[%dma_wait3A_288, %dma_wait3A_290, %dma_wait3A_291] : memref<4x128x128xbf16, #tpu.memory_space<vmem>> -> memref<1x128x128xbf16, #tpu.memory_space<vmem>>
              %dma_wait3A_293 = tpu.memref_squeeze %dma_wait3A_292 : memref<1x128x128xbf16, #tpu.memory_space<vmem>> -> memref<128x128xbf16, #tpu.memory_space<vmem>>
              %dma_wait3A_294 = arith.constant 0 : i32
              %dma_wait3A_295 = tpu.memref_slice %arg10[%sub3A_287, %dma_wait3A_294] : memref<32x128xi32, #tpu.memory_space<vmem>> -> memref<1x128xi32, #tpu.memory_space<vmem>>
              %dma_wait3A_296 = tpu.memref_squeeze %dma_wait3A_295 : memref<1x128xi32, #tpu.memory_space<vmem>> -> memref<128xi32, #tpu.memory_space<vmem>>
              %dma_wait3A_297 = arith.constant 0 : i32
              %dma_wait3A_298 = arith.constant 0 : i32
              %dma_wait3A_299 = tpu.memref_slice %arg14[%dma_wait3A_297, %dma_wait3A_298] : memref<20096x128xbf16, #tpu.memory_space<vmem_shared>> -> memref<20096x128xbf16, #tpu.memory_space<vmem_shared>>
              %dma_wait3A_300 = tpu.memref_slice %arg13[%dma_wait3A_289] : memref<4x!tpu.dma_semaphore, #tpu.memory_space<semaphore_mem>> -> memref<1x!tpu.dma_semaphore, #tpu.memory_space<semaphore_mem>>
              %dma_wait3A_301 = tpu.memref_squeeze %dma_wait3A_300 : memref<1x!tpu.dma_semaphore, #tpu.memory_space<semaphore_mem>> -> memref<!tpu.dma_semaphore, #tpu.memory_space<semaphore_mem>>
              tpu.wait_indirect_dma semaphore(%dma_wait3A_301 : memref<!tpu.dma_semaphore, #tpu.memory_space<semaphore_mem>>) src(%dma_wait3A_293 : memref<128x128xbf16, #tpu.memory_space<vmem>>) dst(%dma_wait3A_299 : memref<20096x128xbf16, #tpu.memory_space<vmem_shared>>)
            } else {
            }
            %dma_start3A_272 = arith.constant 0 : i32
            %dma_start3A_273 = arith.constant 0 : i32
            %dma_start3A_274 = arith.constant 0 : i32
            %dma_start3A_275 = arith.constant 0 : i32
            %dma_start3A_276 = tpu.memref_slice %arg11[%dma_start3A_272, %dma_start3A_274, %dma_start3A_275] : memref<4x128x128xbf16, #tpu.memory_space<vmem>> -> memref<1x128x128xbf16, #tpu.memory_space<vmem>>
            %dma_start3A_277 = tpu.memref_squeeze %dma_start3A_276 : memref<1x128x128xbf16, #tpu.memory_space<vmem>> -> memref<128x128xbf16, #tpu.memory_space<vmem>>
            %dma_start3A_278 = arith.constant 0 : i32
            %dma_start3A_279 = tpu.memref_slice %arg9[%add3A_196, %dma_start3A_278] : memref<32x128xi32, #tpu.memory_space<vmem>> -> memref<1x128xi32, #tpu.memory_space<vmem>>
            %dma_start3A_280 = tpu.memref_squeeze %dma_start3A_279 : memref<1x128xi32, #tpu.memory_space<vmem>> -> memref<128xi32, #tpu.memory_space<vmem>>
            %dma_start3A_281 = arith.constant 0 : i32
            %dma_start3A_282 = arith.constant 0 : i32
            %dma_start3A_283 = tpu.memref_slice %arg4[%dma_start3A_281, %dma_start3A_282] : memref<20000x128xbf16, #tpu.memory_space<hbm>> -> memref<20000x128xbf16, #tpu.memory_space<hbm>>
            %dma_start3A_284 = tpu.memref_slice %arg12[%dma_start3A_273] : memref<4x!tpu.dma_semaphore, #tpu.memory_space<semaphore_mem>> -> memref<1x!tpu.dma_semaphore, #tpu.memory_space<semaphore_mem>>
            %dma_start3A_285 = tpu.memref_squeeze %dma_start3A_284 : memref<1x!tpu.dma_semaphore, #tpu.memory_space<semaphore_mem>> -> memref<!tpu.dma_semaphore, #tpu.memory_space<semaphore_mem>>
            tpu.enqueue_indirect_dma source(%dma_start3A_283 : memref<20000x128xbf16, #tpu.memory_space<hbm>>) target(%dma_start3A_277 : memref<128x128xbf16, #tpu.memory_space<vmem>>) offsets(%dma_start3A_280 : memref<128xi32, #tpu.memory_space<vmem>>) semaphore(%dma_start3A_285 : memref<!tpu.dma_semaphore, #tpu.memory_space<semaphore_mem>>)
          } else {
          }
          %dma_wait3A_202 = arith.constant 2 : i32
          %dma_wait3A_203 = arith.constant 2 : i32
          %dma_wait3A_204 = arith.constant 0 : i32
          %dma_wait3A_205 = arith.constant 0 : i32
          %dma_wait3A_206 = tpu.memref_slice %arg11[%dma_wait3A_202, %dma_wait3A_204, %dma_wait3A_205] : memref<4x128x128xbf16, #tpu.memory_space<vmem>> -> memref<1x128x128xbf16, #tpu.memory_space<vmem>>
          %dma_wait3A_207 = tpu.memref_squeeze %dma_wait3A_206 : memref<1x128x128xbf16, #tpu.memory_space<vmem>> -> memref<128x128xbf16, #tpu.memory_space<vmem>>
          %dma_wait3A_208 = arith.constant 0 : i32
          %dma_wait3A_209 = tpu.memref_slice %arg9[%add3A_194, %dma_wait3A_208] : memref<32x128xi32, #tpu.memory_space<vmem>> -> memref<1x128xi32, #tpu.memory_space<vmem>>
          %dma_wait3A_210 = tpu.memref_squeeze %dma_wait3A_209 : memref<1x128xi32, #tpu.memory_space<vmem>> -> memref<128xi32, #tpu.memory_space<vmem>>
          %dma_wait3A_211 = arith.constant 0 : i32
          %dma_wait3A_212 = arith.constant 0 : i32
          %dma_wait3A_213 = tpu.memref_slice %arg4[%dma_wait3A_211, %dma_wait3A_212] : memref<20000x128xbf16, #tpu.memory_space<hbm>> -> memref<20000x128xbf16, #tpu.memory_space<hbm>>
          %dma_wait3A_214 = tpu.memref_slice %arg12[%dma_wait3A_203] : memref<4x!tpu.dma_semaphore, #tpu.memory_space<semaphore_mem>> -> memref<1x!tpu.dma_semaphore, #tpu.memory_space<semaphore_mem>>
          %dma_wait3A_215 = tpu.memref_squeeze %dma_wait3A_214 : memref<1x!tpu.dma_semaphore, #tpu.memory_space<semaphore_mem>> -> memref<!tpu.dma_semaphore, #tpu.memory_space<semaphore_mem>>
          tpu.wait_indirect_dma semaphore(%dma_wait3A_215 : memref<!tpu.dma_semaphore, #tpu.memory_space<semaphore_mem>>) src(%dma_wait3A_213 : memref<20000x128xbf16, #tpu.memory_space<hbm>>) dst(%dma_wait3A_207 : memref<128x128xbf16, #tpu.memory_space<vmem>>)
          %dma_start3A_216 = arith.constant 2 : i32
          %dma_start3A_217 = arith.constant 2 : i32
          %dma_start3A_218 = arith.constant 0 : i32
          %dma_start3A_219 = arith.constant 0 : i32
          %dma_start3A_220 = tpu.memref_slice %arg11[%dma_start3A_216, %dma_start3A_218, %dma_start3A_219] : memref<4x128x128xbf16, #tpu.memory_space<vmem>> -> memref<1x128x128xbf16, #tpu.memory_space<vmem>>
          %dma_start3A_221 = tpu.memref_squeeze %dma_start3A_220 : memref<1x128x128xbf16, #tpu.memory_space<vmem>> -> memref<128x128xbf16, #tpu.memory_space<vmem>>
          %dma_start3A_222 = arith.constant 0 : i32
          %dma_start3A_223 = tpu.memref_slice %arg10[%add3A_194, %dma_start3A_222] : memref<32x128xi32, #tpu.memory_space<vmem>> -> memref<1x128xi32, #tpu.memory_space<vmem>>
          %dma_start3A_224 = tpu.memref_squeeze %dma_start3A_223 : memref<1x128xi32, #tpu.memory_space<vmem>> -> memref<128xi32, #tpu.memory_space<vmem>>
          %dma_start3A_225 = arith.constant 0 : i32
          %dma_start3A_226 = arith.constant 0 : i32
          %dma_start3A_227 = tpu.memref_slice %arg14[%dma_start3A_225, %dma_start3A_226] : memref<20096x128xbf16, #tpu.memory_space<vmem_shared>> -> memref<20096x128xbf16, #tpu.memory_space<vmem_shared>>
          %dma_start3A_228 = tpu.memref_slice %arg13[%dma_start3A_217] : memref<4x!tpu.dma_semaphore, #tpu.memory_space<semaphore_mem>> -> memref<1x!tpu.dma_semaphore, #tpu.memory_space<semaphore_mem>>
          %dma_start3A_229 = tpu.memref_squeeze %dma_start3A_228 : memref<1x!tpu.dma_semaphore, #tpu.memory_space<semaphore_mem>> -> memref<!tpu.dma_semaphore, #tpu.memory_space<semaphore_mem>>
          tpu.enqueue_indirect_dma source(%dma_start3A_221 : memref<128x128xbf16, #tpu.memory_space<vmem>>) target(%dma_start3A_227 : memref<20096x128xbf16, #tpu.memory_space<vmem_shared>>) offsets(%dma_start3A_224 : memref<128xi32, #tpu.memory_space<vmem>>) semaphore(%dma_start3A_229 : memref<!tpu.dma_semaphore, #tpu.memory_space<semaphore_mem>>) {add = true}
          %add3A_230 = arith.constant 3 : i32
          %add3A_231 = arith.addi %mul3A_119, %add3A_230 : i32
          %add3A_232 = arith.constant 2 : i32
          %add3A_233 = arith.addi %add3A_231, %add3A_232 : i32
          %lt3A_234 = arith.constant 32 : i32
          %lt3A_235 = arith.cmpi slt, %add3A_233, %lt3A_234 : i32
          %convert_element_type3A_236 = arith.extui %lt3A_235 : i1 to i32
          %cond3A_237 = arith.constant 0 : i32
          %cond3A_238 = arith.cmpi ne, %convert_element_type3A_236, %cond3A_237 : i32
          scf.if %cond3A_238 {
            %sub3A = arith.constant 4 : i32
            %sub3A_267 = arith.subi %add3A_233, %sub3A : i32
            %ge3A = arith.constant 0 : i32
            %ge3A_268 = arith.cmpi sge, %sub3A_267, %ge3A : i32
            %convert_element_type3A_269 = arith.extui %ge3A_268 : i1 to i32
            %cond3A_270 = arith.constant 0 : i32
            %cond3A_271 = arith.cmpi ne, %convert_element_type3A_269, %cond3A_270 : i32
            scf.if %cond3A_271 {
              %sub3A_286 = arith.constant 4 : i32
              %sub3A_287 = arith.subi %add3A_233, %sub3A_286 : i32
              %dma_wait3A_288 = arith.constant 1 : i32
              %dma_wait3A_289 = arith.constant 1 : i32
              %dma_wait3A_290 = arith.constant 0 : i32
              %dma_wait3A_291 = arith.constant 0 : i32
              %dma_wait3A_292 = tpu.memref_slice %arg11[%dma_wait3A_288, %dma_wait3A_290, %dma_wait3A_291] : memref<4x128x128xbf16, #tpu.memory_space<vmem>> -> memref<1x128x128xbf16, #tpu.memory_space<vmem>>
              %dma_wait3A_293 = tpu.memref_squeeze %dma_wait3A_292 : memref<1x128x128xbf16, #tpu.memory_space<vmem>> -> memref<128x128xbf16, #tpu.memory_space<vmem>>
              %dma_wait3A_294 = arith.constant 0 : i32
              %dma_wait3A_295 = tpu.memref_slice %arg10[%sub3A_287, %dma_wait3A_294] : memref<32x128xi32, #tpu.memory_space<vmem>> -> memref<1x128xi32, #tpu.memory_space<vmem>>
              %dma_wait3A_296 = tpu.memref_squeeze %dma_wait3A_295 : memref<1x128xi32, #tpu.memory_space<vmem>> -> memref<128xi32, #tpu.memory_space<vmem>>
              %dma_wait3A_297 = arith.constant 0 : i32
              %dma_wait3A_298 = arith.constant 0 : i32
              %dma_wait3A_299 = tpu.memref_slice %arg14[%dma_wait3A_297, %dma_wait3A_298] : memref<20096x128xbf16, #tpu.memory_space<vmem_shared>> -> memref<20096x128xbf16, #tpu.memory_space<vmem_shared>>
              %dma_wait3A_300 = tpu.memref_slice %arg13[%dma_wait3A_289] : memref<4x!tpu.dma_semaphore, #tpu.memory_space<semaphore_mem>> -> memref<1x!tpu.dma_semaphore, #tpu.memory_space<semaphore_mem>>
              %dma_wait3A_301 = tpu.memref_squeeze %dma_wait3A_300 : memref<1x!tpu.dma_semaphore, #tpu.memory_space<semaphore_mem>> -> memref<!tpu.dma_semaphore, #tpu.memory_space<semaphore_mem>>
              tpu.wait_indirect_dma semaphore(%dma_wait3A_301 : memref<!tpu.dma_semaphore, #tpu.memory_space<semaphore_mem>>) src(%dma_wait3A_293 : memref<128x128xbf16, #tpu.memory_space<vmem>>) dst(%dma_wait3A_299 : memref<20096x128xbf16, #tpu.memory_space<vmem_shared>>)
            } else {
            }
            %dma_start3A_272 = arith.constant 1 : i32
            %dma_start3A_273 = arith.constant 1 : i32
            %dma_start3A_274 = arith.constant 0 : i32
            %dma_start3A_275 = arith.constant 0 : i32
            %dma_start3A_276 = tpu.memref_slice %arg11[%dma_start3A_272, %dma_start3A_274, %dma_start3A_275] : memref<4x128x128xbf16, #tpu.memory_space<vmem>> -> memref<1x128x128xbf16, #tpu.memory_space<vmem>>
            %dma_start3A_277 = tpu.memref_squeeze %dma_start3A_276 : memref<1x128x128xbf16, #tpu.memory_space<vmem>> -> memref<128x128xbf16, #tpu.memory_space<vmem>>
            %dma_start3A_278 = arith.constant 0 : i32
            %dma_start3A_279 = tpu.memref_slice %arg9[%add3A_233, %dma_start3A_278] : memref<32x128xi32, #tpu.memory_space<vmem>> -> memref<1x128xi32, #tpu.memory_space<vmem>>
            %dma_start3A_280 = tpu.memref_squeeze %dma_start3A_279 : memref<1x128xi32, #tpu.memory_space<vmem>> -> memref<128xi32, #tpu.memory_space<vmem>>
            %dma_start3A_281 = arith.constant 0 : i32
            %dma_start3A_282 = arith.constant 0 : i32
            %dma_start3A_283 = tpu.memref_slice %arg4[%dma_start3A_281, %dma_start3A_282] : memref<20000x128xbf16, #tpu.memory_space<hbm>> -> memref<20000x128xbf16, #tpu.memory_space<hbm>>
            %dma_start3A_284 = tpu.memref_slice %arg12[%dma_start3A_273] : memref<4x!tpu.dma_semaphore, #tpu.memory_space<semaphore_mem>> -> memref<1x!tpu.dma_semaphore, #tpu.memory_space<semaphore_mem>>
            %dma_start3A_285 = tpu.memref_squeeze %dma_start3A_284 : memref<1x!tpu.dma_semaphore, #tpu.memory_space<semaphore_mem>> -> memref<!tpu.dma_semaphore, #tpu.memory_space<semaphore_mem>>
            tpu.enqueue_indirect_dma source(%dma_start3A_283 : memref<20000x128xbf16, #tpu.memory_space<hbm>>) target(%dma_start3A_277 : memref<128x128xbf16, #tpu.memory_space<vmem>>) offsets(%dma_start3A_280 : memref<128xi32, #tpu.memory_space<vmem>>) semaphore(%dma_start3A_285 : memref<!tpu.dma_semaphore, #tpu.memory_space<semaphore_mem>>)
          } else {
          }
          %dma_wait3A_239 = arith.constant 3 : i32
          %dma_wait3A_240 = arith.constant 3 : i32
          %dma_wait3A_241 = arith.constant 0 : i32
          %dma_wait3A_242 = arith.constant 0 : i32
          %dma_wait3A_243 = tpu.memref_slice %arg11[%dma_wait3A_239, %dma_wait3A_241, %dma_wait3A_242] : memref<4x128x128xbf16, #tpu.memory_space<vmem>> -> memref<1x128x128xbf16, #tpu.memory_space<vmem>>
          %dma_wait3A_244 = tpu.memref_squeeze %dma_wait3A_243 : memref<1x128x128xbf16, #tpu.memory_space<vmem>> -> memref<128x128xbf16, #tpu.memory_space<vmem>>
          %dma_wait3A_245 = arith.constant 0 : i32
          %dma_wait3A_246 = tpu.memref_slice %arg9[%add3A_231, %dma_wait3A_245] : memref<32x128xi32, #tpu.memory_space<vmem>> -> memref<1x128xi32, #tpu.memory_space<vmem>>
          %dma_wait3A_247 = tpu.memref_squeeze %dma_wait3A_246 : memref<1x128xi32, #tpu.memory_space<vmem>> -> memref<128xi32, #tpu.memory_space<vmem>>
          %dma_wait3A_248 = arith.constant 0 : i32
          %dma_wait3A_249 = arith.constant 0 : i32
          %dma_wait3A_250 = tpu.memref_slice %arg4[%dma_wait3A_248, %dma_wait3A_249] : memref<20000x128xbf16, #tpu.memory_space<hbm>> -> memref<20000x128xbf16, #tpu.memory_space<hbm>>
          %dma_wait3A_251 = tpu.memref_slice %arg12[%dma_wait3A_240] : memref<4x!tpu.dma_semaphore, #tpu.memory_space<semaphore_mem>> -> memref<1x!tpu.dma_semaphore, #tpu.memory_space<semaphore_mem>>
          %dma_wait3A_252 = tpu.memref_squeeze %dma_wait3A_251 : memref<1x!tpu.dma_semaphore, #tpu.memory_space<semaphore_mem>> -> memref<!tpu.dma_semaphore, #tpu.memory_space<semaphore_mem>>
          tpu.wait_indirect_dma semaphore(%dma_wait3A_252 : memref<!tpu.dma_semaphore, #tpu.memory_space<semaphore_mem>>) src(%dma_wait3A_250 : memref<20000x128xbf16, #tpu.memory_space<hbm>>) dst(%dma_wait3A_244 : memref<128x128xbf16, #tpu.memory_space<vmem>>)
          %dma_start3A_253 = arith.constant 3 : i32
          %dma_start3A_254 = arith.constant 3 : i32
          %dma_start3A_255 = arith.constant 0 : i32
          %dma_start3A_256 = arith.constant 0 : i32
          %dma_start3A_257 = tpu.memref_slice %arg11[%dma_start3A_253, %dma_start3A_255, %dma_start3A_256] : memref<4x128x128xbf16, #tpu.memory_space<vmem>> -> memref<1x128x128xbf16, #tpu.memory_space<vmem>>
          %dma_start3A_258 = tpu.memref_squeeze %dma_start3A_257 : memref<1x128x128xbf16, #tpu.memory_space<vmem>> -> memref<128x128xbf16, #tpu.memory_space<vmem>>
          %dma_start3A_259 = arith.constant 0 : i32
          %dma_start3A_260 = tpu.memref_slice %arg10[%add3A_231, %dma_start3A_259] : memref<32x128xi32, #tpu.memory_space<vmem>> -> memref<1x128xi32, #tpu.memory_space<vmem>>
          %dma_start3A_261 = tpu.memref_squeeze %dma_start3A_260 : memref<1x128xi32, #tpu.memory_space<vmem>> -> memref<128xi32, #tpu.memory_space<vmem>>
          %dma_start3A_262 = arith.constant 0 : i32
          %dma_start3A_263 = arith.constant 0 : i32
          %dma_start3A_264 = tpu.memref_slice %arg14[%dma_start3A_262, %dma_start3A_263] : memref<20096x128xbf16, #tpu.memory_space<vmem_shared>> -> memref<20096x128xbf16, #tpu.memory_space<vmem_shared>>
          %dma_start3A_265 = tpu.memref_slice %arg13[%dma_start3A_254] : memref<4x!tpu.dma_semaphore, #tpu.memory_space<semaphore_mem>> -> memref<1x!tpu.dma_semaphore, #tpu.memory_space<semaphore_mem>>
          %dma_start3A_266 = tpu.memref_squeeze %dma_start3A_265 : memref<1x!tpu.dma_semaphore, #tpu.memory_space<semaphore_mem>> -> memref<!tpu.dma_semaphore, #tpu.memory_space<semaphore_mem>>
          tpu.enqueue_indirect_dma source(%dma_start3A_258 : memref<128x128xbf16, #tpu.memory_space<vmem>>) target(%dma_start3A_264 : memref<20096x128xbf16, #tpu.memory_space<vmem_shared>>) offsets(%dma_start3A_261 : memref<128xi32, #tpu.memory_space<vmem>>) semaphore(%dma_start3A_266 : memref<!tpu.dma_semaphore, #tpu.memory_space<semaphore_mem>>) {add = true}
        }
        %scan3A_57 = arith.constant 8 : i32
        %dma_wait3A = arith.constant 0 : i32
        %dma_wait3A_58 = arith.constant 28 : i32
        %dma_wait3A_59 = arith.constant 0 : i32
        %dma_wait3A_60 = arith.constant 0 : i32
        %dma_wait3A_61 = arith.constant 0 : i32
        %dma_wait3A_62 = tpu.memref_slice %arg11[%dma_wait3A, %dma_wait3A_60, %dma_wait3A_61] : memref<4x128x128xbf16, #tpu.memory_space<vmem>> -> memref<1x128x128xbf16, #tpu.memory_space<vmem>>
        %dma_wait3A_63 = tpu.memref_squeeze %dma_wait3A_62 : memref<1x128x128xbf16, #tpu.memory_space<vmem>> -> memref<128x128xbf16, #tpu.memory_space<vmem>>
        %dma_wait3A_64 = arith.constant 0 : i32
        %dma_wait3A_65 = tpu.memref_slice %arg10[%dma_wait3A_58, %dma_wait3A_64] : memref<32x128xi32, #tpu.memory_space<vmem>> -> memref<1x128xi32, #tpu.memory_space<vmem>>
        %dma_wait3A_66 = tpu.memref_squeeze %dma_wait3A_65 : memref<1x128xi32, #tpu.memory_space<vmem>> -> memref<128xi32, #tpu.memory_space<vmem>>
        %dma_wait3A_67 = arith.constant 0 : i32
        %dma_wait3A_68 = arith.constant 0 : i32
        %dma_wait3A_69 = tpu.memref_slice %arg14[%dma_wait3A_67, %dma_wait3A_68] : memref<20096x128xbf16, #tpu.memory_space<vmem_shared>> -> memref<20096x128xbf16, #tpu.memory_space<vmem_shared>>
        %dma_wait3A_70 = tpu.memref_slice %arg13[%dma_wait3A_59] : memref<4x!tpu.dma_semaphore, #tpu.memory_space<semaphore_mem>> -> memref<1x!tpu.dma_semaphore, #tpu.memory_space<semaphore_mem>>
        %dma_wait3A_71 = tpu.memref_squeeze %dma_wait3A_70 : memref<1x!tpu.dma_semaphore, #tpu.memory_space<semaphore_mem>> -> memref<!tpu.dma_semaphore, #tpu.memory_space<semaphore_mem>>
        tpu.wait_indirect_dma semaphore(%dma_wait3A_71 : memref<!tpu.dma_semaphore, #tpu.memory_space<semaphore_mem>>) src(%dma_wait3A_63 : memref<128x128xbf16, #tpu.memory_space<vmem>>) dst(%dma_wait3A_69 : memref<20096x128xbf16, #tpu.memory_space<vmem_shared>>)
        %dma_wait3A_72 = arith.constant 1 : i32
        %dma_wait3A_73 = arith.constant 29 : i32
        %dma_wait3A_74 = arith.constant 1 : i32
        %dma_wait3A_75 = arith.constant 0 : i32
        %dma_wait3A_76 = arith.constant 0 : i32
        %dma_wait3A_77 = tpu.memref_slice %arg11[%dma_wait3A_72, %dma_wait3A_75, %dma_wait3A_76] : memref<4x128x128xbf16, #tpu.memory_space<vmem>> -> memref<1x128x128xbf16, #tpu.memory_space<vmem>>
        %dma_wait3A_78 = tpu.memref_squeeze %dma_wait3A_77 : memref<1x128x128xbf16, #tpu.memory_space<vmem>> -> memref<128x128xbf16, #tpu.memory_space<vmem>>
        %dma_wait3A_79 = arith.constant 0 : i32
        %dma_wait3A_80 = tpu.memref_slice %arg10[%dma_wait3A_73, %dma_wait3A_79] : memref<32x128xi32, #tpu.memory_space<vmem>> -> memref<1x128xi32, #tpu.memory_space<vmem>>
        %dma_wait3A_81 = tpu.memref_squeeze %dma_wait3A_80 : memref<1x128xi32, #tpu.memory_space<vmem>> -> memref<128xi32, #tpu.memory_space<vmem>>
        %dma_wait3A_82 = arith.constant 0 : i32
        %dma_wait3A_83 = arith.constant 0 : i32
        %dma_wait3A_84 = tpu.memref_slice %arg14[%dma_wait3A_82, %dma_wait3A_83] : memref<20096x128xbf16, #tpu.memory_space<vmem_shared>> -> memref<20096x128xbf16, #tpu.memory_space<vmem_shared>>
        %dma_wait3A_85 = tpu.memref_slice %arg13[%dma_wait3A_74] : memref<4x!tpu.dma_semaphore, #tpu.memory_space<semaphore_mem>> -> memref<1x!tpu.dma_semaphore, #tpu.memory_space<semaphore_mem>>
        %dma_wait3A_86 = tpu.memref_squeeze %dma_wait3A_85 : memref<1x!tpu.dma_semaphore, #tpu.memory_space<semaphore_mem>> -> memref<!tpu.dma_semaphore, #tpu.memory_space<semaphore_mem>>
        tpu.wait_indirect_dma semaphore(%dma_wait3A_86 : memref<!tpu.dma_semaphore, #tpu.memory_space<semaphore_mem>>) src(%dma_wait3A_78 : memref<128x128xbf16, #tpu.memory_space<vmem>>) dst(%dma_wait3A_84 : memref<20096x128xbf16, #tpu.memory_space<vmem_shared>>)
        %dma_wait3A_87 = arith.constant 2 : i32
        %dma_wait3A_88 = arith.constant 30 : i32
        %dma_wait3A_89 = arith.constant 2 : i32
        %dma_wait3A_90 = arith.constant 0 : i32
        %dma_wait3A_91 = arith.constant 0 : i32
        %dma_wait3A_92 = tpu.memref_slice %arg11[%dma_wait3A_87, %dma_wait3A_90, %dma_wait3A_91] : memref<4x128x128xbf16, #tpu.memory_space<vmem>> -> memref<1x128x128xbf16, #tpu.memory_space<vmem>>
        %dma_wait3A_93 = tpu.memref_squeeze %dma_wait3A_92 : memref<1x128x128xbf16, #tpu.memory_space<vmem>> -> memref<128x128xbf16, #tpu.memory_space<vmem>>
        %dma_wait3A_94 = arith.constant 0 : i32
        %dma_wait3A_95 = tpu.memref_slice %arg10[%dma_wait3A_88, %dma_wait3A_94] : memref<32x128xi32, #tpu.memory_space<vmem>> -> memref<1x128xi32, #tpu.memory_space<vmem>>
        %dma_wait3A_96 = tpu.memref_squeeze %dma_wait3A_95 : memref<1x128xi32, #tpu.memory_space<vmem>> -> memref<128xi32, #tpu.memory_space<vmem>>
        %dma_wait3A_97 = arith.constant 0 : i32
        %dma_wait3A_98 = arith.constant 0 : i32
        %dma_wait3A_99 = tpu.memref_slice %arg14[%dma_wait3A_97, %dma_wait3A_98] : memref<20096x128xbf16, #tpu.memory_space<vmem_shared>> -> memref<20096x128xbf16, #tpu.memory_space<vmem_shared>>
        %dma_wait3A_100 = tpu.memref_slice %arg13[%dma_wait3A_89] : memref<4x!tpu.dma_semaphore, #tpu.memory_space<semaphore_mem>> -> memref<1x!tpu.dma_semaphore, #tpu.memory_space<semaphore_mem>>
        %dma_wait3A_101 = tpu.memref_squeeze %dma_wait3A_100 : memref<1x!tpu.dma_semaphore, #tpu.memory_space<semaphore_mem>> -> memref<!tpu.dma_semaphore, #tpu.memory_space<semaphore_mem>>
        tpu.wait_indirect_dma semaphore(%dma_wait3A_101 : memref<!tpu.dma_semaphore, #tpu.memory_space<semaphore_mem>>) src(%dma_wait3A_93 : memref<128x128xbf16, #tpu.memory_space<vmem>>) dst(%dma_wait3A_99 : memref<20096x128xbf16, #tpu.memory_space<vmem_shared>>)
        %dma_wait3A_102 = arith.constant 3 : i32
        %dma_wait3A_103 = arith.constant 31 : i32
        %dma_wait3A_104 = arith.constant 3 : i32
        %dma_wait3A_105 = arith.constant 0 : i32
        %dma_wait3A_106 = arith.constant 0 : i32
        %dma_wait3A_107 = tpu.memref_slice %arg11[%dma_wait3A_102, %dma_wait3A_105, %dma_wait3A_106] : memref<4x128x128xbf16, #tpu.memory_space<vmem>> -> memref<1x128x128xbf16, #tpu.memory_space<vmem>>
        %dma_wait3A_108 = tpu.memref_squeeze %dma_wait3A_107 : memref<1x128x128xbf16, #tpu.memory_space<vmem>> -> memref<128x128xbf16, #tpu.memory_space<vmem>>
        %dma_wait3A_109 = arith.constant 0 : i32
        %dma_wait3A_110 = tpu.memref_slice %arg10[%dma_wait3A_103, %dma_wait3A_109] : memref<32x128xi32, #tpu.memory_space<vmem>> -> memref<1x128xi32, #tpu.memory_space<vmem>>
        %dma_wait3A_111 = tpu.memref_squeeze %dma_wait3A_110 : memref<1x128xi32, #tpu.memory_space<vmem>> -> memref<128xi32, #tpu.memory_space<vmem>>
        %dma_wait3A_112 = arith.constant 0 : i32
        %dma_wait3A_113 = arith.constant 0 : i32
        %dma_wait3A_114 = tpu.memref_slice %arg14[%dma_wait3A_112, %dma_wait3A_113] : memref<20096x128xbf16, #tpu.memory_space<vmem_shared>> -> memref<20096x128xbf16, #tpu.memory_space<vmem_shared>>
        %dma_wait3A_115 = tpu.memref_slice %arg13[%dma_wait3A_104] : memref<4x!tpu.dma_semaphore, #tpu.memory_space<semaphore_mem>> -> memref<1x!tpu.dma_semaphore, #tpu.memory_space<semaphore_mem>>
        %dma_wait3A_116 = tpu.memref_squeeze %dma_wait3A_115 : memref<1x!tpu.dma_semaphore, #tpu.memory_space<semaphore_mem>> -> memref<!tpu.dma_semaphore, #tpu.memory_space<semaphore_mem>>
        tpu.wait_indirect_dma semaphore(%dma_wait3A_116 : memref<!tpu.dma_semaphore, #tpu.memory_space<semaphore_mem>>) src(%dma_wait3A_108 : memref<128x128xbf16, #tpu.memory_space<vmem>>) dst(%dma_wait3A_114 : memref<20096x128xbf16, #tpu.memory_space<vmem_shared>>)
      }
      %scan3A_14 = arith.constant 5 : i32
      %barrier3A_15 = arith.constant 0 : index
      tpu.barrier barrier_id(%barrier3A_15)
      %mul3A_16 = arith.constant 1256 : i32
      %mul3A_17 = arith.muli %arg1, %mul3A_16 : i32
      %mul3A_18 = arith.constant 1256 : i32
      %mul3A_19 = arith.muli %arg1, %mul3A_18 : i32
      "tpu.region"() ({
        %run_scoped3A = tpu.sem_alloc : memref<!tpu.dma_semaphore, #tpu.memory_space<semaphore_mem>>
        %dma_start3A = arith.constant 0 : i32
        %dma_start3A_20 = tpu.memref_slice %arg7[%mul3A_19, %dma_start3A] : memref<20096x128xbf16, #tpu.memory_space<hbm>> -> memref<1256x128xbf16, #tpu.memory_space<hbm>>
        %dma_start3A_21 = arith.constant 0 : i32
        %dma_start3A_22 = tpu.memref_slice %arg14[%mul3A_17, %dma_start3A_21] : memref<20096x128xbf16, #tpu.memory_space<vmem_shared>> -> memref<1256x128xbf16, #tpu.memory_space<vmem_shared>>
        tpu.enqueue_dma source(%dma_start3A_22 : memref<1256x128xbf16, #tpu.memory_space<vmem_shared>>) target(%dma_start3A_20 : memref<1256x128xbf16, #tpu.memory_space<hbm>>) target_semaphore(%run_scoped3A : memref<!tpu.dma_semaphore, #tpu.memory_space<semaphore_mem>>)
        %dma_wait3A = arith.constant 0 : i32
        %dma_wait3A_23 = tpu.memref_slice %arg7[%mul3A_19, %dma_wait3A] : memref<20096x128xbf16, #tpu.memory_space<hbm>> -> memref<1256x128xbf16, #tpu.memory_space<hbm>>
        %dma_wait3A_24 = arith.constant 0 : i32
        %dma_wait3A_25 = tpu.memref_slice %arg14[%mul3A_17, %dma_wait3A_24] : memref<20096x128xbf16, #tpu.memory_space<vmem_shared>> -> memref<1256x128xbf16, #tpu.memory_space<vmem_shared>>
        tpu.wait_dma2 semaphore(%run_scoped3A : memref<!tpu.dma_semaphore, #tpu.memory_space<semaphore_mem>>) src(%dma_wait3A_25 : memref<1256x128xbf16, #tpu.memory_space<vmem_shared>>) dst(%dma_wait3A_23 : memref<1256x128xbf16, #tpu.memory_space<hbm>>)
        tpu.yield
      }) : () -> ()
    } else {
    }
    %eq3A_3 = arith.constant 1 : i32
    %eq3A_4 = arith.cmpi eq, %arg0, %eq3A_3 : i32
    %convert_element_type3A_5 = arith.extui %eq3A_4 : i1 to i32
    %cond3A_6 = arith.constant 0 : i32
    %cond3A_7 = arith.cmpi ne, %convert_element_type3A_5, %cond3A_6 : i32
    scf.if %cond3A_7 {
      %mul3A_8 = arith.constant 1256 : i32
      %mul3A_9 = arith.muli %arg1, %mul3A_8 : i32
      "tpu.region"() ({
        %run_scoped3A = tpu.sem_alloc : memref<!tpu.dma_semaphore, #tpu.memory_space<semaphore_mem>>
        %dma_start3A = arith.constant 0 : i32
        %dma_start3A_20 = tpu.memref_slice %arg14[%mul3A_9, %dma_start3A] : memref<20096x128xbf16, #tpu.memory_space<vmem_shared>> -> memref<1256x128xbf16, #tpu.memory_space<vmem_shared>>
        tpu.enqueue_dma source(%arg6 : memref<1256x128xbf16, #tpu.memory_space<hbm>>) target(%dma_start3A_20 : memref<1256x128xbf16, #tpu.memory_space<vmem_shared>>) target_semaphore(%run_scoped3A : memref<!tpu.dma_semaphore, #tpu.memory_space<semaphore_mem>>)
        %dma_wait3A = arith.constant 0 : i32
        %dma_wait3A_21 = tpu.memref_slice %arg14[%mul3A_9, %dma_wait3A] : memref<20096x128xbf16, #tpu.memory_space<vmem_shared>> -> memref<1256x128xbf16, #tpu.memory_space<vmem_shared>>
        tpu.wait_dma2 semaphore(%run_scoped3A : memref<!tpu.dma_semaphore, #tpu.memory_space<semaphore_mem>>) src(%arg6 : memref<1256x128xbf16, #tpu.memory_space<hbm>>) dst(%dma_wait3A_21 : memref<1256x128xbf16, #tpu.memory_space<vmem_shared>>)
        tpu.yield
      }) : () -> ()
      %barrier3A = arith.constant 0 : index
      tpu.barrier barrier_id(%barrier3A)
      %scan3A = arith.constant 0 : i32
      %scan3A_10 = arith.constant 0 : i32
      %scan3A_11 = arith.constant 5 : i32
      %scan3A_12 = arith.addi %scan3A_10, %scan3A_11 : i32
      %scan3A_13 = arith.constant 1 : i32
      scf.for %scan3A_20 = %scan3A_10 to %scan3A_12 step %scan3A_13  : i32 {
        %mul3A_21 = arith.constant 32 : i32
        %mul3A_22 = arith.muli %scan3A_20, %mul3A_21 : i32
        %add3A = arith.addi %mul3A_0, %mul3A_22 : i32
        "tpu.region"() ({
          %run_scoped3A = tpu.sem_alloc : memref<!tpu.dma_semaphore, #tpu.memory_space<semaphore_mem>>
          %dma_start3A_117 = arith.constant 0 : i32
          %dma_start3A_118 = tpu.memref_slice %arg2[%add3A, %dma_start3A_117] : memref<2560x128xi32, #tpu.memory_space<hbm>> -> memref<32x128xi32, #tpu.memory_space<hbm>>
          %dma_start3A_119 = arith.constant 0 : i32
          %dma_start3A_120 = tpu.memref_slice %arg2[%add3A, %dma_start3A_119] : memref<2560x128xi32, #tpu.memory_space<hbm>> -> memref<32x128xi32, #tpu.memory_space<hbm>>
          tpu.enqueue_dma source(%dma_start3A_120 : memref<32x128xi32, #tpu.memory_space<hbm>>) target(%arg9 : memref<32x128xi32, #tpu.memory_space<vmem>>) target_semaphore(%run_scoped3A : memref<!tpu.dma_semaphore, #tpu.memory_space<semaphore_mem>>)
          %dma_wait3A_121 = arith.constant 0 : i32
          %dma_wait3A_122 = tpu.memref_slice %arg2[%add3A, %dma_wait3A_121] : memref<2560x128xi32, #tpu.memory_space<hbm>> -> memref<32x128xi32, #tpu.memory_space<hbm>>
          %dma_wait3A_123 = arith.constant 0 : i32
          %dma_wait3A_124 = tpu.memref_slice %arg2[%add3A, %dma_wait3A_123] : memref<2560x128xi32, #tpu.memory_space<hbm>> -> memref<32x128xi32, #tpu.memory_space<hbm>>
          tpu.wait_dma2 semaphore(%run_scoped3A : memref<!tpu.dma_semaphore, #tpu.memory_space<semaphore_mem>>) src(%dma_wait3A_124 : memref<32x128xi32, #tpu.memory_space<hbm>>) dst(%arg9 : memref<32x128xi32, #tpu.memory_space<vmem>>)
          tpu.yield
        }) : () -> ()
        "tpu.region"() ({
          %run_scoped3A = tpu.sem_alloc : memref<!tpu.dma_semaphore, #tpu.memory_space<semaphore_mem>>
          %dma_start3A_117 = arith.constant 0 : i32
          %dma_start3A_118 = tpu.memref_slice %arg3[%add3A, %dma_start3A_117] : memref<2560x128xi32, #tpu.memory_space<hbm>> -> memref<32x128xi32, #tpu.memory_space<hbm>>
          %dma_start3A_119 = arith.constant 0 : i32
          %dma_start3A_120 = tpu.memref_slice %arg3[%add3A, %dma_start3A_119] : memref<2560x128xi32, #tpu.memory_space<hbm>> -> memref<32x128xi32, #tpu.memory_space<hbm>>
          tpu.enqueue_dma source(%dma_start3A_120 : memref<32x128xi32, #tpu.memory_space<hbm>>) target(%arg10 : memref<32x128xi32, #tpu.memory_space<vmem>>) target_semaphore(%run_scoped3A : memref<!tpu.dma_semaphore, #tpu.memory_space<semaphore_mem>>)
          %dma_wait3A_121 = arith.constant 0 : i32
          %dma_wait3A_122 = tpu.memref_slice %arg3[%add3A, %dma_wait3A_121] : memref<2560x128xi32, #tpu.memory_space<hbm>> -> memref<32x128xi32, #tpu.memory_space<hbm>>
          %dma_wait3A_123 = arith.constant 0 : i32
          %dma_wait3A_124 = tpu.memref_slice %arg3[%add3A, %dma_wait3A_123] : memref<2560x128xi32, #tpu.memory_space<hbm>> -> memref<32x128xi32, #tpu.memory_space<hbm>>
          tpu.wait_dma2 semaphore(%run_scoped3A : memref<!tpu.dma_semaphore, #tpu.memory_space<semaphore_mem>>) src(%dma_wait3A_124 : memref<32x128xi32, #tpu.memory_space<hbm>>) dst(%arg10 : memref<32x128xi32, #tpu.memory_space<vmem>>)
          tpu.yield
        }) : () -> ()
        %dma_start3A = arith.constant 0 : i32
        %dma_start3A_23 = arith.constant 0 : i32
        %dma_start3A_24 = arith.constant 0 : i32
        %dma_start3A_25 = arith.constant 0 : i32
        %dma_start3A_26 = arith.constant 0 : i32
        %dma_start3A_27 = tpu.memref_slice %arg11[%dma_start3A_23, %dma_start3A_25, %dma_start3A_26] : memref<4x128x128xbf16, #tpu.memory_space<vmem>> -> memref<1x128x128xbf16, #tpu.memory_space<vmem>>
        %dma_start3A_28 = tpu.memref_squeeze %dma_start3A_27 : memref<1x128x128xbf16, #tpu.memory_space<vmem>> -> memref<128x128xbf16, #tpu.memory_space<vmem>>
        %dma_start3A_29 = arith.constant 0 : i32
        %dma_start3A_30 = tpu.memref_slice %arg9[%dma_start3A, %dma_start3A_29] : memref<32x128xi32, #tpu.memory_space<vmem>> -> memref<1x128xi32, #tpu.memory_space<vmem>>
        %dma_start3A_31 = tpu.memref_squeeze %dma_start3A_30 : memref<1x128xi32, #tpu.memory_space<vmem>> -> memref<128xi32, #tpu.memory_space<vmem>>
        %dma_start3A_32 = arith.constant 0 : i32
        %dma_start3A_33 = arith.constant 0 : i32
        %dma_start3A_34 = tpu.memref_slice %arg5[%dma_start3A_32, %dma_start3A_33] : memref<20000x128xbf16, #tpu.memory_space<hbm>> -> memref<20000x128xbf16, #tpu.memory_space<hbm>>
        %dma_start3A_35 = tpu.memref_slice %arg12[%dma_start3A_24] : memref<4x!tpu.dma_semaphore, #tpu.memory_space<semaphore_mem>> -> memref<1x!tpu.dma_semaphore, #tpu.memory_space<semaphore_mem>>
        %dma_start3A_36 = tpu.memref_squeeze %dma_start3A_35 : memref<1x!tpu.dma_semaphore, #tpu.memory_space<semaphore_mem>> -> memref<!tpu.dma_semaphore, #tpu.memory_space<semaphore_mem>>
        tpu.enqueue_indirect_dma source(%dma_start3A_34 : memref<20000x128xbf16, #tpu.memory_space<hbm>>) target(%dma_start3A_28 : memref<128x128xbf16, #tpu.memory_space<vmem>>) offsets(%dma_start3A_31 : memref<128xi32, #tpu.memory_space<vmem>>) semaphore(%dma_start3A_36 : memref<!tpu.dma_semaphore, #tpu.memory_space<semaphore_mem>>)
        %dma_start3A_37 = arith.constant 1 : i32
        %dma_start3A_38 = arith.constant 1 : i32
        %dma_start3A_39 = arith.constant 1 : i32
        %dma_start3A_40 = arith.constant 0 : i32
        %dma_start3A_41 = arith.constant 0 : i32
        %dma_start3A_42 = tpu.memref_slice %arg11[%dma_start3A_38, %dma_start3A_40, %dma_start3A_41] : memref<4x128x128xbf16, #tpu.memory_space<vmem>> -> memref<1x128x128xbf16, #tpu.memory_space<vmem>>
        %dma_start3A_43 = tpu.memref_squeeze %dma_start3A_42 : memref<1x128x128xbf16, #tpu.memory_space<vmem>> -> memref<128x128xbf16, #tpu.memory_space<vmem>>
        %dma_start3A_44 = arith.constant 0 : i32
        %dma_start3A_45 = tpu.memref_slice %arg9[%dma_start3A_37, %dma_start3A_44] : memref<32x128xi32, #tpu.memory_space<vmem>> -> memref<1x128xi32, #tpu.memory_space<vmem>>
        %dma_start3A_46 = tpu.memref_squeeze %dma_start3A_45 : memref<1x128xi32, #tpu.memory_space<vmem>> -> memref<128xi32, #tpu.memory_space<vmem>>
        %dma_start3A_47 = arith.constant 0 : i32
        %dma_start3A_48 = arith.constant 0 : i32
        %dma_start3A_49 = tpu.memref_slice %arg5[%dma_start3A_47, %dma_start3A_48] : memref<20000x128xbf16, #tpu.memory_space<hbm>> -> memref<20000x128xbf16, #tpu.memory_space<hbm>>
        %dma_start3A_50 = tpu.memref_slice %arg12[%dma_start3A_39] : memref<4x!tpu.dma_semaphore, #tpu.memory_space<semaphore_mem>> -> memref<1x!tpu.dma_semaphore, #tpu.memory_space<semaphore_mem>>
        %dma_start3A_51 = tpu.memref_squeeze %dma_start3A_50 : memref<1x!tpu.dma_semaphore, #tpu.memory_space<semaphore_mem>> -> memref<!tpu.dma_semaphore, #tpu.memory_space<semaphore_mem>>
        tpu.enqueue_indirect_dma source(%dma_start3A_49 : memref<20000x128xbf16, #tpu.memory_space<hbm>>) target(%dma_start3A_43 : memref<128x128xbf16, #tpu.memory_space<vmem>>) offsets(%dma_start3A_46 : memref<128xi32, #tpu.memory_space<vmem>>) semaphore(%dma_start3A_51 : memref<!tpu.dma_semaphore, #tpu.memory_space<semaphore_mem>>)
        %scan3A_52 = arith.constant 0 : i32
        %scan3A_53 = arith.constant 0 : i32
        %scan3A_54 = arith.constant 8 : i32
        %scan3A_55 = arith.addi %scan3A_53, %scan3A_54 : i32
        %scan3A_56 = arith.constant 1 : i32
        scf.for %scan3A_117 = %scan3A_53 to %scan3A_55 step %scan3A_56  : i32 {
          %mul3A_118 = arith.constant 4 : i32
          %mul3A_119 = arith.muli %scan3A_117, %mul3A_118 : i32
          %add3A_120 = arith.constant 0 : i32
          %add3A_121 = arith.addi %mul3A_119, %add3A_120 : i32
          %add3A_122 = arith.constant 2 : i32
          %add3A_123 = arith.addi %add3A_121, %add3A_122 : i32
          %lt3A = arith.constant 32 : i32
          %lt3A_124 = arith.cmpi slt, %add3A_123, %lt3A : i32
          %convert_element_type3A_125 = arith.extui %lt3A_124 : i1 to i32
          %cond3A_126 = arith.constant 0 : i32
          %cond3A_127 = arith.cmpi ne, %convert_element_type3A_125, %cond3A_126 : i32
          scf.if %cond3A_127 {
            %sub3A = arith.constant 4 : i32
            %sub3A_267 = arith.subi %add3A_123, %sub3A : i32
            %ge3A = arith.constant 0 : i32
            %ge3A_268 = arith.cmpi sge, %sub3A_267, %ge3A : i32
            %convert_element_type3A_269 = arith.extui %ge3A_268 : i1 to i32
            %cond3A_270 = arith.constant 0 : i32
            %cond3A_271 = arith.cmpi ne, %convert_element_type3A_269, %cond3A_270 : i32
            scf.if %cond3A_271 {
              %sub3A_286 = arith.constant 4 : i32
              %sub3A_287 = arith.subi %add3A_123, %sub3A_286 : i32
              %dma_wait3A_288 = arith.constant 2 : i32
              %dma_wait3A_289 = arith.constant 2 : i32
              %dma_wait3A_290 = arith.constant 0 : i32
              %dma_wait3A_291 = arith.constant 0 : i32
              %dma_wait3A_292 = tpu.memref_slice %arg11[%dma_wait3A_288, %dma_wait3A_290, %dma_wait3A_291] : memref<4x128x128xbf16, #tpu.memory_space<vmem>> -> memref<1x128x128xbf16, #tpu.memory_space<vmem>>
              %dma_wait3A_293 = tpu.memref_squeeze %dma_wait3A_292 : memref<1x128x128xbf16, #tpu.memory_space<vmem>> -> memref<128x128xbf16, #tpu.memory_space<vmem>>
              %dma_wait3A_294 = arith.constant 0 : i32
              %dma_wait3A_295 = tpu.memref_slice %arg10[%sub3A_287, %dma_wait3A_294] : memref<32x128xi32, #tpu.memory_space<vmem>> -> memref<1x128xi32, #tpu.memory_space<vmem>>
              %dma_wait3A_296 = tpu.memref_squeeze %dma_wait3A_295 : memref<1x128xi32, #tpu.memory_space<vmem>> -> memref<128xi32, #tpu.memory_space<vmem>>
              %dma_wait3A_297 = arith.constant 0 : i32
              %dma_wait3A_298 = arith.constant 0 : i32
              %dma_wait3A_299 = tpu.memref_slice %arg14[%dma_wait3A_297, %dma_wait3A_298] : memref<20096x128xbf16, #tpu.memory_space<vmem_shared>> -> memref<20096x128xbf16, #tpu.memory_space<vmem_shared>>
              %dma_wait3A_300 = tpu.memref_slice %arg13[%dma_wait3A_289] : memref<4x!tpu.dma_semaphore, #tpu.memory_space<semaphore_mem>> -> memref<1x!tpu.dma_semaphore, #tpu.memory_space<semaphore_mem>>
              %dma_wait3A_301 = tpu.memref_squeeze %dma_wait3A_300 : memref<1x!tpu.dma_semaphore, #tpu.memory_space<semaphore_mem>> -> memref<!tpu.dma_semaphore, #tpu.memory_space<semaphore_mem>>
              tpu.wait_indirect_dma semaphore(%dma_wait3A_301 : memref<!tpu.dma_semaphore, #tpu.memory_space<semaphore_mem>>) src(%dma_wait3A_293 : memref<128x128xbf16, #tpu.memory_space<vmem>>) dst(%dma_wait3A_299 : memref<20096x128xbf16, #tpu.memory_space<vmem_shared>>)
            } else {
            }
            %dma_start3A_272 = arith.constant 2 : i32
            %dma_start3A_273 = arith.constant 2 : i32
            %dma_start3A_274 = arith.constant 0 : i32
            %dma_start3A_275 = arith.constant 0 : i32
            %dma_start3A_276 = tpu.memref_slice %arg11[%dma_start3A_272, %dma_start3A_274, %dma_start3A_275] : memref<4x128x128xbf16, #tpu.memory_space<vmem>> -> memref<1x128x128xbf16, #tpu.memory_space<vmem>>
            %dma_start3A_277 = tpu.memref_squeeze %dma_start3A_276 : memref<1x128x128xbf16, #tpu.memory_space<vmem>> -> memref<128x128xbf16, #tpu.memory_space<vmem>>
            %dma_start3A_278 = arith.constant 0 : i32
            %dma_start3A_279 = tpu.memref_slice %arg9[%add3A_123, %dma_start3A_278] : memref<32x128xi32, #tpu.memory_space<vmem>> -> memref<1x128xi32, #tpu.memory_space<vmem>>
            %dma_start3A_280 = tpu.memref_squeeze %dma_start3A_279 : memref<1x128xi32, #tpu.memory_space<vmem>> -> memref<128xi32, #tpu.memory_space<vmem>>
            %dma_start3A_281 = arith.constant 0 : i32
            %dma_start3A_282 = arith.constant 0 : i32
            %dma_start3A_283 = tpu.memref_slice %arg5[%dma_start3A_281, %dma_start3A_282] : memref<20000x128xbf16, #tpu.memory_space<hbm>> -> memref<20000x128xbf16, #tpu.memory_space<hbm>>
            %dma_start3A_284 = tpu.memref_slice %arg12[%dma_start3A_273] : memref<4x!tpu.dma_semaphore, #tpu.memory_space<semaphore_mem>> -> memref<1x!tpu.dma_semaphore, #tpu.memory_space<semaphore_mem>>
            %dma_start3A_285 = tpu.memref_squeeze %dma_start3A_284 : memref<1x!tpu.dma_semaphore, #tpu.memory_space<semaphore_mem>> -> memref<!tpu.dma_semaphore, #tpu.memory_space<semaphore_mem>>
            tpu.enqueue_indirect_dma source(%dma_start3A_283 : memref<20000x128xbf16, #tpu.memory_space<hbm>>) target(%dma_start3A_277 : memref<128x128xbf16, #tpu.memory_space<vmem>>) offsets(%dma_start3A_280 : memref<128xi32, #tpu.memory_space<vmem>>) semaphore(%dma_start3A_285 : memref<!tpu.dma_semaphore, #tpu.memory_space<semaphore_mem>>)
          } else {
          }
          %dma_wait3A_128 = arith.constant 0 : i32
          %dma_wait3A_129 = arith.constant 0 : i32
          %dma_wait3A_130 = arith.constant 0 : i32
          %dma_wait3A_131 = arith.constant 0 : i32
          %dma_wait3A_132 = tpu.memref_slice %arg11[%dma_wait3A_128, %dma_wait3A_130, %dma_wait3A_131] : memref<4x128x128xbf16, #tpu.memory_space<vmem>> -> memref<1x128x128xbf16, #tpu.memory_space<vmem>>
          %dma_wait3A_133 = tpu.memref_squeeze %dma_wait3A_132 : memref<1x128x128xbf16, #tpu.memory_space<vmem>> -> memref<128x128xbf16, #tpu.memory_space<vmem>>
          %dma_wait3A_134 = arith.constant 0 : i32
          %dma_wait3A_135 = tpu.memref_slice %arg9[%add3A_121, %dma_wait3A_134] : memref<32x128xi32, #tpu.memory_space<vmem>> -> memref<1x128xi32, #tpu.memory_space<vmem>>
          %dma_wait3A_136 = tpu.memref_squeeze %dma_wait3A_135 : memref<1x128xi32, #tpu.memory_space<vmem>> -> memref<128xi32, #tpu.memory_space<vmem>>
          %dma_wait3A_137 = arith.constant 0 : i32
          %dma_wait3A_138 = arith.constant 0 : i32
          %dma_wait3A_139 = tpu.memref_slice %arg5[%dma_wait3A_137, %dma_wait3A_138] : memref<20000x128xbf16, #tpu.memory_space<hbm>> -> memref<20000x128xbf16, #tpu.memory_space<hbm>>
          %dma_wait3A_140 = tpu.memref_slice %arg12[%dma_wait3A_129] : memref<4x!tpu.dma_semaphore, #tpu.memory_space<semaphore_mem>> -> memref<1x!tpu.dma_semaphore, #tpu.memory_space<semaphore_mem>>
          %dma_wait3A_141 = tpu.memref_squeeze %dma_wait3A_140 : memref<1x!tpu.dma_semaphore, #tpu.memory_space<semaphore_mem>> -> memref<!tpu.dma_semaphore, #tpu.memory_space<semaphore_mem>>
          tpu.wait_indirect_dma semaphore(%dma_wait3A_141 : memref<!tpu.dma_semaphore, #tpu.memory_space<semaphore_mem>>) src(%dma_wait3A_139 : memref<20000x128xbf16, #tpu.memory_space<hbm>>) dst(%dma_wait3A_133 : memref<128x128xbf16, #tpu.memory_space<vmem>>)
          %dma_start3A_142 = arith.constant 0 : i32
          %dma_start3A_143 = arith.constant 0 : i32
          %dma_start3A_144 = arith.constant 0 : i32
          %dma_start3A_145 = arith.constant 0 : i32
          %dma_start3A_146 = tpu.memref_slice %arg11[%dma_start3A_142, %dma_start3A_144, %dma_start3A_145] : memref<4x128x128xbf16, #tpu.memory_space<vmem>> -> memref<1x128x128xbf16, #tpu.memory_space<vmem>>
          %dma_start3A_147 = tpu.memref_squeeze %dma_start3A_146 : memref<1x128x128xbf16, #tpu.memory_space<vmem>> -> memref<128x128xbf16, #tpu.memory_space<vmem>>
          %dma_start3A_148 = arith.constant 0 : i32
          %dma_start3A_149 = tpu.memref_slice %arg10[%add3A_121, %dma_start3A_148] : memref<32x128xi32, #tpu.memory_space<vmem>> -> memref<1x128xi32, #tpu.memory_space<vmem>>
          %dma_start3A_150 = tpu.memref_squeeze %dma_start3A_149 : memref<1x128xi32, #tpu.memory_space<vmem>> -> memref<128xi32, #tpu.memory_space<vmem>>
          %dma_start3A_151 = arith.constant 0 : i32
          %dma_start3A_152 = arith.constant 0 : i32
          %dma_start3A_153 = tpu.memref_slice %arg14[%dma_start3A_151, %dma_start3A_152] : memref<20096x128xbf16, #tpu.memory_space<vmem_shared>> -> memref<20096x128xbf16, #tpu.memory_space<vmem_shared>>
          %dma_start3A_154 = tpu.memref_slice %arg13[%dma_start3A_143] : memref<4x!tpu.dma_semaphore, #tpu.memory_space<semaphore_mem>> -> memref<1x!tpu.dma_semaphore, #tpu.memory_space<semaphore_mem>>
          %dma_start3A_155 = tpu.memref_squeeze %dma_start3A_154 : memref<1x!tpu.dma_semaphore, #tpu.memory_space<semaphore_mem>> -> memref<!tpu.dma_semaphore, #tpu.memory_space<semaphore_mem>>
          tpu.enqueue_indirect_dma source(%dma_start3A_147 : memref<128x128xbf16, #tpu.memory_space<vmem>>) target(%dma_start3A_153 : memref<20096x128xbf16, #tpu.memory_space<vmem_shared>>) offsets(%dma_start3A_150 : memref<128xi32, #tpu.memory_space<vmem>>) semaphore(%dma_start3A_155 : memref<!tpu.dma_semaphore, #tpu.memory_space<semaphore_mem>>) {add = true}
          %add3A_156 = arith.constant 1 : i32
          %add3A_157 = arith.addi %mul3A_119, %add3A_156 : i32
          %add3A_158 = arith.constant 2 : i32
          %add3A_159 = arith.addi %add3A_157, %add3A_158 : i32
          %lt3A_160 = arith.constant 32 : i32
          %lt3A_161 = arith.cmpi slt, %add3A_159, %lt3A_160 : i32
          %convert_element_type3A_162 = arith.extui %lt3A_161 : i1 to i32
          %cond3A_163 = arith.constant 0 : i32
          %cond3A_164 = arith.cmpi ne, %convert_element_type3A_162, %cond3A_163 : i32
          scf.if %cond3A_164 {
            %sub3A = arith.constant 4 : i32
            %sub3A_267 = arith.subi %add3A_159, %sub3A : i32
            %ge3A = arith.constant 0 : i32
            %ge3A_268 = arith.cmpi sge, %sub3A_267, %ge3A : i32
            %convert_element_type3A_269 = arith.extui %ge3A_268 : i1 to i32
            %cond3A_270 = arith.constant 0 : i32
            %cond3A_271 = arith.cmpi ne, %convert_element_type3A_269, %cond3A_270 : i32
            scf.if %cond3A_271 {
              %sub3A_286 = arith.constant 4 : i32
              %sub3A_287 = arith.subi %add3A_159, %sub3A_286 : i32
              %dma_wait3A_288 = arith.constant 3 : i32
              %dma_wait3A_289 = arith.constant 3 : i32
              %dma_wait3A_290 = arith.constant 0 : i32
              %dma_wait3A_291 = arith.constant 0 : i32
              %dma_wait3A_292 = tpu.memref_slice %arg11[%dma_wait3A_288, %dma_wait3A_290, %dma_wait3A_291] : memref<4x128x128xbf16, #tpu.memory_space<vmem>> -> memref<1x128x128xbf16, #tpu.memory_space<vmem>>
              %dma_wait3A_293 = tpu.memref_squeeze %dma_wait3A_292 : memref<1x128x128xbf16, #tpu.memory_space<vmem>> -> memref<128x128xbf16, #tpu.memory_space<vmem>>
              %dma_wait3A_294 = arith.constant 0 : i32
              %dma_wait3A_295 = tpu.memref_slice %arg10[%sub3A_287, %dma_wait3A_294] : memref<32x128xi32, #tpu.memory_space<vmem>> -> memref<1x128xi32, #tpu.memory_space<vmem>>
              %dma_wait3A_296 = tpu.memref_squeeze %dma_wait3A_295 : memref<1x128xi32, #tpu.memory_space<vmem>> -> memref<128xi32, #tpu.memory_space<vmem>>
              %dma_wait3A_297 = arith.constant 0 : i32
              %dma_wait3A_298 = arith.constant 0 : i32
              %dma_wait3A_299 = tpu.memref_slice %arg14[%dma_wait3A_297, %dma_wait3A_298] : memref<20096x128xbf16, #tpu.memory_space<vmem_shared>> -> memref<20096x128xbf16, #tpu.memory_space<vmem_shared>>
              %dma_wait3A_300 = tpu.memref_slice %arg13[%dma_wait3A_289] : memref<4x!tpu.dma_semaphore, #tpu.memory_space<semaphore_mem>> -> memref<1x!tpu.dma_semaphore, #tpu.memory_space<semaphore_mem>>
              %dma_wait3A_301 = tpu.memref_squeeze %dma_wait3A_300 : memref<1x!tpu.dma_semaphore, #tpu.memory_space<semaphore_mem>> -> memref<!tpu.dma_semaphore, #tpu.memory_space<semaphore_mem>>
              tpu.wait_indirect_dma semaphore(%dma_wait3A_301 : memref<!tpu.dma_semaphore, #tpu.memory_space<semaphore_mem>>) src(%dma_wait3A_293 : memref<128x128xbf16, #tpu.memory_space<vmem>>) dst(%dma_wait3A_299 : memref<20096x128xbf16, #tpu.memory_space<vmem_shared>>)
            } else {
            }
            %dma_start3A_272 = arith.constant 3 : i32
            %dma_start3A_273 = arith.constant 3 : i32
            %dma_start3A_274 = arith.constant 0 : i32
            %dma_start3A_275 = arith.constant 0 : i32
            %dma_start3A_276 = tpu.memref_slice %arg11[%dma_start3A_272, %dma_start3A_274, %dma_start3A_275] : memref<4x128x128xbf16, #tpu.memory_space<vmem>> -> memref<1x128x128xbf16, #tpu.memory_space<vmem>>
            %dma_start3A_277 = tpu.memref_squeeze %dma_start3A_276 : memref<1x128x128xbf16, #tpu.memory_space<vmem>> -> memref<128x128xbf16, #tpu.memory_space<vmem>>
            %dma_start3A_278 = arith.constant 0 : i32
            %dma_start3A_279 = tpu.memref_slice %arg9[%add3A_159, %dma_start3A_278] : memref<32x128xi32, #tpu.memory_space<vmem>> -> memref<1x128xi32, #tpu.memory_space<vmem>>
            %dma_start3A_280 = tpu.memref_squeeze %dma_start3A_279 : memref<1x128xi32, #tpu.memory_space<vmem>> -> memref<128xi32, #tpu.memory_space<vmem>>
            %dma_start3A_281 = arith.constant 0 : i32
            %dma_start3A_282 = arith.constant 0 : i32
            %dma_start3A_283 = tpu.memref_slice %arg5[%dma_start3A_281, %dma_start3A_282] : memref<20000x128xbf16, #tpu.memory_space<hbm>> -> memref<20000x128xbf16, #tpu.memory_space<hbm>>
            %dma_start3A_284 = tpu.memref_slice %arg12[%dma_start3A_273] : memref<4x!tpu.dma_semaphore, #tpu.memory_space<semaphore_mem>> -> memref<1x!tpu.dma_semaphore, #tpu.memory_space<semaphore_mem>>
            %dma_start3A_285 = tpu.memref_squeeze %dma_start3A_284 : memref<1x!tpu.dma_semaphore, #tpu.memory_space<semaphore_mem>> -> memref<!tpu.dma_semaphore, #tpu.memory_space<semaphore_mem>>
            tpu.enqueue_indirect_dma source(%dma_start3A_283 : memref<20000x128xbf16, #tpu.memory_space<hbm>>) target(%dma_start3A_277 : memref<128x128xbf16, #tpu.memory_space<vmem>>) offsets(%dma_start3A_280 : memref<128xi32, #tpu.memory_space<vmem>>) semaphore(%dma_start3A_285 : memref<!tpu.dma_semaphore, #tpu.memory_space<semaphore_mem>>)
          } else {
          }
          %dma_wait3A_165 = arith.constant 1 : i32
          %dma_wait3A_166 = arith.constant 1 : i32
          %dma_wait3A_167 = arith.constant 0 : i32
          %dma_wait3A_168 = arith.constant 0 : i32
          %dma_wait3A_169 = tpu.memref_slice %arg11[%dma_wait3A_165, %dma_wait3A_167, %dma_wait3A_168] : memref<4x128x128xbf16, #tpu.memory_space<vmem>> -> memref<1x128x128xbf16, #tpu.memory_space<vmem>>
          %dma_wait3A_170 = tpu.memref_squeeze %dma_wait3A_169 : memref<1x128x128xbf16, #tpu.memory_space<vmem>> -> memref<128x128xbf16, #tpu.memory_space<vmem>>
          %dma_wait3A_171 = arith.constant 0 : i32
          %dma_wait3A_172 = tpu.memref_slice %arg9[%add3A_157, %dma_wait3A_171] : memref<32x128xi32, #tpu.memory_space<vmem>> -> memref<1x128xi32, #tpu.memory_space<vmem>>
          %dma_wait3A_173 = tpu.memref_squeeze %dma_wait3A_172 : memref<1x128xi32, #tpu.memory_space<vmem>> -> memref<128xi32, #tpu.memory_space<vmem>>
          %dma_wait3A_174 = arith.constant 0 : i32
          %dma_wait3A_175 = arith.constant 0 : i32
          %dma_wait3A_176 = tpu.memref_slice %arg5[%dma_wait3A_174, %dma_wait3A_175] : memref<20000x128xbf16, #tpu.memory_space<hbm>> -> memref<20000x128xbf16, #tpu.memory_space<hbm>>
          %dma_wait3A_177 = tpu.memref_slice %arg12[%dma_wait3A_166] : memref<4x!tpu.dma_semaphore, #tpu.memory_space<semaphore_mem>> -> memref<1x!tpu.dma_semaphore, #tpu.memory_space<semaphore_mem>>
          %dma_wait3A_178 = tpu.memref_squeeze %dma_wait3A_177 : memref<1x!tpu.dma_semaphore, #tpu.memory_space<semaphore_mem>> -> memref<!tpu.dma_semaphore, #tpu.memory_space<semaphore_mem>>
          tpu.wait_indirect_dma semaphore(%dma_wait3A_178 : memref<!tpu.dma_semaphore, #tpu.memory_space<semaphore_mem>>) src(%dma_wait3A_176 : memref<20000x128xbf16, #tpu.memory_space<hbm>>) dst(%dma_wait3A_170 : memref<128x128xbf16, #tpu.memory_space<vmem>>)
          %dma_start3A_179 = arith.constant 1 : i32
          %dma_start3A_180 = arith.constant 1 : i32
          %dma_start3A_181 = arith.constant 0 : i32
          %dma_start3A_182 = arith.constant 0 : i32
          %dma_start3A_183 = tpu.memref_slice %arg11[%dma_start3A_179, %dma_start3A_181, %dma_start3A_182] : memref<4x128x128xbf16, #tpu.memory_space<vmem>> -> memref<1x128x128xbf16, #tpu.memory_space<vmem>>
          %dma_start3A_184 = tpu.memref_squeeze %dma_start3A_183 : memref<1x128x128xbf16, #tpu.memory_space<vmem>> -> memref<128x128xbf16, #tpu.memory_space<vmem>>
          %dma_start3A_185 = arith.constant 0 : i32
          %dma_start3A_186 = tpu.memref_slice %arg10[%add3A_157, %dma_start3A_185] : memref<32x128xi32, #tpu.memory_space<vmem>> -> memref<1x128xi32, #tpu.memory_space<vmem>>
          %dma_start3A_187 = tpu.memref_squeeze %dma_start3A_186 : memref<1x128xi32, #tpu.memory_space<vmem>> -> memref<128xi32, #tpu.memory_space<vmem>>
          %dma_start3A_188 = arith.constant 0 : i32
          %dma_start3A_189 = arith.constant 0 : i32
          %dma_start3A_190 = tpu.memref_slice %arg14[%dma_start3A_188, %dma_start3A_189] : memref<20096x128xbf16, #tpu.memory_space<vmem_shared>> -> memref<20096x128xbf16, #tpu.memory_space<vmem_shared>>
          %dma_start3A_191 = tpu.memref_slice %arg13[%dma_start3A_180] : memref<4x!tpu.dma_semaphore, #tpu.memory_space<semaphore_mem>> -> memref<1x!tpu.dma_semaphore, #tpu.memory_space<semaphore_mem>>
          %dma_start3A_192 = tpu.memref_squeeze %dma_start3A_191 : memref<1x!tpu.dma_semaphore, #tpu.memory_space<semaphore_mem>> -> memref<!tpu.dma_semaphore, #tpu.memory_space<semaphore_mem>>
          tpu.enqueue_indirect_dma source(%dma_start3A_184 : memref<128x128xbf16, #tpu.memory_space<vmem>>) target(%dma_start3A_190 : memref<20096x128xbf16, #tpu.memory_space<vmem_shared>>) offsets(%dma_start3A_187 : memref<128xi32, #tpu.memory_space<vmem>>) semaphore(%dma_start3A_192 : memref<!tpu.dma_semaphore, #tpu.memory_space<semaphore_mem>>) {add = true}
          %add3A_193 = arith.constant 2 : i32
          %add3A_194 = arith.addi %mul3A_119, %add3A_193 : i32
          %add3A_195 = arith.constant 2 : i32
          %add3A_196 = arith.addi %add3A_194, %add3A_195 : i32
          %lt3A_197 = arith.constant 32 : i32
          %lt3A_198 = arith.cmpi slt, %add3A_196, %lt3A_197 : i32
          %convert_element_type3A_199 = arith.extui %lt3A_198 : i1 to i32
          %cond3A_200 = arith.constant 0 : i32
          %cond3A_201 = arith.cmpi ne, %convert_element_type3A_199, %cond3A_200 : i32
          scf.if %cond3A_201 {
            %sub3A = arith.constant 4 : i32
            %sub3A_267 = arith.subi %add3A_196, %sub3A : i32
            %ge3A = arith.constant 0 : i32
            %ge3A_268 = arith.cmpi sge, %sub3A_267, %ge3A : i32
            %convert_element_type3A_269 = arith.extui %ge3A_268 : i1 to i32
            %cond3A_270 = arith.constant 0 : i32
            %cond3A_271 = arith.cmpi ne, %convert_element_type3A_269, %cond3A_270 : i32
            scf.if %cond3A_271 {
              %sub3A_286 = arith.constant 4 : i32
              %sub3A_287 = arith.subi %add3A_196, %sub3A_286 : i32
              %dma_wait3A_288 = arith.constant 0 : i32
              %dma_wait3A_289 = arith.constant 0 : i32
              %dma_wait3A_290 = arith.constant 0 : i32
              %dma_wait3A_291 = arith.constant 0 : i32
              %dma_wait3A_292 = tpu.memref_slice %arg11[%dma_wait3A_288, %dma_wait3A_290, %dma_wait3A_291] : memref<4x128x128xbf16, #tpu.memory_space<vmem>> -> memref<1x128x128xbf16, #tpu.memory_space<vmem>>
              %dma_wait3A_293 = tpu.memref_squeeze %dma_wait3A_292 : memref<1x128x128xbf16, #tpu.memory_space<vmem>> -> memref<128x128xbf16, #tpu.memory_space<vmem>>
              %dma_wait3A_294 = arith.constant 0 : i32
              %dma_wait3A_295 = tpu.memref_slice %arg10[%sub3A_287, %dma_wait3A_294] : memref<32x128xi32, #tpu.memory_space<vmem>> -> memref<1x128xi32, #tpu.memory_space<vmem>>
              %dma_wait3A_296 = tpu.memref_squeeze %dma_wait3A_295 : memref<1x128xi32, #tpu.memory_space<vmem>> -> memref<128xi32, #tpu.memory_space<vmem>>
              %dma_wait3A_297 = arith.constant 0 : i32
              %dma_wait3A_298 = arith.constant 0 : i32
              %dma_wait3A_299 = tpu.memref_slice %arg14[%dma_wait3A_297, %dma_wait3A_298] : memref<20096x128xbf16, #tpu.memory_space<vmem_shared>> -> memref<20096x128xbf16, #tpu.memory_space<vmem_shared>>
              %dma_wait3A_300 = tpu.memref_slice %arg13[%dma_wait3A_289] : memref<4x!tpu.dma_semaphore, #tpu.memory_space<semaphore_mem>> -> memref<1x!tpu.dma_semaphore, #tpu.memory_space<semaphore_mem>>
              %dma_wait3A_301 = tpu.memref_squeeze %dma_wait3A_300 : memref<1x!tpu.dma_semaphore, #tpu.memory_space<semaphore_mem>> -> memref<!tpu.dma_semaphore, #tpu.memory_space<semaphore_mem>>
              tpu.wait_indirect_dma semaphore(%dma_wait3A_301 : memref<!tpu.dma_semaphore, #tpu.memory_space<semaphore_mem>>) src(%dma_wait3A_293 : memref<128x128xbf16, #tpu.memory_space<vmem>>) dst(%dma_wait3A_299 : memref<20096x128xbf16, #tpu.memory_space<vmem_shared>>)
            } else {
            }
            %dma_start3A_272 = arith.constant 0 : i32
            %dma_start3A_273 = arith.constant 0 : i32
            %dma_start3A_274 = arith.constant 0 : i32
            %dma_start3A_275 = arith.constant 0 : i32
            %dma_start3A_276 = tpu.memref_slice %arg11[%dma_start3A_272, %dma_start3A_274, %dma_start3A_275] : memref<4x128x128xbf16, #tpu.memory_space<vmem>> -> memref<1x128x128xbf16, #tpu.memory_space<vmem>>
            %dma_start3A_277 = tpu.memref_squeeze %dma_start3A_276 : memref<1x128x128xbf16, #tpu.memory_space<vmem>> -> memref<128x128xbf16, #tpu.memory_space<vmem>>
            %dma_start3A_278 = arith.constant 0 : i32
            %dma_start3A_279 = tpu.memref_slice %arg9[%add3A_196, %dma_start3A_278] : memref<32x128xi32, #tpu.memory_space<vmem>> -> memref<1x128xi32, #tpu.memory_space<vmem>>
            %dma_start3A_280 = tpu.memref_squeeze %dma_start3A_279 : memref<1x128xi32, #tpu.memory_space<vmem>> -> memref<128xi32, #tpu.memory_space<vmem>>
            %dma_start3A_281 = arith.constant 0 : i32
            %dma_start3A_282 = arith.constant 0 : i32
            %dma_start3A_283 = tpu.memref_slice %arg5[%dma_start3A_281, %dma_start3A_282] : memref<20000x128xbf16, #tpu.memory_space<hbm>> -> memref<20000x128xbf16, #tpu.memory_space<hbm>>
            %dma_start3A_284 = tpu.memref_slice %arg12[%dma_start3A_273] : memref<4x!tpu.dma_semaphore, #tpu.memory_space<semaphore_mem>> -> memref<1x!tpu.dma_semaphore, #tpu.memory_space<semaphore_mem>>
            %dma_start3A_285 = tpu.memref_squeeze %dma_start3A_284 : memref<1x!tpu.dma_semaphore, #tpu.memory_space<semaphore_mem>> -> memref<!tpu.dma_semaphore, #tpu.memory_space<semaphore_mem>>
            tpu.enqueue_indirect_dma source(%dma_start3A_283 : memref<20000x128xbf16, #tpu.memory_space<hbm>>) target(%dma_start3A_277 : memref<128x128xbf16, #tpu.memory_space<vmem>>) offsets(%dma_start3A_280 : memref<128xi32, #tpu.memory_space<vmem>>) semaphore(%dma_start3A_285 : memref<!tpu.dma_semaphore, #tpu.memory_space<semaphore_mem>>)
          } else {
          }
          %dma_wait3A_202 = arith.constant 2 : i32
          %dma_wait3A_203 = arith.constant 2 : i32
          %dma_wait3A_204 = arith.constant 0 : i32
          %dma_wait3A_205 = arith.constant 0 : i32
          %dma_wait3A_206 = tpu.memref_slice %arg11[%dma_wait3A_202, %dma_wait3A_204, %dma_wait3A_205] : memref<4x128x128xbf16, #tpu.memory_space<vmem>> -> memref<1x128x128xbf16, #tpu.memory_space<vmem>>
          %dma_wait3A_207 = tpu.memref_squeeze %dma_wait3A_206 : memref<1x128x128xbf16, #tpu.memory_space<vmem>> -> memref<128x128xbf16, #tpu.memory_space<vmem>>
          %dma_wait3A_208 = arith.constant 0 : i32
          %dma_wait3A_209 = tpu.memref_slice %arg9[%add3A_194, %dma_wait3A_208] : memref<32x128xi32, #tpu.memory_space<vmem>> -> memref<1x128xi32, #tpu.memory_space<vmem>>
          %dma_wait3A_210 = tpu.memref_squeeze %dma_wait3A_209 : memref<1x128xi32, #tpu.memory_space<vmem>> -> memref<128xi32, #tpu.memory_space<vmem>>
          %dma_wait3A_211 = arith.constant 0 : i32
          %dma_wait3A_212 = arith.constant 0 : i32
          %dma_wait3A_213 = tpu.memref_slice %arg5[%dma_wait3A_211, %dma_wait3A_212] : memref<20000x128xbf16, #tpu.memory_space<hbm>> -> memref<20000x128xbf16, #tpu.memory_space<hbm>>
          %dma_wait3A_214 = tpu.memref_slice %arg12[%dma_wait3A_203] : memref<4x!tpu.dma_semaphore, #tpu.memory_space<semaphore_mem>> -> memref<1x!tpu.dma_semaphore, #tpu.memory_space<semaphore_mem>>
          %dma_wait3A_215 = tpu.memref_squeeze %dma_wait3A_214 : memref<1x!tpu.dma_semaphore, #tpu.memory_space<semaphore_mem>> -> memref<!tpu.dma_semaphore, #tpu.memory_space<semaphore_mem>>
          tpu.wait_indirect_dma semaphore(%dma_wait3A_215 : memref<!tpu.dma_semaphore, #tpu.memory_space<semaphore_mem>>) src(%dma_wait3A_213 : memref<20000x128xbf16, #tpu.memory_space<hbm>>) dst(%dma_wait3A_207 : memref<128x128xbf16, #tpu.memory_space<vmem>>)
          %dma_start3A_216 = arith.constant 2 : i32
          %dma_start3A_217 = arith.constant 2 : i32
          %dma_start3A_218 = arith.constant 0 : i32
          %dma_start3A_219 = arith.constant 0 : i32
          %dma_start3A_220 = tpu.memref_slice %arg11[%dma_start3A_216, %dma_start3A_218, %dma_start3A_219] : memref<4x128x128xbf16, #tpu.memory_space<vmem>> -> memref<1x128x128xbf16, #tpu.memory_space<vmem>>
          %dma_start3A_221 = tpu.memref_squeeze %dma_start3A_220 : memref<1x128x128xbf16, #tpu.memory_space<vmem>> -> memref<128x128xbf16, #tpu.memory_space<vmem>>
          %dma_start3A_222 = arith.constant 0 : i32
          %dma_start3A_223 = tpu.memref_slice %arg10[%add3A_194, %dma_start3A_222] : memref<32x128xi32, #tpu.memory_space<vmem>> -> memref<1x128xi32, #tpu.memory_space<vmem>>
          %dma_start3A_224 = tpu.memref_squeeze %dma_start3A_223 : memref<1x128xi32, #tpu.memory_space<vmem>> -> memref<128xi32, #tpu.memory_space<vmem>>
          %dma_start3A_225 = arith.constant 0 : i32
          %dma_start3A_226 = arith.constant 0 : i32
          %dma_start3A_227 = tpu.memref_slice %arg14[%dma_start3A_225, %dma_start3A_226] : memref<20096x128xbf16, #tpu.memory_space<vmem_shared>> -> memref<20096x128xbf16, #tpu.memory_space<vmem_shared>>
          %dma_start3A_228 = tpu.memref_slice %arg13[%dma_start3A_217] : memref<4x!tpu.dma_semaphore, #tpu.memory_space<semaphore_mem>> -> memref<1x!tpu.dma_semaphore, #tpu.memory_space<semaphore_mem>>
          %dma_start3A_229 = tpu.memref_squeeze %dma_start3A_228 : memref<1x!tpu.dma_semaphore, #tpu.memory_space<semaphore_mem>> -> memref<!tpu.dma_semaphore, #tpu.memory_space<semaphore_mem>>
          tpu.enqueue_indirect_dma source(%dma_start3A_221 : memref<128x128xbf16, #tpu.memory_space<vmem>>) target(%dma_start3A_227 : memref<20096x128xbf16, #tpu.memory_space<vmem_shared>>) offsets(%dma_start3A_224 : memref<128xi32, #tpu.memory_space<vmem>>) semaphore(%dma_start3A_229 : memref<!tpu.dma_semaphore, #tpu.memory_space<semaphore_mem>>) {add = true}
          %add3A_230 = arith.constant 3 : i32
          %add3A_231 = arith.addi %mul3A_119, %add3A_230 : i32
          %add3A_232 = arith.constant 2 : i32
          %add3A_233 = arith.addi %add3A_231, %add3A_232 : i32
          %lt3A_234 = arith.constant 32 : i32
          %lt3A_235 = arith.cmpi slt, %add3A_233, %lt3A_234 : i32
          %convert_element_type3A_236 = arith.extui %lt3A_235 : i1 to i32
          %cond3A_237 = arith.constant 0 : i32
          %cond3A_238 = arith.cmpi ne, %convert_element_type3A_236, %cond3A_237 : i32
          scf.if %cond3A_238 {
            %sub3A = arith.constant 4 : i32
            %sub3A_267 = arith.subi %add3A_233, %sub3A : i32
            %ge3A = arith.constant 0 : i32
            %ge3A_268 = arith.cmpi sge, %sub3A_267, %ge3A : i32
            %convert_element_type3A_269 = arith.extui %ge3A_268 : i1 to i32
            %cond3A_270 = arith.constant 0 : i32
            %cond3A_271 = arith.cmpi ne, %convert_element_type3A_269, %cond3A_270 : i32
            scf.if %cond3A_271 {
              %sub3A_286 = arith.constant 4 : i32
              %sub3A_287 = arith.subi %add3A_233, %sub3A_286 : i32
              %dma_wait3A_288 = arith.constant 1 : i32
              %dma_wait3A_289 = arith.constant 1 : i32
              %dma_wait3A_290 = arith.constant 0 : i32
              %dma_wait3A_291 = arith.constant 0 : i32
              %dma_wait3A_292 = tpu.memref_slice %arg11[%dma_wait3A_288, %dma_wait3A_290, %dma_wait3A_291] : memref<4x128x128xbf16, #tpu.memory_space<vmem>> -> memref<1x128x128xbf16, #tpu.memory_space<vmem>>
              %dma_wait3A_293 = tpu.memref_squeeze %dma_wait3A_292 : memref<1x128x128xbf16, #tpu.memory_space<vmem>> -> memref<128x128xbf16, #tpu.memory_space<vmem>>
              %dma_wait3A_294 = arith.constant 0 : i32
              %dma_wait3A_295 = tpu.memref_slice %arg10[%sub3A_287, %dma_wait3A_294] : memref<32x128xi32, #tpu.memory_space<vmem>> -> memref<1x128xi32, #tpu.memory_space<vmem>>
              %dma_wait3A_296 = tpu.memref_squeeze %dma_wait3A_295 : memref<1x128xi32, #tpu.memory_space<vmem>> -> memref<128xi32, #tpu.memory_space<vmem>>
              %dma_wait3A_297 = arith.constant 0 : i32
              %dma_wait3A_298 = arith.constant 0 : i32
              %dma_wait3A_299 = tpu.memref_slice %arg14[%dma_wait3A_297, %dma_wait3A_298] : memref<20096x128xbf16, #tpu.memory_space<vmem_shared>> -> memref<20096x128xbf16, #tpu.memory_space<vmem_shared>>
              %dma_wait3A_300 = tpu.memref_slice %arg13[%dma_wait3A_289] : memref<4x!tpu.dma_semaphore, #tpu.memory_space<semaphore_mem>> -> memref<1x!tpu.dma_semaphore, #tpu.memory_space<semaphore_mem>>
              %dma_wait3A_301 = tpu.memref_squeeze %dma_wait3A_300 : memref<1x!tpu.dma_semaphore, #tpu.memory_space<semaphore_mem>> -> memref<!tpu.dma_semaphore, #tpu.memory_space<semaphore_mem>>
              tpu.wait_indirect_dma semaphore(%dma_wait3A_301 : memref<!tpu.dma_semaphore, #tpu.memory_space<semaphore_mem>>) src(%dma_wait3A_293 : memref<128x128xbf16, #tpu.memory_space<vmem>>) dst(%dma_wait3A_299 : memref<20096x128xbf16, #tpu.memory_space<vmem_shared>>)
            } else {
            }
            %dma_start3A_272 = arith.constant 1 : i32
            %dma_start3A_273 = arith.constant 1 : i32
            %dma_start3A_274 = arith.constant 0 : i32
            %dma_start3A_275 = arith.constant 0 : i32
            %dma_start3A_276 = tpu.memref_slice %arg11[%dma_start3A_272, %dma_start3A_274, %dma_start3A_275] : memref<4x128x128xbf16, #tpu.memory_space<vmem>> -> memref<1x128x128xbf16, #tpu.memory_space<vmem>>
            %dma_start3A_277 = tpu.memref_squeeze %dma_start3A_276 : memref<1x128x128xbf16, #tpu.memory_space<vmem>> -> memref<128x128xbf16, #tpu.memory_space<vmem>>
            %dma_start3A_278 = arith.constant 0 : i32
            %dma_start3A_279 = tpu.memref_slice %arg9[%add3A_233, %dma_start3A_278] : memref<32x128xi32, #tpu.memory_space<vmem>> -> memref<1x128xi32, #tpu.memory_space<vmem>>
            %dma_start3A_280 = tpu.memref_squeeze %dma_start3A_279 : memref<1x128xi32, #tpu.memory_space<vmem>> -> memref<128xi32, #tpu.memory_space<vmem>>
            %dma_start3A_281 = arith.constant 0 : i32
            %dma_start3A_282 = arith.constant 0 : i32
            %dma_start3A_283 = tpu.memref_slice %arg5[%dma_start3A_281, %dma_start3A_282] : memref<20000x128xbf16, #tpu.memory_space<hbm>> -> memref<20000x128xbf16, #tpu.memory_space<hbm>>
            %dma_start3A_284 = tpu.memref_slice %arg12[%dma_start3A_273] : memref<4x!tpu.dma_semaphore, #tpu.memory_space<semaphore_mem>> -> memref<1x!tpu.dma_semaphore, #tpu.memory_space<semaphore_mem>>
            %dma_start3A_285 = tpu.memref_squeeze %dma_start3A_284 : memref<1x!tpu.dma_semaphore, #tpu.memory_space<semaphore_mem>> -> memref<!tpu.dma_semaphore, #tpu.memory_space<semaphore_mem>>
            tpu.enqueue_indirect_dma source(%dma_start3A_283 : memref<20000x128xbf16, #tpu.memory_space<hbm>>) target(%dma_start3A_277 : memref<128x128xbf16, #tpu.memory_space<vmem>>) offsets(%dma_start3A_280 : memref<128xi32, #tpu.memory_space<vmem>>) semaphore(%dma_start3A_285 : memref<!tpu.dma_semaphore, #tpu.memory_space<semaphore_mem>>)
          } else {
          }
          %dma_wait3A_239 = arith.constant 3 : i32
          %dma_wait3A_240 = arith.constant 3 : i32
          %dma_wait3A_241 = arith.constant 0 : i32
          %dma_wait3A_242 = arith.constant 0 : i32
          %dma_wait3A_243 = tpu.memref_slice %arg11[%dma_wait3A_239, %dma_wait3A_241, %dma_wait3A_242] : memref<4x128x128xbf16, #tpu.memory_space<vmem>> -> memref<1x128x128xbf16, #tpu.memory_space<vmem>>
          %dma_wait3A_244 = tpu.memref_squeeze %dma_wait3A_243 : memref<1x128x128xbf16, #tpu.memory_space<vmem>> -> memref<128x128xbf16, #tpu.memory_space<vmem>>
          %dma_wait3A_245 = arith.constant 0 : i32
          %dma_wait3A_246 = tpu.memref_slice %arg9[%add3A_231, %dma_wait3A_245] : memref<32x128xi32, #tpu.memory_space<vmem>> -> memref<1x128xi32, #tpu.memory_space<vmem>>
          %dma_wait3A_247 = tpu.memref_squeeze %dma_wait3A_246 : memref<1x128xi32, #tpu.memory_space<vmem>> -> memref<128xi32, #tpu.memory_space<vmem>>
          %dma_wait3A_248 = arith.constant 0 : i32
          %dma_wait3A_249 = arith.constant 0 : i32
          %dma_wait3A_250 = tpu.memref_slice %arg5[%dma_wait3A_248, %dma_wait3A_249] : memref<20000x128xbf16, #tpu.memory_space<hbm>> -> memref<20000x128xbf16, #tpu.memory_space<hbm>>
          %dma_wait3A_251 = tpu.memref_slice %arg12[%dma_wait3A_240] : memref<4x!tpu.dma_semaphore, #tpu.memory_space<semaphore_mem>> -> memref<1x!tpu.dma_semaphore, #tpu.memory_space<semaphore_mem>>
          %dma_wait3A_252 = tpu.memref_squeeze %dma_wait3A_251 : memref<1x!tpu.dma_semaphore, #tpu.memory_space<semaphore_mem>> -> memref<!tpu.dma_semaphore, #tpu.memory_space<semaphore_mem>>
          tpu.wait_indirect_dma semaphore(%dma_wait3A_252 : memref<!tpu.dma_semaphore, #tpu.memory_space<semaphore_mem>>) src(%dma_wait3A_250 : memref<20000x128xbf16, #tpu.memory_space<hbm>>) dst(%dma_wait3A_244 : memref<128x128xbf16, #tpu.memory_space<vmem>>)
          %dma_start3A_253 = arith.constant 3 : i32
          %dma_start3A_254 = arith.constant 3 : i32
          %dma_start3A_255 = arith.constant 0 : i32
          %dma_start3A_256 = arith.constant 0 : i32
          %dma_start3A_257 = tpu.memref_slice %arg11[%dma_start3A_253, %dma_start3A_255, %dma_start3A_256] : memref<4x128x128xbf16, #tpu.memory_space<vmem>> -> memref<1x128x128xbf16, #tpu.memory_space<vmem>>
          %dma_start3A_258 = tpu.memref_squeeze %dma_start3A_257 : memref<1x128x128xbf16, #tpu.memory_space<vmem>> -> memref<128x128xbf16, #tpu.memory_space<vmem>>
          %dma_start3A_259 = arith.constant 0 : i32
          %dma_start3A_260 = tpu.memref_slice %arg10[%add3A_231, %dma_start3A_259] : memref<32x128xi32, #tpu.memory_space<vmem>> -> memref<1x128xi32, #tpu.memory_space<vmem>>
          %dma_start3A_261 = tpu.memref_squeeze %dma_start3A_260 : memref<1x128xi32, #tpu.memory_space<vmem>> -> memref<128xi32, #tpu.memory_space<vmem>>
          %dma_start3A_262 = arith.constant 0 : i32
          %dma_start3A_263 = arith.constant 0 : i32
          %dma_start3A_264 = tpu.memref_slice %arg14[%dma_start3A_262, %dma_start3A_263] : memref<20096x128xbf16, #tpu.memory_space<vmem_shared>> -> memref<20096x128xbf16, #tpu.memory_space<vmem_shared>>
          %dma_start3A_265 = tpu.memref_slice %arg13[%dma_start3A_254] : memref<4x!tpu.dma_semaphore, #tpu.memory_space<semaphore_mem>> -> memref<1x!tpu.dma_semaphore, #tpu.memory_space<semaphore_mem>>
          %dma_start3A_266 = tpu.memref_squeeze %dma_start3A_265 : memref<1x!tpu.dma_semaphore, #tpu.memory_space<semaphore_mem>> -> memref<!tpu.dma_semaphore, #tpu.memory_space<semaphore_mem>>
          tpu.enqueue_indirect_dma source(%dma_start3A_258 : memref<128x128xbf16, #tpu.memory_space<vmem>>) target(%dma_start3A_264 : memref<20096x128xbf16, #tpu.memory_space<vmem_shared>>) offsets(%dma_start3A_261 : memref<128xi32, #tpu.memory_space<vmem>>) semaphore(%dma_start3A_266 : memref<!tpu.dma_semaphore, #tpu.memory_space<semaphore_mem>>) {add = true}
        }
        %scan3A_57 = arith.constant 8 : i32
        %dma_wait3A = arith.constant 0 : i32
        %dma_wait3A_58 = arith.constant 28 : i32
        %dma_wait3A_59 = arith.constant 0 : i32
        %dma_wait3A_60 = arith.constant 0 : i32
        %dma_wait3A_61 = arith.constant 0 : i32
        %dma_wait3A_62 = tpu.memref_slice %arg11[%dma_wait3A, %dma_wait3A_60, %dma_wait3A_61] : memref<4x128x128xbf16, #tpu.memory_space<vmem>> -> memref<1x128x128xbf16, #tpu.memory_space<vmem>>
        %dma_wait3A_63 = tpu.memref_squeeze %dma_wait3A_62 : memref<1x128x128xbf16, #tpu.memory_space<vmem>> -> memref<128x128xbf16, #tpu.memory_space<vmem>>
        %dma_wait3A_64 = arith.constant 0 : i32
        %dma_wait3A_65 = tpu.memref_slice %arg10[%dma_wait3A_58, %dma_wait3A_64] : memref<32x128xi32, #tpu.memory_space<vmem>> -> memref<1x128xi32, #tpu.memory_space<vmem>>
        %dma_wait3A_66 = tpu.memref_squeeze %dma_wait3A_65 : memref<1x128xi32, #tpu.memory_space<vmem>> -> memref<128xi32, #tpu.memory_space<vmem>>
        %dma_wait3A_67 = arith.constant 0 : i32
        %dma_wait3A_68 = arith.constant 0 : i32
        %dma_wait3A_69 = tpu.memref_slice %arg14[%dma_wait3A_67, %dma_wait3A_68] : memref<20096x128xbf16, #tpu.memory_space<vmem_shared>> -> memref<20096x128xbf16, #tpu.memory_space<vmem_shared>>
        %dma_wait3A_70 = tpu.memref_slice %arg13[%dma_wait3A_59] : memref<4x!tpu.dma_semaphore, #tpu.memory_space<semaphore_mem>> -> memref<1x!tpu.dma_semaphore, #tpu.memory_space<semaphore_mem>>
        %dma_wait3A_71 = tpu.memref_squeeze %dma_wait3A_70 : memref<1x!tpu.dma_semaphore, #tpu.memory_space<semaphore_mem>> -> memref<!tpu.dma_semaphore, #tpu.memory_space<semaphore_mem>>
        tpu.wait_indirect_dma semaphore(%dma_wait3A_71 : memref<!tpu.dma_semaphore, #tpu.memory_space<semaphore_mem>>) src(%dma_wait3A_63 : memref<128x128xbf16, #tpu.memory_space<vmem>>) dst(%dma_wait3A_69 : memref<20096x128xbf16, #tpu.memory_space<vmem_shared>>)
        %dma_wait3A_72 = arith.constant 1 : i32
        %dma_wait3A_73 = arith.constant 29 : i32
        %dma_wait3A_74 = arith.constant 1 : i32
        %dma_wait3A_75 = arith.constant 0 : i32
        %dma_wait3A_76 = arith.constant 0 : i32
        %dma_wait3A_77 = tpu.memref_slice %arg11[%dma_wait3A_72, %dma_wait3A_75, %dma_wait3A_76] : memref<4x128x128xbf16, #tpu.memory_space<vmem>> -> memref<1x128x128xbf16, #tpu.memory_space<vmem>>
        %dma_wait3A_78 = tpu.memref_squeeze %dma_wait3A_77 : memref<1x128x128xbf16, #tpu.memory_space<vmem>> -> memref<128x128xbf16, #tpu.memory_space<vmem>>
        %dma_wait3A_79 = arith.constant 0 : i32
        %dma_wait3A_80 = tpu.memref_slice %arg10[%dma_wait3A_73, %dma_wait3A_79] : memref<32x128xi32, #tpu.memory_space<vmem>> -> memref<1x128xi32, #tpu.memory_space<vmem>>
        %dma_wait3A_81 = tpu.memref_squeeze %dma_wait3A_80 : memref<1x128xi32, #tpu.memory_space<vmem>> -> memref<128xi32, #tpu.memory_space<vmem>>
        %dma_wait3A_82 = arith.constant 0 : i32
        %dma_wait3A_83 = arith.constant 0 : i32
        %dma_wait3A_84 = tpu.memref_slice %arg14[%dma_wait3A_82, %dma_wait3A_83] : memref<20096x128xbf16, #tpu.memory_space<vmem_shared>> -> memref<20096x128xbf16, #tpu.memory_space<vmem_shared>>
        %dma_wait3A_85 = tpu.memref_slice %arg13[%dma_wait3A_74] : memref<4x!tpu.dma_semaphore, #tpu.memory_space<semaphore_mem>> -> memref<1x!tpu.dma_semaphore, #tpu.memory_space<semaphore_mem>>
        %dma_wait3A_86 = tpu.memref_squeeze %dma_wait3A_85 : memref<1x!tpu.dma_semaphore, #tpu.memory_space<semaphore_mem>> -> memref<!tpu.dma_semaphore, #tpu.memory_space<semaphore_mem>>
        tpu.wait_indirect_dma semaphore(%dma_wait3A_86 : memref<!tpu.dma_semaphore, #tpu.memory_space<semaphore_mem>>) src(%dma_wait3A_78 : memref<128x128xbf16, #tpu.memory_space<vmem>>) dst(%dma_wait3A_84 : memref<20096x128xbf16, #tpu.memory_space<vmem_shared>>)
        %dma_wait3A_87 = arith.constant 2 : i32
        %dma_wait3A_88 = arith.constant 30 : i32
        %dma_wait3A_89 = arith.constant 2 : i32
        %dma_wait3A_90 = arith.constant 0 : i32
        %dma_wait3A_91 = arith.constant 0 : i32
        %dma_wait3A_92 = tpu.memref_slice %arg11[%dma_wait3A_87, %dma_wait3A_90, %dma_wait3A_91] : memref<4x128x128xbf16, #tpu.memory_space<vmem>> -> memref<1x128x128xbf16, #tpu.memory_space<vmem>>
        %dma_wait3A_93 = tpu.memref_squeeze %dma_wait3A_92 : memref<1x128x128xbf16, #tpu.memory_space<vmem>> -> memref<128x128xbf16, #tpu.memory_space<vmem>>
        %dma_wait3A_94 = arith.constant 0 : i32
        %dma_wait3A_95 = tpu.memref_slice %arg10[%dma_wait3A_88, %dma_wait3A_94] : memref<32x128xi32, #tpu.memory_space<vmem>> -> memref<1x128xi32, #tpu.memory_space<vmem>>
        %dma_wait3A_96 = tpu.memref_squeeze %dma_wait3A_95 : memref<1x128xi32, #tpu.memory_space<vmem>> -> memref<128xi32, #tpu.memory_space<vmem>>
        %dma_wait3A_97 = arith.constant 0 : i32
        %dma_wait3A_98 = arith.constant 0 : i32
        %dma_wait3A_99 = tpu.memref_slice %arg14[%dma_wait3A_97, %dma_wait3A_98] : memref<20096x128xbf16, #tpu.memory_space<vmem_shared>> -> memref<20096x128xbf16, #tpu.memory_space<vmem_shared>>
        %dma_wait3A_100 = tpu.memref_slice %arg13[%dma_wait3A_89] : memref<4x!tpu.dma_semaphore, #tpu.memory_space<semaphore_mem>> -> memref<1x!tpu.dma_semaphore, #tpu.memory_space<semaphore_mem>>
        %dma_wait3A_101 = tpu.memref_squeeze %dma_wait3A_100 : memref<1x!tpu.dma_semaphore, #tpu.memory_space<semaphore_mem>> -> memref<!tpu.dma_semaphore, #tpu.memory_space<semaphore_mem>>
        tpu.wait_indirect_dma semaphore(%dma_wait3A_101 : memref<!tpu.dma_semaphore, #tpu.memory_space<semaphore_mem>>) src(%dma_wait3A_93 : memref<128x128xbf16, #tpu.memory_space<vmem>>) dst(%dma_wait3A_99 : memref<20096x128xbf16, #tpu.memory_space<vmem_shared>>)
        %dma_wait3A_102 = arith.constant 3 : i32
        %dma_wait3A_103 = arith.constant 31 : i32
        %dma_wait3A_104 = arith.constant 3 : i32
        %dma_wait3A_105 = arith.constant 0 : i32
        %dma_wait3A_106 = arith.constant 0 : i32
        %dma_wait3A_107 = tpu.memref_slice %arg11[%dma_wait3A_102, %dma_wait3A_105, %dma_wait3A_106] : memref<4x128x128xbf16, #tpu.memory_space<vmem>> -> memref<1x128x128xbf16, #tpu.memory_space<vmem>>
        %dma_wait3A_108 = tpu.memref_squeeze %dma_wait3A_107 : memref<1x128x128xbf16, #tpu.memory_space<vmem>> -> memref<128x128xbf16, #tpu.memory_space<vmem>>
        %dma_wait3A_109 = arith.constant 0 : i32
        %dma_wait3A_110 = tpu.memref_slice %arg10[%dma_wait3A_103, %dma_wait3A_109] : memref<32x128xi32, #tpu.memory_space<vmem>> -> memref<1x128xi32, #tpu.memory_space<vmem>>
        %dma_wait3A_111 = tpu.memref_squeeze %dma_wait3A_110 : memref<1x128xi32, #tpu.memory_space<vmem>> -> memref<128xi32, #tpu.memory_space<vmem>>
        %dma_wait3A_112 = arith.constant 0 : i32
        %dma_wait3A_113 = arith.constant 0 : i32
        %dma_wait3A_114 = tpu.memref_slice %arg14[%dma_wait3A_112, %dma_wait3A_113] : memref<20096x128xbf16, #tpu.memory_space<vmem_shared>> -> memref<20096x128xbf16, #tpu.memory_space<vmem_shared>>
        %dma_wait3A_115 = tpu.memref_slice %arg13[%dma_wait3A_104] : memref<4x!tpu.dma_semaphore, #tpu.memory_space<semaphore_mem>> -> memref<1x!tpu.dma_semaphore, #tpu.memory_space<semaphore_mem>>
        %dma_wait3A_116 = tpu.memref_squeeze %dma_wait3A_115 : memref<1x!tpu.dma_semaphore, #tpu.memory_space<semaphore_mem>> -> memref<!tpu.dma_semaphore, #tpu.memory_space<semaphore_mem>>
        tpu.wait_indirect_dma semaphore(%dma_wait3A_116 : memref<!tpu.dma_semaphore, #tpu.memory_space<semaphore_mem>>) src(%dma_wait3A_108 : memref<128x128xbf16, #tpu.memory_space<vmem>>) dst(%dma_wait3A_114 : memref<20096x128xbf16, #tpu.memory_space<vmem_shared>>)
      }
      %scan3A_14 = arith.constant 5 : i32
      %barrier3A_15 = arith.constant 0 : index
      tpu.barrier barrier_id(%barrier3A_15)
      %mul3A_16 = arith.constant 1256 : i32
      %mul3A_17 = arith.muli %arg1, %mul3A_16 : i32
      %mul3A_18 = arith.constant 1256 : i32
      %mul3A_19 = arith.muli %arg1, %mul3A_18 : i32
      "tpu.region"() ({
        %run_scoped3A = tpu.sem_alloc : memref<!tpu.dma_semaphore, #tpu.memory_space<semaphore_mem>>
        %dma_start3A = arith.constant 0 : i32
        %dma_start3A_20 = tpu.memref_slice %arg8[%mul3A_19, %dma_start3A] : memref<20096x128xbf16, #tpu.memory_space<hbm>> -> memref<1256x128xbf16, #tpu.memory_space<hbm>>
        %dma_start3A_21 = arith.constant 0 : i32
        %dma_start3A_22 = tpu.memref_slice %arg14[%mul3A_17, %dma_start3A_21] : memref<20096x128xbf16, #tpu.memory_space<vmem_shared>> -> memref<1256x128xbf16, #tpu.memory_space<vmem_shared>>
        tpu.enqueue_dma source(%dma_start3A_22 : memref<1256x128xbf16, #tpu.memory_space<vmem_shared>>) target(%dma_start3A_20 : memref<1256x128xbf16, #tpu.memory_space<hbm>>) target_semaphore(%run_scoped3A : memref<!tpu.dma_semaphore, #tpu.memory_space<semaphore_mem>>)
        %dma_wait3A = arith.constant 0 : i32
        %dma_wait3A_23 = tpu.memref_slice %arg8[%mul3A_19, %dma_wait3A] : memref<20096x128xbf16, #tpu.memory_space<hbm>> -> memref<1256x128xbf16, #tpu.memory_space<hbm>>
        %dma_wait3A_24 = arith.constant 0 : i32
        %dma_wait3A_25 = tpu.memref_slice %arg14[%mul3A_17, %dma_wait3A_24] : memref<20096x128xbf16, #tpu.memory_space<vmem_shared>> -> memref<1256x128xbf16, #tpu.memory_space<vmem_shared>>
        tpu.wait_dma2 semaphore(%run_scoped3A : memref<!tpu.dma_semaphore, #tpu.memory_space<semaphore_mem>>) src(%dma_wait3A_25 : memref<1256x128xbf16, #tpu.memory_space<vmem_shared>>) dst(%dma_wait3A_23 : memref<1256x128xbf16, #tpu.memory_space<hbm>>)
        tpu.yield
      }) : () -> ()
    } else {
    }
    return
  }
}

#map = affine_map<(d0, d1) -> (0, 0)>
#map1 = affine_map<(d0, d1) -> (0, 0, 0)>
module attributes {stable_mosaic.version = 14 : i64} {
  func.func @_deg_body(%arg0: i32, %arg1: i32, %arg2: memref<2560x128xi32, #tpu.memory_space<hbm>>, %arg3: memref<128x8xi32, #tpu.memory_space<hbm>>, %arg4: memref<1256x8xi32, #tpu.memory_space<hbm>>, %arg5: memref<2x20096x8xi32, #tpu.memory_space<hbm>>, %arg6: memref<80x128xi32, #tpu.memory_space<vmem>>, %arg7: memref<128x8xi32, #tpu.memory_space<vmem>>, %arg8: memref<20096x8xi32, #tpu.memory_space<vmem_shared>>) attributes {dimension_semantics = [#tpu.dimension_semantics<core_parallel>, #tpu.dimension_semantics<subcore_parallel>], iteration_bounds = array<i64: 2, 16>, scalar_prefetch = 0 : i64, scratch_operands = 3 : i64, tpu.core_type = #tpu.core_type<sc_vector_subcore>, window_params = [{transform_indices = #map}, {transform_indices = #map}, {transform_indices = #map}, {transform_indices = #map1}]} {
    "tpu.region"() ({
      %run_scoped3A = tpu.sem_alloc : memref<!tpu.dma_semaphore, #tpu.memory_space<semaphore_mem>>
      tpu.enqueue_dma source(%arg3 : memref<128x8xi32, #tpu.memory_space<hbm>>) target(%arg7 : memref<128x8xi32, #tpu.memory_space<vmem>>) target_semaphore(%run_scoped3A : memref<!tpu.dma_semaphore, #tpu.memory_space<semaphore_mem>>)
      tpu.wait_dma2 semaphore(%run_scoped3A : memref<!tpu.dma_semaphore, #tpu.memory_space<semaphore_mem>>) src(%arg3 : memref<128x8xi32, #tpu.memory_space<hbm>>) dst(%arg7 : memref<128x8xi32, #tpu.memory_space<vmem>>)
      tpu.yield
    }) : () -> ()
    %mul3A = arith.constant 1256 : i32
    %mul3A_0 = arith.muli %arg1, %mul3A : i32
    "tpu.region"() ({
      %run_scoped3A = tpu.sem_alloc : memref<!tpu.dma_semaphore, #tpu.memory_space<semaphore_mem>>
      %dma_start3A = arith.constant 0 : i32
      %dma_start3A_15 = tpu.memref_slice %arg8[%mul3A_0, %dma_start3A] : memref<20096x8xi32, #tpu.memory_space<vmem_shared>> -> memref<1256x8xi32, #tpu.memory_space<vmem_shared>>
      tpu.enqueue_dma source(%arg4 : memref<1256x8xi32, #tpu.memory_space<hbm>>) target(%dma_start3A_15 : memref<1256x8xi32, #tpu.memory_space<vmem_shared>>) target_semaphore(%run_scoped3A : memref<!tpu.dma_semaphore, #tpu.memory_space<semaphore_mem>>)
      %dma_wait3A = arith.constant 0 : i32
      %dma_wait3A_16 = tpu.memref_slice %arg8[%mul3A_0, %dma_wait3A] : memref<20096x8xi32, #tpu.memory_space<vmem_shared>> -> memref<1256x8xi32, #tpu.memory_space<vmem_shared>>
      tpu.wait_dma2 semaphore(%run_scoped3A : memref<!tpu.dma_semaphore, #tpu.memory_space<semaphore_mem>>) src(%arg4 : memref<1256x8xi32, #tpu.memory_space<hbm>>) dst(%dma_wait3A_16 : memref<1256x8xi32, #tpu.memory_space<vmem_shared>>)
      tpu.yield
    }) : () -> ()
    %mul3A_1 = arith.constant 16 : i32
    %mul3A_2 = arith.muli %arg0, %mul3A_1 : i32
    %add3A = arith.addi %mul3A_2, %arg1 : i32
    %mul3A_3 = arith.constant 80 : i32
    %mul3A_4 = arith.muli %add3A, %mul3A_3 : i32
    "tpu.region"() ({
      %run_scoped3A = tpu.sem_alloc : memref<!tpu.dma_semaphore, #tpu.memory_space<semaphore_mem>>
      %dma_start3A = arith.constant 0 : i32
      %dma_start3A_15 = tpu.memref_slice %arg2[%mul3A_4, %dma_start3A] : memref<2560x128xi32, #tpu.memory_space<hbm>> -> memref<80x128xi32, #tpu.memory_space<hbm>>
      %dma_start3A_16 = arith.constant 0 : i32
      %dma_start3A_17 = tpu.memref_slice %arg2[%mul3A_4, %dma_start3A_16] : memref<2560x128xi32, #tpu.memory_space<hbm>> -> memref<80x128xi32, #tpu.memory_space<hbm>>
      tpu.enqueue_dma source(%dma_start3A_17 : memref<80x128xi32, #tpu.memory_space<hbm>>) target(%arg6 : memref<80x128xi32, #tpu.memory_space<vmem>>) target_semaphore(%run_scoped3A : memref<!tpu.dma_semaphore, #tpu.memory_space<semaphore_mem>>)
      %dma_wait3A = arith.constant 0 : i32
      %dma_wait3A_18 = tpu.memref_slice %arg2[%mul3A_4, %dma_wait3A] : memref<2560x128xi32, #tpu.memory_space<hbm>> -> memref<80x128xi32, #tpu.memory_space<hbm>>
      %dma_wait3A_19 = arith.constant 0 : i32
      %dma_wait3A_20 = tpu.memref_slice %arg2[%mul3A_4, %dma_wait3A_19] : memref<2560x128xi32, #tpu.memory_space<hbm>> -> memref<80x128xi32, #tpu.memory_space<hbm>>
      tpu.wait_dma2 semaphore(%run_scoped3A : memref<!tpu.dma_semaphore, #tpu.memory_space<semaphore_mem>>) src(%dma_wait3A_20 : memref<80x128xi32, #tpu.memory_space<hbm>>) dst(%arg6 : memref<80x128xi32, #tpu.memory_space<vmem>>)
      tpu.yield
    }) : () -> ()
    %barrier3A = arith.constant 0 : index
    tpu.barrier barrier_id(%barrier3A)
    %scan3A = arith.constant 0 : i32
    %scan3A_5 = arith.constant 0 : i32
    %scan3A_6 = arith.constant 80 : i32
    %scan3A_7 = arith.addi %scan3A_5, %scan3A_6 : i32
    %scan3A_8 = arith.constant 1 : i32
    scf.for %scan3A_15 = %scan3A_5 to %scan3A_7 step %scan3A_8  : i32 {
      "tpu.region"() ({
        %run_scoped3A = tpu.sem_alloc : memref<!tpu.dma_semaphore, #tpu.memory_space<semaphore_mem>>
        %dma_start3A = arith.constant 0 : i32
        %dma_start3A_16 = tpu.memref_slice %arg6[%scan3A_15, %dma_start3A] : memref<80x128xi32, #tpu.memory_space<vmem>> -> memref<1x128xi32, #tpu.memory_space<vmem>>
        %dma_start3A_17 = tpu.memref_squeeze %dma_start3A_16 : memref<1x128xi32, #tpu.memory_space<vmem>> -> memref<128xi32, #tpu.memory_space<vmem>>
        %dma_start3A_18 = arith.constant 0 : i32
        %dma_start3A_19 = arith.constant 0 : i32
        %dma_start3A_20 = tpu.memref_slice %arg8[%dma_start3A_18, %dma_start3A_19] : memref<20096x8xi32, #tpu.memory_space<vmem_shared>> -> memref<20096x8xi32, #tpu.memory_space<vmem_shared>>
        tpu.enqueue_indirect_dma source(%arg7 : memref<128x8xi32, #tpu.memory_space<vmem>>) target(%dma_start3A_20 : memref<20096x8xi32, #tpu.memory_space<vmem_shared>>) offsets(%dma_start3A_17 : memref<128xi32, #tpu.memory_space<vmem>>) semaphore(%run_scoped3A : memref<!tpu.dma_semaphore, #tpu.memory_space<semaphore_mem>>) {add = true}
        %dma_wait3A = arith.constant 0 : i32
        %dma_wait3A_21 = tpu.memref_slice %arg6[%scan3A_15, %dma_wait3A] : memref<80x128xi32, #tpu.memory_space<vmem>> -> memref<1x128xi32, #tpu.memory_space<vmem>>
        %dma_wait3A_22 = tpu.memref_squeeze %dma_wait3A_21 : memref<1x128xi32, #tpu.memory_space<vmem>> -> memref<128xi32, #tpu.memory_space<vmem>>
        %dma_wait3A_23 = arith.constant 0 : i32
        %dma_wait3A_24 = arith.constant 0 : i32
        %dma_wait3A_25 = tpu.memref_slice %arg8[%dma_wait3A_23, %dma_wait3A_24] : memref<20096x8xi32, #tpu.memory_space<vmem_shared>> -> memref<20096x8xi32, #tpu.memory_space<vmem_shared>>
        tpu.wait_indirect_dma semaphore(%run_scoped3A : memref<!tpu.dma_semaphore, #tpu.memory_space<semaphore_mem>>) src(%arg7 : memref<128x8xi32, #tpu.memory_space<vmem>>) dst(%dma_wait3A_25 : memref<20096x8xi32, #tpu.memory_space<vmem_shared>>)
        tpu.yield
      }) : () -> ()
    }
    %scan3A_9 = arith.constant 80 : i32
    %barrier3A_10 = arith.constant 0 : index
    tpu.barrier barrier_id(%barrier3A_10)
    %mul3A_11 = arith.constant 1256 : i32
    %mul3A_12 = arith.muli %arg1, %mul3A_11 : i32
    %mul3A_13 = arith.constant 1256 : i32
    %mul3A_14 = arith.muli %arg1, %mul3A_13 : i32
    "tpu.region"() ({
      %run_scoped3A = tpu.sem_alloc : memref<!tpu.dma_semaphore, #tpu.memory_space<semaphore_mem>>
      %dma_start3A = arith.constant 0 : i32
      %dma_start3A_15 = tpu.memref_slice %arg5[%arg0, %mul3A_14, %dma_start3A] : memref<2x20096x8xi32, #tpu.memory_space<hbm>> -> memref<1x1256x8xi32, #tpu.memory_space<hbm>>
      %dma_start3A_16 = tpu.memref_squeeze %dma_start3A_15 : memref<1x1256x8xi32, #tpu.memory_space<hbm>> -> memref<1256x8xi32, #tpu.memory_space<hbm>>
      %dma_start3A_17 = arith.constant 0 : i32
      %dma_start3A_18 = tpu.memref_slice %arg8[%mul3A_12, %dma_start3A_17] : memref<20096x8xi32, #tpu.memory_space<vmem_shared>> -> memref<1256x8xi32, #tpu.memory_space<vmem_shared>>
      tpu.enqueue_dma source(%dma_start3A_18 : memref<1256x8xi32, #tpu.memory_space<vmem_shared>>) target(%dma_start3A_16 : memref<1256x8xi32, #tpu.memory_space<hbm>>) target_semaphore(%run_scoped3A : memref<!tpu.dma_semaphore, #tpu.memory_space<semaphore_mem>>)
      %dma_wait3A = arith.constant 0 : i32
      %dma_wait3A_19 = tpu.memref_slice %arg5[%arg0, %mul3A_14, %dma_wait3A] : memref<2x20096x8xi32, #tpu.memory_space<hbm>> -> memref<1x1256x8xi32, #tpu.memory_space<hbm>>
      %dma_wait3A_20 = tpu.memref_squeeze %dma_wait3A_19 : memref<1x1256x8xi32, #tpu.memory_space<hbm>> -> memref<1256x8xi32, #tpu.memory_space<hbm>>
      %dma_wait3A_21 = arith.constant 0 : i32
      %dma_wait3A_22 = tpu.memref_slice %arg8[%mul3A_12, %dma_wait3A_21] : memref<20096x8xi32, #tpu.memory_space<vmem_shared>> -> memref<1256x8xi32, #tpu.memory_space<vmem_shared>>
      tpu.wait_dma2 semaphore(%run_scoped3A : memref<!tpu.dma_semaphore, #tpu.memory_space<semaphore_mem>>) src(%dma_wait3A_22 : memref<1256x8xi32, #tpu.memory_space<vmem_shared>>) dst(%dma_wait3A_20 : memref<1256x8xi32, #tpu.memory_space<hbm>>)
      tpu.yield
    }) : () -> ()
    return
  }
}

#map = affine_map<(d0, d1) -> (0, 0)>
module attributes {stable_mosaic.version = 14 : i64} {
  func.func @_agg_body(%arg0: i32, %arg1: i32, %arg2: memref<2560x128xi32, #tpu.memory_space<hbm>>, %arg3: memref<2560x128xi32, #tpu.memory_space<hbm>>, %arg4: memref<20000x128xbf16, #tpu.memory_space<hbm>>, %arg5: memref<20000x128xbf16, #tpu.memory_space<hbm>>, %arg6: memref<1256x128xbf16, #tpu.memory_space<hbm>>, %arg7: memref<20096x128xbf16, #tpu.memory_space<hbm>>, %arg8: memref<20096x128xbf16, #tpu.memory_space<hbm>>, %arg9: memref<32x128xi32, #tpu.memory_space<vmem>>, %arg10: memref<32x128xi32, #tpu.memory_space<vmem>>, %arg11: memref<4x128x128xbf16, #tpu.memory_space<vmem>>, %arg12: memref<4x!tpu.dma_semaphore, #tpu.memory_space<semaphore_mem>>, %arg13: memref<4x!tpu.dma_semaphore, #tpu.memory_space<semaphore_mem>>, %arg14: memref<20096x128xbf16, #tpu.memory_space<vmem_shared>>) attributes {dimension_semantics = [#tpu.dimension_semantics<core_parallel>, #tpu.dimension_semantics<subcore_parallel>], iteration_bounds = array<i64: 2, 16>, scalar_prefetch = 0 : i64, scratch_operands = 6 : i64, tpu.core_type = #tpu.core_type<sc_vector_subcore>, window_params = [{transform_indices = #map}, {transform_indices = #map}, {transform_indices = #map}, {transform_indices = #map}, {transform_indices = #map}, {transform_indices = #map}, {transform_indices = #map}]} {
    %mul3A = arith.constant 160 : i32
    %mul3A_0 = arith.muli %arg1, %mul3A : i32
    %eq3A = arith.constant 0 : i32
    %eq3A_1 = arith.cmpi eq, %arg0, %eq3A : i32
    %convert_element_type3A = arith.extui %eq3A_1 : i1 to i32
    %cond3A = arith.constant 0 : i32
    %cond3A_2 = arith.cmpi ne, %convert_element_type3A, %cond3A : i32
    scf.if %cond3A_2 {
      %mul3A_8 = arith.constant 1256 : i32
      %mul3A_9 = arith.muli %arg1, %mul3A_8 : i32
      "tpu.region"() ({
        %run_scoped3A = tpu.sem_alloc : memref<!tpu.dma_semaphore, #tpu.memory_space<semaphore_mem>>
        %dma_start3A = arith.constant 0 : i32
        %dma_start3A_20 = tpu.memref_slice %arg14[%mul3A_9, %dma_start3A] : memref<20096x128xbf16, #tpu.memory_space<vmem_shared>> -> memref<1256x128xbf16, #tpu.memory_space<vmem_shared>>
        tpu.enqueue_dma source(%arg6 : memref<1256x128xbf16, #tpu.memory_space<hbm>>) target(%dma_start3A_20 : memref<1256x128xbf16, #tpu.memory_space<vmem_shared>>) target_semaphore(%run_scoped3A : memref<!tpu.dma_semaphore, #tpu.memory_space<semaphore_mem>>)
        %dma_wait3A = arith.constant 0 : i32
        %dma_wait3A_21 = tpu.memref_slice %arg14[%mul3A_9, %dma_wait3A] : memref<20096x128xbf16, #tpu.memory_space<vmem_shared>> -> memref<1256x128xbf16, #tpu.memory_space<vmem_shared>>
        tpu.wait_dma2 semaphore(%run_scoped3A : memref<!tpu.dma_semaphore, #tpu.memory_space<semaphore_mem>>) src(%arg6 : memref<1256x128xbf16, #tpu.memory_space<hbm>>) dst(%dma_wait3A_21 : memref<1256x128xbf16, #tpu.memory_space<vmem_shared>>)
        tpu.yield
      }) : () -> ()
      %barrier3A = arith.constant 0 : index
      tpu.barrier barrier_id(%barrier3A)
      %scan3A = arith.constant 0 : i32
      %scan3A_10 = arith.constant 0 : i32
      %scan3A_11 = arith.constant 5 : i32
      %scan3A_12 = arith.addi %scan3A_10, %scan3A_11 : i32
      %scan3A_13 = arith.constant 1 : i32
      scf.for %scan3A_20 = %scan3A_10 to %scan3A_12 step %scan3A_13  : i32 {
        %mul3A_21 = arith.constant 32 : i32
        %mul3A_22 = arith.muli %scan3A_20, %mul3A_21 : i32
        %add3A = arith.addi %mul3A_0, %mul3A_22 : i32
        "tpu.region"() ({
          %run_scoped3A = tpu.sem_alloc : memref<!tpu.dma_semaphore, #tpu.memory_space<semaphore_mem>>
          %dma_start3A_117 = arith.constant 0 : i32
          %dma_start3A_118 = tpu.memref_slice %arg2[%add3A, %dma_start3A_117] : memref<2560x128xi32, #tpu.memory_space<hbm>> -> memref<32x128xi32, #tpu.memory_space<hbm>>
          %dma_start3A_119 = arith.constant 0 : i32
          %dma_start3A_120 = tpu.memref_slice %arg2[%add3A, %dma_start3A_119] : memref<2560x128xi32, #tpu.memory_space<hbm>> -> memref<32x128xi32, #tpu.memory_space<hbm>>
          tpu.enqueue_dma source(%dma_start3A_120 : memref<32x128xi32, #tpu.memory_space<hbm>>) target(%arg9 : memref<32x128xi32, #tpu.memory_space<vmem>>) target_semaphore(%run_scoped3A : memref<!tpu.dma_semaphore, #tpu.memory_space<semaphore_mem>>)
          %dma_wait3A_121 = arith.constant 0 : i32
          %dma_wait3A_122 = tpu.memref_slice %arg2[%add3A, %dma_wait3A_121] : memref<2560x128xi32, #tpu.memory_space<hbm>> -> memref<32x128xi32, #tpu.memory_space<hbm>>
          %dma_wait3A_123 = arith.constant 0 : i32
          %dma_wait3A_124 = tpu.memref_slice %arg2[%add3A, %dma_wait3A_123] : memref<2560x128xi32, #tpu.memory_space<hbm>> -> memref<32x128xi32, #tpu.memory_space<hbm>>
          tpu.wait_dma2 semaphore(%run_scoped3A : memref<!tpu.dma_semaphore, #tpu.memory_space<semaphore_mem>>) src(%dma_wait3A_124 : memref<32x128xi32, #tpu.memory_space<hbm>>) dst(%arg9 : memref<32x128xi32, #tpu.memory_space<vmem>>)
          tpu.yield
        }) : () -> ()
        "tpu.region"() ({
          %run_scoped3A = tpu.sem_alloc : memref<!tpu.dma_semaphore, #tpu.memory_space<semaphore_mem>>
          %dma_start3A_117 = arith.constant 0 : i32
          %dma_start3A_118 = tpu.memref_slice %arg3[%add3A, %dma_start3A_117] : memref<2560x128xi32, #tpu.memory_space<hbm>> -> memref<32x128xi32, #tpu.memory_space<hbm>>
          %dma_start3A_119 = arith.constant 0 : i32
          %dma_start3A_120 = tpu.memref_slice %arg3[%add3A, %dma_start3A_119] : memref<2560x128xi32, #tpu.memory_space<hbm>> -> memref<32x128xi32, #tpu.memory_space<hbm>>
          tpu.enqueue_dma source(%dma_start3A_120 : memref<32x128xi32, #tpu.memory_space<hbm>>) target(%arg10 : memref<32x128xi32, #tpu.memory_space<vmem>>) target_semaphore(%run_scoped3A : memref<!tpu.dma_semaphore, #tpu.memory_space<semaphore_mem>>)
          %dma_wait3A_121 = arith.constant 0 : i32
          %dma_wait3A_122 = tpu.memref_slice %arg3[%add3A, %dma_wait3A_121] : memref<2560x128xi32, #tpu.memory_space<hbm>> -> memref<32x128xi32, #tpu.memory_space<hbm>>
          %dma_wait3A_123 = arith.constant 0 : i32
          %dma_wait3A_124 = tpu.memref_slice %arg3[%add3A, %dma_wait3A_123] : memref<2560x128xi32, #tpu.memory_space<hbm>> -> memref<32x128xi32, #tpu.memory_space<hbm>>
          tpu.wait_dma2 semaphore(%run_scoped3A : memref<!tpu.dma_semaphore, #tpu.memory_space<semaphore_mem>>) src(%dma_wait3A_124 : memref<32x128xi32, #tpu.memory_space<hbm>>) dst(%arg10 : memref<32x128xi32, #tpu.memory_space<vmem>>)
          tpu.yield
        }) : () -> ()
        %dma_start3A = arith.constant 0 : i32
        %dma_start3A_23 = arith.constant 0 : i32
        %dma_start3A_24 = arith.constant 0 : i32
        %dma_start3A_25 = arith.constant 0 : i32
        %dma_start3A_26 = arith.constant 0 : i32
        %dma_start3A_27 = tpu.memref_slice %arg11[%dma_start3A_23, %dma_start3A_25, %dma_start3A_26] : memref<4x128x128xbf16, #tpu.memory_space<vmem>> -> memref<1x128x128xbf16, #tpu.memory_space<vmem>>
        %dma_start3A_28 = tpu.memref_squeeze %dma_start3A_27 : memref<1x128x128xbf16, #tpu.memory_space<vmem>> -> memref<128x128xbf16, #tpu.memory_space<vmem>>
        %dma_start3A_29 = arith.constant 0 : i32
        %dma_start3A_30 = tpu.memref_slice %arg9[%dma_start3A, %dma_start3A_29] : memref<32x128xi32, #tpu.memory_space<vmem>> -> memref<1x128xi32, #tpu.memory_space<vmem>>
        %dma_start3A_31 = tpu.memref_squeeze %dma_start3A_30 : memref<1x128xi32, #tpu.memory_space<vmem>> -> memref<128xi32, #tpu.memory_space<vmem>>
        %dma_start3A_32 = arith.constant 0 : i32
        %dma_start3A_33 = arith.constant 0 : i32
        %dma_start3A_34 = tpu.memref_slice %arg4[%dma_start3A_32, %dma_start3A_33] : memref<20000x128xbf16, #tpu.memory_space<hbm>> -> memref<20000x128xbf16, #tpu.memory_space<hbm>>
        %dma_start3A_35 = tpu.memref_slice %arg12[%dma_start3A_24] : memref<4x!tpu.dma_semaphore, #tpu.memory_space<semaphore_mem>> -> memref<1x!tpu.dma_semaphore, #tpu.memory_space<semaphore_mem>>
        %dma_start3A_36 = tpu.memref_squeeze %dma_start3A_35 : memref<1x!tpu.dma_semaphore, #tpu.memory_space<semaphore_mem>> -> memref<!tpu.dma_semaphore, #tpu.memory_space<semaphore_mem>>
        tpu.enqueue_indirect_dma source(%dma_start3A_34 : memref<20000x128xbf16, #tpu.memory_space<hbm>>) target(%dma_start3A_28 : memref<128x128xbf16, #tpu.memory_space<vmem>>) offsets(%dma_start3A_31 : memref<128xi32, #tpu.memory_space<vmem>>) semaphore(%dma_start3A_36 : memref<!tpu.dma_semaphore, #tpu.memory_space<semaphore_mem>>)
        %dma_start3A_37 = arith.constant 1 : i32
        %dma_start3A_38 = arith.constant 1 : i32
        %dma_start3A_39 = arith.constant 1 : i32
        %dma_start3A_40 = arith.constant 0 : i32
        %dma_start3A_41 = arith.constant 0 : i32
        %dma_start3A_42 = tpu.memref_slice %arg11[%dma_start3A_38, %dma_start3A_40, %dma_start3A_41] : memref<4x128x128xbf16, #tpu.memory_space<vmem>> -> memref<1x128x128xbf16, #tpu.memory_space<vmem>>
        %dma_start3A_43 = tpu.memref_squeeze %dma_start3A_42 : memref<1x128x128xbf16, #tpu.memory_space<vmem>> -> memref<128x128xbf16, #tpu.memory_space<vmem>>
        %dma_start3A_44 = arith.constant 0 : i32
        %dma_start3A_45 = tpu.memref_slice %arg9[%dma_start3A_37, %dma_start3A_44] : memref<32x128xi32, #tpu.memory_space<vmem>> -> memref<1x128xi32, #tpu.memory_space<vmem>>
        %dma_start3A_46 = tpu.memref_squeeze %dma_start3A_45 : memref<1x128xi32, #tpu.memory_space<vmem>> -> memref<128xi32, #tpu.memory_space<vmem>>
        %dma_start3A_47 = arith.constant 0 : i32
        %dma_start3A_48 = arith.constant 0 : i32
        %dma_start3A_49 = tpu.memref_slice %arg4[%dma_start3A_47, %dma_start3A_48] : memref<20000x128xbf16, #tpu.memory_space<hbm>> -> memref<20000x128xbf16, #tpu.memory_space<hbm>>
        %dma_start3A_50 = tpu.memref_slice %arg12[%dma_start3A_39] : memref<4x!tpu.dma_semaphore, #tpu.memory_space<semaphore_mem>> -> memref<1x!tpu.dma_semaphore, #tpu.memory_space<semaphore_mem>>
        %dma_start3A_51 = tpu.memref_squeeze %dma_start3A_50 : memref<1x!tpu.dma_semaphore, #tpu.memory_space<semaphore_mem>> -> memref<!tpu.dma_semaphore, #tpu.memory_space<semaphore_mem>>
        tpu.enqueue_indirect_dma source(%dma_start3A_49 : memref<20000x128xbf16, #tpu.memory_space<hbm>>) target(%dma_start3A_43 : memref<128x128xbf16, #tpu.memory_space<vmem>>) offsets(%dma_start3A_46 : memref<128xi32, #tpu.memory_space<vmem>>) semaphore(%dma_start3A_51 : memref<!tpu.dma_semaphore, #tpu.memory_space<semaphore_mem>>)
        %scan3A_52 = arith.constant 0 : i32
        %scan3A_53 = arith.constant 0 : i32
        %scan3A_54 = arith.constant 8 : i32
        %scan3A_55 = arith.addi %scan3A_53, %scan3A_54 : i32
        %scan3A_56 = arith.constant 1 : i32
        scf.for %scan3A_117 = %scan3A_53 to %scan3A_55 step %scan3A_56  : i32 {
          %mul3A_118 = arith.constant 4 : i32
          %mul3A_119 = arith.muli %scan3A_117, %mul3A_118 : i32
          %add3A_120 = arith.constant 0 : i32
          %add3A_121 = arith.addi %mul3A_119, %add3A_120 : i32
          %add3A_122 = arith.constant 2 : i32
          %add3A_123 = arith.addi %add3A_121, %add3A_122 : i32
          %lt3A = arith.constant 32 : i32
          %lt3A_124 = arith.cmpi slt, %add3A_123, %lt3A : i32
          %convert_element_type3A_125 = arith.extui %lt3A_124 : i1 to i32
          %cond3A_126 = arith.constant 0 : i32
          %cond3A_127 = arith.cmpi ne, %convert_element_type3A_125, %cond3A_126 : i32
          scf.if %cond3A_127 {
            %sub3A = arith.constant 4 : i32
            %sub3A_267 = arith.subi %add3A_123, %sub3A : i32
            %ge3A = arith.constant 0 : i32
            %ge3A_268 = arith.cmpi sge, %sub3A_267, %ge3A : i32
            %convert_element_type3A_269 = arith.extui %ge3A_268 : i1 to i32
            %cond3A_270 = arith.constant 0 : i32
            %cond3A_271 = arith.cmpi ne, %convert_element_type3A_269, %cond3A_270 : i32
            scf.if %cond3A_271 {
              %sub3A_286 = arith.constant 4 : i32
              %sub3A_287 = arith.subi %add3A_123, %sub3A_286 : i32
              %dma_wait3A_288 = arith.constant 2 : i32
              %dma_wait3A_289 = arith.constant 2 : i32
              %dma_wait3A_290 = arith.constant 0 : i32
              %dma_wait3A_291 = arith.constant 0 : i32
              %dma_wait3A_292 = tpu.memref_slice %arg11[%dma_wait3A_288, %dma_wait3A_290, %dma_wait3A_291] : memref<4x128x128xbf16, #tpu.memory_space<vmem>> -> memref<1x128x128xbf16, #tpu.memory_space<vmem>>
              %dma_wait3A_293 = tpu.memref_squeeze %dma_wait3A_292 : memref<1x128x128xbf16, #tpu.memory_space<vmem>> -> memref<128x128xbf16, #tpu.memory_space<vmem>>
              %dma_wait3A_294 = arith.constant 0 : i32
              %dma_wait3A_295 = tpu.memref_slice %arg10[%sub3A_287, %dma_wait3A_294] : memref<32x128xi32, #tpu.memory_space<vmem>> -> memref<1x128xi32, #tpu.memory_space<vmem>>
              %dma_wait3A_296 = tpu.memref_squeeze %dma_wait3A_295 : memref<1x128xi32, #tpu.memory_space<vmem>> -> memref<128xi32, #tpu.memory_space<vmem>>
              %dma_wait3A_297 = arith.constant 0 : i32
              %dma_wait3A_298 = arith.constant 0 : i32
              %dma_wait3A_299 = tpu.memref_slice %arg14[%dma_wait3A_297, %dma_wait3A_298] : memref<20096x128xbf16, #tpu.memory_space<vmem_shared>> -> memref<20096x128xbf16, #tpu.memory_space<vmem_shared>>
              %dma_wait3A_300 = tpu.memref_slice %arg13[%dma_wait3A_289] : memref<4x!tpu.dma_semaphore, #tpu.memory_space<semaphore_mem>> -> memref<1x!tpu.dma_semaphore, #tpu.memory_space<semaphore_mem>>
              %dma_wait3A_301 = tpu.memref_squeeze %dma_wait3A_300 : memref<1x!tpu.dma_semaphore, #tpu.memory_space<semaphore_mem>> -> memref<!tpu.dma_semaphore, #tpu.memory_space<semaphore_mem>>
              tpu.wait_indirect_dma semaphore(%dma_wait3A_301 : memref<!tpu.dma_semaphore, #tpu.memory_space<semaphore_mem>>) src(%dma_wait3A_293 : memref<128x128xbf16, #tpu.memory_space<vmem>>) dst(%dma_wait3A_299 : memref<20096x128xbf16, #tpu.memory_space<vmem_shared>>)
            } else {
            }
            %dma_start3A_272 = arith.constant 2 : i32
            %dma_start3A_273 = arith.constant 2 : i32
            %dma_start3A_274 = arith.constant 0 : i32
            %dma_start3A_275 = arith.constant 0 : i32
            %dma_start3A_276 = tpu.memref_slice %arg11[%dma_start3A_272, %dma_start3A_274, %dma_start3A_275] : memref<4x128x128xbf16, #tpu.memory_space<vmem>> -> memref<1x128x128xbf16, #tpu.memory_space<vmem>>
            %dma_start3A_277 = tpu.memref_squeeze %dma_start3A_276 : memref<1x128x128xbf16, #tpu.memory_space<vmem>> -> memref<128x128xbf16, #tpu.memory_space<vmem>>
            %dma_start3A_278 = arith.constant 0 : i32
            %dma_start3A_279 = tpu.memref_slice %arg9[%add3A_123, %dma_start3A_278] : memref<32x128xi32, #tpu.memory_space<vmem>> -> memref<1x128xi32, #tpu.memory_space<vmem>>
            %dma_start3A_280 = tpu.memref_squeeze %dma_start3A_279 : memref<1x128xi32, #tpu.memory_space<vmem>> -> memref<128xi32, #tpu.memory_space<vmem>>
            %dma_start3A_281 = arith.constant 0 : i32
            %dma_start3A_282 = arith.constant 0 : i32
            %dma_start3A_283 = tpu.memref_slice %arg4[%dma_start3A_281, %dma_start3A_282] : memref<20000x128xbf16, #tpu.memory_space<hbm>> -> memref<20000x128xbf16, #tpu.memory_space<hbm>>
            %dma_start3A_284 = tpu.memref_slice %arg12[%dma_start3A_273] : memref<4x!tpu.dma_semaphore, #tpu.memory_space<semaphore_mem>> -> memref<1x!tpu.dma_semaphore, #tpu.memory_space<semaphore_mem>>
            %dma_start3A_285 = tpu.memref_squeeze %dma_start3A_284 : memref<1x!tpu.dma_semaphore, #tpu.memory_space<semaphore_mem>> -> memref<!tpu.dma_semaphore, #tpu.memory_space<semaphore_mem>>
            tpu.enqueue_indirect_dma source(%dma_start3A_283 : memref<20000x128xbf16, #tpu.memory_space<hbm>>) target(%dma_start3A_277 : memref<128x128xbf16, #tpu.memory_space<vmem>>) offsets(%dma_start3A_280 : memref<128xi32, #tpu.memory_space<vmem>>) semaphore(%dma_start3A_285 : memref<!tpu.dma_semaphore, #tpu.memory_space<semaphore_mem>>)
          } else {
          }
          %dma_wait3A_128 = arith.constant 0 : i32
          %dma_wait3A_129 = arith.constant 0 : i32
          %dma_wait3A_130 = arith.constant 0 : i32
          %dma_wait3A_131 = arith.constant 0 : i32
          %dma_wait3A_132 = tpu.memref_slice %arg11[%dma_wait3A_128, %dma_wait3A_130, %dma_wait3A_131] : memref<4x128x128xbf16, #tpu.memory_space<vmem>> -> memref<1x128x128xbf16, #tpu.memory_space<vmem>>
          %dma_wait3A_133 = tpu.memref_squeeze %dma_wait3A_132 : memref<1x128x128xbf16, #tpu.memory_space<vmem>> -> memref<128x128xbf16, #tpu.memory_space<vmem>>
          %dma_wait3A_134 = arith.constant 0 : i32
          %dma_wait3A_135 = tpu.memref_slice %arg9[%add3A_121, %dma_wait3A_134] : memref<32x128xi32, #tpu.memory_space<vmem>> -> memref<1x128xi32, #tpu.memory_space<vmem>>
          %dma_wait3A_136 = tpu.memref_squeeze %dma_wait3A_135 : memref<1x128xi32, #tpu.memory_space<vmem>> -> memref<128xi32, #tpu.memory_space<vmem>>
          %dma_wait3A_137 = arith.constant 0 : i32
          %dma_wait3A_138 = arith.constant 0 : i32
          %dma_wait3A_139 = tpu.memref_slice %arg4[%dma_wait3A_137, %dma_wait3A_138] : memref<20000x128xbf16, #tpu.memory_space<hbm>> -> memref<20000x128xbf16, #tpu.memory_space<hbm>>
          %dma_wait3A_140 = tpu.memref_slice %arg12[%dma_wait3A_129] : memref<4x!tpu.dma_semaphore, #tpu.memory_space<semaphore_mem>> -> memref<1x!tpu.dma_semaphore, #tpu.memory_space<semaphore_mem>>
          %dma_wait3A_141 = tpu.memref_squeeze %dma_wait3A_140 : memref<1x!tpu.dma_semaphore, #tpu.memory_space<semaphore_mem>> -> memref<!tpu.dma_semaphore, #tpu.memory_space<semaphore_mem>>
          tpu.wait_indirect_dma semaphore(%dma_wait3A_141 : memref<!tpu.dma_semaphore, #tpu.memory_space<semaphore_mem>>) src(%dma_wait3A_139 : memref<20000x128xbf16, #tpu.memory_space<hbm>>) dst(%dma_wait3A_133 : memref<128x128xbf16, #tpu.memory_space<vmem>>)
          %dma_start3A_142 = arith.constant 0 : i32
          %dma_start3A_143 = arith.constant 0 : i32
          %dma_start3A_144 = arith.constant 0 : i32
          %dma_start3A_145 = arith.constant 0 : i32
          %dma_start3A_146 = tpu.memref_slice %arg11[%dma_start3A_142, %dma_start3A_144, %dma_start3A_145] : memref<4x128x128xbf16, #tpu.memory_space<vmem>> -> memref<1x128x128xbf16, #tpu.memory_space<vmem>>
          %dma_start3A_147 = tpu.memref_squeeze %dma_start3A_146 : memref<1x128x128xbf16, #tpu.memory_space<vmem>> -> memref<128x128xbf16, #tpu.memory_space<vmem>>
          %dma_start3A_148 = arith.constant 0 : i32
          %dma_start3A_149 = tpu.memref_slice %arg10[%add3A_121, %dma_start3A_148] : memref<32x128xi32, #tpu.memory_space<vmem>> -> memref<1x128xi32, #tpu.memory_space<vmem>>
          %dma_start3A_150 = tpu.memref_squeeze %dma_start3A_149 : memref<1x128xi32, #tpu.memory_space<vmem>> -> memref<128xi32, #tpu.memory_space<vmem>>
          %dma_start3A_151 = arith.constant 0 : i32
          %dma_start3A_152 = arith.constant 0 : i32
          %dma_start3A_153 = tpu.memref_slice %arg14[%dma_start3A_151, %dma_start3A_152] : memref<20096x128xbf16, #tpu.memory_space<vmem_shared>> -> memref<20096x128xbf16, #tpu.memory_space<vmem_shared>>
          %dma_start3A_154 = tpu.memref_slice %arg13[%dma_start3A_143] : memref<4x!tpu.dma_semaphore, #tpu.memory_space<semaphore_mem>> -> memref<1x!tpu.dma_semaphore, #tpu.memory_space<semaphore_mem>>
          %dma_start3A_155 = tpu.memref_squeeze %dma_start3A_154 : memref<1x!tpu.dma_semaphore, #tpu.memory_space<semaphore_mem>> -> memref<!tpu.dma_semaphore, #tpu.memory_space<semaphore_mem>>
          tpu.enqueue_indirect_dma source(%dma_start3A_147 : memref<128x128xbf16, #tpu.memory_space<vmem>>) target(%dma_start3A_153 : memref<20096x128xbf16, #tpu.memory_space<vmem_shared>>) offsets(%dma_start3A_150 : memref<128xi32, #tpu.memory_space<vmem>>) semaphore(%dma_start3A_155 : memref<!tpu.dma_semaphore, #tpu.memory_space<semaphore_mem>>) {add = true}
          %add3A_156 = arith.constant 1 : i32
          %add3A_157 = arith.addi %mul3A_119, %add3A_156 : i32
          %add3A_158 = arith.constant 2 : i32
          %add3A_159 = arith.addi %add3A_157, %add3A_158 : i32
          %lt3A_160 = arith.constant 32 : i32
          %lt3A_161 = arith.cmpi slt, %add3A_159, %lt3A_160 : i32
          %convert_element_type3A_162 = arith.extui %lt3A_161 : i1 to i32
          %cond3A_163 = arith.constant 0 : i32
          %cond3A_164 = arith.cmpi ne, %convert_element_type3A_162, %cond3A_163 : i32
          scf.if %cond3A_164 {
            %sub3A = arith.constant 4 : i32
            %sub3A_267 = arith.subi %add3A_159, %sub3A : i32
            %ge3A = arith.constant 0 : i32
            %ge3A_268 = arith.cmpi sge, %sub3A_267, %ge3A : i32
            %convert_element_type3A_269 = arith.extui %ge3A_268 : i1 to i32
            %cond3A_270 = arith.constant 0 : i32
            %cond3A_271 = arith.cmpi ne, %convert_element_type3A_269, %cond3A_270 : i32
            scf.if %cond3A_271 {
              %sub3A_286 = arith.constant 4 : i32
              %sub3A_287 = arith.subi %add3A_159, %sub3A_286 : i32
              %dma_wait3A_288 = arith.constant 3 : i32
              %dma_wait3A_289 = arith.constant 3 : i32
              %dma_wait3A_290 = arith.constant 0 : i32
              %dma_wait3A_291 = arith.constant 0 : i32
              %dma_wait3A_292 = tpu.memref_slice %arg11[%dma_wait3A_288, %dma_wait3A_290, %dma_wait3A_291] : memref<4x128x128xbf16, #tpu.memory_space<vmem>> -> memref<1x128x128xbf16, #tpu.memory_space<vmem>>
              %dma_wait3A_293 = tpu.memref_squeeze %dma_wait3A_292 : memref<1x128x128xbf16, #tpu.memory_space<vmem>> -> memref<128x128xbf16, #tpu.memory_space<vmem>>
              %dma_wait3A_294 = arith.constant 0 : i32
              %dma_wait3A_295 = tpu.memref_slice %arg10[%sub3A_287, %dma_wait3A_294] : memref<32x128xi32, #tpu.memory_space<vmem>> -> memref<1x128xi32, #tpu.memory_space<vmem>>
              %dma_wait3A_296 = tpu.memref_squeeze %dma_wait3A_295 : memref<1x128xi32, #tpu.memory_space<vmem>> -> memref<128xi32, #tpu.memory_space<vmem>>
              %dma_wait3A_297 = arith.constant 0 : i32
              %dma_wait3A_298 = arith.constant 0 : i32
              %dma_wait3A_299 = tpu.memref_slice %arg14[%dma_wait3A_297, %dma_wait3A_298] : memref<20096x128xbf16, #tpu.memory_space<vmem_shared>> -> memref<20096x128xbf16, #tpu.memory_space<vmem_shared>>
              %dma_wait3A_300 = tpu.memref_slice %arg13[%dma_wait3A_289] : memref<4x!tpu.dma_semaphore, #tpu.memory_space<semaphore_mem>> -> memref<1x!tpu.dma_semaphore, #tpu.memory_space<semaphore_mem>>
              %dma_wait3A_301 = tpu.memref_squeeze %dma_wait3A_300 : memref<1x!tpu.dma_semaphore, #tpu.memory_space<semaphore_mem>> -> memref<!tpu.dma_semaphore, #tpu.memory_space<semaphore_mem>>
              tpu.wait_indirect_dma semaphore(%dma_wait3A_301 : memref<!tpu.dma_semaphore, #tpu.memory_space<semaphore_mem>>) src(%dma_wait3A_293 : memref<128x128xbf16, #tpu.memory_space<vmem>>) dst(%dma_wait3A_299 : memref<20096x128xbf16, #tpu.memory_space<vmem_shared>>)
            } else {
            }
            %dma_start3A_272 = arith.constant 3 : i32
            %dma_start3A_273 = arith.constant 3 : i32
            %dma_start3A_274 = arith.constant 0 : i32
            %dma_start3A_275 = arith.constant 0 : i32
            %dma_start3A_276 = tpu.memref_slice %arg11[%dma_start3A_272, %dma_start3A_274, %dma_start3A_275] : memref<4x128x128xbf16, #tpu.memory_space<vmem>> -> memref<1x128x128xbf16, #tpu.memory_space<vmem>>
            %dma_start3A_277 = tpu.memref_squeeze %dma_start3A_276 : memref<1x128x128xbf16, #tpu.memory_space<vmem>> -> memref<128x128xbf16, #tpu.memory_space<vmem>>
            %dma_start3A_278 = arith.constant 0 : i32
            %dma_start3A_279 = tpu.memref_slice %arg9[%add3A_159, %dma_start3A_278] : memref<32x128xi32, #tpu.memory_space<vmem>> -> memref<1x128xi32, #tpu.memory_space<vmem>>
            %dma_start3A_280 = tpu.memref_squeeze %dma_start3A_279 : memref<1x128xi32, #tpu.memory_space<vmem>> -> memref<128xi32, #tpu.memory_space<vmem>>
            %dma_start3A_281 = arith.constant 0 : i32
            %dma_start3A_282 = arith.constant 0 : i32
            %dma_start3A_283 = tpu.memref_slice %arg4[%dma_start3A_281, %dma_start3A_282] : memref<20000x128xbf16, #tpu.memory_space<hbm>> -> memref<20000x128xbf16, #tpu.memory_space<hbm>>
            %dma_start3A_284 = tpu.memref_slice %arg12[%dma_start3A_273] : memref<4x!tpu.dma_semaphore, #tpu.memory_space<semaphore_mem>> -> memref<1x!tpu.dma_semaphore, #tpu.memory_space<semaphore_mem>>
            %dma_start3A_285 = tpu.memref_squeeze %dma_start3A_284 : memref<1x!tpu.dma_semaphore, #tpu.memory_space<semaphore_mem>> -> memref<!tpu.dma_semaphore, #tpu.memory_space<semaphore_mem>>
            tpu.enqueue_indirect_dma source(%dma_start3A_283 : memref<20000x128xbf16, #tpu.memory_space<hbm>>) target(%dma_start3A_277 : memref<128x128xbf16, #tpu.memory_space<vmem>>) offsets(%dma_start3A_280 : memref<128xi32, #tpu.memory_space<vmem>>) semaphore(%dma_start3A_285 : memref<!tpu.dma_semaphore, #tpu.memory_space<semaphore_mem>>)
          } else {
          }
          %dma_wait3A_165 = arith.constant 1 : i32
          %dma_wait3A_166 = arith.constant 1 : i32
          %dma_wait3A_167 = arith.constant 0 : i32
          %dma_wait3A_168 = arith.constant 0 : i32
          %dma_wait3A_169 = tpu.memref_slice %arg11[%dma_wait3A_165, %dma_wait3A_167, %dma_wait3A_168] : memref<4x128x128xbf16, #tpu.memory_space<vmem>> -> memref<1x128x128xbf16, #tpu.memory_space<vmem>>
          %dma_wait3A_170 = tpu.memref_squeeze %dma_wait3A_169 : memref<1x128x128xbf16, #tpu.memory_space<vmem>> -> memref<128x128xbf16, #tpu.memory_space<vmem>>
          %dma_wait3A_171 = arith.constant 0 : i32
          %dma_wait3A_172 = tpu.memref_slice %arg9[%add3A_157, %dma_wait3A_171] : memref<32x128xi32, #tpu.memory_space<vmem>> -> memref<1x128xi32, #tpu.memory_space<vmem>>
          %dma_wait3A_173 = tpu.memref_squeeze %dma_wait3A_172 : memref<1x128xi32, #tpu.memory_space<vmem>> -> memref<128xi32, #tpu.memory_space<vmem>>
          %dma_wait3A_174 = arith.constant 0 : i32
          %dma_wait3A_175 = arith.constant 0 : i32
          %dma_wait3A_176 = tpu.memref_slice %arg4[%dma_wait3A_174, %dma_wait3A_175] : memref<20000x128xbf16, #tpu.memory_space<hbm>> -> memref<20000x128xbf16, #tpu.memory_space<hbm>>
          %dma_wait3A_177 = tpu.memref_slice %arg12[%dma_wait3A_166] : memref<4x!tpu.dma_semaphore, #tpu.memory_space<semaphore_mem>> -> memref<1x!tpu.dma_semaphore, #tpu.memory_space<semaphore_mem>>
          %dma_wait3A_178 = tpu.memref_squeeze %dma_wait3A_177 : memref<1x!tpu.dma_semaphore, #tpu.memory_space<semaphore_mem>> -> memref<!tpu.dma_semaphore, #tpu.memory_space<semaphore_mem>>
          tpu.wait_indirect_dma semaphore(%dma_wait3A_178 : memref<!tpu.dma_semaphore, #tpu.memory_space<semaphore_mem>>) src(%dma_wait3A_176 : memref<20000x128xbf16, #tpu.memory_space<hbm>>) dst(%dma_wait3A_170 : memref<128x128xbf16, #tpu.memory_space<vmem>>)
          %dma_start3A_179 = arith.constant 1 : i32
          %dma_start3A_180 = arith.constant 1 : i32
          %dma_start3A_181 = arith.constant 0 : i32
          %dma_start3A_182 = arith.constant 0 : i32
          %dma_start3A_183 = tpu.memref_slice %arg11[%dma_start3A_179, %dma_start3A_181, %dma_start3A_182] : memref<4x128x128xbf16, #tpu.memory_space<vmem>> -> memref<1x128x128xbf16, #tpu.memory_space<vmem>>
          %dma_start3A_184 = tpu.memref_squeeze %dma_start3A_183 : memref<1x128x128xbf16, #tpu.memory_space<vmem>> -> memref<128x128xbf16, #tpu.memory_space<vmem>>
          %dma_start3A_185 = arith.constant 0 : i32
          %dma_start3A_186 = tpu.memref_slice %arg10[%add3A_157, %dma_start3A_185] : memref<32x128xi32, #tpu.memory_space<vmem>> -> memref<1x128xi32, #tpu.memory_space<vmem>>
          %dma_start3A_187 = tpu.memref_squeeze %dma_start3A_186 : memref<1x128xi32, #tpu.memory_space<vmem>> -> memref<128xi32, #tpu.memory_space<vmem>>
          %dma_start3A_188 = arith.constant 0 : i32
          %dma_start3A_189 = arith.constant 0 : i32
          %dma_start3A_190 = tpu.memref_slice %arg14[%dma_start3A_188, %dma_start3A_189] : memref<20096x128xbf16, #tpu.memory_space<vmem_shared>> -> memref<20096x128xbf16, #tpu.memory_space<vmem_shared>>
          %dma_start3A_191 = tpu.memref_slice %arg13[%dma_start3A_180] : memref<4x!tpu.dma_semaphore, #tpu.memory_space<semaphore_mem>> -> memref<1x!tpu.dma_semaphore, #tpu.memory_space<semaphore_mem>>
          %dma_start3A_192 = tpu.memref_squeeze %dma_start3A_191 : memref<1x!tpu.dma_semaphore, #tpu.memory_space<semaphore_mem>> -> memref<!tpu.dma_semaphore, #tpu.memory_space<semaphore_mem>>
          tpu.enqueue_indirect_dma source(%dma_start3A_184 : memref<128x128xbf16, #tpu.memory_space<vmem>>) target(%dma_start3A_190 : memref<20096x128xbf16, #tpu.memory_space<vmem_shared>>) offsets(%dma_start3A_187 : memref<128xi32, #tpu.memory_space<vmem>>) semaphore(%dma_start3A_192 : memref<!tpu.dma_semaphore, #tpu.memory_space<semaphore_mem>>) {add = true}
          %add3A_193 = arith.constant 2 : i32
          %add3A_194 = arith.addi %mul3A_119, %add3A_193 : i32
          %add3A_195 = arith.constant 2 : i32
          %add3A_196 = arith.addi %add3A_194, %add3A_195 : i32
          %lt3A_197 = arith.constant 32 : i32
          %lt3A_198 = arith.cmpi slt, %add3A_196, %lt3A_197 : i32
          %convert_element_type3A_199 = arith.extui %lt3A_198 : i1 to i32
          %cond3A_200 = arith.constant 0 : i32
          %cond3A_201 = arith.cmpi ne, %convert_element_type3A_199, %cond3A_200 : i32
          scf.if %cond3A_201 {
            %sub3A = arith.constant 4 : i32
            %sub3A_267 = arith.subi %add3A_196, %sub3A : i32
            %ge3A = arith.constant 0 : i32
            %ge3A_268 = arith.cmpi sge, %sub3A_267, %ge3A : i32
            %convert_element_type3A_269 = arith.extui %ge3A_268 : i1 to i32
            %cond3A_270 = arith.constant 0 : i32
            %cond3A_271 = arith.cmpi ne, %convert_element_type3A_269, %cond3A_270 : i32
            scf.if %cond3A_271 {
              %sub3A_286 = arith.constant 4 : i32
              %sub3A_287 = arith.subi %add3A_196, %sub3A_286 : i32
              %dma_wait3A_288 = arith.constant 0 : i32
              %dma_wait3A_289 = arith.constant 0 : i32
              %dma_wait3A_290 = arith.constant 0 : i32
              %dma_wait3A_291 = arith.constant 0 : i32
              %dma_wait3A_292 = tpu.memref_slice %arg11[%dma_wait3A_288, %dma_wait3A_290, %dma_wait3A_291] : memref<4x128x128xbf16, #tpu.memory_space<vmem>> -> memref<1x128x128xbf16, #tpu.memory_space<vmem>>
              %dma_wait3A_293 = tpu.memref_squeeze %dma_wait3A_292 : memref<1x128x128xbf16, #tpu.memory_space<vmem>> -> memref<128x128xbf16, #tpu.memory_space<vmem>>
              %dma_wait3A_294 = arith.constant 0 : i32
              %dma_wait3A_295 = tpu.memref_slice %arg10[%sub3A_287, %dma_wait3A_294] : memref<32x128xi32, #tpu.memory_space<vmem>> -> memref<1x128xi32, #tpu.memory_space<vmem>>
              %dma_wait3A_296 = tpu.memref_squeeze %dma_wait3A_295 : memref<1x128xi32, #tpu.memory_space<vmem>> -> memref<128xi32, #tpu.memory_space<vmem>>
              %dma_wait3A_297 = arith.constant 0 : i32
              %dma_wait3A_298 = arith.constant 0 : i32
              %dma_wait3A_299 = tpu.memref_slice %arg14[%dma_wait3A_297, %dma_wait3A_298] : memref<20096x128xbf16, #tpu.memory_space<vmem_shared>> -> memref<20096x128xbf16, #tpu.memory_space<vmem_shared>>
              %dma_wait3A_300 = tpu.memref_slice %arg13[%dma_wait3A_289] : memref<4x!tpu.dma_semaphore, #tpu.memory_space<semaphore_mem>> -> memref<1x!tpu.dma_semaphore, #tpu.memory_space<semaphore_mem>>
              %dma_wait3A_301 = tpu.memref_squeeze %dma_wait3A_300 : memref<1x!tpu.dma_semaphore, #tpu.memory_space<semaphore_mem>> -> memref<!tpu.dma_semaphore, #tpu.memory_space<semaphore_mem>>
              tpu.wait_indirect_dma semaphore(%dma_wait3A_301 : memref<!tpu.dma_semaphore, #tpu.memory_space<semaphore_mem>>) src(%dma_wait3A_293 : memref<128x128xbf16, #tpu.memory_space<vmem>>) dst(%dma_wait3A_299 : memref<20096x128xbf16, #tpu.memory_space<vmem_shared>>)
            } else {
            }
            %dma_start3A_272 = arith.constant 0 : i32
            %dma_start3A_273 = arith.constant 0 : i32
            %dma_start3A_274 = arith.constant 0 : i32
            %dma_start3A_275 = arith.constant 0 : i32
            %dma_start3A_276 = tpu.memref_slice %arg11[%dma_start3A_272, %dma_start3A_274, %dma_start3A_275] : memref<4x128x128xbf16, #tpu.memory_space<vmem>> -> memref<1x128x128xbf16, #tpu.memory_space<vmem>>
            %dma_start3A_277 = tpu.memref_squeeze %dma_start3A_276 : memref<1x128x128xbf16, #tpu.memory_space<vmem>> -> memref<128x128xbf16, #tpu.memory_space<vmem>>
            %dma_start3A_278 = arith.constant 0 : i32
            %dma_start3A_279 = tpu.memref_slice %arg9[%add3A_196, %dma_start3A_278] : memref<32x128xi32, #tpu.memory_space<vmem>> -> memref<1x128xi32, #tpu.memory_space<vmem>>
            %dma_start3A_280 = tpu.memref_squeeze %dma_start3A_279 : memref<1x128xi32, #tpu.memory_space<vmem>> -> memref<128xi32, #tpu.memory_space<vmem>>
            %dma_start3A_281 = arith.constant 0 : i32
            %dma_start3A_282 = arith.constant 0 : i32
            %dma_start3A_283 = tpu.memref_slice %arg4[%dma_start3A_281, %dma_start3A_282] : memref<20000x128xbf16, #tpu.memory_space<hbm>> -> memref<20000x128xbf16, #tpu.memory_space<hbm>>
            %dma_start3A_284 = tpu.memref_slice %arg12[%dma_start3A_273] : memref<4x!tpu.dma_semaphore, #tpu.memory_space<semaphore_mem>> -> memref<1x!tpu.dma_semaphore, #tpu.memory_space<semaphore_mem>>
            %dma_start3A_285 = tpu.memref_squeeze %dma_start3A_284 : memref<1x!tpu.dma_semaphore, #tpu.memory_space<semaphore_mem>> -> memref<!tpu.dma_semaphore, #tpu.memory_space<semaphore_mem>>
            tpu.enqueue_indirect_dma source(%dma_start3A_283 : memref<20000x128xbf16, #tpu.memory_space<hbm>>) target(%dma_start3A_277 : memref<128x128xbf16, #tpu.memory_space<vmem>>) offsets(%dma_start3A_280 : memref<128xi32, #tpu.memory_space<vmem>>) semaphore(%dma_start3A_285 : memref<!tpu.dma_semaphore, #tpu.memory_space<semaphore_mem>>)
          } else {
          }
          %dma_wait3A_202 = arith.constant 2 : i32
          %dma_wait3A_203 = arith.constant 2 : i32
          %dma_wait3A_204 = arith.constant 0 : i32
          %dma_wait3A_205 = arith.constant 0 : i32
          %dma_wait3A_206 = tpu.memref_slice %arg11[%dma_wait3A_202, %dma_wait3A_204, %dma_wait3A_205] : memref<4x128x128xbf16, #tpu.memory_space<vmem>> -> memref<1x128x128xbf16, #tpu.memory_space<vmem>>
          %dma_wait3A_207 = tpu.memref_squeeze %dma_wait3A_206 : memref<1x128x128xbf16, #tpu.memory_space<vmem>> -> memref<128x128xbf16, #tpu.memory_space<vmem>>
          %dma_wait3A_208 = arith.constant 0 : i32
          %dma_wait3A_209 = tpu.memref_slice %arg9[%add3A_194, %dma_wait3A_208] : memref<32x128xi32, #tpu.memory_space<vmem>> -> memref<1x128xi32, #tpu.memory_space<vmem>>
          %dma_wait3A_210 = tpu.memref_squeeze %dma_wait3A_209 : memref<1x128xi32, #tpu.memory_space<vmem>> -> memref<128xi32, #tpu.memory_space<vmem>>
          %dma_wait3A_211 = arith.constant 0 : i32
          %dma_wait3A_212 = arith.constant 0 : i32
          %dma_wait3A_213 = tpu.memref_slice %arg4[%dma_wait3A_211, %dma_wait3A_212] : memref<20000x128xbf16, #tpu.memory_space<hbm>> -> memref<20000x128xbf16, #tpu.memory_space<hbm>>
          %dma_wait3A_214 = tpu.memref_slice %arg12[%dma_wait3A_203] : memref<4x!tpu.dma_semaphore, #tpu.memory_space<semaphore_mem>> -> memref<1x!tpu.dma_semaphore, #tpu.memory_space<semaphore_mem>>
          %dma_wait3A_215 = tpu.memref_squeeze %dma_wait3A_214 : memref<1x!tpu.dma_semaphore, #tpu.memory_space<semaphore_mem>> -> memref<!tpu.dma_semaphore, #tpu.memory_space<semaphore_mem>>
          tpu.wait_indirect_dma semaphore(%dma_wait3A_215 : memref<!tpu.dma_semaphore, #tpu.memory_space<semaphore_mem>>) src(%dma_wait3A_213 : memref<20000x128xbf16, #tpu.memory_space<hbm>>) dst(%dma_wait3A_207 : memref<128x128xbf16, #tpu.memory_space<vmem>>)
          %dma_start3A_216 = arith.constant 2 : i32
          %dma_start3A_217 = arith.constant 2 : i32
          %dma_start3A_218 = arith.constant 0 : i32
          %dma_start3A_219 = arith.constant 0 : i32
          %dma_start3A_220 = tpu.memref_slice %arg11[%dma_start3A_216, %dma_start3A_218, %dma_start3A_219] : memref<4x128x128xbf16, #tpu.memory_space<vmem>> -> memref<1x128x128xbf16, #tpu.memory_space<vmem>>
          %dma_start3A_221 = tpu.memref_squeeze %dma_start3A_220 : memref<1x128x128xbf16, #tpu.memory_space<vmem>> -> memref<128x128xbf16, #tpu.memory_space<vmem>>
          %dma_start3A_222 = arith.constant 0 : i32
          %dma_start3A_223 = tpu.memref_slice %arg10[%add3A_194, %dma_start3A_222] : memref<32x128xi32, #tpu.memory_space<vmem>> -> memref<1x128xi32, #tpu.memory_space<vmem>>
          %dma_start3A_224 = tpu.memref_squeeze %dma_start3A_223 : memref<1x128xi32, #tpu.memory_space<vmem>> -> memref<128xi32, #tpu.memory_space<vmem>>
          %dma_start3A_225 = arith.constant 0 : i32
          %dma_start3A_226 = arith.constant 0 : i32
          %dma_start3A_227 = tpu.memref_slice %arg14[%dma_start3A_225, %dma_start3A_226] : memref<20096x128xbf16, #tpu.memory_space<vmem_shared>> -> memref<20096x128xbf16, #tpu.memory_space<vmem_shared>>
          %dma_start3A_228 = tpu.memref_slice %arg13[%dma_start3A_217] : memref<4x!tpu.dma_semaphore, #tpu.memory_space<semaphore_mem>> -> memref<1x!tpu.dma_semaphore, #tpu.memory_space<semaphore_mem>>
          %dma_start3A_229 = tpu.memref_squeeze %dma_start3A_228 : memref<1x!tpu.dma_semaphore, #tpu.memory_space<semaphore_mem>> -> memref<!tpu.dma_semaphore, #tpu.memory_space<semaphore_mem>>
          tpu.enqueue_indirect_dma source(%dma_start3A_221 : memref<128x128xbf16, #tpu.memory_space<vmem>>) target(%dma_start3A_227 : memref<20096x128xbf16, #tpu.memory_space<vmem_shared>>) offsets(%dma_start3A_224 : memref<128xi32, #tpu.memory_space<vmem>>) semaphore(%dma_start3A_229 : memref<!tpu.dma_semaphore, #tpu.memory_space<semaphore_mem>>) {add = true}
          %add3A_230 = arith.constant 3 : i32
          %add3A_231 = arith.addi %mul3A_119, %add3A_230 : i32
          %add3A_232 = arith.constant 2 : i32
          %add3A_233 = arith.addi %add3A_231, %add3A_232 : i32
          %lt3A_234 = arith.constant 32 : i32
          %lt3A_235 = arith.cmpi slt, %add3A_233, %lt3A_234 : i32
          %convert_element_type3A_236 = arith.extui %lt3A_235 : i1 to i32
          %cond3A_237 = arith.constant 0 : i32
          %cond3A_238 = arith.cmpi ne, %convert_element_type3A_236, %cond3A_237 : i32
          scf.if %cond3A_238 {
            %sub3A = arith.constant 4 : i32
            %sub3A_267 = arith.subi %add3A_233, %sub3A : i32
            %ge3A = arith.constant 0 : i32
            %ge3A_268 = arith.cmpi sge, %sub3A_267, %ge3A : i32
            %convert_element_type3A_269 = arith.extui %ge3A_268 : i1 to i32
            %cond3A_270 = arith.constant 0 : i32
            %cond3A_271 = arith.cmpi ne, %convert_element_type3A_269, %cond3A_270 : i32
            scf.if %cond3A_271 {
              %sub3A_286 = arith.constant 4 : i32
              %sub3A_287 = arith.subi %add3A_233, %sub3A_286 : i32
              %dma_wait3A_288 = arith.constant 1 : i32
              %dma_wait3A_289 = arith.constant 1 : i32
              %dma_wait3A_290 = arith.constant 0 : i32
              %dma_wait3A_291 = arith.constant 0 : i32
              %dma_wait3A_292 = tpu.memref_slice %arg11[%dma_wait3A_288, %dma_wait3A_290, %dma_wait3A_291] : memref<4x128x128xbf16, #tpu.memory_space<vmem>> -> memref<1x128x128xbf16, #tpu.memory_space<vmem>>
              %dma_wait3A_293 = tpu.memref_squeeze %dma_wait3A_292 : memref<1x128x128xbf16, #tpu.memory_space<vmem>> -> memref<128x128xbf16, #tpu.memory_space<vmem>>
              %dma_wait3A_294 = arith.constant 0 : i32
              %dma_wait3A_295 = tpu.memref_slice %arg10[%sub3A_287, %dma_wait3A_294] : memref<32x128xi32, #tpu.memory_space<vmem>> -> memref<1x128xi32, #tpu.memory_space<vmem>>
              %dma_wait3A_296 = tpu.memref_squeeze %dma_wait3A_295 : memref<1x128xi32, #tpu.memory_space<vmem>> -> memref<128xi32, #tpu.memory_space<vmem>>
              %dma_wait3A_297 = arith.constant 0 : i32
              %dma_wait3A_298 = arith.constant 0 : i32
              %dma_wait3A_299 = tpu.memref_slice %arg14[%dma_wait3A_297, %dma_wait3A_298] : memref<20096x128xbf16, #tpu.memory_space<vmem_shared>> -> memref<20096x128xbf16, #tpu.memory_space<vmem_shared>>
              %dma_wait3A_300 = tpu.memref_slice %arg13[%dma_wait3A_289] : memref<4x!tpu.dma_semaphore, #tpu.memory_space<semaphore_mem>> -> memref<1x!tpu.dma_semaphore, #tpu.memory_space<semaphore_mem>>
              %dma_wait3A_301 = tpu.memref_squeeze %dma_wait3A_300 : memref<1x!tpu.dma_semaphore, #tpu.memory_space<semaphore_mem>> -> memref<!tpu.dma_semaphore, #tpu.memory_space<semaphore_mem>>
              tpu.wait_indirect_dma semaphore(%dma_wait3A_301 : memref<!tpu.dma_semaphore, #tpu.memory_space<semaphore_mem>>) src(%dma_wait3A_293 : memref<128x128xbf16, #tpu.memory_space<vmem>>) dst(%dma_wait3A_299 : memref<20096x128xbf16, #tpu.memory_space<vmem_shared>>)
            } else {
            }
            %dma_start3A_272 = arith.constant 1 : i32
            %dma_start3A_273 = arith.constant 1 : i32
            %dma_start3A_274 = arith.constant 0 : i32
            %dma_start3A_275 = arith.constant 0 : i32
            %dma_start3A_276 = tpu.memref_slice %arg11[%dma_start3A_272, %dma_start3A_274, %dma_start3A_275] : memref<4x128x128xbf16, #tpu.memory_space<vmem>> -> memref<1x128x128xbf16, #tpu.memory_space<vmem>>
            %dma_start3A_277 = tpu.memref_squeeze %dma_start3A_276 : memref<1x128x128xbf16, #tpu.memory_space<vmem>> -> memref<128x128xbf16, #tpu.memory_space<vmem>>
            %dma_start3A_278 = arith.constant 0 : i32
            %dma_start3A_279 = tpu.memref_slice %arg9[%add3A_233, %dma_start3A_278] : memref<32x128xi32, #tpu.memory_space<vmem>> -> memref<1x128xi32, #tpu.memory_space<vmem>>
            %dma_start3A_280 = tpu.memref_squeeze %dma_start3A_279 : memref<1x128xi32, #tpu.memory_space<vmem>> -> memref<128xi32, #tpu.memory_space<vmem>>
            %dma_start3A_281 = arith.constant 0 : i32
            %dma_start3A_282 = arith.constant 0 : i32
            %dma_start3A_283 = tpu.memref_slice %arg4[%dma_start3A_281, %dma_start3A_282] : memref<20000x128xbf16, #tpu.memory_space<hbm>> -> memref<20000x128xbf16, #tpu.memory_space<hbm>>
            %dma_start3A_284 = tpu.memref_slice %arg12[%dma_start3A_273] : memref<4x!tpu.dma_semaphore, #tpu.memory_space<semaphore_mem>> -> memref<1x!tpu.dma_semaphore, #tpu.memory_space<semaphore_mem>>
            %dma_start3A_285 = tpu.memref_squeeze %dma_start3A_284 : memref<1x!tpu.dma_semaphore, #tpu.memory_space<semaphore_mem>> -> memref<!tpu.dma_semaphore, #tpu.memory_space<semaphore_mem>>
            tpu.enqueue_indirect_dma source(%dma_start3A_283 : memref<20000x128xbf16, #tpu.memory_space<hbm>>) target(%dma_start3A_277 : memref<128x128xbf16, #tpu.memory_space<vmem>>) offsets(%dma_start3A_280 : memref<128xi32, #tpu.memory_space<vmem>>) semaphore(%dma_start3A_285 : memref<!tpu.dma_semaphore, #tpu.memory_space<semaphore_mem>>)
          } else {
          }
          %dma_wait3A_239 = arith.constant 3 : i32
          %dma_wait3A_240 = arith.constant 3 : i32
          %dma_wait3A_241 = arith.constant 0 : i32
          %dma_wait3A_242 = arith.constant 0 : i32
          %dma_wait3A_243 = tpu.memref_slice %arg11[%dma_wait3A_239, %dma_wait3A_241, %dma_wait3A_242] : memref<4x128x128xbf16, #tpu.memory_space<vmem>> -> memref<1x128x128xbf16, #tpu.memory_space<vmem>>
          %dma_wait3A_244 = tpu.memref_squeeze %dma_wait3A_243 : memref<1x128x128xbf16, #tpu.memory_space<vmem>> -> memref<128x128xbf16, #tpu.memory_space<vmem>>
          %dma_wait3A_245 = arith.constant 0 : i32
          %dma_wait3A_246 = tpu.memref_slice %arg9[%add3A_231, %dma_wait3A_245] : memref<32x128xi32, #tpu.memory_space<vmem>> -> memref<1x128xi32, #tpu.memory_space<vmem>>
          %dma_wait3A_247 = tpu.memref_squeeze %dma_wait3A_246 : memref<1x128xi32, #tpu.memory_space<vmem>> -> memref<128xi32, #tpu.memory_space<vmem>>
          %dma_wait3A_248 = arith.constant 0 : i32
          %dma_wait3A_249 = arith.constant 0 : i32
          %dma_wait3A_250 = tpu.memref_slice %arg4[%dma_wait3A_248, %dma_wait3A_249] : memref<20000x128xbf16, #tpu.memory_space<hbm>> -> memref<20000x128xbf16, #tpu.memory_space<hbm>>
          %dma_wait3A_251 = tpu.memref_slice %arg12[%dma_wait3A_240] : memref<4x!tpu.dma_semaphore, #tpu.memory_space<semaphore_mem>> -> memref<1x!tpu.dma_semaphore, #tpu.memory_space<semaphore_mem>>
          %dma_wait3A_252 = tpu.memref_squeeze %dma_wait3A_251 : memref<1x!tpu.dma_semaphore, #tpu.memory_space<semaphore_mem>> -> memref<!tpu.dma_semaphore, #tpu.memory_space<semaphore_mem>>
          tpu.wait_indirect_dma semaphore(%dma_wait3A_252 : memref<!tpu.dma_semaphore, #tpu.memory_space<semaphore_mem>>) src(%dma_wait3A_250 : memref<20000x128xbf16, #tpu.memory_space<hbm>>) dst(%dma_wait3A_244 : memref<128x128xbf16, #tpu.memory_space<vmem>>)
          %dma_start3A_253 = arith.constant 3 : i32
          %dma_start3A_254 = arith.constant 3 : i32
          %dma_start3A_255 = arith.constant 0 : i32
          %dma_start3A_256 = arith.constant 0 : i32
          %dma_start3A_257 = tpu.memref_slice %arg11[%dma_start3A_253, %dma_start3A_255, %dma_start3A_256] : memref<4x128x128xbf16, #tpu.memory_space<vmem>> -> memref<1x128x128xbf16, #tpu.memory_space<vmem>>
          %dma_start3A_258 = tpu.memref_squeeze %dma_start3A_257 : memref<1x128x128xbf16, #tpu.memory_space<vmem>> -> memref<128x128xbf16, #tpu.memory_space<vmem>>
          %dma_start3A_259 = arith.constant 0 : i32
          %dma_start3A_260 = tpu.memref_slice %arg10[%add3A_231, %dma_start3A_259] : memref<32x128xi32, #tpu.memory_space<vmem>> -> memref<1x128xi32, #tpu.memory_space<vmem>>
          %dma_start3A_261 = tpu.memref_squeeze %dma_start3A_260 : memref<1x128xi32, #tpu.memory_space<vmem>> -> memref<128xi32, #tpu.memory_space<vmem>>
          %dma_start3A_262 = arith.constant 0 : i32
          %dma_start3A_263 = arith.constant 0 : i32
          %dma_start3A_264 = tpu.memref_slice %arg14[%dma_start3A_262, %dma_start3A_263] : memref<20096x128xbf16, #tpu.memory_space<vmem_shared>> -> memref<20096x128xbf16, #tpu.memory_space<vmem_shared>>
          %dma_start3A_265 = tpu.memref_slice %arg13[%dma_start3A_254] : memref<4x!tpu.dma_semaphore, #tpu.memory_space<semaphore_mem>> -> memref<1x!tpu.dma_semaphore, #tpu.memory_space<semaphore_mem>>
          %dma_start3A_266 = tpu.memref_squeeze %dma_start3A_265 : memref<1x!tpu.dma_semaphore, #tpu.memory_space<semaphore_mem>> -> memref<!tpu.dma_semaphore, #tpu.memory_space<semaphore_mem>>
          tpu.enqueue_indirect_dma source(%dma_start3A_258 : memref<128x128xbf16, #tpu.memory_space<vmem>>) target(%dma_start3A_264 : memref<20096x128xbf16, #tpu.memory_space<vmem_shared>>) offsets(%dma_start3A_261 : memref<128xi32, #tpu.memory_space<vmem>>) semaphore(%dma_start3A_266 : memref<!tpu.dma_semaphore, #tpu.memory_space<semaphore_mem>>) {add = true}
        }
        %scan3A_57 = arith.constant 8 : i32
        %dma_wait3A = arith.constant 0 : i32
        %dma_wait3A_58 = arith.constant 28 : i32
        %dma_wait3A_59 = arith.constant 0 : i32
        %dma_wait3A_60 = arith.constant 0 : i32
        %dma_wait3A_61 = arith.constant 0 : i32
        %dma_wait3A_62 = tpu.memref_slice %arg11[%dma_wait3A, %dma_wait3A_60, %dma_wait3A_61] : memref<4x128x128xbf16, #tpu.memory_space<vmem>> -> memref<1x128x128xbf16, #tpu.memory_space<vmem>>
        %dma_wait3A_63 = tpu.memref_squeeze %dma_wait3A_62 : memref<1x128x128xbf16, #tpu.memory_space<vmem>> -> memref<128x128xbf16, #tpu.memory_space<vmem>>
        %dma_wait3A_64 = arith.constant 0 : i32
        %dma_wait3A_65 = tpu.memref_slice %arg10[%dma_wait3A_58, %dma_wait3A_64] : memref<32x128xi32, #tpu.memory_space<vmem>> -> memref<1x128xi32, #tpu.memory_space<vmem>>
        %dma_wait3A_66 = tpu.memref_squeeze %dma_wait3A_65 : memref<1x128xi32, #tpu.memory_space<vmem>> -> memref<128xi32, #tpu.memory_space<vmem>>
        %dma_wait3A_67 = arith.constant 0 : i32
        %dma_wait3A_68 = arith.constant 0 : i32
        %dma_wait3A_69 = tpu.memref_slice %arg14[%dma_wait3A_67, %dma_wait3A_68] : memref<20096x128xbf16, #tpu.memory_space<vmem_shared>> -> memref<20096x128xbf16, #tpu.memory_space<vmem_shared>>
        %dma_wait3A_70 = tpu.memref_slice %arg13[%dma_wait3A_59] : memref<4x!tpu.dma_semaphore, #tpu.memory_space<semaphore_mem>> -> memref<1x!tpu.dma_semaphore, #tpu.memory_space<semaphore_mem>>
        %dma_wait3A_71 = tpu.memref_squeeze %dma_wait3A_70 : memref<1x!tpu.dma_semaphore, #tpu.memory_space<semaphore_mem>> -> memref<!tpu.dma_semaphore, #tpu.memory_space<semaphore_mem>>
        tpu.wait_indirect_dma semaphore(%dma_wait3A_71 : memref<!tpu.dma_semaphore, #tpu.memory_space<semaphore_mem>>) src(%dma_wait3A_63 : memref<128x128xbf16, #tpu.memory_space<vmem>>) dst(%dma_wait3A_69 : memref<20096x128xbf16, #tpu.memory_space<vmem_shared>>)
        %dma_wait3A_72 = arith.constant 1 : i32
        %dma_wait3A_73 = arith.constant 29 : i32
        %dma_wait3A_74 = arith.constant 1 : i32
        %dma_wait3A_75 = arith.constant 0 : i32
        %dma_wait3A_76 = arith.constant 0 : i32
        %dma_wait3A_77 = tpu.memref_slice %arg11[%dma_wait3A_72, %dma_wait3A_75, %dma_wait3A_76] : memref<4x128x128xbf16, #tpu.memory_space<vmem>> -> memref<1x128x128xbf16, #tpu.memory_space<vmem>>
        %dma_wait3A_78 = tpu.memref_squeeze %dma_wait3A_77 : memref<1x128x128xbf16, #tpu.memory_space<vmem>> -> memref<128x128xbf16, #tpu.memory_space<vmem>>
        %dma_wait3A_79 = arith.constant 0 : i32
        %dma_wait3A_80 = tpu.memref_slice %arg10[%dma_wait3A_73, %dma_wait3A_79] : memref<32x128xi32, #tpu.memory_space<vmem>> -> memref<1x128xi32, #tpu.memory_space<vmem>>
        %dma_wait3A_81 = tpu.memref_squeeze %dma_wait3A_80 : memref<1x128xi32, #tpu.memory_space<vmem>> -> memref<128xi32, #tpu.memory_space<vmem>>
        %dma_wait3A_82 = arith.constant 0 : i32
        %dma_wait3A_83 = arith.constant 0 : i32
        %dma_wait3A_84 = tpu.memref_slice %arg14[%dma_wait3A_82, %dma_wait3A_83] : memref<20096x128xbf16, #tpu.memory_space<vmem_shared>> -> memref<20096x128xbf16, #tpu.memory_space<vmem_shared>>
        %dma_wait3A_85 = tpu.memref_slice %arg13[%dma_wait3A_74] : memref<4x!tpu.dma_semaphore, #tpu.memory_space<semaphore_mem>> -> memref<1x!tpu.dma_semaphore, #tpu.memory_space<semaphore_mem>>
        %dma_wait3A_86 = tpu.memref_squeeze %dma_wait3A_85 : memref<1x!tpu.dma_semaphore, #tpu.memory_space<semaphore_mem>> -> memref<!tpu.dma_semaphore, #tpu.memory_space<semaphore_mem>>
        tpu.wait_indirect_dma semaphore(%dma_wait3A_86 : memref<!tpu.dma_semaphore, #tpu.memory_space<semaphore_mem>>) src(%dma_wait3A_78 : memref<128x128xbf16, #tpu.memory_space<vmem>>) dst(%dma_wait3A_84 : memref<20096x128xbf16, #tpu.memory_space<vmem_shared>>)
        %dma_wait3A_87 = arith.constant 2 : i32
        %dma_wait3A_88 = arith.constant 30 : i32
        %dma_wait3A_89 = arith.constant 2 : i32
        %dma_wait3A_90 = arith.constant 0 : i32
        %dma_wait3A_91 = arith.constant 0 : i32
        %dma_wait3A_92 = tpu.memref_slice %arg11[%dma_wait3A_87, %dma_wait3A_90, %dma_wait3A_91] : memref<4x128x128xbf16, #tpu.memory_space<vmem>> -> memref<1x128x128xbf16, #tpu.memory_space<vmem>>
        %dma_wait3A_93 = tpu.memref_squeeze %dma_wait3A_92 : memref<1x128x128xbf16, #tpu.memory_space<vmem>> -> memref<128x128xbf16, #tpu.memory_space<vmem>>
        %dma_wait3A_94 = arith.constant 0 : i32
        %dma_wait3A_95 = tpu.memref_slice %arg10[%dma_wait3A_88, %dma_wait3A_94] : memref<32x128xi32, #tpu.memory_space<vmem>> -> memref<1x128xi32, #tpu.memory_space<vmem>>
        %dma_wait3A_96 = tpu.memref_squeeze %dma_wait3A_95 : memref<1x128xi32, #tpu.memory_space<vmem>> -> memref<128xi32, #tpu.memory_space<vmem>>
        %dma_wait3A_97 = arith.constant 0 : i32
        %dma_wait3A_98 = arith.constant 0 : i32
        %dma_wait3A_99 = tpu.memref_slice %arg14[%dma_wait3A_97, %dma_wait3A_98] : memref<20096x128xbf16, #tpu.memory_space<vmem_shared>> -> memref<20096x128xbf16, #tpu.memory_space<vmem_shared>>
        %dma_wait3A_100 = tpu.memref_slice %arg13[%dma_wait3A_89] : memref<4x!tpu.dma_semaphore, #tpu.memory_space<semaphore_mem>> -> memref<1x!tpu.dma_semaphore, #tpu.memory_space<semaphore_mem>>
        %dma_wait3A_101 = tpu.memref_squeeze %dma_wait3A_100 : memref<1x!tpu.dma_semaphore, #tpu.memory_space<semaphore_mem>> -> memref<!tpu.dma_semaphore, #tpu.memory_space<semaphore_mem>>
        tpu.wait_indirect_dma semaphore(%dma_wait3A_101 : memref<!tpu.dma_semaphore, #tpu.memory_space<semaphore_mem>>) src(%dma_wait3A_93 : memref<128x128xbf16, #tpu.memory_space<vmem>>) dst(%dma_wait3A_99 : memref<20096x128xbf16, #tpu.memory_space<vmem_shared>>)
        %dma_wait3A_102 = arith.constant 3 : i32
        %dma_wait3A_103 = arith.constant 31 : i32
        %dma_wait3A_104 = arith.constant 3 : i32
        %dma_wait3A_105 = arith.constant 0 : i32
        %dma_wait3A_106 = arith.constant 0 : i32
        %dma_wait3A_107 = tpu.memref_slice %arg11[%dma_wait3A_102, %dma_wait3A_105, %dma_wait3A_106] : memref<4x128x128xbf16, #tpu.memory_space<vmem>> -> memref<1x128x128xbf16, #tpu.memory_space<vmem>>
        %dma_wait3A_108 = tpu.memref_squeeze %dma_wait3A_107 : memref<1x128x128xbf16, #tpu.memory_space<vmem>> -> memref<128x128xbf16, #tpu.memory_space<vmem>>
        %dma_wait3A_109 = arith.constant 0 : i32
        %dma_wait3A_110 = tpu.memref_slice %arg10[%dma_wait3A_103, %dma_wait3A_109] : memref<32x128xi32, #tpu.memory_space<vmem>> -> memref<1x128xi32, #tpu.memory_space<vmem>>
        %dma_wait3A_111 = tpu.memref_squeeze %dma_wait3A_110 : memref<1x128xi32, #tpu.memory_space<vmem>> -> memref<128xi32, #tpu.memory_space<vmem>>
        %dma_wait3A_112 = arith.constant 0 : i32
        %dma_wait3A_113 = arith.constant 0 : i32
        %dma_wait3A_114 = tpu.memref_slice %arg14[%dma_wait3A_112, %dma_wait3A_113] : memref<20096x128xbf16, #tpu.memory_space<vmem_shared>> -> memref<20096x128xbf16, #tpu.memory_space<vmem_shared>>
        %dma_wait3A_115 = tpu.memref_slice %arg13[%dma_wait3A_104] : memref<4x!tpu.dma_semaphore, #tpu.memory_space<semaphore_mem>> -> memref<1x!tpu.dma_semaphore, #tpu.memory_space<semaphore_mem>>
        %dma_wait3A_116 = tpu.memref_squeeze %dma_wait3A_115 : memref<1x!tpu.dma_semaphore, #tpu.memory_space<semaphore_mem>> -> memref<!tpu.dma_semaphore, #tpu.memory_space<semaphore_mem>>
        tpu.wait_indirect_dma semaphore(%dma_wait3A_116 : memref<!tpu.dma_semaphore, #tpu.memory_space<semaphore_mem>>) src(%dma_wait3A_108 : memref<128x128xbf16, #tpu.memory_space<vmem>>) dst(%dma_wait3A_114 : memref<20096x128xbf16, #tpu.memory_space<vmem_shared>>)
      }
      %scan3A_14 = arith.constant 5 : i32
      %barrier3A_15 = arith.constant 0 : index
      tpu.barrier barrier_id(%barrier3A_15)
      %mul3A_16 = arith.constant 1256 : i32
      %mul3A_17 = arith.muli %arg1, %mul3A_16 : i32
      %mul3A_18 = arith.constant 1256 : i32
      %mul3A_19 = arith.muli %arg1, %mul3A_18 : i32
      "tpu.region"() ({
        %run_scoped3A = tpu.sem_alloc : memref<!tpu.dma_semaphore, #tpu.memory_space<semaphore_mem>>
        %dma_start3A = arith.constant 0 : i32
        %dma_start3A_20 = tpu.memref_slice %arg7[%mul3A_19, %dma_start3A] : memref<20096x128xbf16, #tpu.memory_space<hbm>> -> memref<1256x128xbf16, #tpu.memory_space<hbm>>
        %dma_start3A_21 = arith.constant 0 : i32
        %dma_start3A_22 = tpu.memref_slice %arg14[%mul3A_17, %dma_start3A_21] : memref<20096x128xbf16, #tpu.memory_space<vmem_shared>> -> memref<1256x128xbf16, #tpu.memory_space<vmem_shared>>
        tpu.enqueue_dma source(%dma_start3A_22 : memref<1256x128xbf16, #tpu.memory_space<vmem_shared>>) target(%dma_start3A_20 : memref<1256x128xbf16, #tpu.memory_space<hbm>>) target_semaphore(%run_scoped3A : memref<!tpu.dma_semaphore, #tpu.memory_space<semaphore_mem>>)
        %dma_wait3A = arith.constant 0 : i32
        %dma_wait3A_23 = tpu.memref_slice %arg7[%mul3A_19, %dma_wait3A] : memref<20096x128xbf16, #tpu.memory_space<hbm>> -> memref<1256x128xbf16, #tpu.memory_space<hbm>>
        %dma_wait3A_24 = arith.constant 0 : i32
        %dma_wait3A_25 = tpu.memref_slice %arg14[%mul3A_17, %dma_wait3A_24] : memref<20096x128xbf16, #tpu.memory_space<vmem_shared>> -> memref<1256x128xbf16, #tpu.memory_space<vmem_shared>>
        tpu.wait_dma2 semaphore(%run_scoped3A : memref<!tpu.dma_semaphore, #tpu.memory_space<semaphore_mem>>) src(%dma_wait3A_25 : memref<1256x128xbf16, #tpu.memory_space<vmem_shared>>) dst(%dma_wait3A_23 : memref<1256x128xbf16, #tpu.memory_space<hbm>>)
        tpu.yield
      }) : () -> ()
    } else {
    }
    %eq3A_3 = arith.constant 1 : i32
    %eq3A_4 = arith.cmpi eq, %arg0, %eq3A_3 : i32
    %convert_element_type3A_5 = arith.extui %eq3A_4 : i1 to i32
    %cond3A_6 = arith.constant 0 : i32
    %cond3A_7 = arith.cmpi ne, %convert_element_type3A_5, %cond3A_6 : i32
    scf.if %cond3A_7 {
      %mul3A_8 = arith.constant 1256 : i32
      %mul3A_9 = arith.muli %arg1, %mul3A_8 : i32
      "tpu.region"() ({
        %run_scoped3A = tpu.sem_alloc : memref<!tpu.dma_semaphore, #tpu.memory_space<semaphore_mem>>
        %dma_start3A = arith.constant 0 : i32
        %dma_start3A_20 = tpu.memref_slice %arg14[%mul3A_9, %dma_start3A] : memref<20096x128xbf16, #tpu.memory_space<vmem_shared>> -> memref<1256x128xbf16, #tpu.memory_space<vmem_shared>>
        tpu.enqueue_dma source(%arg6 : memref<1256x128xbf16, #tpu.memory_space<hbm>>) target(%dma_start3A_20 : memref<1256x128xbf16, #tpu.memory_space<vmem_shared>>) target_semaphore(%run_scoped3A : memref<!tpu.dma_semaphore, #tpu.memory_space<semaphore_mem>>)
        %dma_wait3A = arith.constant 0 : i32
        %dma_wait3A_21 = tpu.memref_slice %arg14[%mul3A_9, %dma_wait3A] : memref<20096x128xbf16, #tpu.memory_space<vmem_shared>> -> memref<1256x128xbf16, #tpu.memory_space<vmem_shared>>
        tpu.wait_dma2 semaphore(%run_scoped3A : memref<!tpu.dma_semaphore, #tpu.memory_space<semaphore_mem>>) src(%arg6 : memref<1256x128xbf16, #tpu.memory_space<hbm>>) dst(%dma_wait3A_21 : memref<1256x128xbf16, #tpu.memory_space<vmem_shared>>)
        tpu.yield
      }) : () -> ()
      %barrier3A = arith.constant 0 : index
      tpu.barrier barrier_id(%barrier3A)
      %scan3A = arith.constant 0 : i32
      %scan3A_10 = arith.constant 0 : i32
      %scan3A_11 = arith.constant 5 : i32
      %scan3A_12 = arith.addi %scan3A_10, %scan3A_11 : i32
      %scan3A_13 = arith.constant 1 : i32
      scf.for %scan3A_20 = %scan3A_10 to %scan3A_12 step %scan3A_13  : i32 {
        %mul3A_21 = arith.constant 32 : i32
        %mul3A_22 = arith.muli %scan3A_20, %mul3A_21 : i32
        %add3A = arith.addi %mul3A_0, %mul3A_22 : i32
        "tpu.region"() ({
          %run_scoped3A = tpu.sem_alloc : memref<!tpu.dma_semaphore, #tpu.memory_space<semaphore_mem>>
          %dma_start3A_117 = arith.constant 0 : i32
          %dma_start3A_118 = tpu.memref_slice %arg2[%add3A, %dma_start3A_117] : memref<2560x128xi32, #tpu.memory_space<hbm>> -> memref<32x128xi32, #tpu.memory_space<hbm>>
          %dma_start3A_119 = arith.constant 0 : i32
          %dma_start3A_120 = tpu.memref_slice %arg2[%add3A, %dma_start3A_119] : memref<2560x128xi32, #tpu.memory_space<hbm>> -> memref<32x128xi32, #tpu.memory_space<hbm>>
          tpu.enqueue_dma source(%dma_start3A_120 : memref<32x128xi32, #tpu.memory_space<hbm>>) target(%arg9 : memref<32x128xi32, #tpu.memory_space<vmem>>) target_semaphore(%run_scoped3A : memref<!tpu.dma_semaphore, #tpu.memory_space<semaphore_mem>>)
          %dma_wait3A_121 = arith.constant 0 : i32
          %dma_wait3A_122 = tpu.memref_slice %arg2[%add3A, %dma_wait3A_121] : memref<2560x128xi32, #tpu.memory_space<hbm>> -> memref<32x128xi32, #tpu.memory_space<hbm>>
          %dma_wait3A_123 = arith.constant 0 : i32
          %dma_wait3A_124 = tpu.memref_slice %arg2[%add3A, %dma_wait3A_123] : memref<2560x128xi32, #tpu.memory_space<hbm>> -> memref<32x128xi32, #tpu.memory_space<hbm>>
          tpu.wait_dma2 semaphore(%run_scoped3A : memref<!tpu.dma_semaphore, #tpu.memory_space<semaphore_mem>>) src(%dma_wait3A_124 : memref<32x128xi32, #tpu.memory_space<hbm>>) dst(%arg9 : memref<32x128xi32, #tpu.memory_space<vmem>>)
          tpu.yield
        }) : () -> ()
        "tpu.region"() ({
          %run_scoped3A = tpu.sem_alloc : memref<!tpu.dma_semaphore, #tpu.memory_space<semaphore_mem>>
          %dma_start3A_117 = arith.constant 0 : i32
          %dma_start3A_118 = tpu.memref_slice %arg3[%add3A, %dma_start3A_117] : memref<2560x128xi32, #tpu.memory_space<hbm>> -> memref<32x128xi32, #tpu.memory_space<hbm>>
          %dma_start3A_119 = arith.constant 0 : i32
          %dma_start3A_120 = tpu.memref_slice %arg3[%add3A, %dma_start3A_119] : memref<2560x128xi32, #tpu.memory_space<hbm>> -> memref<32x128xi32, #tpu.memory_space<hbm>>
          tpu.enqueue_dma source(%dma_start3A_120 : memref<32x128xi32, #tpu.memory_space<hbm>>) target(%arg10 : memref<32x128xi32, #tpu.memory_space<vmem>>) target_semaphore(%run_scoped3A : memref<!tpu.dma_semaphore, #tpu.memory_space<semaphore_mem>>)
          %dma_wait3A_121 = arith.constant 0 : i32
          %dma_wait3A_122 = tpu.memref_slice %arg3[%add3A, %dma_wait3A_121] : memref<2560x128xi32, #tpu.memory_space<hbm>> -> memref<32x128xi32, #tpu.memory_space<hbm>>
          %dma_wait3A_123 = arith.constant 0 : i32
          %dma_wait3A_124 = tpu.memref_slice %arg3[%add3A, %dma_wait3A_123] : memref<2560x128xi32, #tpu.memory_space<hbm>> -> memref<32x128xi32, #tpu.memory_space<hbm>>
          tpu.wait_dma2 semaphore(%run_scoped3A : memref<!tpu.dma_semaphore, #tpu.memory_space<semaphore_mem>>) src(%dma_wait3A_124 : memref<32x128xi32, #tpu.memory_space<hbm>>) dst(%arg10 : memref<32x128xi32, #tpu.memory_space<vmem>>)
          tpu.yield
        }) : () -> ()
        %dma_start3A = arith.constant 0 : i32
        %dma_start3A_23 = arith.constant 0 : i32
        %dma_start3A_24 = arith.constant 0 : i32
        %dma_start3A_25 = arith.constant 0 : i32
        %dma_start3A_26 = arith.constant 0 : i32
        %dma_start3A_27 = tpu.memref_slice %arg11[%dma_start3A_23, %dma_start3A_25, %dma_start3A_26] : memref<4x128x128xbf16, #tpu.memory_space<vmem>> -> memref<1x128x128xbf16, #tpu.memory_space<vmem>>
        %dma_start3A_28 = tpu.memref_squeeze %dma_start3A_27 : memref<1x128x128xbf16, #tpu.memory_space<vmem>> -> memref<128x128xbf16, #tpu.memory_space<vmem>>
        %dma_start3A_29 = arith.constant 0 : i32
        %dma_start3A_30 = tpu.memref_slice %arg9[%dma_start3A, %dma_start3A_29] : memref<32x128xi32, #tpu.memory_space<vmem>> -> memref<1x128xi32, #tpu.memory_space<vmem>>
        %dma_start3A_31 = tpu.memref_squeeze %dma_start3A_30 : memref<1x128xi32, #tpu.memory_space<vmem>> -> memref<128xi32, #tpu.memory_space<vmem>>
        %dma_start3A_32 = arith.constant 0 : i32
        %dma_start3A_33 = arith.constant 0 : i32
        %dma_start3A_34 = tpu.memref_slice %arg5[%dma_start3A_32, %dma_start3A_33] : memref<20000x128xbf16, #tpu.memory_space<hbm>> -> memref<20000x128xbf16, #tpu.memory_space<hbm>>
        %dma_start3A_35 = tpu.memref_slice %arg12[%dma_start3A_24] : memref<4x!tpu.dma_semaphore, #tpu.memory_space<semaphore_mem>> -> memref<1x!tpu.dma_semaphore, #tpu.memory_space<semaphore_mem>>
        %dma_start3A_36 = tpu.memref_squeeze %dma_start3A_35 : memref<1x!tpu.dma_semaphore, #tpu.memory_space<semaphore_mem>> -> memref<!tpu.dma_semaphore, #tpu.memory_space<semaphore_mem>>
        tpu.enqueue_indirect_dma source(%dma_start3A_34 : memref<20000x128xbf16, #tpu.memory_space<hbm>>) target(%dma_start3A_28 : memref<128x128xbf16, #tpu.memory_space<vmem>>) offsets(%dma_start3A_31 : memref<128xi32, #tpu.memory_space<vmem>>) semaphore(%dma_start3A_36 : memref<!tpu.dma_semaphore, #tpu.memory_space<semaphore_mem>>)
        %dma_start3A_37 = arith.constant 1 : i32
        %dma_start3A_38 = arith.constant 1 : i32
        %dma_start3A_39 = arith.constant 1 : i32
        %dma_start3A_40 = arith.constant 0 : i32
        %dma_start3A_41 = arith.constant 0 : i32
        %dma_start3A_42 = tpu.memref_slice %arg11[%dma_start3A_38, %dma_start3A_40, %dma_start3A_41] : memref<4x128x128xbf16, #tpu.memory_space<vmem>> -> memref<1x128x128xbf16, #tpu.memory_space<vmem>>
        %dma_start3A_43 = tpu.memref_squeeze %dma_start3A_42 : memref<1x128x128xbf16, #tpu.memory_space<vmem>> -> memref<128x128xbf16, #tpu.memory_space<vmem>>
        %dma_start3A_44 = arith.constant 0 : i32
        %dma_start3A_45 = tpu.memref_slice %arg9[%dma_start3A_37, %dma_start3A_44] : memref<32x128xi32, #tpu.memory_space<vmem>> -> memref<1x128xi32, #tpu.memory_space<vmem>>
        %dma_start3A_46 = tpu.memref_squeeze %dma_start3A_45 : memref<1x128xi32, #tpu.memory_space<vmem>> -> memref<128xi32, #tpu.memory_space<vmem>>
        %dma_start3A_47 = arith.constant 0 : i32
        %dma_start3A_48 = arith.constant 0 : i32
        %dma_start3A_49 = tpu.memref_slice %arg5[%dma_start3A_47, %dma_start3A_48] : memref<20000x128xbf16, #tpu.memory_space<hbm>> -> memref<20000x128xbf16, #tpu.memory_space<hbm>>
        %dma_start3A_50 = tpu.memref_slice %arg12[%dma_start3A_39] : memref<4x!tpu.dma_semaphore, #tpu.memory_space<semaphore_mem>> -> memref<1x!tpu.dma_semaphore, #tpu.memory_space<semaphore_mem>>
        %dma_start3A_51 = tpu.memref_squeeze %dma_start3A_50 : memref<1x!tpu.dma_semaphore, #tpu.memory_space<semaphore_mem>> -> memref<!tpu.dma_semaphore, #tpu.memory_space<semaphore_mem>>
        tpu.enqueue_indirect_dma source(%dma_start3A_49 : memref<20000x128xbf16, #tpu.memory_space<hbm>>) target(%dma_start3A_43 : memref<128x128xbf16, #tpu.memory_space<vmem>>) offsets(%dma_start3A_46 : memref<128xi32, #tpu.memory_space<vmem>>) semaphore(%dma_start3A_51 : memref<!tpu.dma_semaphore, #tpu.memory_space<semaphore_mem>>)
        %scan3A_52 = arith.constant 0 : i32
        %scan3A_53 = arith.constant 0 : i32
        %scan3A_54 = arith.constant 8 : i32
        %scan3A_55 = arith.addi %scan3A_53, %scan3A_54 : i32
        %scan3A_56 = arith.constant 1 : i32
        scf.for %scan3A_117 = %scan3A_53 to %scan3A_55 step %scan3A_56  : i32 {
          %mul3A_118 = arith.constant 4 : i32
          %mul3A_119 = arith.muli %scan3A_117, %mul3A_118 : i32
          %add3A_120 = arith.constant 0 : i32
          %add3A_121 = arith.addi %mul3A_119, %add3A_120 : i32
          %add3A_122 = arith.constant 2 : i32
          %add3A_123 = arith.addi %add3A_121, %add3A_122 : i32
          %lt3A = arith.constant 32 : i32
          %lt3A_124 = arith.cmpi slt, %add3A_123, %lt3A : i32
          %convert_element_type3A_125 = arith.extui %lt3A_124 : i1 to i32
          %cond3A_126 = arith.constant 0 : i32
          %cond3A_127 = arith.cmpi ne, %convert_element_type3A_125, %cond3A_126 : i32
          scf.if %cond3A_127 {
            %sub3A = arith.constant 4 : i32
            %sub3A_267 = arith.subi %add3A_123, %sub3A : i32
            %ge3A = arith.constant 0 : i32
            %ge3A_268 = arith.cmpi sge, %sub3A_267, %ge3A : i32
            %convert_element_type3A_269 = arith.extui %ge3A_268 : i1 to i32
            %cond3A_270 = arith.constant 0 : i32
            %cond3A_271 = arith.cmpi ne, %convert_element_type3A_269, %cond3A_270 : i32
            scf.if %cond3A_271 {
              %sub3A_286 = arith.constant 4 : i32
              %sub3A_287 = arith.subi %add3A_123, %sub3A_286 : i32
              %dma_wait3A_288 = arith.constant 2 : i32
              %dma_wait3A_289 = arith.constant 2 : i32
              %dma_wait3A_290 = arith.constant 0 : i32
              %dma_wait3A_291 = arith.constant 0 : i32
              %dma_wait3A_292 = tpu.memref_slice %arg11[%dma_wait3A_288, %dma_wait3A_290, %dma_wait3A_291] : memref<4x128x128xbf16, #tpu.memory_space<vmem>> -> memref<1x128x128xbf16, #tpu.memory_space<vmem>>
              %dma_wait3A_293 = tpu.memref_squeeze %dma_wait3A_292 : memref<1x128x128xbf16, #tpu.memory_space<vmem>> -> memref<128x128xbf16, #tpu.memory_space<vmem>>
              %dma_wait3A_294 = arith.constant 0 : i32
              %dma_wait3A_295 = tpu.memref_slice %arg10[%sub3A_287, %dma_wait3A_294] : memref<32x128xi32, #tpu.memory_space<vmem>> -> memref<1x128xi32, #tpu.memory_space<vmem>>
              %dma_wait3A_296 = tpu.memref_squeeze %dma_wait3A_295 : memref<1x128xi32, #tpu.memory_space<vmem>> -> memref<128xi32, #tpu.memory_space<vmem>>
              %dma_wait3A_297 = arith.constant 0 : i32
              %dma_wait3A_298 = arith.constant 0 : i32
              %dma_wait3A_299 = tpu.memref_slice %arg14[%dma_wait3A_297, %dma_wait3A_298] : memref<20096x128xbf16, #tpu.memory_space<vmem_shared>> -> memref<20096x128xbf16, #tpu.memory_space<vmem_shared>>
              %dma_wait3A_300 = tpu.memref_slice %arg13[%dma_wait3A_289] : memref<4x!tpu.dma_semaphore, #tpu.memory_space<semaphore_mem>> -> memref<1x!tpu.dma_semaphore, #tpu.memory_space<semaphore_mem>>
              %dma_wait3A_301 = tpu.memref_squeeze %dma_wait3A_300 : memref<1x!tpu.dma_semaphore, #tpu.memory_space<semaphore_mem>> -> memref<!tpu.dma_semaphore, #tpu.memory_space<semaphore_mem>>
              tpu.wait_indirect_dma semaphore(%dma_wait3A_301 : memref<!tpu.dma_semaphore, #tpu.memory_space<semaphore_mem>>) src(%dma_wait3A_293 : memref<128x128xbf16, #tpu.memory_space<vmem>>) dst(%dma_wait3A_299 : memref<20096x128xbf16, #tpu.memory_space<vmem_shared>>)
            } else {
            }
            %dma_start3A_272 = arith.constant 2 : i32
            %dma_start3A_273 = arith.constant 2 : i32
            %dma_start3A_274 = arith.constant 0 : i32
            %dma_start3A_275 = arith.constant 0 : i32
            %dma_start3A_276 = tpu.memref_slice %arg11[%dma_start3A_272, %dma_start3A_274, %dma_start3A_275] : memref<4x128x128xbf16, #tpu.memory_space<vmem>> -> memref<1x128x128xbf16, #tpu.memory_space<vmem>>
            %dma_start3A_277 = tpu.memref_squeeze %dma_start3A_276 : memref<1x128x128xbf16, #tpu.memory_space<vmem>> -> memref<128x128xbf16, #tpu.memory_space<vmem>>
            %dma_start3A_278 = arith.constant 0 : i32
            %dma_start3A_279 = tpu.memref_slice %arg9[%add3A_123, %dma_start3A_278] : memref<32x128xi32, #tpu.memory_space<vmem>> -> memref<1x128xi32, #tpu.memory_space<vmem>>
            %dma_start3A_280 = tpu.memref_squeeze %dma_start3A_279 : memref<1x128xi32, #tpu.memory_space<vmem>> -> memref<128xi32, #tpu.memory_space<vmem>>
            %dma_start3A_281 = arith.constant 0 : i32
            %dma_start3A_282 = arith.constant 0 : i32
            %dma_start3A_283 = tpu.memref_slice %arg5[%dma_start3A_281, %dma_start3A_282] : memref<20000x128xbf16, #tpu.memory_space<hbm>> -> memref<20000x128xbf16, #tpu.memory_space<hbm>>
            %dma_start3A_284 = tpu.memref_slice %arg12[%dma_start3A_273] : memref<4x!tpu.dma_semaphore, #tpu.memory_space<semaphore_mem>> -> memref<1x!tpu.dma_semaphore, #tpu.memory_space<semaphore_mem>>
            %dma_start3A_285 = tpu.memref_squeeze %dma_start3A_284 : memref<1x!tpu.dma_semaphore, #tpu.memory_space<semaphore_mem>> -> memref<!tpu.dma_semaphore, #tpu.memory_space<semaphore_mem>>
            tpu.enqueue_indirect_dma source(%dma_start3A_283 : memref<20000x128xbf16, #tpu.memory_space<hbm>>) target(%dma_start3A_277 : memref<128x128xbf16, #tpu.memory_space<vmem>>) offsets(%dma_start3A_280 : memref<128xi32, #tpu.memory_space<vmem>>) semaphore(%dma_start3A_285 : memref<!tpu.dma_semaphore, #tpu.memory_space<semaphore_mem>>)
          } else {
          }
          %dma_wait3A_128 = arith.constant 0 : i32
          %dma_wait3A_129 = arith.constant 0 : i32
          %dma_wait3A_130 = arith.constant 0 : i32
          %dma_wait3A_131 = arith.constant 0 : i32
          %dma_wait3A_132 = tpu.memref_slice %arg11[%dma_wait3A_128, %dma_wait3A_130, %dma_wait3A_131] : memref<4x128x128xbf16, #tpu.memory_space<vmem>> -> memref<1x128x128xbf16, #tpu.memory_space<vmem>>
          %dma_wait3A_133 = tpu.memref_squeeze %dma_wait3A_132 : memref<1x128x128xbf16, #tpu.memory_space<vmem>> -> memref<128x128xbf16, #tpu.memory_space<vmem>>
          %dma_wait3A_134 = arith.constant 0 : i32
          %dma_wait3A_135 = tpu.memref_slice %arg9[%add3A_121, %dma_wait3A_134] : memref<32x128xi32, #tpu.memory_space<vmem>> -> memref<1x128xi32, #tpu.memory_space<vmem>>
          %dma_wait3A_136 = tpu.memref_squeeze %dma_wait3A_135 : memref<1x128xi32, #tpu.memory_space<vmem>> -> memref<128xi32, #tpu.memory_space<vmem>>
          %dma_wait3A_137 = arith.constant 0 : i32
          %dma_wait3A_138 = arith.constant 0 : i32
          %dma_wait3A_139 = tpu.memref_slice %arg5[%dma_wait3A_137, %dma_wait3A_138] : memref<20000x128xbf16, #tpu.memory_space<hbm>> -> memref<20000x128xbf16, #tpu.memory_space<hbm>>
          %dma_wait3A_140 = tpu.memref_slice %arg12[%dma_wait3A_129] : memref<4x!tpu.dma_semaphore, #tpu.memory_space<semaphore_mem>> -> memref<1x!tpu.dma_semaphore, #tpu.memory_space<semaphore_mem>>
          %dma_wait3A_141 = tpu.memref_squeeze %dma_wait3A_140 : memref<1x!tpu.dma_semaphore, #tpu.memory_space<semaphore_mem>> -> memref<!tpu.dma_semaphore, #tpu.memory_space<semaphore_mem>>
          tpu.wait_indirect_dma semaphore(%dma_wait3A_141 : memref<!tpu.dma_semaphore, #tpu.memory_space<semaphore_mem>>) src(%dma_wait3A_139 : memref<20000x128xbf16, #tpu.memory_space<hbm>>) dst(%dma_wait3A_133 : memref<128x128xbf16, #tpu.memory_space<vmem>>)
          %dma_start3A_142 = arith.constant 0 : i32
          %dma_start3A_143 = arith.constant 0 : i32
          %dma_start3A_144 = arith.constant 0 : i32
          %dma_start3A_145 = arith.constant 0 : i32
          %dma_start3A_146 = tpu.memref_slice %arg11[%dma_start3A_142, %dma_start3A_144, %dma_start3A_145] : memref<4x128x128xbf16, #tpu.memory_space<vmem>> -> memref<1x128x128xbf16, #tpu.memory_space<vmem>>
          %dma_start3A_147 = tpu.memref_squeeze %dma_start3A_146 : memref<1x128x128xbf16, #tpu.memory_space<vmem>> -> memref<128x128xbf16, #tpu.memory_space<vmem>>
          %dma_start3A_148 = arith.constant 0 : i32
          %dma_start3A_149 = tpu.memref_slice %arg10[%add3A_121, %dma_start3A_148] : memref<32x128xi32, #tpu.memory_space<vmem>> -> memref<1x128xi32, #tpu.memory_space<vmem>>
          %dma_start3A_150 = tpu.memref_squeeze %dma_start3A_149 : memref<1x128xi32, #tpu.memory_space<vmem>> -> memref<128xi32, #tpu.memory_space<vmem>>
          %dma_start3A_151 = arith.constant 0 : i32
          %dma_start3A_152 = arith.constant 0 : i32
          %dma_start3A_153 = tpu.memref_slice %arg14[%dma_start3A_151, %dma_start3A_152] : memref<20096x128xbf16, #tpu.memory_space<vmem_shared>> -> memref<20096x128xbf16, #tpu.memory_space<vmem_shared>>
          %dma_start3A_154 = tpu.memref_slice %arg13[%dma_start3A_143] : memref<4x!tpu.dma_semaphore, #tpu.memory_space<semaphore_mem>> -> memref<1x!tpu.dma_semaphore, #tpu.memory_space<semaphore_mem>>
          %dma_start3A_155 = tpu.memref_squeeze %dma_start3A_154 : memref<1x!tpu.dma_semaphore, #tpu.memory_space<semaphore_mem>> -> memref<!tpu.dma_semaphore, #tpu.memory_space<semaphore_mem>>
          tpu.enqueue_indirect_dma source(%dma_start3A_147 : memref<128x128xbf16, #tpu.memory_space<vmem>>) target(%dma_start3A_153 : memref<20096x128xbf16, #tpu.memory_space<vmem_shared>>) offsets(%dma_start3A_150 : memref<128xi32, #tpu.memory_space<vmem>>) semaphore(%dma_start3A_155 : memref<!tpu.dma_semaphore, #tpu.memory_space<semaphore_mem>>) {add = true}
          %add3A_156 = arith.constant 1 : i32
          %add3A_157 = arith.addi %mul3A_119, %add3A_156 : i32
          %add3A_158 = arith.constant 2 : i32
          %add3A_159 = arith.addi %add3A_157, %add3A_158 : i32
          %lt3A_160 = arith.constant 32 : i32
          %lt3A_161 = arith.cmpi slt, %add3A_159, %lt3A_160 : i32
          %convert_element_type3A_162 = arith.extui %lt3A_161 : i1 to i32
          %cond3A_163 = arith.constant 0 : i32
          %cond3A_164 = arith.cmpi ne, %convert_element_type3A_162, %cond3A_163 : i32
          scf.if %cond3A_164 {
            %sub3A = arith.constant 4 : i32
            %sub3A_267 = arith.subi %add3A_159, %sub3A : i32
            %ge3A = arith.constant 0 : i32
            %ge3A_268 = arith.cmpi sge, %sub3A_267, %ge3A : i32
            %convert_element_type3A_269 = arith.extui %ge3A_268 : i1 to i32
            %cond3A_270 = arith.constant 0 : i32
            %cond3A_271 = arith.cmpi ne, %convert_element_type3A_269, %cond3A_270 : i32
            scf.if %cond3A_271 {
              %sub3A_286 = arith.constant 4 : i32
              %sub3A_287 = arith.subi %add3A_159, %sub3A_286 : i32
              %dma_wait3A_288 = arith.constant 3 : i32
              %dma_wait3A_289 = arith.constant 3 : i32
              %dma_wait3A_290 = arith.constant 0 : i32
              %dma_wait3A_291 = arith.constant 0 : i32
              %dma_wait3A_292 = tpu.memref_slice %arg11[%dma_wait3A_288, %dma_wait3A_290, %dma_wait3A_291] : memref<4x128x128xbf16, #tpu.memory_space<vmem>> -> memref<1x128x128xbf16, #tpu.memory_space<vmem>>
              %dma_wait3A_293 = tpu.memref_squeeze %dma_wait3A_292 : memref<1x128x128xbf16, #tpu.memory_space<vmem>> -> memref<128x128xbf16, #tpu.memory_space<vmem>>
              %dma_wait3A_294 = arith.constant 0 : i32
              %dma_wait3A_295 = tpu.memref_slice %arg10[%sub3A_287, %dma_wait3A_294] : memref<32x128xi32, #tpu.memory_space<vmem>> -> memref<1x128xi32, #tpu.memory_space<vmem>>
              %dma_wait3A_296 = tpu.memref_squeeze %dma_wait3A_295 : memref<1x128xi32, #tpu.memory_space<vmem>> -> memref<128xi32, #tpu.memory_space<vmem>>
              %dma_wait3A_297 = arith.constant 0 : i32
              %dma_wait3A_298 = arith.constant 0 : i32
              %dma_wait3A_299 = tpu.memref_slice %arg14[%dma_wait3A_297, %dma_wait3A_298] : memref<20096x128xbf16, #tpu.memory_space<vmem_shared>> -> memref<20096x128xbf16, #tpu.memory_space<vmem_shared>>
              %dma_wait3A_300 = tpu.memref_slice %arg13[%dma_wait3A_289] : memref<4x!tpu.dma_semaphore, #tpu.memory_space<semaphore_mem>> -> memref<1x!tpu.dma_semaphore, #tpu.memory_space<semaphore_mem>>
              %dma_wait3A_301 = tpu.memref_squeeze %dma_wait3A_300 : memref<1x!tpu.dma_semaphore, #tpu.memory_space<semaphore_mem>> -> memref<!tpu.dma_semaphore, #tpu.memory_space<semaphore_mem>>
              tpu.wait_indirect_dma semaphore(%dma_wait3A_301 : memref<!tpu.dma_semaphore, #tpu.memory_space<semaphore_mem>>) src(%dma_wait3A_293 : memref<128x128xbf16, #tpu.memory_space<vmem>>) dst(%dma_wait3A_299 : memref<20096x128xbf16, #tpu.memory_space<vmem_shared>>)
            } else {
            }
            %dma_start3A_272 = arith.constant 3 : i32
            %dma_start3A_273 = arith.constant 3 : i32
            %dma_start3A_274 = arith.constant 0 : i32
            %dma_start3A_275 = arith.constant 0 : i32
            %dma_start3A_276 = tpu.memref_slice %arg11[%dma_start3A_272, %dma_start3A_274, %dma_start3A_275] : memref<4x128x128xbf16, #tpu.memory_space<vmem>> -> memref<1x128x128xbf16, #tpu.memory_space<vmem>>
            %dma_start3A_277 = tpu.memref_squeeze %dma_start3A_276 : memref<1x128x128xbf16, #tpu.memory_space<vmem>> -> memref<128x128xbf16, #tpu.memory_space<vmem>>
            %dma_start3A_278 = arith.constant 0 : i32
            %dma_start3A_279 = tpu.memref_slice %arg9[%add3A_159, %dma_start3A_278] : memref<32x128xi32, #tpu.memory_space<vmem>> -> memref<1x128xi32, #tpu.memory_space<vmem>>
            %dma_start3A_280 = tpu.memref_squeeze %dma_start3A_279 : memref<1x128xi32, #tpu.memory_space<vmem>> -> memref<128xi32, #tpu.memory_space<vmem>>
            %dma_start3A_281 = arith.constant 0 : i32
            %dma_start3A_282 = arith.constant 0 : i32
            %dma_start3A_283 = tpu.memref_slice %arg5[%dma_start3A_281, %dma_start3A_282] : memref<20000x128xbf16, #tpu.memory_space<hbm>> -> memref<20000x128xbf16, #tpu.memory_space<hbm>>
            %dma_start3A_284 = tpu.memref_slice %arg12[%dma_start3A_273] : memref<4x!tpu.dma_semaphore, #tpu.memory_space<semaphore_mem>> -> memref<1x!tpu.dma_semaphore, #tpu.memory_space<semaphore_mem>>
            %dma_start3A_285 = tpu.memref_squeeze %dma_start3A_284 : memref<1x!tpu.dma_semaphore, #tpu.memory_space<semaphore_mem>> -> memref<!tpu.dma_semaphore, #tpu.memory_space<semaphore_mem>>
            tpu.enqueue_indirect_dma source(%dma_start3A_283 : memref<20000x128xbf16, #tpu.memory_space<hbm>>) target(%dma_start3A_277 : memref<128x128xbf16, #tpu.memory_space<vmem>>) offsets(%dma_start3A_280 : memref<128xi32, #tpu.memory_space<vmem>>) semaphore(%dma_start3A_285 : memref<!tpu.dma_semaphore, #tpu.memory_space<semaphore_mem>>)
          } else {
          }
          %dma_wait3A_165 = arith.constant 1 : i32
          %dma_wait3A_166 = arith.constant 1 : i32
          %dma_wait3A_167 = arith.constant 0 : i32
          %dma_wait3A_168 = arith.constant 0 : i32
          %dma_wait3A_169 = tpu.memref_slice %arg11[%dma_wait3A_165, %dma_wait3A_167, %dma_wait3A_168] : memref<4x128x128xbf16, #tpu.memory_space<vmem>> -> memref<1x128x128xbf16, #tpu.memory_space<vmem>>
          %dma_wait3A_170 = tpu.memref_squeeze %dma_wait3A_169 : memref<1x128x128xbf16, #tpu.memory_space<vmem>> -> memref<128x128xbf16, #tpu.memory_space<vmem>>
          %dma_wait3A_171 = arith.constant 0 : i32
          %dma_wait3A_172 = tpu.memref_slice %arg9[%add3A_157, %dma_wait3A_171] : memref<32x128xi32, #tpu.memory_space<vmem>> -> memref<1x128xi32, #tpu.memory_space<vmem>>
          %dma_wait3A_173 = tpu.memref_squeeze %dma_wait3A_172 : memref<1x128xi32, #tpu.memory_space<vmem>> -> memref<128xi32, #tpu.memory_space<vmem>>
          %dma_wait3A_174 = arith.constant 0 : i32
          %dma_wait3A_175 = arith.constant 0 : i32
          %dma_wait3A_176 = tpu.memref_slice %arg5[%dma_wait3A_174, %dma_wait3A_175] : memref<20000x128xbf16, #tpu.memory_space<hbm>> -> memref<20000x128xbf16, #tpu.memory_space<hbm>>
          %dma_wait3A_177 = tpu.memref_slice %arg12[%dma_wait3A_166] : memref<4x!tpu.dma_semaphore, #tpu.memory_space<semaphore_mem>> -> memref<1x!tpu.dma_semaphore, #tpu.memory_space<semaphore_mem>>
          %dma_wait3A_178 = tpu.memref_squeeze %dma_wait3A_177 : memref<1x!tpu.dma_semaphore, #tpu.memory_space<semaphore_mem>> -> memref<!tpu.dma_semaphore, #tpu.memory_space<semaphore_mem>>
          tpu.wait_indirect_dma semaphore(%dma_wait3A_178 : memref<!tpu.dma_semaphore, #tpu.memory_space<semaphore_mem>>) src(%dma_wait3A_176 : memref<20000x128xbf16, #tpu.memory_space<hbm>>) dst(%dma_wait3A_170 : memref<128x128xbf16, #tpu.memory_space<vmem>>)
          %dma_start3A_179 = arith.constant 1 : i32
          %dma_start3A_180 = arith.constant 1 : i32
          %dma_start3A_181 = arith.constant 0 : i32
          %dma_start3A_182 = arith.constant 0 : i32
          %dma_start3A_183 = tpu.memref_slice %arg11[%dma_start3A_179, %dma_start3A_181, %dma_start3A_182] : memref<4x128x128xbf16, #tpu.memory_space<vmem>> -> memref<1x128x128xbf16, #tpu.memory_space<vmem>>
          %dma_start3A_184 = tpu.memref_squeeze %dma_start3A_183 : memref<1x128x128xbf16, #tpu.memory_space<vmem>> -> memref<128x128xbf16, #tpu.memory_space<vmem>>
          %dma_start3A_185 = arith.constant 0 : i32
          %dma_start3A_186 = tpu.memref_slice %arg10[%add3A_157, %dma_start3A_185] : memref<32x128xi32, #tpu.memory_space<vmem>> -> memref<1x128xi32, #tpu.memory_space<vmem>>
          %dma_start3A_187 = tpu.memref_squeeze %dma_start3A_186 : memref<1x128xi32, #tpu.memory_space<vmem>> -> memref<128xi32, #tpu.memory_space<vmem>>
          %dma_start3A_188 = arith.constant 0 : i32
          %dma_start3A_189 = arith.constant 0 : i32
          %dma_start3A_190 = tpu.memref_slice %arg14[%dma_start3A_188, %dma_start3A_189] : memref<20096x128xbf16, #tpu.memory_space<vmem_shared>> -> memref<20096x128xbf16, #tpu.memory_space<vmem_shared>>
          %dma_start3A_191 = tpu.memref_slice %arg13[%dma_start3A_180] : memref<4x!tpu.dma_semaphore, #tpu.memory_space<semaphore_mem>> -> memref<1x!tpu.dma_semaphore, #tpu.memory_space<semaphore_mem>>
          %dma_start3A_192 = tpu.memref_squeeze %dma_start3A_191 : memref<1x!tpu.dma_semaphore, #tpu.memory_space<semaphore_mem>> -> memref<!tpu.dma_semaphore, #tpu.memory_space<semaphore_mem>>
          tpu.enqueue_indirect_dma source(%dma_start3A_184 : memref<128x128xbf16, #tpu.memory_space<vmem>>) target(%dma_start3A_190 : memref<20096x128xbf16, #tpu.memory_space<vmem_shared>>) offsets(%dma_start3A_187 : memref<128xi32, #tpu.memory_space<vmem>>) semaphore(%dma_start3A_192 : memref<!tpu.dma_semaphore, #tpu.memory_space<semaphore_mem>>) {add = true}
          %add3A_193 = arith.constant 2 : i32
          %add3A_194 = arith.addi %mul3A_119, %add3A_193 : i32
          %add3A_195 = arith.constant 2 : i32
          %add3A_196 = arith.addi %add3A_194, %add3A_195 : i32
          %lt3A_197 = arith.constant 32 : i32
          %lt3A_198 = arith.cmpi slt, %add3A_196, %lt3A_197 : i32
          %convert_element_type3A_199 = arith.extui %lt3A_198 : i1 to i32
          %cond3A_200 = arith.constant 0 : i32
          %cond3A_201 = arith.cmpi ne, %convert_element_type3A_199, %cond3A_200 : i32
          scf.if %cond3A_201 {
            %sub3A = arith.constant 4 : i32
            %sub3A_267 = arith.subi %add3A_196, %sub3A : i32
            %ge3A = arith.constant 0 : i32
            %ge3A_268 = arith.cmpi sge, %sub3A_267, %ge3A : i32
            %convert_element_type3A_269 = arith.extui %ge3A_268 : i1 to i32
            %cond3A_270 = arith.constant 0 : i32
            %cond3A_271 = arith.cmpi ne, %convert_element_type3A_269, %cond3A_270 : i32
            scf.if %cond3A_271 {
              %sub3A_286 = arith.constant 4 : i32
              %sub3A_287 = arith.subi %add3A_196, %sub3A_286 : i32
              %dma_wait3A_288 = arith.constant 0 : i32
              %dma_wait3A_289 = arith.constant 0 : i32
              %dma_wait3A_290 = arith.constant 0 : i32
              %dma_wait3A_291 = arith.constant 0 : i32
              %dma_wait3A_292 = tpu.memref_slice %arg11[%dma_wait3A_288, %dma_wait3A_290, %dma_wait3A_291] : memref<4x128x128xbf16, #tpu.memory_space<vmem>> -> memref<1x128x128xbf16, #tpu.memory_space<vmem>>
              %dma_wait3A_293 = tpu.memref_squeeze %dma_wait3A_292 : memref<1x128x128xbf16, #tpu.memory_space<vmem>> -> memref<128x128xbf16, #tpu.memory_space<vmem>>
              %dma_wait3A_294 = arith.constant 0 : i32
              %dma_wait3A_295 = tpu.memref_slice %arg10[%sub3A_287, %dma_wait3A_294] : memref<32x128xi32, #tpu.memory_space<vmem>> -> memref<1x128xi32, #tpu.memory_space<vmem>>
              %dma_wait3A_296 = tpu.memref_squeeze %dma_wait3A_295 : memref<1x128xi32, #tpu.memory_space<vmem>> -> memref<128xi32, #tpu.memory_space<vmem>>
              %dma_wait3A_297 = arith.constant 0 : i32
              %dma_wait3A_298 = arith.constant 0 : i32
              %dma_wait3A_299 = tpu.memref_slice %arg14[%dma_wait3A_297, %dma_wait3A_298] : memref<20096x128xbf16, #tpu.memory_space<vmem_shared>> -> memref<20096x128xbf16, #tpu.memory_space<vmem_shared>>
              %dma_wait3A_300 = tpu.memref_slice %arg13[%dma_wait3A_289] : memref<4x!tpu.dma_semaphore, #tpu.memory_space<semaphore_mem>> -> memref<1x!tpu.dma_semaphore, #tpu.memory_space<semaphore_mem>>
              %dma_wait3A_301 = tpu.memref_squeeze %dma_wait3A_300 : memref<1x!tpu.dma_semaphore, #tpu.memory_space<semaphore_mem>> -> memref<!tpu.dma_semaphore, #tpu.memory_space<semaphore_mem>>
              tpu.wait_indirect_dma semaphore(%dma_wait3A_301 : memref<!tpu.dma_semaphore, #tpu.memory_space<semaphore_mem>>) src(%dma_wait3A_293 : memref<128x128xbf16, #tpu.memory_space<vmem>>) dst(%dma_wait3A_299 : memref<20096x128xbf16, #tpu.memory_space<vmem_shared>>)
            } else {
            }
            %dma_start3A_272 = arith.constant 0 : i32
            %dma_start3A_273 = arith.constant 0 : i32
            %dma_start3A_274 = arith.constant 0 : i32
            %dma_start3A_275 = arith.constant 0 : i32
            %dma_start3A_276 = tpu.memref_slice %arg11[%dma_start3A_272, %dma_start3A_274, %dma_start3A_275] : memref<4x128x128xbf16, #tpu.memory_space<vmem>> -> memref<1x128x128xbf16, #tpu.memory_space<vmem>>
            %dma_start3A_277 = tpu.memref_squeeze %dma_start3A_276 : memref<1x128x128xbf16, #tpu.memory_space<vmem>> -> memref<128x128xbf16, #tpu.memory_space<vmem>>
            %dma_start3A_278 = arith.constant 0 : i32
            %dma_start3A_279 = tpu.memref_slice %arg9[%add3A_196, %dma_start3A_278] : memref<32x128xi32, #tpu.memory_space<vmem>> -> memref<1x128xi32, #tpu.memory_space<vmem>>
            %dma_start3A_280 = tpu.memref_squeeze %dma_start3A_279 : memref<1x128xi32, #tpu.memory_space<vmem>> -> memref<128xi32, #tpu.memory_space<vmem>>
            %dma_start3A_281 = arith.constant 0 : i32
            %dma_start3A_282 = arith.constant 0 : i32
            %dma_start3A_283 = tpu.memref_slice %arg5[%dma_start3A_281, %dma_start3A_282] : memref<20000x128xbf16, #tpu.memory_space<hbm>> -> memref<20000x128xbf16, #tpu.memory_space<hbm>>
            %dma_start3A_284 = tpu.memref_slice %arg12[%dma_start3A_273] : memref<4x!tpu.dma_semaphore, #tpu.memory_space<semaphore_mem>> -> memref<1x!tpu.dma_semaphore, #tpu.memory_space<semaphore_mem>>
            %dma_start3A_285 = tpu.memref_squeeze %dma_start3A_284 : memref<1x!tpu.dma_semaphore, #tpu.memory_space<semaphore_mem>> -> memref<!tpu.dma_semaphore, #tpu.memory_space<semaphore_mem>>
            tpu.enqueue_indirect_dma source(%dma_start3A_283 : memref<20000x128xbf16, #tpu.memory_space<hbm>>) target(%dma_start3A_277 : memref<128x128xbf16, #tpu.memory_space<vmem>>) offsets(%dma_start3A_280 : memref<128xi32, #tpu.memory_space<vmem>>) semaphore(%dma_start3A_285 : memref<!tpu.dma_semaphore, #tpu.memory_space<semaphore_mem>>)
          } else {
          }
          %dma_wait3A_202 = arith.constant 2 : i32
          %dma_wait3A_203 = arith.constant 2 : i32
          %dma_wait3A_204 = arith.constant 0 : i32
          %dma_wait3A_205 = arith.constant 0 : i32
          %dma_wait3A_206 = tpu.memref_slice %arg11[%dma_wait3A_202, %dma_wait3A_204, %dma_wait3A_205] : memref<4x128x128xbf16, #tpu.memory_space<vmem>> -> memref<1x128x128xbf16, #tpu.memory_space<vmem>>
          %dma_wait3A_207 = tpu.memref_squeeze %dma_wait3A_206 : memref<1x128x128xbf16, #tpu.memory_space<vmem>> -> memref<128x128xbf16, #tpu.memory_space<vmem>>
          %dma_wait3A_208 = arith.constant 0 : i32
          %dma_wait3A_209 = tpu.memref_slice %arg9[%add3A_194, %dma_wait3A_208] : memref<32x128xi32, #tpu.memory_space<vmem>> -> memref<1x128xi32, #tpu.memory_space<vmem>>
          %dma_wait3A_210 = tpu.memref_squeeze %dma_wait3A_209 : memref<1x128xi32, #tpu.memory_space<vmem>> -> memref<128xi32, #tpu.memory_space<vmem>>
          %dma_wait3A_211 = arith.constant 0 : i32
          %dma_wait3A_212 = arith.constant 0 : i32
          %dma_wait3A_213 = tpu.memref_slice %arg5[%dma_wait3A_211, %dma_wait3A_212] : memref<20000x128xbf16, #tpu.memory_space<hbm>> -> memref<20000x128xbf16, #tpu.memory_space<hbm>>
          %dma_wait3A_214 = tpu.memref_slice %arg12[%dma_wait3A_203] : memref<4x!tpu.dma_semaphore, #tpu.memory_space<semaphore_mem>> -> memref<1x!tpu.dma_semaphore, #tpu.memory_space<semaphore_mem>>
          %dma_wait3A_215 = tpu.memref_squeeze %dma_wait3A_214 : memref<1x!tpu.dma_semaphore, #tpu.memory_space<semaphore_mem>> -> memref<!tpu.dma_semaphore, #tpu.memory_space<semaphore_mem>>
          tpu.wait_indirect_dma semaphore(%dma_wait3A_215 : memref<!tpu.dma_semaphore, #tpu.memory_space<semaphore_mem>>) src(%dma_wait3A_213 : memref<20000x128xbf16, #tpu.memory_space<hbm>>) dst(%dma_wait3A_207 : memref<128x128xbf16, #tpu.memory_space<vmem>>)
          %dma_start3A_216 = arith.constant 2 : i32
          %dma_start3A_217 = arith.constant 2 : i32
          %dma_start3A_218 = arith.constant 0 : i32
          %dma_start3A_219 = arith.constant 0 : i32
          %dma_start3A_220 = tpu.memref_slice %arg11[%dma_start3A_216, %dma_start3A_218, %dma_start3A_219] : memref<4x128x128xbf16, #tpu.memory_space<vmem>> -> memref<1x128x128xbf16, #tpu.memory_space<vmem>>
          %dma_start3A_221 = tpu.memref_squeeze %dma_start3A_220 : memref<1x128x128xbf16, #tpu.memory_space<vmem>> -> memref<128x128xbf16, #tpu.memory_space<vmem>>
          %dma_start3A_222 = arith.constant 0 : i32
          %dma_start3A_223 = tpu.memref_slice %arg10[%add3A_194, %dma_start3A_222] : memref<32x128xi32, #tpu.memory_space<vmem>> -> memref<1x128xi32, #tpu.memory_space<vmem>>
          %dma_start3A_224 = tpu.memref_squeeze %dma_start3A_223 : memref<1x128xi32, #tpu.memory_space<vmem>> -> memref<128xi32, #tpu.memory_space<vmem>>
          %dma_start3A_225 = arith.constant 0 : i32
          %dma_start3A_226 = arith.constant 0 : i32
          %dma_start3A_227 = tpu.memref_slice %arg14[%dma_start3A_225, %dma_start3A_226] : memref<20096x128xbf16, #tpu.memory_space<vmem_shared>> -> memref<20096x128xbf16, #tpu.memory_space<vmem_shared>>
          %dma_start3A_228 = tpu.memref_slice %arg13[%dma_start3A_217] : memref<4x!tpu.dma_semaphore, #tpu.memory_space<semaphore_mem>> -> memref<1x!tpu.dma_semaphore, #tpu.memory_space<semaphore_mem>>
          %dma_start3A_229 = tpu.memref_squeeze %dma_start3A_228 : memref<1x!tpu.dma_semaphore, #tpu.memory_space<semaphore_mem>> -> memref<!tpu.dma_semaphore, #tpu.memory_space<semaphore_mem>>
          tpu.enqueue_indirect_dma source(%dma_start3A_221 : memref<128x128xbf16, #tpu.memory_space<vmem>>) target(%dma_start3A_227 : memref<20096x128xbf16, #tpu.memory_space<vmem_shared>>) offsets(%dma_start3A_224 : memref<128xi32, #tpu.memory_space<vmem>>) semaphore(%dma_start3A_229 : memref<!tpu.dma_semaphore, #tpu.memory_space<semaphore_mem>>) {add = true}
          %add3A_230 = arith.constant 3 : i32
          %add3A_231 = arith.addi %mul3A_119, %add3A_230 : i32
          %add3A_232 = arith.constant 2 : i32
          %add3A_233 = arith.addi %add3A_231, %add3A_232 : i32
          %lt3A_234 = arith.constant 32 : i32
          %lt3A_235 = arith.cmpi slt, %add3A_233, %lt3A_234 : i32
          %convert_element_type3A_236 = arith.extui %lt3A_235 : i1 to i32
          %cond3A_237 = arith.constant 0 : i32
          %cond3A_238 = arith.cmpi ne, %convert_element_type3A_236, %cond3A_237 : i32
          scf.if %cond3A_238 {
            %sub3A = arith.constant 4 : i32
            %sub3A_267 = arith.subi %add3A_233, %sub3A : i32
            %ge3A = arith.constant 0 : i32
            %ge3A_268 = arith.cmpi sge, %sub3A_267, %ge3A : i32
            %convert_element_type3A_269 = arith.extui %ge3A_268 : i1 to i32
            %cond3A_270 = arith.constant 0 : i32
            %cond3A_271 = arith.cmpi ne, %convert_element_type3A_269, %cond3A_270 : i32
            scf.if %cond3A_271 {
              %sub3A_286 = arith.constant 4 : i32
              %sub3A_287 = arith.subi %add3A_233, %sub3A_286 : i32
              %dma_wait3A_288 = arith.constant 1 : i32
              %dma_wait3A_289 = arith.constant 1 : i32
              %dma_wait3A_290 = arith.constant 0 : i32
              %dma_wait3A_291 = arith.constant 0 : i32
              %dma_wait3A_292 = tpu.memref_slice %arg11[%dma_wait3A_288, %dma_wait3A_290, %dma_wait3A_291] : memref<4x128x128xbf16, #tpu.memory_space<vmem>> -> memref<1x128x128xbf16, #tpu.memory_space<vmem>>
              %dma_wait3A_293 = tpu.memref_squeeze %dma_wait3A_292 : memref<1x128x128xbf16, #tpu.memory_space<vmem>> -> memref<128x128xbf16, #tpu.memory_space<vmem>>
              %dma_wait3A_294 = arith.constant 0 : i32
              %dma_wait3A_295 = tpu.memref_slice %arg10[%sub3A_287, %dma_wait3A_294] : memref<32x128xi32, #tpu.memory_space<vmem>> -> memref<1x128xi32, #tpu.memory_space<vmem>>
              %dma_wait3A_296 = tpu.memref_squeeze %dma_wait3A_295 : memref<1x128xi32, #tpu.memory_space<vmem>> -> memref<128xi32, #tpu.memory_space<vmem>>
              %dma_wait3A_297 = arith.constant 0 : i32
              %dma_wait3A_298 = arith.constant 0 : i32
              %dma_wait3A_299 = tpu.memref_slice %arg14[%dma_wait3A_297, %dma_wait3A_298] : memref<20096x128xbf16, #tpu.memory_space<vmem_shared>> -> memref<20096x128xbf16, #tpu.memory_space<vmem_shared>>
              %dma_wait3A_300 = tpu.memref_slice %arg13[%dma_wait3A_289] : memref<4x!tpu.dma_semaphore, #tpu.memory_space<semaphore_mem>> -> memref<1x!tpu.dma_semaphore, #tpu.memory_space<semaphore_mem>>
              %dma_wait3A_301 = tpu.memref_squeeze %dma_wait3A_300 : memref<1x!tpu.dma_semaphore, #tpu.memory_space<semaphore_mem>> -> memref<!tpu.dma_semaphore, #tpu.memory_space<semaphore_mem>>
              tpu.wait_indirect_dma semaphore(%dma_wait3A_301 : memref<!tpu.dma_semaphore, #tpu.memory_space<semaphore_mem>>) src(%dma_wait3A_293 : memref<128x128xbf16, #tpu.memory_space<vmem>>) dst(%dma_wait3A_299 : memref<20096x128xbf16, #tpu.memory_space<vmem_shared>>)
            } else {
            }
            %dma_start3A_272 = arith.constant 1 : i32
            %dma_start3A_273 = arith.constant 1 : i32
            %dma_start3A_274 = arith.constant 0 : i32
            %dma_start3A_275 = arith.constant 0 : i32
            %dma_start3A_276 = tpu.memref_slice %arg11[%dma_start3A_272, %dma_start3A_274, %dma_start3A_275] : memref<4x128x128xbf16, #tpu.memory_space<vmem>> -> memref<1x128x128xbf16, #tpu.memory_space<vmem>>
            %dma_start3A_277 = tpu.memref_squeeze %dma_start3A_276 : memref<1x128x128xbf16, #tpu.memory_space<vmem>> -> memref<128x128xbf16, #tpu.memory_space<vmem>>
            %dma_start3A_278 = arith.constant 0 : i32
            %dma_start3A_279 = tpu.memref_slice %arg9[%add3A_233, %dma_start3A_278] : memref<32x128xi32, #tpu.memory_space<vmem>> -> memref<1x128xi32, #tpu.memory_space<vmem>>
            %dma_start3A_280 = tpu.memref_squeeze %dma_start3A_279 : memref<1x128xi32, #tpu.memory_space<vmem>> -> memref<128xi32, #tpu.memory_space<vmem>>
            %dma_start3A_281 = arith.constant 0 : i32
            %dma_start3A_282 = arith.constant 0 : i32
            %dma_start3A_283 = tpu.memref_slice %arg5[%dma_start3A_281, %dma_start3A_282] : memref<20000x128xbf16, #tpu.memory_space<hbm>> -> memref<20000x128xbf16, #tpu.memory_space<hbm>>
            %dma_start3A_284 = tpu.memref_slice %arg12[%dma_start3A_273] : memref<4x!tpu.dma_semaphore, #tpu.memory_space<semaphore_mem>> -> memref<1x!tpu.dma_semaphore, #tpu.memory_space<semaphore_mem>>
            %dma_start3A_285 = tpu.memref_squeeze %dma_start3A_284 : memref<1x!tpu.dma_semaphore, #tpu.memory_space<semaphore_mem>> -> memref<!tpu.dma_semaphore, #tpu.memory_space<semaphore_mem>>
            tpu.enqueue_indirect_dma source(%dma_start3A_283 : memref<20000x128xbf16, #tpu.memory_space<hbm>>) target(%dma_start3A_277 : memref<128x128xbf16, #tpu.memory_space<vmem>>) offsets(%dma_start3A_280 : memref<128xi32, #tpu.memory_space<vmem>>) semaphore(%dma_start3A_285 : memref<!tpu.dma_semaphore, #tpu.memory_space<semaphore_mem>>)
          } else {
          }
          %dma_wait3A_239 = arith.constant 3 : i32
          %dma_wait3A_240 = arith.constant 3 : i32
          %dma_wait3A_241 = arith.constant 0 : i32
          %dma_wait3A_242 = arith.constant 0 : i32
          %dma_wait3A_243 = tpu.memref_slice %arg11[%dma_wait3A_239, %dma_wait3A_241, %dma_wait3A_242] : memref<4x128x128xbf16, #tpu.memory_space<vmem>> -> memref<1x128x128xbf16, #tpu.memory_space<vmem>>
          %dma_wait3A_244 = tpu.memref_squeeze %dma_wait3A_243 : memref<1x128x128xbf16, #tpu.memory_space<vmem>> -> memref<128x128xbf16, #tpu.memory_space<vmem>>
          %dma_wait3A_245 = arith.constant 0 : i32
          %dma_wait3A_246 = tpu.memref_slice %arg9[%add3A_231, %dma_wait3A_245] : memref<32x128xi32, #tpu.memory_space<vmem>> -> memref<1x128xi32, #tpu.memory_space<vmem>>
          %dma_wait3A_247 = tpu.memref_squeeze %dma_wait3A_246 : memref<1x128xi32, #tpu.memory_space<vmem>> -> memref<128xi32, #tpu.memory_space<vmem>>
          %dma_wait3A_248 = arith.constant 0 : i32
          %dma_wait3A_249 = arith.constant 0 : i32
          %dma_wait3A_250 = tpu.memref_slice %arg5[%dma_wait3A_248, %dma_wait3A_249] : memref<20000x128xbf16, #tpu.memory_space<hbm>> -> memref<20000x128xbf16, #tpu.memory_space<hbm>>
          %dma_wait3A_251 = tpu.memref_slice %arg12[%dma_wait3A_240] : memref<4x!tpu.dma_semaphore, #tpu.memory_space<semaphore_mem>> -> memref<1x!tpu.dma_semaphore, #tpu.memory_space<semaphore_mem>>
          %dma_wait3A_252 = tpu.memref_squeeze %dma_wait3A_251 : memref<1x!tpu.dma_semaphore, #tpu.memory_space<semaphore_mem>> -> memref<!tpu.dma_semaphore, #tpu.memory_space<semaphore_mem>>
          tpu.wait_indirect_dma semaphore(%dma_wait3A_252 : memref<!tpu.dma_semaphore, #tpu.memory_space<semaphore_mem>>) src(%dma_wait3A_250 : memref<20000x128xbf16, #tpu.memory_space<hbm>>) dst(%dma_wait3A_244 : memref<128x128xbf16, #tpu.memory_space<vmem>>)
          %dma_start3A_253 = arith.constant 3 : i32
          %dma_start3A_254 = arith.constant 3 : i32
          %dma_start3A_255 = arith.constant 0 : i32
          %dma_start3A_256 = arith.constant 0 : i32
          %dma_start3A_257 = tpu.memref_slice %arg11[%dma_start3A_253, %dma_start3A_255, %dma_start3A_256] : memref<4x128x128xbf16, #tpu.memory_space<vmem>> -> memref<1x128x128xbf16, #tpu.memory_space<vmem>>
          %dma_start3A_258 = tpu.memref_squeeze %dma_start3A_257 : memref<1x128x128xbf16, #tpu.memory_space<vmem>> -> memref<128x128xbf16, #tpu.memory_space<vmem>>
          %dma_start3A_259 = arith.constant 0 : i32
          %dma_start3A_260 = tpu.memref_slice %arg10[%add3A_231, %dma_start3A_259] : memref<32x128xi32, #tpu.memory_space<vmem>> -> memref<1x128xi32, #tpu.memory_space<vmem>>
          %dma_start3A_261 = tpu.memref_squeeze %dma_start3A_260 : memref<1x128xi32, #tpu.memory_space<vmem>> -> memref<128xi32, #tpu.memory_space<vmem>>
          %dma_start3A_262 = arith.constant 0 : i32
          %dma_start3A_263 = arith.constant 0 : i32
          %dma_start3A_264 = tpu.memref_slice %arg14[%dma_start3A_262, %dma_start3A_263] : memref<20096x128xbf16, #tpu.memory_space<vmem_shared>> -> memref<20096x128xbf16, #tpu.memory_space<vmem_shared>>
          %dma_start3A_265 = tpu.memref_slice %arg13[%dma_start3A_254] : memref<4x!tpu.dma_semaphore, #tpu.memory_space<semaphore_mem>> -> memref<1x!tpu.dma_semaphore, #tpu.memory_space<semaphore_mem>>
          %dma_start3A_266 = tpu.memref_squeeze %dma_start3A_265 : memref<1x!tpu.dma_semaphore, #tpu.memory_space<semaphore_mem>> -> memref<!tpu.dma_semaphore, #tpu.memory_space<semaphore_mem>>
          tpu.enqueue_indirect_dma source(%dma_start3A_258 : memref<128x128xbf16, #tpu.memory_space<vmem>>) target(%dma_start3A_264 : memref<20096x128xbf16, #tpu.memory_space<vmem_shared>>) offsets(%dma_start3A_261 : memref<128xi32, #tpu.memory_space<vmem>>) semaphore(%dma_start3A_266 : memref<!tpu.dma_semaphore, #tpu.memory_space<semaphore_mem>>) {add = true}
        }
        %scan3A_57 = arith.constant 8 : i32
        %dma_wait3A = arith.constant 0 : i32
        %dma_wait3A_58 = arith.constant 28 : i32
        %dma_wait3A_59 = arith.constant 0 : i32
        %dma_wait3A_60 = arith.constant 0 : i32
        %dma_wait3A_61 = arith.constant 0 : i32
        %dma_wait3A_62 = tpu.memref_slice %arg11[%dma_wait3A, %dma_wait3A_60, %dma_wait3A_61] : memref<4x128x128xbf16, #tpu.memory_space<vmem>> -> memref<1x128x128xbf16, #tpu.memory_space<vmem>>
        %dma_wait3A_63 = tpu.memref_squeeze %dma_wait3A_62 : memref<1x128x128xbf16, #tpu.memory_space<vmem>> -> memref<128x128xbf16, #tpu.memory_space<vmem>>
        %dma_wait3A_64 = arith.constant 0 : i32
        %dma_wait3A_65 = tpu.memref_slice %arg10[%dma_wait3A_58, %dma_wait3A_64] : memref<32x128xi32, #tpu.memory_space<vmem>> -> memref<1x128xi32, #tpu.memory_space<vmem>>
        %dma_wait3A_66 = tpu.memref_squeeze %dma_wait3A_65 : memref<1x128xi32, #tpu.memory_space<vmem>> -> memref<128xi32, #tpu.memory_space<vmem>>
        %dma_wait3A_67 = arith.constant 0 : i32
        %dma_wait3A_68 = arith.constant 0 : i32
        %dma_wait3A_69 = tpu.memref_slice %arg14[%dma_wait3A_67, %dma_wait3A_68] : memref<20096x128xbf16, #tpu.memory_space<vmem_shared>> -> memref<20096x128xbf16, #tpu.memory_space<vmem_shared>>
        %dma_wait3A_70 = tpu.memref_slice %arg13[%dma_wait3A_59] : memref<4x!tpu.dma_semaphore, #tpu.memory_space<semaphore_mem>> -> memref<1x!tpu.dma_semaphore, #tpu.memory_space<semaphore_mem>>
        %dma_wait3A_71 = tpu.memref_squeeze %dma_wait3A_70 : memref<1x!tpu.dma_semaphore, #tpu.memory_space<semaphore_mem>> -> memref<!tpu.dma_semaphore, #tpu.memory_space<semaphore_mem>>
        tpu.wait_indirect_dma semaphore(%dma_wait3A_71 : memref<!tpu.dma_semaphore, #tpu.memory_space<semaphore_mem>>) src(%dma_wait3A_63 : memref<128x128xbf16, #tpu.memory_space<vmem>>) dst(%dma_wait3A_69 : memref<20096x128xbf16, #tpu.memory_space<vmem_shared>>)
        %dma_wait3A_72 = arith.constant 1 : i32
        %dma_wait3A_73 = arith.constant 29 : i32
        %dma_wait3A_74 = arith.constant 1 : i32
        %dma_wait3A_75 = arith.constant 0 : i32
        %dma_wait3A_76 = arith.constant 0 : i32
        %dma_wait3A_77 = tpu.memref_slice %arg11[%dma_wait3A_72, %dma_wait3A_75, %dma_wait3A_76] : memref<4x128x128xbf16, #tpu.memory_space<vmem>> -> memref<1x128x128xbf16, #tpu.memory_space<vmem>>
        %dma_wait3A_78 = tpu.memref_squeeze %dma_wait3A_77 : memref<1x128x128xbf16, #tpu.memory_space<vmem>> -> memref<128x128xbf16, #tpu.memory_space<vmem>>
        %dma_wait3A_79 = arith.constant 0 : i32
        %dma_wait3A_80 = tpu.memref_slice %arg10[%dma_wait3A_73, %dma_wait3A_79] : memref<32x128xi32, #tpu.memory_space<vmem>> -> memref<1x128xi32, #tpu.memory_space<vmem>>
        %dma_wait3A_81 = tpu.memref_squeeze %dma_wait3A_80 : memref<1x128xi32, #tpu.memory_space<vmem>> -> memref<128xi32, #tpu.memory_space<vmem>>
        %dma_wait3A_82 = arith.constant 0 : i32
        %dma_wait3A_83 = arith.constant 0 : i32
        %dma_wait3A_84 = tpu.memref_slice %arg14[%dma_wait3A_82, %dma_wait3A_83] : memref<20096x128xbf16, #tpu.memory_space<vmem_shared>> -> memref<20096x128xbf16, #tpu.memory_space<vmem_shared>>
        %dma_wait3A_85 = tpu.memref_slice %arg13[%dma_wait3A_74] : memref<4x!tpu.dma_semaphore, #tpu.memory_space<semaphore_mem>> -> memref<1x!tpu.dma_semaphore, #tpu.memory_space<semaphore_mem>>
        %dma_wait3A_86 = tpu.memref_squeeze %dma_wait3A_85 : memref<1x!tpu.dma_semaphore, #tpu.memory_space<semaphore_mem>> -> memref<!tpu.dma_semaphore, #tpu.memory_space<semaphore_mem>>
        tpu.wait_indirect_dma semaphore(%dma_wait3A_86 : memref<!tpu.dma_semaphore, #tpu.memory_space<semaphore_mem>>) src(%dma_wait3A_78 : memref<128x128xbf16, #tpu.memory_space<vmem>>) dst(%dma_wait3A_84 : memref<20096x128xbf16, #tpu.memory_space<vmem_shared>>)
        %dma_wait3A_87 = arith.constant 2 : i32
        %dma_wait3A_88 = arith.constant 30 : i32
        %dma_wait3A_89 = arith.constant 2 : i32
        %dma_wait3A_90 = arith.constant 0 : i32
        %dma_wait3A_91 = arith.constant 0 : i32
        %dma_wait3A_92 = tpu.memref_slice %arg11[%dma_wait3A_87, %dma_wait3A_90, %dma_wait3A_91] : memref<4x128x128xbf16, #tpu.memory_space<vmem>> -> memref<1x128x128xbf16, #tpu.memory_space<vmem>>
        %dma_wait3A_93 = tpu.memref_squeeze %dma_wait3A_92 : memref<1x128x128xbf16, #tpu.memory_space<vmem>> -> memref<128x128xbf16, #tpu.memory_space<vmem>>
        %dma_wait3A_94 = arith.constant 0 : i32
        %dma_wait3A_95 = tpu.memref_slice %arg10[%dma_wait3A_88, %dma_wait3A_94] : memref<32x128xi32, #tpu.memory_space<vmem>> -> memref<1x128xi32, #tpu.memory_space<vmem>>
        %dma_wait3A_96 = tpu.memref_squeeze %dma_wait3A_95 : memref<1x128xi32, #tpu.memory_space<vmem>> -> memref<128xi32, #tpu.memory_space<vmem>>
        %dma_wait3A_97 = arith.constant 0 : i32
        %dma_wait3A_98 = arith.constant 0 : i32
        %dma_wait3A_99 = tpu.memref_slice %arg14[%dma_wait3A_97, %dma_wait3A_98] : memref<20096x128xbf16, #tpu.memory_space<vmem_shared>> -> memref<20096x128xbf16, #tpu.memory_space<vmem_shared>>
        %dma_wait3A_100 = tpu.memref_slice %arg13[%dma_wait3A_89] : memref<4x!tpu.dma_semaphore, #tpu.memory_space<semaphore_mem>> -> memref<1x!tpu.dma_semaphore, #tpu.memory_space<semaphore_mem>>
        %dma_wait3A_101 = tpu.memref_squeeze %dma_wait3A_100 : memref<1x!tpu.dma_semaphore, #tpu.memory_space<semaphore_mem>> -> memref<!tpu.dma_semaphore, #tpu.memory_space<semaphore_mem>>
        tpu.wait_indirect_dma semaphore(%dma_wait3A_101 : memref<!tpu.dma_semaphore, #tpu.memory_space<semaphore_mem>>) src(%dma_wait3A_93 : memref<128x128xbf16, #tpu.memory_space<vmem>>) dst(%dma_wait3A_99 : memref<20096x128xbf16, #tpu.memory_space<vmem_shared>>)
        %dma_wait3A_102 = arith.constant 3 : i32
        %dma_wait3A_103 = arith.constant 31 : i32
        %dma_wait3A_104 = arith.constant 3 : i32
        %dma_wait3A_105 = arith.constant 0 : i32
        %dma_wait3A_106 = arith.constant 0 : i32
        %dma_wait3A_107 = tpu.memref_slice %arg11[%dma_wait3A_102, %dma_wait3A_105, %dma_wait3A_106] : memref<4x128x128xbf16, #tpu.memory_space<vmem>> -> memref<1x128x128xbf16, #tpu.memory_space<vmem>>
        %dma_wait3A_108 = tpu.memref_squeeze %dma_wait3A_107 : memref<1x128x128xbf16, #tpu.memory_space<vmem>> -> memref<128x128xbf16, #tpu.memory_space<vmem>>
        %dma_wait3A_109 = arith.constant 0 : i32
        %dma_wait3A_110 = tpu.memref_slice %arg10[%dma_wait3A_103, %dma_wait3A_109] : memref<32x128xi32, #tpu.memory_space<vmem>> -> memref<1x128xi32, #tpu.memory_space<vmem>>
        %dma_wait3A_111 = tpu.memref_squeeze %dma_wait3A_110 : memref<1x128xi32, #tpu.memory_space<vmem>> -> memref<128xi32, #tpu.memory_space<vmem>>
        %dma_wait3A_112 = arith.constant 0 : i32
        %dma_wait3A_113 = arith.constant 0 : i32
        %dma_wait3A_114 = tpu.memref_slice %arg14[%dma_wait3A_112, %dma_wait3A_113] : memref<20096x128xbf16, #tpu.memory_space<vmem_shared>> -> memref<20096x128xbf16, #tpu.memory_space<vmem_shared>>
        %dma_wait3A_115 = tpu.memref_slice %arg13[%dma_wait3A_104] : memref<4x!tpu.dma_semaphore, #tpu.memory_space<semaphore_mem>> -> memref<1x!tpu.dma_semaphore, #tpu.memory_space<semaphore_mem>>
        %dma_wait3A_116 = tpu.memref_squeeze %dma_wait3A_115 : memref<1x!tpu.dma_semaphore, #tpu.memory_space<semaphore_mem>> -> memref<!tpu.dma_semaphore, #tpu.memory_space<semaphore_mem>>
        tpu.wait_indirect_dma semaphore(%dma_wait3A_116 : memref<!tpu.dma_semaphore, #tpu.memory_space<semaphore_mem>>) src(%dma_wait3A_108 : memref<128x128xbf16, #tpu.memory_space<vmem>>) dst(%dma_wait3A_114 : memref<20096x128xbf16, #tpu.memory_space<vmem_shared>>)
      }
      %scan3A_14 = arith.constant 5 : i32
      %barrier3A_15 = arith.constant 0 : index
      tpu.barrier barrier_id(%barrier3A_15)
      %mul3A_16 = arith.constant 1256 : i32
      %mul3A_17 = arith.muli %arg1, %mul3A_16 : i32
      %mul3A_18 = arith.constant 1256 : i32
      %mul3A_19 = arith.muli %arg1, %mul3A_18 : i32
      "tpu.region"() ({
        %run_scoped3A = tpu.sem_alloc : memref<!tpu.dma_semaphore, #tpu.memory_space<semaphore_mem>>
        %dma_start3A = arith.constant 0 : i32
        %dma_start3A_20 = tpu.memref_slice %arg8[%mul3A_19, %dma_start3A] : memref<20096x128xbf16, #tpu.memory_space<hbm>> -> memref<1256x128xbf16, #tpu.memory_space<hbm>>
        %dma_start3A_21 = arith.constant 0 : i32
        %dma_start3A_22 = tpu.memref_slice %arg14[%mul3A_17, %dma_start3A_21] : memref<20096x128xbf16, #tpu.memory_space<vmem_shared>> -> memref<1256x128xbf16, #tpu.memory_space<vmem_shared>>
        tpu.enqueue_dma source(%dma_start3A_22 : memref<1256x128xbf16, #tpu.memory_space<vmem_shared>>) target(%dma_start3A_20 : memref<1256x128xbf16, #tpu.memory_space<hbm>>) target_semaphore(%run_scoped3A : memref<!tpu.dma_semaphore, #tpu.memory_space<semaphore_mem>>)
        %dma_wait3A = arith.constant 0 : i32
        %dma_wait3A_23 = tpu.memref_slice %arg8[%mul3A_19, %dma_wait3A] : memref<20096x128xbf16, #tpu.memory_space<hbm>> -> memref<1256x128xbf16, #tpu.memory_space<hbm>>
        %dma_wait3A_24 = arith.constant 0 : i32
        %dma_wait3A_25 = tpu.memref_slice %arg14[%mul3A_17, %dma_wait3A_24] : memref<20096x128xbf16, #tpu.memory_space<vmem_shared>> -> memref<1256x128xbf16, #tpu.memory_space<vmem_shared>>
        tpu.wait_dma2 semaphore(%run_scoped3A : memref<!tpu.dma_semaphore, #tpu.memory_space<semaphore_mem>>) src(%dma_wait3A_25 : memref<1256x128xbf16, #tpu.memory_space<vmem_shared>>) dst(%dma_wait3A_23 : memref<1256x128xbf16, #tpu.memory_space<hbm>>)
        tpu.yield
      }) : () -> ()
    } else {
    }
    return
  }
}

module attributes {stable_mosaic.version = 14 : i64} {
  func.func @_mm1_body(%arg0: i32, %arg1: memref<2x1000x1xi32, #tpu.memory_space<vmem>>, %arg2: memref<1000x256xf32, #tpu.memory_space<vmem>>, %arg3: memref<256x256xf32, #tpu.memory_space<vmem>>, %arg4: memref<1000x64xf32, #tpu.memory_space<vmem>>, %arg5: memref<1000x64xf32, #tpu.memory_space<vmem>>, %arg6: memref<1000x64xf32, #tpu.memory_space<vmem>>, %arg7: memref<1000x64xf32, #tpu.memory_space<vmem>>, %arg8: memref<1000x128xbf16, #tpu.memory_space<vmem>>, %arg9: memref<1000x128xbf16, #tpu.memory_space<vmem>>) attributes {dimension_semantics = [#tpu.dimension_semantics<arbitrary>], iteration_bounds = array<i64: 20>, scalar_prefetch = 0 : i64, scratch_operands = 0 : i64, tpu.core_type = #tpu.core_type<tc>, window_params = [{transform_indices = @transform_0, window_bounds = array<i64: 2, 1000, 1>}, {transform_indices = @transform_1, window_bounds = array<i64: 1000, 256>}, {pipeline_mode = #tpu.pipeline_mode<synchronous>, transform_indices = @transform_2, window_bounds = array<i64: 256, 256>}, {transform_indices = @transform_3, window_bounds = array<i64: 1000, 64>}, {transform_indices = @transform_4, window_bounds = array<i64: 1000, 64>}, {transform_indices = @transform_5, window_bounds = array<i64: 1000, 64>}, {transform_indices = @transform_6, window_bounds = array<i64: 1000, 64>}, {transform_indices = @transform_7, window_bounds = array<i64: 1000, 128>}, {transform_indices = @transform_8, window_bounds = array<i64: 1000, 128>}]} {
    %get3A = arith.constant 0 : index
    %get3A_0 = arith.constant 0 : index
    %get3A_1 = arith.constant 0 : index
    %get3A_2 = vector.load %arg1[%get3A, %get3A_0, %get3A_1] : memref<2x1000x1xi32, #tpu.memory_space<vmem>>, vector<2x1000x1xi32>
    %slice3A = vector.extract_strided_slice %get3A_2 {offsets = [0, 0, 0], sizes = [1, 1000, 1], strides = [1, 1, 1]} : vector<2x1000x1xi32> to vector<1x1000x1xi32>
    %squeeze3A = vector.shape_cast %slice3A : vector<1x1000x1xi32> to vector<1000x1xi32>
    %slice3A_3 = vector.extract_strided_slice %get3A_2 {offsets = [1, 0, 0], sizes = [1, 1000, 1], strides = [1, 1, 1]} : vector<2x1000x1xi32> to vector<1x1000x1xi32>
    %squeeze3A_4 = vector.shape_cast %slice3A_3 : vector<1x1000x1xi32> to vector<1000x1xi32>
    %add3A = arith.addi %squeeze3A, %squeeze3A_4 : vector<1000x1xi32>
    %add3A_5 = arith.constant 1 : i32
    %add3A_6 = vector.broadcast %add3A_5 : i32 to vector<1000x1xi32>
    %add3A_7 = arith.addi %add3A, %add3A_6 : vector<1000x1xi32>
    %convert_element_type3A = arith.sitofp %add3A_7 : vector<1000x1xi32> to vector<1000x1xf32>
    %rsqrt3A = math.rsqrt %convert_element_type3A : vector<1000x1xf32>
    %get3A_8 = arith.constant 0 : index
    %get3A_9 = arith.constant 0 : index
    %get3A_10 = vector.load %arg2[%get3A_8, %get3A_9] : memref<1000x256xf32, #tpu.memory_space<vmem>>, vector<1000x256xf32>
    %get3A_11 = arith.constant 0 : index
    %get3A_12 = arith.constant 0 : index
    %get3A_13 = vector.load %arg3[%get3A_11, %get3A_12] : memref<256x256xf32, #tpu.memory_space<vmem>>, vector<256x256xf32>
    %dot_general3A = arith.constant dense<0.000000e+00> : vector<1000x256xf32>
    %dot_general3A_14 = tpu.matmul %get3A_10, %get3A_13, %dot_general3A {dimension_numbers = #tpu.dot_dimension_numbers<[1], [0], [0], [1], [0, 0, 1, 1], [], []>, transpose_lhs_hint = false} : vector<1000x256xf32>, vector<256x256xf32>, vector<1000x256xf32> -> vector<1000x256xf32>
    %mul3A = vector.broadcast %rsqrt3A : vector<1000x1xf32> to vector<1000x256xf32>
    %mul3A_15 = arith.mulf %dot_general3A_14, %mul3A : vector<1000x256xf32>
    %slice3A_16 = vector.extract_strided_slice %mul3A_15 {offsets = [0, 0], sizes = [1000, 64], strides = [1, 1]} : vector<1000x256xf32> to vector<1000x64xf32>
    %swap3A = arith.constant 0 : index
    %swap3A_17 = arith.constant 0 : index
    %swap3A_18 = vector.load %arg4[%swap3A, %swap3A_17] : memref<1000x64xf32, #tpu.memory_space<vmem>>, vector<1000x64xf32>
    tpu.vector_store %arg4[%swap3A, %swap3A_17], %slice3A_16 {strides = array<i32>} : memref<1000x64xf32, #tpu.memory_space<vmem>>, vector<1000x64xf32>,
    %slice3A_19 = vector.extract_strided_slice %mul3A_15 {offsets = [0, 64], sizes = [1000, 64], strides = [1, 1]} : vector<1000x256xf32> to vector<1000x64xf32>
    %swap3A_20 = arith.constant 0 : index
    %swap3A_21 = arith.constant 0 : index
    %swap3A_22 = vector.load %arg5[%swap3A_20, %swap3A_21] : memref<1000x64xf32, #tpu.memory_space<vmem>>, vector<1000x64xf32>
    tpu.vector_store %arg5[%swap3A_20, %swap3A_21], %slice3A_19 {strides = array<i32>} : memref<1000x64xf32, #tpu.memory_space<vmem>>, vector<1000x64xf32>,
    %slice3A_23 = vector.extract_strided_slice %mul3A_15 {offsets = [0, 128], sizes = [1000, 64], strides = [1, 1]} : vector<1000x256xf32> to vector<1000x64xf32>
    %swap3A_24 = arith.constant 0 : index
    %swap3A_25 = arith.constant 0 : index
    %swap3A_26 = vector.load %arg6[%swap3A_24, %swap3A_25] : memref<1000x64xf32, #tpu.memory_space<vmem>>, vector<1000x64xf32>
    tpu.vector_store %arg6[%swap3A_24, %swap3A_25], %slice3A_23 {strides = array<i32>} : memref<1000x64xf32, #tpu.memory_space<vmem>>, vector<1000x64xf32>,
    %slice3A_27 = vector.extract_strided_slice %mul3A_15 {offsets = [0, 192], sizes = [1000, 64], strides = [1, 1]} : vector<1000x256xf32> to vector<1000x64xf32>
    %swap3A_28 = arith.constant 0 : index
    %swap3A_29 = arith.constant 0 : index
    %swap3A_30 = vector.load %arg7[%swap3A_28, %swap3A_29] : memref<1000x64xf32, #tpu.memory_space<vmem>>, vector<1000x64xf32>
    tpu.vector_store %arg7[%swap3A_28, %swap3A_29], %slice3A_27 {strides = array<i32>} : memref<1000x64xf32, #tpu.memory_space<vmem>>, vector<1000x64xf32>,
    %slice3A_31 = vector.extract_strided_slice %mul3A_15 {offsets = [0, 0], sizes = [1000, 128], strides = [1, 1]} : vector<1000x256xf32> to vector<1000x128xf32>
    %convert_element_type3A_32 = arith.truncf %slice3A_31 : vector<1000x128xf32> to vector<1000x128xbf16>
    %swap3A_33 = arith.constant 0 : index
    %swap3A_34 = arith.constant 0 : index
    %swap3A_35 = vector.load %arg8[%swap3A_33, %swap3A_34] : memref<1000x128xbf16, #tpu.memory_space<vmem>>, vector<1000x128xbf16>
    tpu.vector_store %arg8[%swap3A_33, %swap3A_34], %convert_element_type3A_32 {strides = array<i32>} : memref<1000x128xbf16, #tpu.memory_space<vmem>>, vector<1000x128xbf16>,
    %slice3A_36 = vector.extract_strided_slice %mul3A_15 {offsets = [0, 128], sizes = [1000, 128], strides = [1, 1]} : vector<1000x256xf32> to vector<1000x128xf32>
    %convert_element_type3A_37 = arith.truncf %slice3A_36 : vector<1000x128xf32> to vector<1000x128xbf16>
    %swap3A_38 = arith.constant 0 : index
    %swap3A_39 = arith.constant 0 : index
    %swap3A_40 = vector.load %arg9[%swap3A_38, %swap3A_39] : memref<1000x128xbf16, #tpu.memory_space<vmem>>, vector<1000x128xbf16>
    tpu.vector_store %arg9[%swap3A_38, %swap3A_39], %convert_element_type3A_37 {strides = array<i32>} : memref<1000x128xbf16, #tpu.memory_space<vmem>>, vector<1000x128xbf16>,
    return
  }
  func.func @transform_0(%arg0: i32) -> (i32, i32, i32) {
    %c0_i32 = arith.constant 0 : i32
    %c0_i32_0 = arith.constant 0 : i32
    %c0_i32_1 = arith.constant 0 : i32
    return %c0_i32, %arg0, %c0_i32_0 : i32, i32, i32
  }
  func.func @transform_1(%arg0: i32) -> (i32, i32) {
    %c0_i32 = arith.constant 0 : i32
    %c0_i32_0 = arith.constant 0 : i32
    return %arg0, %c0_i32 : i32, i32
  }
  func.func @transform_2(%arg0: i32) -> (i32, i32) {
    %c0_i32 = arith.constant 0 : i32
    %c0_i32_0 = arith.constant 0 : i32
    %c0_i32_1 = arith.constant 0 : i32
    return %c0_i32, %c0_i32_0 : i32, i32
  }
  func.func @transform_3(%arg0: i32) -> (i32, i32) {
    %c0_i32 = arith.constant 0 : i32
    %c0_i32_0 = arith.constant 0 : i32
    return %arg0, %c0_i32 : i32, i32
  }
  func.func @transform_4(%arg0: i32) -> (i32, i32) {
    %c0_i32 = arith.constant 0 : i32
    %c0_i32_0 = arith.constant 0 : i32
    return %arg0, %c0_i32 : i32, i32
  }
  func.func @transform_5(%arg0: i32) -> (i32, i32) {
    %c0_i32 = arith.constant 0 : i32
    %c0_i32_0 = arith.constant 0 : i32
    return %arg0, %c0_i32 : i32, i32
  }
  func.func @transform_6(%arg0: i32) -> (i32, i32) {
    %c0_i32 = arith.constant 0 : i32
    %c0_i32_0 = arith.constant 0 : i32
    return %arg0, %c0_i32 : i32, i32
  }
  func.func @transform_7(%arg0: i32) -> (i32, i32) {
    %c0_i32 = arith.constant 0 : i32
    %c0_i32_0 = arith.constant 0 : i32
    return %arg0, %c0_i32 : i32, i32
  }
  func.func @transform_8(%arg0: i32) -> (i32, i32) {
    %c0_i32 = arith.constant 0 : i32
    %c0_i32_0 = arith.constant 0 : i32
    return %arg0, %c0_i32 : i32, i32
  }
}

module attributes {stable_mosaic.version = 14 : i64} {
  func.func @_mid_body(%arg0: i32, %arg1: memref<2x1000x1xi32, #tpu.memory_space<vmem>>, %arg2: memref<1000x128xbf16, #tpu.memory_space<vmem>>, %arg3: memref<1000x128xbf16, #tpu.memory_space<vmem>>, %arg4: memref<1000x64xf32, #tpu.memory_space<vmem>>, %arg5: memref<1000x64xf32, #tpu.memory_space<vmem>>, %arg6: memref<1000x64xf32, #tpu.memory_space<vmem>>, %arg7: memref<1000x64xf32, #tpu.memory_space<vmem>>, %arg8: memref<1x256xf32, #tpu.memory_space<vmem>>, %arg9: memref<256x256xf32, #tpu.memory_space<vmem>>, %arg10: memref<1000x64xf32, #tpu.memory_space<vmem>>, %arg11: memref<1000x64xf32, #tpu.memory_space<vmem>>, %arg12: memref<1000x64xf32, #tpu.memory_space<vmem>>, %arg13: memref<1000x64xf32, #tpu.memory_space<vmem>>, %arg14: memref<1000x128xbf16, #tpu.memory_space<vmem>>, %arg15: memref<1000x128xbf16, #tpu.memory_space<vmem>>) attributes {dimension_semantics = [#tpu.dimension_semantics<arbitrary>], iteration_bounds = array<i64: 20>, scalar_prefetch = 0 : i64, scratch_operands = 0 : i64, tpu.core_type = #tpu.core_type<tc>, window_params = [{transform_indices = @transform_0, window_bounds = array<i64: 2, 1000, 1>}, {transform_indices = @transform_1, window_bounds = array<i64: 1000, 128>}, {transform_indices = @transform_2, window_bounds = array<i64: 1000, 128>}, {transform_indices = @transform_3, window_bounds = array<i64: 1000, 64>}, {transform_indices = @transform_4, window_bounds = array<i64: 1000, 64>}, {transform_indices = @transform_5, window_bounds = array<i64: 1000, 64>}, {transform_indices = @transform_6, window_bounds = array<i64: 1000, 64>}, {pipeline_mode = #tpu.pipeline_mode<synchronous>, transform_indices = @transform_7, window_bounds = array<i64: 1, 256>}, {pipeline_mode = #tpu.pipeline_mode<synchronous>, transform_indices = @transform_8, window_bounds = array<i64: 256, 256>}, {transform_indices = @transform_9, window_bounds = array<i64: 1000, 64>}, {transform_indices = @transform_10, window_bounds = array<i64: 1000, 64>}, {transform_indices = @transform_11, window_bounds = array<i64: 1000, 64>}, {transform_indices = @transform_12, window_bounds = array<i64: 1000, 64>}, {transform_indices = @transform_13, window_bounds = array<i64: 1000, 128>}, {transform_indices = @transform_14, window_bounds = array<i64: 1000, 128>}]} {
    %get3A = arith.constant 0 : index
    %get3A_0 = arith.constant 0 : index
    %get3A_1 = arith.constant 0 : index
    %get3A_2 = vector.load %arg1[%get3A, %get3A_0, %get3A_1] : memref<2x1000x1xi32, #tpu.memory_space<vmem>>, vector<2x1000x1xi32>
    %slice3A = vector.extract_strided_slice %get3A_2 {offsets = [0, 0, 0], sizes = [1, 1000, 1], strides = [1, 1, 1]} : vector<2x1000x1xi32> to vector<1x1000x1xi32>
    %squeeze3A = vector.shape_cast %slice3A : vector<1x1000x1xi32> to vector<1000x1xi32>
    %slice3A_3 = vector.extract_strided_slice %get3A_2 {offsets = [1, 0, 0], sizes = [1, 1000, 1], strides = [1, 1, 1]} : vector<2x1000x1xi32> to vector<1x1000x1xi32>
    %squeeze3A_4 = vector.shape_cast %slice3A_3 : vector<1x1000x1xi32> to vector<1000x1xi32>
    %add3A = arith.addi %squeeze3A, %squeeze3A_4 : vector<1000x1xi32>
    %add3A_5 = arith.constant 1 : i32
    %add3A_6 = vector.broadcast %add3A_5 : i32 to vector<1000x1xi32>
    %add3A_7 = arith.addi %add3A, %add3A_6 : vector<1000x1xi32>
    %convert_element_type3A = arith.sitofp %add3A_7 : vector<1000x1xi32> to vector<1000x1xf32>
    %rsqrt3A = math.rsqrt %convert_element_type3A : vector<1000x1xf32>
    %get3A_8 = arith.constant 0 : index
    %get3A_9 = arith.constant 0 : index
    %get3A_10 = vector.load %arg2[%get3A_8, %get3A_9] : memref<1000x128xbf16, #tpu.memory_space<vmem>>, vector<1000x128xbf16>
    %convert_element_type3A_11 = arith.extf %get3A_10 : vector<1000x128xbf16> to vector<1000x128xf32>
    %get3A_12 = arith.constant 0 : index
    %get3A_13 = arith.constant 0 : index
    %get3A_14 = vector.load %arg3[%get3A_12, %get3A_13] : memref<1000x128xbf16, #tpu.memory_space<vmem>>, vector<1000x128xbf16>
    %convert_element_type3A_15 = arith.extf %get3A_14 : vector<1000x128xbf16> to vector<1000x128xf32>
    %concatenate3A = tpu.concatenate %convert_element_type3A_11, %convert_element_type3A_15 in 1 : vector<1000x128xf32>, vector<1000x128xf32> -> vector<1000x256xf32>
    %get3A_16 = arith.constant 0 : index
    %get3A_17 = arith.constant 0 : index
    %get3A_18 = vector.load %arg4[%get3A_16, %get3A_17] : memref<1000x64xf32, #tpu.memory_space<vmem>>, vector<1000x64xf32>
    %get3A_19 = arith.constant 0 : index
    %get3A_20 = arith.constant 0 : index
    %get3A_21 = vector.load %arg5[%get3A_19, %get3A_20] : memref<1000x64xf32, #tpu.memory_space<vmem>>, vector<1000x64xf32>
    %get3A_22 = arith.constant 0 : index
    %get3A_23 = arith.constant 0 : index
    %get3A_24 = vector.load %arg6[%get3A_22, %get3A_23] : memref<1000x64xf32, #tpu.memory_space<vmem>>, vector<1000x64xf32>
    %get3A_25 = arith.constant 0 : index
    %get3A_26 = arith.constant 0 : index
    %get3A_27 = vector.load %arg7[%get3A_25, %get3A_26] : memref<1000x64xf32, #tpu.memory_space<vmem>>, vector<1000x64xf32>
    %concatenate3A_28 = tpu.concatenate %get3A_18, %get3A_21, %get3A_24, %get3A_27 in 1 : vector<1000x64xf32>, vector<1000x64xf32>, vector<1000x64xf32>, vector<1000x64xf32> -> vector<1000x256xf32>
    %add3A_29 = arith.addf %concatenate3A, %concatenate3A_28 : vector<1000x256xf32>
    %mul3A = vector.broadcast %rsqrt3A : vector<1000x1xf32> to vector<1000x256xf32>
    %mul3A_30 = arith.mulf %add3A_29, %mul3A : vector<1000x256xf32>
    %get3A_31 = arith.constant 0 : index
    %get3A_32 = arith.constant 0 : index
    %get3A_33 = vector.load %arg8[%get3A_31, %get3A_32] : memref<1x256xf32, #tpu.memory_space<vmem>>, vector<1x256xf32>
    %add3A_34 = vector.broadcast %get3A_33 : vector<1x256xf32> to vector<1000x256xf32>
    %add3A_35 = arith.addf %mul3A_30, %add3A_34 : vector<1000x256xf32>
    %max3A = arith.constant 0.000000e+00 : f32
    %max3A_36 = vector.broadcast %max3A : f32 to vector<1000x256xf32>
    %max3A_37 = arith.maximumf %add3A_35, %max3A_36 : vector<1000x256xf32>
    %get3A_38 = arith.constant 0 : index
    %get3A_39 = arith.constant 0 : index
    %get3A_40 = vector.load %arg9[%get3A_38, %get3A_39] : memref<256x256xf32, #tpu.memory_space<vmem>>, vector<256x256xf32>
    %dot_general3A = arith.constant dense<0.000000e+00> : vector<1000x256xf32>
    %dot_general3A_41 = tpu.matmul %max3A_37, %get3A_40, %dot_general3A {dimension_numbers = #tpu.dot_dimension_numbers<[1], [0], [0], [1], [0, 0, 1, 1], [], []>, transpose_lhs_hint = false} : vector<1000x256xf32>, vector<256x256xf32>, vector<1000x256xf32> -> vector<1000x256xf32>
    %mul3A_42 = vector.broadcast %rsqrt3A : vector<1000x1xf32> to vector<1000x256xf32>
    %mul3A_43 = arith.mulf %dot_general3A_41, %mul3A_42 : vector<1000x256xf32>
    %slice3A_44 = vector.extract_strided_slice %mul3A_43 {offsets = [0, 0], sizes = [1000, 64], strides = [1, 1]} : vector<1000x256xf32> to vector<1000x64xf32>
    %swap3A = arith.constant 0 : index
    %swap3A_45 = arith.constant 0 : index
    %swap3A_46 = vector.load %arg10[%swap3A, %swap3A_45] : memref<1000x64xf32, #tpu.memory_space<vmem>>, vector<1000x64xf32>
    tpu.vector_store %arg10[%swap3A, %swap3A_45], %slice3A_44 {strides = array<i32>} : memref<1000x64xf32, #tpu.memory_space<vmem>>, vector<1000x64xf32>,
    %slice3A_47 = vector.extract_strided_slice %mul3A_43 {offsets = [0, 64], sizes = [1000, 64], strides = [1, 1]} : vector<1000x256xf32> to vector<1000x64xf32>
    %swap3A_48 = arith.constant 0 : index
    %swap3A_49 = arith.constant 0 : index
    %swap3A_50 = vector.load %arg11[%swap3A_48, %swap3A_49] : memref<1000x64xf32, #tpu.memory_space<vmem>>, vector<1000x64xf32>
    tpu.vector_store %arg11[%swap3A_48, %swap3A_49], %slice3A_47 {strides = array<i32>} : memref<1000x64xf32, #tpu.memory_space<vmem>>, vector<1000x64xf32>,
    %slice3A_51 = vector.extract_strided_slice %mul3A_43 {offsets = [0, 128], sizes = [1000, 64], strides = [1, 1]} : vector<1000x256xf32> to vector<1000x64xf32>
    %swap3A_52 = arith.constant 0 : index
    %swap3A_53 = arith.constant 0 : index
    %swap3A_54 = vector.load %arg12[%swap3A_52, %swap3A_53] : memref<1000x64xf32, #tpu.memory_space<vmem>>, vector<1000x64xf32>
    tpu.vector_store %arg12[%swap3A_52, %swap3A_53], %slice3A_51 {strides = array<i32>} : memref<1000x64xf32, #tpu.memory_space<vmem>>, vector<1000x64xf32>,
    %slice3A_55 = vector.extract_strided_slice %mul3A_43 {offsets = [0, 192], sizes = [1000, 64], strides = [1, 1]} : vector<1000x256xf32> to vector<1000x64xf32>
    %swap3A_56 = arith.constant 0 : index
    %swap3A_57 = arith.constant 0 : index
    %swap3A_58 = vector.load %arg13[%swap3A_56, %swap3A_57] : memref<1000x64xf32, #tpu.memory_space<vmem>>, vector<1000x64xf32>
    tpu.vector_store %arg13[%swap3A_56, %swap3A_57], %slice3A_55 {strides = array<i32>} : memref<1000x64xf32, #tpu.memory_space<vmem>>, vector<1000x64xf32>,
    %slice3A_59 = vector.extract_strided_slice %mul3A_43 {offsets = [0, 0], sizes = [1000, 128], strides = [1, 1]} : vector<1000x256xf32> to vector<1000x128xf32>
    %convert_element_type3A_60 = arith.truncf %slice3A_59 : vector<1000x128xf32> to vector<1000x128xbf16>
    %swap3A_61 = arith.constant 0 : index
    %swap3A_62 = arith.constant 0 : index
    %swap3A_63 = vector.load %arg14[%swap3A_61, %swap3A_62] : memref<1000x128xbf16, #tpu.memory_space<vmem>>, vector<1000x128xbf16>
    tpu.vector_store %arg14[%swap3A_61, %swap3A_62], %convert_element_type3A_60 {strides = array<i32>} : memref<1000x128xbf16, #tpu.memory_space<vmem>>, vector<1000x128xbf16>,
    %slice3A_64 = vector.extract_strided_slice %mul3A_43 {offsets = [0, 128], sizes = [1000, 128], strides = [1, 1]} : vector<1000x256xf32> to vector<1000x128xf32>
    %convert_element_type3A_65 = arith.truncf %slice3A_64 : vector<1000x128xf32> to vector<1000x128xbf16>
    %swap3A_66 = arith.constant 0 : index
    %swap3A_67 = arith.constant 0 : index
    %swap3A_68 = vector.load %arg15[%swap3A_66, %swap3A_67] : memref<1000x128xbf16, #tpu.memory_space<vmem>>, vector<1000x128xbf16>
    tpu.vector_store %arg15[%swap3A_66, %swap3A_67], %convert_element_type3A_65 {strides = array<i32>} : memref<1000x128xbf16, #tpu.memory_space<vmem>>, vector<1000x128xbf16>,
    return
  }
  func.func @transform_0(%arg0: i32) -> (i32, i32, i32) {
    %c0_i32 = arith.constant 0 : i32
    %c0_i32_0 = arith.constant 0 : i32
    %c0_i32_1 = arith.constant 0 : i32
    return %c0_i32, %arg0, %c0_i32_0 : i32, i32, i32
  }
  func.func @transform_1(%arg0: i32) -> (i32, i32) {
    %c0_i32 = arith.constant 0 : i32
    %c0_i32_0 = arith.constant 0 : i32
    return %arg0, %c0_i32 : i32, i32
  }
  func.func @transform_2(%arg0: i32) -> (i32, i32) {
    %c0_i32 = arith.constant 0 : i32
    %c0_i32_0 = arith.constant 0 : i32
    return %arg0, %c0_i32 : i32, i32
  }
  func.func @transform_3(%arg0: i32) -> (i32, i32) {
    %c0_i32 = arith.constant 0 : i32
    %c0_i32_0 = arith.constant 0 : i32
    return %arg0, %c0_i32 : i32, i32
  }
  func.func @transform_4(%arg0: i32) -> (i32, i32) {
    %c0_i32 = arith.constant 0 : i32
    %c0_i32_0 = arith.constant 0 : i32
    return %arg0, %c0_i32 : i32, i32
  }
  func.func @transform_5(%arg0: i32) -> (i32, i32) {
    %c0_i32 = arith.constant 0 : i32
    %c0_i32_0 = arith.constant 0 : i32
    return %arg0, %c0_i32 : i32, i32
  }
  func.func @transform_6(%arg0: i32) -> (i32, i32) {
    %c0_i32 = arith.constant 0 : i32
    %c0_i32_0 = arith.constant 0 : i32
    return %arg0, %c0_i32 : i32, i32
  }
  func.func @transform_7(%arg0: i32) -> (i32, i32) {
    %c0_i32 = arith.constant 0 : i32
    %c0_i32_0 = arith.constant 0 : i32
    %c0_i32_1 = arith.constant 0 : i32
    return %c0_i32, %c0_i32_0 : i32, i32
  }
  func.func @transform_8(%arg0: i32) -> (i32, i32) {
    %c0_i32 = arith.constant 0 : i32
    %c0_i32_0 = arith.constant 0 : i32
    %c0_i32_1 = arith.constant 0 : i32
    return %c0_i32, %c0_i32_0 : i32, i32
  }
  func.func @transform_9(%arg0: i32) -> (i32, i32) {
    %c0_i32 = arith.constant 0 : i32
    %c0_i32_0 = arith.constant 0 : i32
    return %arg0, %c0_i32 : i32, i32
  }
  func.func @transform_10(%arg0: i32) -> (i32, i32) {
    %c0_i32 = arith.constant 0 : i32
    %c0_i32_0 = arith.constant 0 : i32
    return %arg0, %c0_i32 : i32, i32
  }
  func.func @transform_11(%arg0: i32) -> (i32, i32) {
    %c0_i32 = arith.constant 0 : i32
    %c0_i32_0 = arith.constant 0 : i32
    return %arg0, %c0_i32 : i32, i32
  }
  func.func @transform_12(%arg0: i32) -> (i32, i32) {
    %c0_i32 = arith.constant 0 : i32
    %c0_i32_0 = arith.constant 0 : i32
    return %arg0, %c0_i32 : i32, i32
  }
  func.func @transform_13(%arg0: i32) -> (i32, i32) {
    %c0_i32 = arith.constant 0 : i32
    %c0_i32_0 = arith.constant 0 : i32
    return %arg0, %c0_i32 : i32, i32
  }
  func.func @transform_14(%arg0: i32) -> (i32, i32) {
    %c0_i32 = arith.constant 0 : i32
    %c0_i32_0 = arith.constant 0 : i32
    return %arg0, %c0_i32 : i32, i32
  }
}

module attributes {stable_mosaic.version = 14 : i64} {
  func.func @_tail_body(%arg0: i32, %arg1: memref<2x1000x1xi32, #tpu.memory_space<vmem>>, %arg2: memref<1000x128xbf16, #tpu.memory_space<vmem>>, %arg3: memref<1000x128xbf16, #tpu.memory_space<vmem>>, %arg4: memref<1000x64xf32, #tpu.memory_space<vmem>>, %arg5: memref<1000x64xf32, #tpu.memory_space<vmem>>, %arg6: memref<1000x64xf32, #tpu.memory_space<vmem>>, %arg7: memref<1000x64xf32, #tpu.memory_space<vmem>>, %arg8: memref<1x256xf32, #tpu.memory_space<vmem>>, %arg9: memref<256x256xf32, #tpu.memory_space<vmem>>, %arg10: memref<1x256xf32, #tpu.memory_space<vmem>>, %arg11: memref<1x256xf32, #tpu.memory_space<vmem>>) attributes {dimension_semantics = [#tpu.dimension_semantics<arbitrary>], iteration_bounds = array<i64: 20>, scalar_prefetch = 0 : i64, scratch_operands = 2 : i64, tpu.core_type = #tpu.core_type<tc>, window_params = [{transform_indices = @transform_0, window_bounds = array<i64: 2, 1000, 1>}, {transform_indices = @transform_1, window_bounds = array<i64: 1000, 128>}, {transform_indices = @transform_2, window_bounds = array<i64: 1000, 128>}, {transform_indices = @transform_3, window_bounds = array<i64: 1000, 64>}, {transform_indices = @transform_4, window_bounds = array<i64: 1000, 64>}, {transform_indices = @transform_5, window_bounds = array<i64: 1000, 64>}, {transform_indices = @transform_6, window_bounds = array<i64: 1000, 64>}, {pipeline_mode = #tpu.pipeline_mode<synchronous>, transform_indices = @transform_7, window_bounds = array<i64: 1, 256>}, {pipeline_mode = #tpu.pipeline_mode<synchronous>, transform_indices = @transform_8, window_bounds = array<i64: 256, 256>}]} {
    %get3A = arith.constant 0 : index
    %get3A_0 = arith.constant 0 : index
    %get3A_1 = arith.constant 0 : index
    %get3A_2 = vector.load %arg1[%get3A, %get3A_0, %get3A_1] : memref<2x1000x1xi32, #tpu.memory_space<vmem>>, vector<2x1000x1xi32>
    %slice3A = vector.extract_strided_slice %get3A_2 {offsets = [0, 0, 0], sizes = [1, 1000, 1], strides = [1, 1, 1]} : vector<2x1000x1xi32> to vector<1x1000x1xi32>
    %squeeze3A = vector.shape_cast %slice3A : vector<1x1000x1xi32> to vector<1000x1xi32>
    %slice3A_3 = vector.extract_strided_slice %get3A_2 {offsets = [1, 0, 0], sizes = [1, 1000, 1], strides = [1, 1, 1]} : vector<2x1000x1xi32> to vector<1x1000x1xi32>
    %squeeze3A_4 = vector.shape_cast %slice3A_3 : vector<1x1000x1xi32> to vector<1000x1xi32>
    %add3A = arith.addi %squeeze3A, %squeeze3A_4 : vector<1000x1xi32>
    %add3A_5 = arith.constant 1 : i32
    %add3A_6 = vector.broadcast %add3A_5 : i32 to vector<1000x1xi32>
    %add3A_7 = arith.addi %add3A, %add3A_6 : vector<1000x1xi32>
    %convert_element_type3A = arith.sitofp %add3A_7 : vector<1000x1xi32> to vector<1000x1xf32>
    %rsqrt3A = math.rsqrt %convert_element_type3A : vector<1000x1xf32>
    %get3A_8 = arith.constant 0 : index
    %get3A_9 = arith.constant 0 : index
    %get3A_10 = vector.load %arg2[%get3A_8, %get3A_9] : memref<1000x128xbf16, #tpu.memory_space<vmem>>, vector<1000x128xbf16>
    %convert_element_type3A_11 = arith.extf %get3A_10 : vector<1000x128xbf16> to vector<1000x128xf32>
    %get3A_12 = arith.constant 0 : index
    %get3A_13 = arith.constant 0 : index
    %get3A_14 = vector.load %arg3[%get3A_12, %get3A_13] : memref<1000x128xbf16, #tpu.memory_space<vmem>>, vector<1000x128xbf16>
    %convert_element_type3A_15 = arith.extf %get3A_14 : vector<1000x128xbf16> to vector<1000x128xf32>
    %concatenate3A = tpu.concatenate %convert_element_type3A_11, %convert_element_type3A_15 in 1 : vector<1000x128xf32>, vector<1000x128xf32> -> vector<1000x256xf32>
    %get3A_16 = arith.constant 0 : index
    %get3A_17 = arith.constant 0 : index
    %get3A_18 = vector.load %arg4[%get3A_16, %get3A_17] : memref<1000x64xf32, #tpu.memory_space<vmem>>, vector<1000x64xf32>
    %get3A_19 = arith.constant 0 : index
    %get3A_20 = arith.constant 0 : index
    %get3A_21 = vector.load %arg5[%get3A_19, %get3A_20] : memref<1000x64xf32, #tpu.memory_space<vmem>>, vector<1000x64xf32>
    %get3A_22 = arith.constant 0 : index
    %get3A_23 = arith.constant 0 : index
    %get3A_24 = vector.load %arg6[%get3A_22, %get3A_23] : memref<1000x64xf32, #tpu.memory_space<vmem>>, vector<1000x64xf32>
    %get3A_25 = arith.constant 0 : index
    %get3A_26 = arith.constant 0 : index
    %get3A_27 = vector.load %arg7[%get3A_25, %get3A_26] : memref<1000x64xf32, #tpu.memory_space<vmem>>, vector<1000x64xf32>
    %concatenate3A_28 = tpu.concatenate %get3A_18, %get3A_21, %get3A_24, %get3A_27 in 1 : vector<1000x64xf32>, vector<1000x64xf32>, vector<1000x64xf32>, vector<1000x64xf32> -> vector<1000x256xf32>
    %add3A_29 = arith.addf %concatenate3A, %concatenate3A_28 : vector<1000x256xf32>
    %mul3A = vector.broadcast %rsqrt3A : vector<1000x1xf32> to vector<1000x256xf32>
    %mul3A_30 = arith.mulf %add3A_29, %mul3A : vector<1000x256xf32>
    %get3A_31 = arith.constant 0 : index
    %get3A_32 = arith.constant 0 : index
    %get3A_33 = vector.load %arg8[%get3A_31, %get3A_32] : memref<1x256xf32, #tpu.memory_space<vmem>>, vector<1x256xf32>
    %add3A_34 = vector.broadcast %get3A_33 : vector<1x256xf32> to vector<1000x256xf32>
    %add3A_35 = arith.addf %mul3A_30, %add3A_34 : vector<1000x256xf32>
    %max3A = arith.constant 0.000000e+00 : f32
    %max3A_36 = vector.broadcast %max3A : f32 to vector<1000x256xf32>
    %max3A_37 = arith.maximumf %add3A_35, %max3A_36 : vector<1000x256xf32>
    %reduce_sum3A = arith.constant dense<0.000000e+00> : vector<256xf32>
    %reduce_sum3A_38 = vector.multi_reduction <add>, %max3A_37, %reduce_sum3A [0] : vector<1000x256xf32> to vector<256xf32>
    %broadcast_in_dim3A = vector.shape_cast %reduce_sum3A_38 : vector<256xf32> to vector<1x256xf32>
    %eq3A = arith.constant 0 : i32
    %eq3A_39 = arith.cmpi eq, %arg0, %eq3A : i32
    %convert_element_type3A_40 = arith.extui %eq3A_39 : i1 to i32
    %cond3A = arith.constant 0 : i32
    %cond3A_41 = arith.cmpi ne, %convert_element_type3A_40, %cond3A : i32
    scf.if %cond3A_41 {
      %broadcast_in_dim3A_55 = arith.constant 0.000000e+00 : f32
      %broadcast_in_dim3A_56 = vector.broadcast %broadcast_in_dim3A_55 : f32 to vector<1x256xf32>
      %swap3A = arith.constant 0 : index
      %swap3A_57 = arith.constant 0 : index
      %swap3A_58 = vector.load %arg10[%swap3A, %swap3A_57] : memref<1x256xf32, #tpu.memory_space<vmem>>, vector<1x256xf32>
      tpu.vector_store %arg10[%swap3A, %swap3A_57], %broadcast_in_dim3A_56 {strides = array<i32>} : memref<1x256xf32, #tpu.memory_space<vmem>>, vector<1x256xf32>,
      %broadcast_in_dim3A_59 = arith.constant 0.000000e+00 : f32
      %broadcast_in_dim3A_60 = vector.broadcast %broadcast_in_dim3A_59 : f32 to vector<1x256xf32>
      %swap3A_61 = arith.constant 0 : index
      %swap3A_62 = arith.constant 0 : index
      %swap3A_63 = vector.load %arg11[%swap3A_61, %swap3A_62] : memref<1x256xf32, #tpu.memory_space<vmem>>, vector<1x256xf32>
      tpu.vector_store %arg11[%swap3A_61, %swap3A_62], %broadcast_in_dim3A_60 {strides = array<i32>} : memref<1x256xf32, #tpu.memory_space<vmem>>, vector<1x256xf32>,
    } else {
    }
    %lt3A = arith.constant 10 : i32
    %lt3A_42 = arith.cmpi slt, %arg0, %lt3A : i32
    %convert_element_type3A_43 = arith.extui %lt3A_42 : i1 to i32
    %cond3A_44 = arith.constant 0 : i32
    %cond3A_45 = arith.cmpi ne, %convert_element_type3A_43, %cond3A_44 : i32
    scf.if %cond3A_45 {
      %get3A_55 = arith.constant 0 : index
      %get3A_56 = arith.constant 0 : index
      %get3A_57 = vector.load %arg10[%get3A_55, %get3A_56] : memref<1x256xf32, #tpu.memory_space<vmem>>, vector<1x256xf32>
      %add3A_58 = arith.addf %get3A_57, %broadcast_in_dim3A : vector<1x256xf32>
      %swap3A = arith.constant 0 : index
      %swap3A_59 = arith.constant 0 : index
      %swap3A_60 = vector.load %arg10[%swap3A, %swap3A_59] : memref<1x256xf32, #tpu.memory_space<vmem>>, vector<1x256xf32>
      tpu.vector_store %arg10[%swap3A, %swap3A_59], %add3A_58 {strides = array<i32>} : memref<1x256xf32, #tpu.memory_space<vmem>>, vector<1x256xf32>,
    } else {
    }
    %ge3A = arith.constant 10 : i32
    %ge3A_46 = arith.cmpi sge, %arg0, %ge3A : i32
    %convert_element_type3A_47 = arith.extui %ge3A_46 : i1 to i32
    %cond3A_48 = arith.constant 0 : i32
    %cond3A_49 = arith.cmpi ne, %convert_element_type3A_47, %cond3A_48 : i32
    scf.if %cond3A_49 {
      %get3A_55 = arith.constant 0 : index
      %get3A_56 = arith.constant 0 : index
      %get3A_57 = vector.load %arg11[%get3A_55, %get3A_56] : memref<1x256xf32, #tpu.memory_space<vmem>>, vector<1x256xf32>
      %add3A_58 = arith.addf %get3A_57, %broadcast_in_dim3A : vector<1x256xf32>
      %swap3A = arith.constant 0 : index
      %swap3A_59 = arith.constant 0 : index
      %swap3A_60 = vector.load %arg11[%swap3A, %swap3A_59] : memref<1x256xf32, #tpu.memory_space<vmem>>, vector<1x256xf32>
      tpu.vector_store %arg11[%swap3A, %swap3A_59], %add3A_58 {strides = array<i32>} : memref<1x256xf32, #tpu.memory_space<vmem>>, vector<1x256xf32>,
    } else {
    }
    %eq3A_50 = arith.constant 19 : i32
    %eq3A_51 = arith.cmpi eq, %arg0, %eq3A_50 : i32
    %convert_element_type3A_52 = arith.extui %eq3A_51 : i1 to i32
    %cond3A_53 = arith.constant 0 : i32
    %cond3A_54 = arith.cmpi ne, %convert_element_type3A_52, %cond3A_53 : i32
    scf.if %cond3A_54 {
      %get3A_55 = arith.constant 0 : index
      %get3A_56 = arith.constant 0 : index
      %get3A_57 = vector.load %arg10[%get3A_55, %get3A_56] : memref<1x256xf32, #tpu.memory_space<vmem>>, vector<1x256xf32>
      %mul3A_58 = arith.constant 9.99999974E-5 : f32
      %mul3A_59 = vector.broadcast %mul3A_58 : f32 to vector<1x256xf32>
      %mul3A_60 = arith.mulf %get3A_57, %mul3A_59 : vector<1x256xf32>
      %get3A_61 = arith.constant 0 : index
      %get3A_62 = arith.constant 0 : index
      %get3A_63 = vector.load %arg11[%get3A_61, %get3A_62] : memref<1x256xf32, #tpu.memory_space<vmem>>, vector<1x256xf32>
      %mul3A_64 = arith.constant 9.99999974E-5 : f32
      %mul3A_65 = vector.broadcast %mul3A_64 : f32 to vector<1x256xf32>
      %mul3A_66 = arith.mulf %get3A_63, %mul3A_65 : vector<1x256xf32>
      %transpose3A = tpu.transpose %mul3A_60, [1, 0] : vector<1x256xf32> -> vector<256x1xf32>
      %mul3A_67 = vector.broadcast %transpose3A : vector<256x1xf32> to vector<256x256xf32>
      %mul3A_68 = vector.broadcast %mul3A_66 : vector<1x256xf32> to vector<256x256xf32>
      %mul3A_69 = arith.mulf %mul3A_67, %mul3A_68 : vector<256x256xf32>
      %swap3A = arith.constant 0 : index
      %swap3A_70 = arith.constant 0 : index
      %swap3A_71 = vector.load %arg9[%swap3A, %swap3A_70] : memref<256x256xf32, #tpu.memory_space<vmem>>, vector<256x256xf32>
      tpu.vector_store %arg9[%swap3A, %swap3A_70], %mul3A_69 {strides = array<i32>} : memref<256x256xf32, #tpu.memory_space<vmem>>, vector<256x256xf32>,
    } else {
    }
    return
  }
  func.func @transform_0(%arg0: i32) -> (i32, i32, i32) {
    %c0_i32 = arith.constant 0 : i32
    %c0_i32_0 = arith.constant 0 : i32
    %c0_i32_1 = arith.constant 0 : i32
    return %c0_i32, %arg0, %c0_i32_0 : i32, i32, i32
  }
  func.func @transform_1(%arg0: i32) -> (i32, i32) {
    %c0_i32 = arith.constant 0 : i32
    %c0_i32_0 = arith.constant 0 : i32
    return %arg0, %c0_i32 : i32, i32
  }
  func.func @transform_2(%arg0: i32) -> (i32, i32) {
    %c0_i32 = arith.constant 0 : i32
    %c0_i32_0 = arith.constant 0 : i32
    return %arg0, %c0_i32 : i32, i32
  }
  func.func @transform_3(%arg0: i32) -> (i32, i32) {
    %c0_i32 = arith.constant 0 : i32
    %c0_i32_0 = arith.constant 0 : i32
    return %arg0, %c0_i32 : i32, i32
  }
  func.func @transform_4(%arg0: i32) -> (i32, i32) {
    %c0_i32 = arith.constant 0 : i32
    %c0_i32_0 = arith.constant 0 : i32
    return %arg0, %c0_i32 : i32, i32
  }
  func.func @transform_5(%arg0: i32) -> (i32, i32) {
    %c0_i32 = arith.constant 0 : i32
    %c0_i32_0 = arith.constant 0 : i32
    return %arg0, %c0_i32 : i32, i32
  }
  func.func @transform_6(%arg0: i32) -> (i32, i32) {
    %c0_i32 = arith.constant 0 : i32
    %c0_i32_0 = arith.constant 0 : i32
    return %arg0, %c0_i32 : i32, i32
  }
  func.func @transform_7(%arg0: i32) -> (i32, i32) {
    %c0_i32 = arith.constant 0 : i32
    %c0_i32_0 = arith.constant 0 : i32
    %c0_i32_1 = arith.constant 0 : i32
    return %c0_i32, %c0_i32_0 : i32, i32
  }
  func.func @transform_8(%arg0: i32) -> (i32, i32) {
    %c0_i32 = arith.constant 0 : i32
    %c0_i32_0 = arith.constant 0 : i32
    %c0_i32_1 = arith.constant 0 : i32
    return %c0_i32, %c0_i32_0 : i32, i32
  }
}

module attributes {stable_mosaic.version = 14 : i64} {
  func.func @_fc_body(%arg0: i32, %arg1: memref<1x4096xf32, #tpu.memory_space<vmem>>, %arg2: memref<4096x128xf32, #tpu.memory_space<vmem>>, %arg3: memref<1x128xf32, #tpu.memory_space<vmem>>, %arg4: memref<1x128xf32, #tpu.memory_space<vmem>>) attributes {dimension_semantics = [#tpu.dimension_semantics<arbitrary>], iteration_bounds = array<i64: 16>, scalar_prefetch = 0 : i64, scratch_operands = 0 : i64, tpu.core_type = #tpu.core_type<tc>, window_params = [{transform_indices = @transform_0, window_bounds = array<i64: 1, 4096>}, {transform_indices = @transform_1, window_bounds = array<i64: 4096, 128>}, {pipeline_mode = #tpu.pipeline_mode<synchronous>, transform_indices = @transform_2, window_bounds = array<i64: 1, 128>}, {pipeline_mode = #tpu.pipeline_mode<synchronous>, transform_indices = @transform_3, window_bounds = array<i64: 1, 128>}]} {
    %eq3A = arith.constant 0 : i32
    %eq3A_0 = arith.cmpi eq, %arg0, %eq3A : i32
    %convert_element_type3A = arith.extui %eq3A_0 : i1 to i32
    %cond3A = arith.constant 0 : i32
    %cond3A_1 = arith.cmpi ne, %convert_element_type3A, %cond3A : i32
    scf.if %cond3A_1 {
      %get3A_13 = arith.constant 0 : index
      %get3A_14 = arith.constant 0 : index
      %get3A_15 = vector.load %arg3[%get3A_13, %get3A_14] : memref<1x128xf32, #tpu.memory_space<vmem>>, vector<1x128xf32>
      %swap3A_16 = arith.constant 0 : index
      %swap3A_17 = arith.constant 0 : index
      %swap3A_18 = vector.load %arg4[%swap3A_16, %swap3A_17] : memref<1x128xf32, #tpu.memory_space<vmem>>, vector<1x128xf32>
      tpu.vector_store %arg4[%swap3A_16, %swap3A_17], %get3A_15 {strides = array<i32>} : memref<1x128xf32, #tpu.memory_space<vmem>>, vector<1x128xf32>,
    } else {
    }
    %get3A = arith.constant 0 : index
    %get3A_2 = arith.constant 0 : index
    %get3A_3 = vector.load %arg4[%get3A, %get3A_2] : memref<1x128xf32, #tpu.memory_space<vmem>>, vector<1x128xf32>
    %get3A_4 = arith.constant 0 : index
    %get3A_5 = arith.constant 0 : index
    %get3A_6 = vector.load %arg1[%get3A_4, %get3A_5] : memref<1x4096xf32, #tpu.memory_space<vmem>>, vector<1x4096xf32>
    %get3A_7 = arith.constant 0 : index
    %get3A_8 = arith.constant 0 : index
    %get3A_9 = vector.load %arg2[%get3A_7, %get3A_8] : memref<4096x128xf32, #tpu.memory_space<vmem>>, vector<4096x128xf32>
    %dot_general3A = arith.constant dense<0.000000e+00> : vector<1x128xf32>
    %dot_general3A_10 = tpu.matmul %get3A_6, %get3A_9, %dot_general3A {dimension_numbers = #tpu.dot_dimension_numbers<[1], [0], [0], [1], [0, 0, 1, 1], [], []>, transpose_lhs_hint = false} : vector<1x4096xf32>, vector<4096x128xf32>, vector<1x128xf32> -> vector<1x128xf32>
    %add3A = arith.addf %get3A_3, %dot_general3A_10 : vector<1x128xf32>
    %swap3A = arith.constant 0 : index
    %swap3A_11 = arith.constant 0 : index
    %swap3A_12 = vector.load %arg4[%swap3A, %swap3A_11] : memref<1x128xf32, #tpu.memory_space<vmem>>, vector<1x128xf32>
    tpu.vector_store %arg4[%swap3A, %swap3A_11], %add3A {strides = array<i32>} : memref<1x128xf32, #tpu.memory_space<vmem>>, vector<1x128xf32>,
    return
  }
  func.func @transform_0(%arg0: i32) -> (i32, i32) {
    %c0_i32 = arith.constant 0 : i32
    %c0_i32_0 = arith.constant 0 : i32
    return %c0_i32, %arg0 : i32, i32
  }
  func.func @transform_1(%arg0: i32) -> (i32, i32) {
    %c0_i32 = arith.constant 0 : i32
    %c0_i32_0 = arith.constant 0 : i32
    return %arg0, %c0_i32 : i32, i32
  }
  func.func @transform_2(%arg0: i32) -> (i32, i32) {
    %c0_i32 = arith.constant 0 : i32
    %c0_i32_0 = arith.constant 0 : i32
    %c0_i32_1 = arith.constant 0 : i32
    return %c0_i32, %c0_i32_0 : i32, i32
  }
  func.func @transform_3(%arg0: i32) -> (i32, i32) {
    %c0_i32 = arith.constant 0 : i32
    %c0_i32_0 = arith.constant 0 : i32
    %c0_i32_1 = arith.constant 0 : i32
    return %c0_i32, %c0_i32_0 : i32, i32
  }
}

</mosaic_0001>

<sc_bundles>
// kernel: kernel.12.cloned.1.call-start
scs
__scs_entry_jumppad:
0x0: {  	(pc) =	sbr.rel $0x88, $3  }
0x1: {  	(tag) =	ssettag $0x0;
	lr =	simm.s32 $0x1  }
0x2: {  	[smem:$0x3F97] =	sst lr;
	_ =	strace $0xD0000000  }
0x3: {  	_ = 	snop  }
0x4: {  	_ = 	snop  }
0x5: {  	_ = 	snop  }
0x6: {  	_ = 	snop  }
0x7: {  	_ = 	snop  }
__scs_overlays_trampoline_lowered:
0x8: {  	[smem:$0x3FA6] =	sst s0  }
0x9: {  	[smem:$0x3FA7] =	sst s1  }
0xa: {  	[smem:$0x3FA8] =	sst s2  }
0xb: {  	[smem:$0x3FA9] =	sst s3  }
0xc: {  	[smem:$0x3FAA] =	sst s4  }
0xd: {  	[smem:$0x3FAB] =	sst s5  }
0xe: {  	[smem:$0x3FAC] =	sst s6  }
0xf: {  	[smem:$0x3FAD] =	sst s7  }
0x10: {  	[smem:$0x3FAE] =	sst s8  }
0x11: {  	[smem:$0x3FAF] =	sst s9;
	s0 =	simm.s32 @!p0 $0x0  }
0x12: {  	s1 =	sld [smem:$0x3F95];
	s0 =	simm.s32 @p0 $0x1  }
0x13: {  	[smem:$0x3FB0] =	sst s0;
	s0 =	simm.s32 @!p1 $0x0  }
0x14: {  	s2 =	sld [smem:$0x3F94];
	s0 =	simm.s32 @p1 $0x1  }
0x15: {  	[smem:$0x3FB1] =	sst s0;
	s0 =	simm.s32 @!p2 $0x0  }
0x16: {  	s3 =	sld [smem:$0x3FDB];
	s0 =	simm.s32 @p2 $0x1  }
0x17: {  	s4 =	simm.s32 $0x1BF5;
	[smem:$0x3FB3] =	sst s0  }
0x18: {  	s0 =	sld [smem:$0x3F96];
	_ =	swait.ge [sflag:s4], $0x0  }
0x19: {  	s7 =	sld [smem:$0x3F97]  }
0x1a: {  	s8 =	sadd.s32 $0xFFFFE003, lr  }
0x1b: {  	s9 =	sadd.s32 $0xFFFFFEF7, lr;
	s5 =	simm.s32 $0xFFFFFFFF;
	p2 =	slt.u32 s8, $0xFFFFF086  }
0x1c: {  	p1 =	slt.u32 s9, $0xF7A;
	s5 =	simm.s32 @!p2 $0x0  }
0x1d: {  	s5 =	simm.s32 @p1 $0x1;
	p0 =	seq.s32 s7, s2  }
0x1e: {  	s7 =	smul.u32 @!p0 $0xF7A, s2;
	p2 =	seq.s32 @!p0 s5, $0x0  }
0x1f: {  	s9 =	smul.u32 $0xF7A, s1;
	s8 =	simm.s32 @!p0 $0x1BF5;
	p2 =	por !p2, p0  }
0x20: {  	[sflag:s8] =	ssyncset.s32 @!p0 $0xFFFFF086;
	s6 =	sadd.s32 @!p0 s3, s7;
	s7 =	simm.s32 @!p0 $0x108  }
0x21: {  	s3 =	sadd.s32 s3, s9;
	s6 =	sadd.s32 @!p0 $0x88, s6;
	s7 =	simm.s32 @p2 $0x1082  }
0x22: {  	[simem:s7], [sflag:s8] =	dma.local @!p0 [hbm:s6], $0xF7A  }
0x23: {  	s9 =	sor.u32 $0xD0000000, s2;
	s6 =	simm.s32 $0x108;
	_ =	swait.ge @!p0 [sflag:s8], $0x0  }
0x24: {  	s3 =	sadd.s32 $0x88, s3;
	s6 =	simm.s32 @!p1 $0x1082;
	[sflag:s4] =	ssyncset.s32 $0xFFFFF086  }
0x25: {  	[simem:s6], [sflag:s4] =	dma.local [hbm:s3], $0xF7A  }
0x26: {  	[smem:$0x3F97] =	sst s1;
	(tag) =	ssettag s2;
	_ =	strace s9  }
0x27: {  	s1 =	sld [smem:$0x3FA7]  }
0x28: {  	s2 =	sld [smem:$0x3FA8]  }
0x29: {  	s4 =	sld [smem:$0x3FAA]  }
0x2a: {  	p0 =	seq.s32 s5, $0x0;
	s5 =	sld [smem:$0x3FAB]  }
0x2b: {  	s6 =	sld [smem:$0x3FAC]  }
0x2c: {  	s7 =	sld [smem:$0x3FAD]  }
0x2d: {  	s3 =	simm.s32 $0x108;
	s8 =	sld [smem:$0x3FAE]  }
0x2e: {  	s3 =	simm.s32 @!p0 $0x1082;
	s9 =	sld [smem:$0x3FAF]  }
0x2f: {  	lr =	sadd.s32 s0, s3;
	s0 =	sld [smem:$0x3FA6]  }
0x30: {  	s3 =	sld [smem:$0x3FA9]  }
0x31: {  	[smem:$0x3FB2] =	sst s10  }
0x32: {  	s10 =	sld [smem:$0x3FB0];
	_ =	sdelay $0x3  }
0x33: {  	p0 =	seq.s32 s10, $0x1;
	s10 =	sld [smem:$0x3FB2];
	_ =	sdelay $0x3  }
0x34: {  	[smem:$0x3FB2] =	sst s10  }
0x35: {  	s10 =	sld [smem:$0x3FB1];
	_ =	sdelay $0x3  }
0x36: {  	p1 =	seq.s32 s10, $0x1;
	s10 =	sld [smem:$0x3FB2];
	_ =	sdelay $0x3  }
0x37: {  	[smem:$0x3FB2] =	sst s10  }
0x38: {  	s10 =	sld [smem:$0x3FB3]  }
0x39: {  	_ = 	snop;
	(pc) =	sbr.ind lr, $3  }
0x3a: {  	_ = 	snop  }
0x3b: {  	_ = 	snop  }
0x3c: {  	p2 =	seq.s32 s10, $0x1;
	s10 =	sld [smem:$0x3FB2]  }
0x3d: {  	_ =	shalt  }
0x3e: {  	_ =	shalt  }
0x3f: {  	_ =	shalt  }
0x40: {  	_ =	shalt  }
0x41: {  	_ =	shalt  }
0x42: {  	_ =	shalt  }
0x43: {  	_ =	shalt  }
0x44: {  	_ =	shalt  }
0x45: {  	_ =	shalt  }
0x46: {  	_ =	shalt  }
0x47: {  	_ =	shalt  }
0x48: {  	_ =	shalt  }
0x49: {  	_ =	shalt  }
0x4a: {  	_ =	shalt  }
0x4b: {  	_ =	shalt  }
0x4c: {  	_ =	shalt  }
0x4d: {  	_ =	shalt  }
0x4e: {  	_ =	shalt  }
0x4f: {  	_ =	shalt  }
0x50: {  	_ =	shalt  }
0x51: {  	_ =	shalt  }
0x52: {  	_ =	shalt  }
0x53: {  	_ =	shalt  }
0x54: {  	_ =	shalt  }
0x55: {  	_ =	shalt  }
0x56: {  	_ =	shalt  }
0x57: {  	_ =	shalt  }
0x58: {  	_ =	shalt  }
0x59: {  	_ =	shalt  }
0x5a: {  	_ =	shalt  }
0x5b: {  	_ =	shalt  }
0x5c: {  	_ =	shalt  }
0x5d: {  	_ =	shalt  }
0x5e: {  	_ =	shalt  }
0x5f: {  	_ =	shalt  }
0x60: {  	_ =	shalt  }
0x61: {  	_ =	shalt  }
0x62: {  	_ =	shalt  }
0x63: {  	_ =	shalt  }
0x64: {  	_ =	shalt  }
0x65: {  	_ =	shalt  }
0x66: {  	_ =	shalt  }
0x67: {  	_ =	shalt  }
0x68: {  	_ =	shalt  }
0x69: {  	_ =	shalt  }
0x6a: {  	_ =	shalt  }
0x6b: {  	_ =	shalt  }
0x6c: {  	_ =	shalt  }
0x6d: {  	_ =	shalt  }
0x6e: {  	_ =	shalt  }
0x6f: {  	_ =	shalt  }
0x70: {  	_ =	shalt  }
0x71: {  	_ =	shalt  }
0x72: {  	_ =	shalt  }
0x73: {  	_ =	shalt  }
0x74: {  	_ =	shalt  }
0x75: {  	_ =	shalt  }
0x76: {  	_ =	shalt  }
0x77: {  	_ =	shalt  }
0x78: {  	_ =	shalt  }
0x79: {  	_ =	shalt  }
0x7a: {  	_ =	shalt  }
0x7b: {  	_ =	shalt  }
0x7c: {  	_ =	shalt  }
0x7d: {  	_ =	shalt  }
0x7e: {  	_ =	shalt  }
0x7f: {  	_ =	shalt  }
0x80: {  	_ =	shalt  }
0x81: {  	_ =	shalt  }
0x82: {  	_ =	shalt  }
0x83: {  	_ =	shalt  }
0x84: {  	_ =	shalt  }
0x85: {  	_ =	shalt  }
0x86: {  	_ =	shalt  }
0x87: {  	_ =	shalt  }
.Lfunc_end0:
.L_simem_size_0:
called_computation.1_lowered:
.L_overlay_start_0:
0x88: {  	s2 =	sld [smem:$0x3FD9]  }
0x89: {  	s3 =	sld [smem:$0x3FFE];
	_ =	sdelay $0x1  }
0x8a: {  	s1 =	srdreg.scid  }
0x8b: {  	s0 =	sand.u32 $0x1, s1  }
0x8c: {  	s16 =	sshll.u32 s0, $0xA;
	s2 =	sadd.s32 s3, s2  }
0x8d: {  	s2 =	sadd.s32 s2, s16  }
0x8e: {  	[smem:$0x3FBE] =	sst s2  }
0x8f: {  	_ = 	snop  }
0x90: {  	(tm) =	ssettm $0x1  }
0x91: {  	s17 =	sld [smem:$0x3FFB];
	_ =	sdelay $0x3  }
0x92: {  	_ =	strace s17  }
0x93: {  	s2 =	sld [smem:$0x3FFC];
	_ =	sdelay $0x3  }
0x94: {  	_ =	strace s2  }
0x95: {  	s2 =	sld [smem:$0x3FFD];
	_ =	sdelay $0x3  }
0x96: {  	_ =	strace s2  }
0x97: {  	_ =	strace $0x8FFFFFFF  }
0x98: {  	s18 =	sld [smem:$0x3FDB];
	_ =	sdelay $0x1  }
0x99: {  	s19 =	simm.s32 $_scs_section_size  }
0x9a: {  	s4 =	simm.s32 $_size__tile_overlayer_lowered;
	s5 =	simm.s32 $_tile_overlayer_lowered  }
0x9b: {  	s22 =	simm.s32 $0x1BFF;
	s21 =	sshll.u32 s5, $0x1;
	s2 =	sadd.s32 s19, s18  }
0x9c: {  	s6 =	simm.s32 $0x0;
	s20 =	sshll.u32 s4, $0x1;
	s4 =	sadd.s32 s21, s2  }
0x9d: {  	[timem:s6], [sflag:s22] =	dma.local [hbm:s4], s20  }
0x9e: {  	_ =	swait.ge [sflag:s22], s20  }
0x9f: {  	s3 =	ssub.s32 $0x0, s20;
	[sflag:s22] =	ssyncset.done $0x0  }
0xa0: {  	[sflag:s22] =	ssyncadd.s32 s3;
	_ =	sdelay $0x1  }
0xa1: {  	s23 =	simm.s32 $0x1B8B  }
0xa2: {  	_ =	swait.ge [sflag:s23], $0x1  }
0xa3: {  	[sflag:s23] =	ssyncset.done $0x0  }
0xa4: {  	s25 =	simm.s32 $0x1B8E;
	s24 =	sld [smem:$0x3FFE];
	[sflag:s23] =	ssyncadd.s32 $0xFFFFFFFF  }
0xa5: {  	s26 =	simm.s32 $execute0_lowered;
	[smem:$0x3FD2] =	sst s25  }
0xa6: {  	s4 =	sshll.u32 s26, $0x1;
	_ =	strace $0x80000049;
	[dreg:$0x1] =	wrdreg $0xFFFFFFFF  }
0xa7: {  	s28 =	simm.s32 $_size_execute0_lowered;
	s2 =	sadd.s32 s2, s4;
	[dreg:$0x0] =	wrdreg $0x0  }
0xa8: {  	s4 =	sshll.u32 s28, $0x1;
	[dreg:$0x2] =	wrdreg s2  }
0xa9: {  	[dreg:$0x3] =	wrdreg s4  }
0xaa: {  	[dreg:$0x4] =	wrdreg $0xC0  }
0xab: {  	_ =	task [dreg:s6], $0x5FFFF  }
0xac: {  	[dreg:$0x1] =	wrdreg $0xFFFFFFFF  }
0xad: {  	[dreg:$0x0] =	wrdreg $0x60  }
0xae: {  	[dreg:$0x2] =	wrdreg s24  }
0xaf: {  	[dreg:$0x3] =	wrdreg $0xA0000  }
0xb0: {  	[dreg:$0x4] =	wrdreg $0x9  }
0xb1: {  	_ =	task.clear_ibuf [dreg:s6], $0x5FFFF;
	_ =	strace $0x90000049  }
0xb2: {  	s29 =	simm.s32 $0x9;
	_ =	strace $0x8000004B  }
0xb3: {  	_ =	swait.ge [sflag:s29], $0x1  }
0xb4: {  	[sflag:s29] =	ssyncadd.s32 $0xFFFFFFFF  }
0xb5: {  	_ =	strace $0x9000004B  }
0xb6: {  	_ =	sfence  }
0xb7: {  	s30 =	sld [smem:$0x0];
	_ =	sdelay $0x2  }
0xb8: {  	s31 =	sshll.u32 s1, $0xD;
	s1 =	sshrl.u32 s1, $0x2  }
0xb9: {  	s3 =	sand.u32 $0x4000, s31;
	s1 =	sadd.s32 s1, s30  }
0xba: {  	s0 =	sor.u32 s3, s0;
	s1 =	sshll.u32 s1, $0x11  }
0xbb: {  	s0 =	sor.u32 s1, s0  }
0xbc: {  	s0 =	sadd.s32 $0x8F2B, s0  }
0xbd: {  	[sflag:s0] =	ssyncadd.remote.s32 $0x1  }
0xbe: {  	_ =	sfence.sel $0xFFFF  }
0xbf: {  	[dreg:$0x0] =	wrdreg $0xFFFFFFFF;
	(pc) =	sbr.abs _section_cstart, $3  }
0xc0: {  	[dreg:$0x1] =	wrdreg $0xFFFFFFFF  }
0xc1: {  	_ =	task.clear_ibuf [dreg:s6], $0x2FFFF;
	_ =	strace $0x9FFFFFFF  }
0xc2: {  	(tm) =	ssettm $0x7FFFFFFF  }
0xc3: {  	_ =	shalt  }
tec
execute0_lowered:
.L_overlay_start_1:
0x0: {  	(tag) =	ssettag $0x1  }
0x1: {  	s0 =	rddreg [dreg:$0x0]  }
0x2: {  	s1 =	rddreg [dreg:$0x1];
	s30 =	simm.s32 $0x0  }
0x3: {  	s2 =	srdreg.scid;
	s10 =	stileid.u32;
	s16 =	simm.s32 $0x9  }
0x4: {  	s17 =	simm.s32 $0x1000;
	s18 =	simm.s32 $0x80;
	s19 =	simm.s32 $0x2000  }
0x5: {  	s29 =	simm.s32 $0x5;
	s31 =	simm.s32 $0x3;
	s12 =	simm.s32 $0x7  }
0x6: {  	s13 =	simm.s32 $0x8;
	s14 =	simm.s32 $0xF00;
	s15 =	simm.s32 $0x1E00  }
0x7: {  	s28 =	simm.s32 $0x1F80;
	[smem:$0x7FF] =	sst s30;
	s4 =	sadd.s32 $0xD200, s0  }
0x8: {  	s5 =	sadd.s32 $0x3200, s0;
	s6 =	sadd.s32 $0x72200, s0;
	s2 =	sand.u32 $0x1, s2  }
0x9: {  	s7 =	sadd.s32 $0x246E00, s0;
	s8 =	smul.u32 $0x27400, s10;
	s9 =	sadd.s32 $0x21800, s0  }
0xa: {  	s20 =	sadd.s32 $0x26E000, s0;
	s0 =	sadd.s32 $0x295400, s0;
	s11 =	smul.u32 $0x5000, s10  }
0xb: {  	s26 =	sshll.u32 s10, $0x6;
	_ =	strace $0x8000004A;
	[dreg:$0x4] =	wrdreg s9  }
0xc: {  	s10 =	simm.s32 $0x4;
	s3 =	ssub.s32 $0x2, s2;
	[dreg:$0x5] =	wrdreg s20  }
0xd: {  	[dreg:$0x6] =	wrdreg s0;
	p0 =	seq.s32 s2, $0x1;
	s20 =	simm.s32 $0x4000  }
0xe: {  	s2 =	simm.s32 $0xF80;
	s21 =	sshrl.u32 s3, $0x1;
	s23 =	sshrl.u32 s8, $0x1  }
0xf: {  	s25 =	sshrl.u32 s8, $0x4;
	s8 =	sor.u32 $0x1C09, s26;
	s26 =	simm.s32 $0x2  }
.Ltmp0:
0x10: {  	s22 =	ssub.s32 s3, s21;
	s24 =	sadd.s32 s23, s1;
	(pc) =	sbr.rel .LBB2_1-.Ltmp0, $4  }
0x11: {  	[dreg:$0x7] =	wrdreg s25;
	s23 =	simm.s32 $0x1;
	s25 =	simm.s32 $0x8000  }
0x12: {  	s3 =	simm.s32 $0x6;
	[dreg:$0x9] =	wrdreg s8;
	s0 =	smax.u32 s22, $0x1  }
0x13: {  	s21 =	simm.s32 $0x1E80;
	s9 =	sshrl.u32 s24, $0x3;
	[dreg:$0x8] =	wrdreg s0  }
0x14: {  	s22 =	simm.s32 $0x6000;
	s24 =	simm.s32 $0x1F00;
	[dreg:$0xa] =	wrdreg s9  }
.LBB2_10:
0x15: {  	s8 =	rddreg [dreg:$0x7];
	[bflag:$0x0] =	sbarrier.arrive $0xFFFF  }
0x16: {  	s0 =	sadd.s32 s0, s8;
	s8 =	rddreg [dreg:$0x9]  }
0x17: {  	s9 =	rddreg [dreg:$0xa]  }
0x18: {  	[hbm:s0], [sflag:s8] =	dma.local [spmem:s9], $0x2740  }
0x19: {  	_ =	swait.ge [sflag:s16], $0x2740  }
0x1a: {  	s30 =	sadd.s32 $0x1, s30;
	s0 =	rddreg [dreg:$0x8]  }
0x1b: {  	p1 =	sne.s32 s30, s0  }
.Ltmp1:
0x1c: {  	_ = 	snop;
	(pc) =	sbr.rel @!p1 .LBB2_11-.Ltmp1, $3  }
0x1d: {  	_ =	sdelay $0x1  }
0x1e: {  	[sflag:s16] =	ssyncset.done $0x0  }
0x1f: {  	[sflag:s16] =	ssyncadd.s32 $0xFFFFD8C0  }
.LBB2_1:
0x20: {  	[dreg:$0x3] =	wrdreg s30  }
0x21: {  	s0 =	rddreg [dreg:$0x4]  }
0x22: {  	[spmem:s9], [sflag:s8] =	dma.local [hbm:s0], $0x2740  }
.Ltmp2:
0x23: {  	_ =	swait.ge [sflag:s16], $0x2740;
	(pc) =	sbr.rel @!p0 .LBB2_2-.Ltmp2, $4  }
0x24: {  	[sflag:s16] =	ssyncset.done $0x0  }
0x25: {  	[sflag:s16] =	ssyncadd.s32 $0xFFFFD8C0  }
0x26: {  	[bflag:$0x0] =	sbarrier.arrive $0xFFFF  }
0x27: {  	s30 =	simm.s32 $0x0;
	s0 =	simm.s32 $0x0  }
.LBB2_6:
0x28: {  	s8 =	sshll.u32 s0, $0xC  }
0x29: {  	s8 =	sadd.s32 s11, s8  }
0x2a: {  	s8 =	sshrl.u32 s8, $0x3  }
0x2b: {  	s30 =	simm.s32 $0x0;
	s9 =	sadd.s32 s4, s8  }
0x2c: {  	[tilespmem:s30], [sflag:$0x9] =	stream.linear.gather [hbm4b:s9+s30], $0x1000, $0x38;
	[tilespmem:$0x1DA00] =	vst v63  }
0x2d: {  	_ =	swait.ge [sflag:s16], $0x1000  }
0x2e: {  	[sflag:s16] =	ssyncset.done $0x0  }
0x2f: {  	s8 =	sadd.s32 s5, s8;
	[sflag:s16] =	ssyncadd.s32 $0xFFFFF000  }
0x30: {  	[tilespmem:s17], [sflag:$0x9] =	stream.linear.gather [hbm4b:s8+s30], $0x1000, $0x38;
	[tilespmem:$0x1DA00] =	vst v63  }
0x31: {  	_ =	swait.ge [sflag:s16], $0x1000  }
0x32: {  	[sflag:s16] =	ssyncset.done $0x0  }
0x33: {  	[sflag:s16] =	ssyncadd.s32 $0xFFFFF000  }
0x34: {  	[tilespmem:s19], [sflag:$0x1] =	stream.indirect.gather [hbm4b:s7+s18], $0x40, s30, s18, $0xb8;
	[tilespmem:$0x1DA00] =	vst v63  }
0x35: {  	_ = 	snop  }
0x36: {  	[tilespmem:s20], [sflag:$0x2] =	stream.indirect.gather [hbm4b:s7+s18], $0x40, s18, s18, $0xb8;
	[tilespmem:$0x1DA00] =	vst v63  }
0x37: {  	s9 =	simm.s32 $0x100  }
0x38: {  	[tilespmem:s22], [sflag:$0x3] =	stream.indirect.gather [hbm4b:s7+s18], $0x40, s9, s18, $0xb8;
	[tilespmem:$0x1DA00] =	vst v63  }
0x39: {  	_ =	swait.ge [sflag:s23], $0x2000  }
0x3a: {  	[sflag:s23] =	ssyncset.done $0x0  }
0x3b: {  	[sflag:s23] =	ssyncadd.s32 $0xFFFFE000  }
0x3c: {  	[spmem:s1] =	stream.indirect.scatter.add.bf16 [tilespmem:s19], [sflag:$0x5], $0x40, s17, s18, $0xb8;
	[tilespmem:$0x1DA00] =	vst v63  }
0x3d: {  	s9 =	simm.s32 $0x180  }
0x3e: {  	[tilespmem:s25], [sflag:$0x4] =	stream.indirect.gather [hbm4b:s7+s18], $0x40, s9, s18, $0xb8;
	[tilespmem:$0x1DA00] =	vst v63  }
0x3f: {  	_ =	swait.ge [sflag:s26], $0x2000  }
0x40: {  	[sflag:s26] =	ssyncset.done $0x0  }
0x41: {  	s9 =	simm.s32 $0x1080;
	[sflag:s26] =	ssyncadd.s32 $0xFFFFE000  }
0x42: {  	[spmem:s1] =	stream.indirect.scatter.add.bf16 [tilespmem:s20], [sflag:$0x6], $0x40, s9, s18, $0xb8;
	[tilespmem:$0x1DA00] =	vst v63  }
0x43: {  	_ =	swait.ge [sflag:s29], $0x2000  }
0x44: {  	[sflag:s29] =	ssyncset.done $0x0  }
0x45: {  	s9 =	simm.s32 $0x200;
	[sflag:s29] =	ssyncadd.s32 $0xFFFFE000  }
0x46: {  	[tilespmem:s19], [sflag:$0x1] =	stream.indirect.gather [hbm4b:s7+s18], $0x40, s9, s18, $0xb8;
	[tilespmem:$0x1DA00] =	vst v63  }
0x47: {  	_ =	swait.ge [sflag:s31], $0x2000  }
0x48: {  	[sflag:s31] =	ssyncset.done $0x0  }
0x49: {  	s9 =	simm.s32 $0x1100;
	[sflag:s31] =	ssyncadd.s32 $0xFFFFE000  }
0x4a: {  	[spmem:s1] =	stream.indirect.scatter.add.bf16 [tilespmem:s22], [sflag:$0x7], $0x40, s9, s18, $0xb8;
	[tilespmem:$0x1DA00] =	vst v63  }
0x4b: {  	_ =	swait.ge [sflag:s3], $0x2000  }
0x4c: {  	[sflag:s3] =	ssyncset.done $0x0  }
0x4d: {  	s9 =	simm.s32 $0x280;
	[sflag:s3] =	ssyncadd.s32 $0xFFFFE000  }
0x4e: {  	[tilespmem:s20], [sflag:$0x2] =	stream.indirect.gather [hbm4b:s7+s18], $0x40, s9, s18, $0xb8;
	[tilespmem:$0x1DA00] =	vst v63  }
0x4f: {  	_ =	swait.ge [sflag:s10], $0x2000  }
0x50: {  	[sflag:s10] =	ssyncset.done $0x0  }
0x51: {  	s9 =	simm.s32 $0x1180;
	[sflag:s10] =	ssyncadd.s32 $0xFFFFE000  }
0x52: {  	[spmem:s1] =	stream.indirect.scatter.add.bf16 [tilespmem:s25], [sflag:$0x8], $0x40, s9, s18, $0xb8;
	[tilespmem:$0x1DA00] =	vst v63  }
0x53: {  	_ =	swait.ge [sflag:s12], $0x2000  }
0x54: {  	[sflag:s12] =	ssyncset.done $0x0  }
0x55: {  	s9 =	simm.s32 $0x300;
	[sflag:s12] =	ssyncadd.s32 $0xFFFFE000  }
0x56: {  	[tilespmem:s22], [sflag:$0x3] =	stream.indirect.gather [hbm4b:s7+s18], $0x40, s9, s18, $0xb8;
	[tilespmem:$0x1DA00] =	vst v63  }
0x57: {  	_ =	swait.ge [sflag:s23], $0x2000  }
0x58: {  	[sflag:s23] =	ssyncset.done $0x0  }
0x59: {  	s9 =	simm.s32 $0x1200;
	[sflag:s23] =	ssyncadd.s32 $0xFFFFE000  }
0x5a: {  	[spmem:s1] =	stream.indirect.scatter.add.bf16 [tilespmem:s19], [sflag:$0x5], $0x40, s9, s18, $0xb8;
	[tilespmem:$0x1DA00] =	vst v63  }
0x5b: {  	_ =	swait.ge [sflag:s13], $0x2000  }
0x5c: {  	[sflag:s13] =	ssyncset.done $0x0  }
0x5d: {  	s9 =	simm.s32 $0x380;
	[sflag:s13] =	ssyncadd.s32 $0xFFFFE000  }
0x5e: {  	[tilespmem:s25], [sflag:$0x4] =	stream.indirect.gather [hbm4b:s7+s18], $0x40, s9, s18, $0xb8;
	[tilespmem:$0x1DA00] =	vst v63  }
0x5f: {  	_ =	swait.ge [sflag:s26], $0x2000  }
0x60: {  	[sflag:s26] =	ssyncset.done $0x0  }
0x61: {  	s9 =	simm.s32 $0x1280;
	[sflag:s26] =	ssyncadd.s32 $0xFFFFE000  }
0x62: {  	[spmem:s1] =	stream.indirect.scatter.add.bf16 [tilespmem:s20], [sflag:$0x6], $0x40, s9, s18, $0xb8;
	[tilespmem:$0x1DA00] =	vst v63  }
0x63: {  	_ =	swait.ge [sflag:s29], $0x2000  }
0x64: {  	[sflag:s29] =	ssyncset.done $0x0  }
0x65: {  	s9 =	simm.s32 $0x400;
	[sflag:s29] =	ssyncadd.s32 $0xFFFFE000  }
0x66: {  	[tilespmem:s19], [sflag:$0x1] =	stream.indirect.gather [hbm4b:s7+s18], $0x40, s9, s18, $0xb8;
	[tilespmem:$0x1DA00] =	vst v63  }
0x67: {  	_ =	swait.ge [sflag:s31], $0x2000  }
0x68: {  	[sflag:s31] =	ssyncset.done $0x0  }
0x69: {  	s9 =	simm.s32 $0x1300;
	[sflag:s31] =	ssyncadd.s32 $0xFFFFE000  }
0x6a: {  	[spmem:s1] =	stream.indirect.scatter.add.bf16 [tilespmem:s22], [sflag:$0x7], $0x40, s9, s18, $0xb8;
	[tilespmem:$0x1DA00] =	vst v63  }
0x6b: {  	_ =	swait.ge [sflag:s3], $0x2000  }
0x6c: {  	[sflag:s3] =	ssyncset.done $0x0  }
0x6d: {  	s9 =	simm.s32 $0x480;
	[sflag:s3] =	ssyncadd.s32 $0xFFFFE000  }
0x6e: {  	[tilespmem:s20], [sflag:$0x2] =	stream.indirect.gather [hbm4b:s7+s18], $0x40, s9, s18, $0xb8;
	[tilespmem:$0x1DA00] =	vst v63  }
0x6f: {  	_ =	swait.ge [sflag:s10], $0x2000  }
0x70: {  	[sflag:s10] =	ssyncset.done $0x0  }
0x71: {  	s30 =	simm.s32 $0x800;
	s9 =	simm.s32 $0x1380;
	[sflag:s10] =	ssyncadd.s32 $0xFFFFE000  }
.LBB2_7:
0x72: {  	[spmem:s1] =	stream.indirect.scatter.add.bf16 [tilespmem:s25], [sflag:$0x8], $0x40, s9, s18, $0xb8;
	[tilespmem:$0x1DA00] =	vst v63  }
0x73: {  	s8 =	smov.u32 s30  }
0x74: {  	p1 =	sne.s32 s30, $0x2800;
	s30 =	sadd.s32 $0x800, s30;
	_ =	swait.ge [sflag:s12], $0x2000  }
0x75: {  	s9 =	sshra.s32 s8, $0x2;
	[sflag:s12] =	ssyncset.done $0x0  }
0x76: {  	s8 =	sadd.s32 $0x300, s9;
	[sflag:s12] =	ssyncadd.s32 $0xFFFFE000  }
0x77: {  	[tilespmem:s22], [sflag:$0x3] =	stream.indirect.gather [hbm4b:s7+s18], $0x40, s8, s18, $0xb8;
	[tilespmem:$0x1DA00] =	vst v63  }
0x78: {  	_ =	swait.ge [sflag:s23], $0x2000  }
0x79: {  	[sflag:s23] =	ssyncset.done $0x0  }
0x7a: {  	s8 =	sadd.s32 $0x1200, s9;
	[sflag:s23] =	ssyncadd.s32 $0xFFFFE000  }
0x7b: {  	[spmem:s1] =	stream.indirect.scatter.add.bf16 [tilespmem:s19], [sflag:$0x5], $0x40, s8, s18, $0xb8;
	[tilespmem:$0x1DA00] =	vst v63  }
0x7c: {  	_ =	swait.ge [sflag:s13], $0x2000  }
0x7d: {  	[sflag:s13] =	ssyncset.done $0x0  }
0x7e: {  	s8 =	sadd.s32 $0x380, s9;
	[sflag:s13] =	ssyncadd.s32 $0xFFFFE000  }
0x7f: {  	[tilespmem:s25], [sflag:$0x4] =	stream.indirect.gather [hbm4b:s7+s18], $0x40, s8, s18, $0xb8;
	[tilespmem:$0x1DA00] =	vst v63  }
0x80: {  	_ =	swait.ge [sflag:s26], $0x2000  }
0x81: {  	[sflag:s26] =	ssyncset.done $0x0  }
0x82: {  	s8 =	sadd.s32 $0x1280, s9;
	[sflag:s26] =	ssyncadd.s32 $0xFFFFE000  }
0x83: {  	[spmem:s1] =	stream.indirect.scatter.add.bf16 [tilespmem:s20], [sflag:$0x6], $0x40, s8, s18, $0xb8;
	[tilespmem:$0x1DA00] =	vst v63  }
0x84: {  	_ =	swait.ge [sflag:s29], $0x2000  }
0x85: {  	[sflag:s29] =	ssyncset.done $0x0  }
0x86: {  	s8 =	sadd.s32 $0x400, s9;
	[sflag:s29] =	ssyncadd.s32 $0xFFFFE000  }
0x87: {  	[tilespmem:s19], [sflag:$0x1] =	stream.indirect.gather [hbm4b:s7+s18], $0x40, s8, s18, $0xb8;
	[tilespmem:$0x1DA00] =	vst v63  }
0x88: {  	_ =	swait.ge [sflag:s31], $0x2000  }
0x89: {  	[sflag:s31] =	ssyncset.done $0x0  }
0x8a: {  	s8 =	sadd.s32 $0x1300, s9;
	[sflag:s31] =	ssyncadd.s32 $0xFFFFE000  }
0x8b: {  	[spmem:s1] =	stream.indirect.scatter.add.bf16 [tilespmem:s22], [sflag:$0x7], $0x40, s8, s18, $0xb8;
	[tilespmem:$0x1DA00] =	vst v63  }
0x8c: {  	_ =	swait.ge [sflag:s3], $0x2000  }
0x8d: {  	[sflag:s3] =	ssyncset.done $0x0  }
.Ltmp3:
0x8e: {  	s8 =	sadd.s32 $0x480, s9;
	[sflag:s3] =	ssyncadd.s32 $0xFFFFE000;
	(pc) =	sbr.rel @p1 .LBB2_7-.Ltmp3, $4  }
0x8f: {  	[tilespmem:s20], [sflag:$0x2] =	stream.indirect.gather [hbm4b:s7+s18], $0x40, s8, s18, $0xb8;
	[tilespmem:$0x1DA00] =	vst v63  }
0x90: {  	_ =	swait.ge [sflag:s10], $0x2000  }
0x91: {  	[sflag:s10] =	ssyncset.done $0x0  }
0x92: {  	s9 =	sadd.s32 $0x1380, s9;
	[sflag:s10] =	ssyncadd.s32 $0xFFFFE000  }
0x93: {  	[spmem:s1] =	stream.indirect.scatter.add.bf16 [tilespmem:s25], [sflag:$0x8], $0x40, s9, s18, $0xb8;
	[tilespmem:$0x1DA00] =	vst v63  }
0x94: {  	_ =	swait.ge [sflag:s12], $0x2000  }
0x95: {  	[sflag:s12] =	ssyncset.done $0x0  }
0x96: {  	[sflag:s12] =	ssyncadd.s32 $0xFFFFE000  }
0x97: {  	[tilespmem:s22], [sflag:$0x3] =	stream.indirect.gather [hbm4b:s7+s18], $0x40, s14, s18, $0xb8;
	[tilespmem:$0x1DA00] =	vst v63  }
0x98: {  	_ =	swait.ge [sflag:s23], $0x2000  }
0x99: {  	[sflag:s23] =	ssyncset.done $0x0  }
0x9a: {  	[sflag:s23] =	ssyncadd.s32 $0xFFFFE000  }
0x9b: {  	[spmem:s1] =	stream.indirect.scatter.add.bf16 [tilespmem:s19], [sflag:$0x5], $0x40, s15, s18, $0xb8;
	[tilespmem:$0x1DA00] =	vst v63  }
0x9c: {  	_ =	swait.ge [sflag:s13], $0x2000  }
0x9d: {  	[sflag:s13] =	ssyncset.done $0x0  }
0x9e: {  	[sflag:s13] =	ssyncadd.s32 $0xFFFFE000  }
0x9f: {  	[tilespmem:s25], [sflag:$0x4] =	stream.indirect.gather [hbm4b:s7+s18], $0x40, s2, s18, $0xb8;
	[tilespmem:$0x1DA00] =	vst v63  }
0xa0: {  	_ =	swait.ge [sflag:s26], $0x2000  }
0xa1: {  	[sflag:s26] =	ssyncset.done $0x0  }
0xa2: {  	[sflag:s26] =	ssyncadd.s32 $0xFFFFE000  }
0xa3: {  	[spmem:s1] =	stream.indirect.scatter.add.bf16 [tilespmem:s20], [sflag:$0x6], $0x40, s21, s18, $0xb8;
	[tilespmem:$0x1DA00] =	vst v63  }
0xa4: {  	_ =	swait.ge [sflag:s31], $0x2000  }
0xa5: {  	[sflag:s31] =	ssyncset.done $0x0  }
0xa6: {  	[sflag:s31] =	ssyncadd.s32 $0xFFFFE000  }
0xa7: {  	[spmem:s1] =	stream.indirect.scatter.add.bf16 [tilespmem:s22], [sflag:$0x7], $0x40, s24, s18, $0xb8;
	[tilespmem:$0x1DA00] =	vst v63  }
0xa8: {  	_ =	swait.ge [sflag:s10], $0x2000  }
0xa9: {  	[sflag:s10] =	ssyncset.done $0x0  }
0xaa: {  	[sflag:s10] =	ssyncadd.s32 $0xFFFFE000  }
0xab: {  	[spmem:s1] =	stream.indirect.scatter.add.bf16 [tilespmem:s25], [sflag:$0x8], $0x40, s28, s18, $0xb8;
	[tilespmem:$0x1DA00] =	vst v63  }
0xac: {  	_ =	swait.ge [sflag:s29], $0x2000  }
0xad: {  	[sflag:s29] =	ssyncset.done $0x0  }
0xae: {  	[sflag:s29] =	ssyncadd.s32 $0xFFFFE000  }
0xaf: {  	_ =	swait.ge [sflag:s3], $0x2000  }
0xb0: {  	[sflag:s3] =	ssyncset.done $0x0  }
0xb1: {  	s0 =	sadd.s32 $0x1, s0;
	[sflag:s3] =	ssyncadd.s32 $0xFFFFE000  }
0xb2: {  	p1 =	sne.s32 s0, $0x5;
	_ =	swait.ge [sflag:s12], $0x2000  }
.Ltmp4:
0xb3: {  	[sflag:s12] =	ssyncset.done $0x0;
	(pc) =	sbr.rel @p1 .LBB2_6-.Ltmp4, $4  }
0xb4: {  	[sflag:s12] =	ssyncadd.s32 $0xFFFFE000  }
0xb5: {  	_ =	swait.ge [sflag:s13], $0x2000  }
0xb6: {  	[sflag:s13] =	ssyncset.done $0x0  }
0xb7: {  	[sflag:s13] =	ssyncadd.s32 $0xFFFFE000  }
.Ltmp5:
0xb8: {  	(pc) =	sbr.rel .LBB2_10-.Ltmp5, $3  }
0xb9: {  	_ =	sdelay $0x1  }
0xba: {  	s0 =	rddreg [dreg:$0x6]  }
0xbb: {  	s30 =	rddreg [dreg:$0x3]  }
.LBB2_2:
0xbc: {  	s0 =	sshll.u32 s30, $0xC  }
0xbd: {  	s0 =	sadd.s32 s11, s0  }
0xbe: {  	s0 =	sshrl.u32 s0, $0x3  }
0xbf: {  	s8 =	simm.s32 $0x0;
	s9 =	sadd.s32 s4, s0  }
0xc0: {  	[tilespmem:s8], [sflag:$0x9] =	stream.linear.gather [hbm4b:s9+s8], $0x1000, $0x38;
	[tilespmem:$0x1DA00] =	vst v63  }
0xc1: {  	_ =	swait.ge [sflag:s16], $0x1000  }
0xc2: {  	[sflag:s16] =	ssyncset.done $0x0  }
0xc3: {  	s0 =	sadd.s32 s5, s0;
	[sflag:s16] =	ssyncadd.s32 $0xFFFFF000  }
0xc4: {  	[tilespmem:s17], [sflag:$0x9] =	stream.linear.gather [hbm4b:s0+s8], $0x1000, $0x38;
	[tilespmem:$0x1DA00] =	vst v63  }
0xc5: {  	_ =	swait.ge [sflag:s16], $0x1000  }
0xc6: {  	[sflag:s16] =	ssyncset.done $0x0  }
0xc7: {  	[sflag:s16] =	ssyncadd.s32 $0xFFFFF000  }
0xc8: {  	[tilespmem:s19], [sflag:$0x1] =	stream.indirect.gather [hbm4b:s6+s18], $0x40, s8, s18, $0xb8;
	[tilespmem:$0x1DA00] =	vst v63  }
0xc9: {  	_ = 	snop  }
0xca: {  	[tilespmem:s20], [sflag:$0x2] =	stream.indirect.gather [hbm4b:s6+s18], $0x40, s18, s18, $0xb8;
	[tilespmem:$0x1DA00] =	vst v63  }
0xcb: {  	s8 =	simm.s32 $0x100  }
0xcc: {  	[tilespmem:s22], [sflag:$0x3] =	stream.indirect.gather [hbm4b:s6+s18], $0x40, s8, s18, $0xb8;
	[tilespmem:$0x1DA00] =	vst v63  }
0xcd: {  	_ =	swait.ge [sflag:s23], $0x2000  }
0xce: {  	[sflag:s23] =	ssyncset.done $0x0  }
0xcf: {  	[sflag:s23] =	ssyncadd.s32 $0xFFFFE000  }
0xd0: {  	[spmem:s1] =	stream.indirect.scatter.add.bf16 [tilespmem:s19], [sflag:$0x5], $0x40, s17, s18, $0xb8;
	[tilespmem:$0x1DA00] =	vst v63  }
0xd1: {  	s9 =	simm.s32 $0x180  }
0xd2: {  	[tilespmem:s25], [sflag:$0x4] =	stream.indirect.gather [hbm4b:s6+s18], $0x40, s9, s18, $0xb8;
	[tilespmem:$0x1DA00] =	vst v63  }
0xd3: {  	_ =	swait.ge [sflag:s26], $0x2000  }
0xd4: {  	[sflag:s26] =	ssyncset.done $0x0  }
0xd5: {  	s8 =	simm.s32 $0x1080;
	[sflag:s26] =	ssyncadd.s32 $0xFFFFE000  }
0xd6: {  	[spmem:s1] =	stream.indirect.scatter.add.bf16 [tilespmem:s20], [sflag:$0x6], $0x40, s8, s18, $0xb8;
	[tilespmem:$0x1DA00] =	vst v63  }
0xd7: {  	_ =	swait.ge [sflag:s29], $0x2000  }
0xd8: {  	[sflag:s29] =	ssyncset.done $0x0  }
0xd9: {  	s9 =	simm.s32 $0x200;
	[sflag:s29] =	ssyncadd.s32 $0xFFFFE000  }
0xda: {  	[tilespmem:s19], [sflag:$0x1] =	stream.indirect.gather [hbm4b:s6+s18], $0x40, s9, s18, $0xb8;
	[tilespmem:$0x1DA00] =	vst v63  }
0xdb: {  	_ =	swait.ge [sflag:s31], $0x2000  }
0xdc: {  	[sflag:s31] =	ssyncset.done $0x0  }
0xdd: {  	s8 =	simm.s32 $0x1100;
	[sflag:s31] =	ssyncadd.s32 $0xFFFFE000  }
0xde: {  	[spmem:s1] =	stream.indirect.scatter.add.bf16 [tilespmem:s22], [sflag:$0x7], $0x40, s8, s18, $0xb8;
	[tilespmem:$0x1DA00] =	vst v63  }
0xdf: {  	_ =	swait.ge [sflag:s3], $0x2000  }
0xe0: {  	[sflag:s3] =	ssyncset.done $0x0  }
0xe1: {  	s9 =	simm.s32 $0x280;
	[sflag:s3] =	ssyncadd.s32 $0xFFFFE000  }
0xe2: {  	[tilespmem:s20], [sflag:$0x2] =	stream.indirect.gather [hbm4b:s6+s18], $0x40, s9, s18, $0xb8;
	[tilespmem:$0x1DA00] =	vst v63  }
0xe3: {  	_ =	swait.ge [sflag:s10], $0x2000  }
0xe4: {  	[sflag:s10] =	ssyncset.done $0x0  }
0xe5: {  	s8 =	simm.s32 $0x1180;
	[sflag:s10] =	ssyncadd.s32 $0xFFFFE000  }
0xe6: {  	[spmem:s1] =	stream.indirect.scatter.add.bf16 [tilespmem:s25], [sflag:$0x8], $0x40, s8, s18, $0xb8;
	[tilespmem:$0x1DA00] =	vst v63  }
0xe7: {  	_ =	swait.ge [sflag:s12], $0x2000  }
0xe8: {  	[sflag:s12] =	ssyncset.done $0x0  }
0xe9: {  	s9 =	simm.s32 $0x300;
	[sflag:s12] =	ssyncadd.s32 $0xFFFFE000  }
0xea: {  	[tilespmem:s22], [sflag:$0x3] =	stream.indirect.gather [hbm4b:s6+s18], $0x40, s9, s18, $0xb8;
	[tilespmem:$0x1DA00] =	vst v63  }
0xeb: {  	_ =	swait.ge [sflag:s23], $0x2000  }
0xec: {  	[sflag:s23] =	ssyncset.done $0x0  }
0xed: {  	s8 =	simm.s32 $0x1200;
	[sflag:s23] =	ssyncadd.s32 $0xFFFFE000  }
0xee: {  	[spmem:s1] =	stream.indirect.scatter.add.bf16 [tilespmem:s19], [sflag:$0x5], $0x40, s8, s18, $0xb8;
	[tilespmem:$0x1DA00] =	vst v63  }
0xef: {  	_ =	swait.ge [sflag:s13], $0x2000  }
0xf0: {  	[sflag:s13] =	ssyncset.done $0x0  }
0xf1: {  	s9 =	simm.s32 $0x380;
	[sflag:s13] =	ssyncadd.s32 $0xFFFFE000  }
0xf2: {  	[tilespmem:s25], [sflag:$0x4] =	stream.indirect.gather [hbm4b:s6+s18], $0x40, s9, s18, $0xb8;
	[tilespmem:$0x1DA00] =	vst v63  }
0xf3: {  	_ =	swait.ge [sflag:s26], $0x2000  }
0xf4: {  	[sflag:s26] =	ssyncset.done $0x0  }
0xf5: {  	s8 =	simm.s32 $0x1280;
	[sflag:s26] =	ssyncadd.s32 $0xFFFFE000  }
0xf6: {  	[spmem:s1] =	stream.indirect.scatter.add.bf16 [tilespmem:s20], [sflag:$0x6], $0x40, s8, s18, $0xb8;
	[tilespmem:$0x1DA00] =	vst v63  }
0xf7: {  	_ =	swait.ge [sflag:s29], $0x2000  }
0xf8: {  	[sflag:s29] =	ssyncset.done $0x0  }
0xf9: {  	s9 =	simm.s32 $0x400;
	[sflag:s29] =	ssyncadd.s32 $0xFFFFE000  }
0xfa: {  	[tilespmem:s19], [sflag:$0x1] =	stream.indirect.gather [hbm4b:s6+s18], $0x40, s9, s18, $0xb8;
	[tilespmem:$0x1DA00] =	vst v63  }
0xfb: {  	_ =	swait.ge [sflag:s31], $0x2000  }
0xfc: {  	[sflag:s31] =	ssyncset.done $0x0  }
0xfd: {  	s8 =	simm.s32 $0x1300;
	[sflag:s31] =	ssyncadd.s32 $0xFFFFE000  }
0xfe: {  	[spmem:s1] =	stream.indirect.scatter.add.bf16 [tilespmem:s22], [sflag:$0x7], $0x40, s8, s18, $0xb8;
	[tilespmem:$0x1DA00] =	vst v63  }
0xff: {  	_ =	swait.ge [sflag:s3], $0x2000  }
0x100: {  	[sflag:s3] =	ssyncset.done $0x0  }
0x101: {  	s9 =	simm.s32 $0x480;
	[sflag:s3] =	ssyncadd.s32 $0xFFFFE000  }
0x102: {  	[tilespmem:s20], [sflag:$0x2] =	stream.indirect.gather [hbm4b:s6+s18], $0x40, s9, s18, $0xb8;
	[tilespmem:$0x1DA00] =	vst v63  }
0x103: {  	_ =	swait.ge [sflag:s10], $0x2000  }
0x104: {  	[sflag:s10] =	ssyncset.done $0x0  }
0x105: {  	s0 =	simm.s32 $0x800;
	s9 =	simm.s32 $0x1380;
	[sflag:s10] =	ssyncadd.s32 $0xFFFFE000  }
.LBB2_3:
0x106: {  	[spmem:s1] =	stream.indirect.scatter.add.bf16 [tilespmem:s25], [sflag:$0x8], $0x40, s9, s18, $0xb8;
	[tilespmem:$0x1DA00] =	vst v63  }
0x107: {  	s8 =	smov.u32 s0  }
0x108: {  	p1 =	sne.s32 s0, $0x2800;
	s0 =	sadd.s32 $0x800, s0;
	_ =	swait.ge [sflag:s12], $0x2000  }
0x109: {  	s9 =	sshra.s32 s8, $0x2;
	[sflag:s12] =	ssyncset.done $0x0  }
0x10a: {  	s8 =	sadd.s32 $0x300, s9;
	[sflag:s12] =	ssyncadd.s32 $0xFFFFE000  }
0x10b: {  	[tilespmem:s22], [sflag:$0x3] =	stream.indirect.gather [hbm4b:s6+s18], $0x40, s8, s18, $0xb8;
	[tilespmem:$0x1DA00] =	vst v63  }
0x10c: {  	_ =	swait.ge [sflag:s23], $0x2000  }
0x10d: {  	[sflag:s23] =	ssyncset.done $0x0  }
0x10e: {  	s8 =	sadd.s32 $0x1200, s9;
	[sflag:s23] =	ssyncadd.s32 $0xFFFFE000  }
0x10f: {  	[spmem:s1] =	stream.indirect.scatter.add.bf16 [tilespmem:s19], [sflag:$0x5], $0x40, s8, s18, $0xb8;
	[tilespmem:$0x1DA00] =	vst v63  }
0x110: {  	_ =	swait.ge [sflag:s13], $0x2000  }
0x111: {  	[sflag:s13] =	ssyncset.done $0x0  }
0x112: {  	s8 =	sadd.s32 $0x380, s9;
	[sflag:s13] =	ssyncadd.s32 $0xFFFFE000  }
0x113: {  	[tilespmem:s25], [sflag:$0x4] =	stream.indirect.gather [hbm4b:s6+s18], $0x40, s8, s18, $0xb8;
	[tilespmem:$0x1DA00] =	vst v63  }
0x114: {  	_ =	swait.ge [sflag:s26], $0x2000  }
0x115: {  	[sflag:s26] =	ssyncset.done $0x0  }
0x116: {  	s8 =	sadd.s32 $0x1280, s9;
	[sflag:s26] =	ssyncadd.s32 $0xFFFFE000  }
0x117: {  	[spmem:s1] =	stream.indirect.scatter.add.bf16 [tilespmem:s20], [sflag:$0x6], $0x40, s8, s18, $0xb8;
	[tilespmem:$0x1DA00] =	vst v63  }
0x118: {  	_ =	swait.ge [sflag:s29], $0x2000  }
0x119: {  	[sflag:s29] =	ssyncset.done $0x0  }
0x11a: {  	s8 =	sadd.s32 $0x400, s9;
	[sflag:s29] =	ssyncadd.s32 $0xFFFFE000  }
0x11b: {  	[tilespmem:s19], [sflag:$0x1] =	stream.indirect.gather [hbm4b:s6+s18], $0x40, s8, s18, $0xb8;
	[tilespmem:$0x1DA00] =	vst v63  }
0x11c: {  	_ =	swait.ge [sflag:s31], $0x2000  }
0x11d: {  	[sflag:s31] =	ssyncset.done $0x0  }
0x11e: {  	s8 =	sadd.s32 $0x1300, s9;
	[sflag:s31] =	ssyncadd.s32 $0xFFFFE000  }
0x11f: {  	[spmem:s1] =	stream.indirect.scatter.add.bf16 [tilespmem:s22], [sflag:$0x7], $0x40, s8, s18, $0xb8;
	[tilespmem:$0x1DA00] =	vst v63  }
0x120: {  	_ =	swait.ge [sflag:s3], $0x2000  }
0x121: {  	[sflag:s3] =	ssyncset.done $0x0  }
.Ltmp6:
0x122: {  	s8 =	sadd.s32 $0x480, s9;
	[sflag:s3] =	ssyncadd.s32 $0xFFFFE000;
	(pc) =	sbr.rel @p1 .LBB2_3-.Ltmp6, $4  }
0x123: {  	[tilespmem:s20], [sflag:$0x2] =	stream.indirect.gather [hbm4b:s6+s18], $0x40, s8, s18, $0xb8;
	[tilespmem:$0x1DA00] =	vst v63  }
0x124: {  	_ =	swait.ge [sflag:s10], $0x2000  }
0x125: {  	[sflag:s10] =	ssyncset.done $0x0  }
0x126: {  	s9 =	sadd.s32 $0x1380, s9;
	[sflag:s10] =	ssyncadd.s32 $0xFFFFE000  }
0x127: {  	[spmem:s1] =	stream.indirect.scatter.add.bf16 [tilespmem:s25], [sflag:$0x8], $0x40, s9, s18, $0xb8;
	[tilespmem:$0x1DA00] =	vst v63  }
0x128: {  	_ =	swait.ge [sflag:s12], $0x2000  }
0x129: {  	[sflag:s12] =	ssyncset.done $0x0  }
0x12a: {  	[sflag:s12] =	ssyncadd.s32 $0xFFFFE000  }
0x12b: {  	[tilespmem:s22], [sflag:$0x3] =	stream.indirect.gather [hbm4b:s6+s18], $0x40, s14, s18, $0xb8;
	[tilespmem:$0x1DA00] =	vst v63  }
0x12c: {  	_ =	swait.ge [sflag:s23], $0x2000  }
0x12d: {  	[sflag:s23] =	ssyncset.done $0x0  }
0x12e: {  	[sflag:s23] =	ssyncadd.s32 $0xFFFFE000  }
0x12f: {  	[spmem:s1] =	stream.indirect.scatter.add.bf16 [tilespmem:s19], [sflag:$0x5], $0x40, s15, s18, $0xb8;
	[tilespmem:$0x1DA00] =	vst v63  }
0x130: {  	_ =	swait.ge [sflag:s13], $0x2000  }
0x131: {  	[sflag:s13] =	ssyncset.done $0x0  }
0x132: {  	[sflag:s13] =	ssyncadd.s32 $0xFFFFE000  }
0x133: {  	[tilespmem:s25], [sflag:$0x4] =	stream.indirect.gather [hbm4b:s6+s18], $0x40, s2, s18, $0xb8;
	[tilespmem:$0x1DA00] =	vst v63  }
0x134: {  	_ =	swait.ge [sflag:s26], $0x2000  }
0x135: {  	[sflag:s26] =	ssyncset.done $0x0  }
0x136: {  	[sflag:s26] =	ssyncadd.s32 $0xFFFFE000  }
0x137: {  	[spmem:s1] =	stream.indirect.scatter.add.bf16 [tilespmem:s20], [sflag:$0x6], $0x40, s21, s18, $0xb8;
	[tilespmem:$0x1DA00] =	vst v63  }
0x138: {  	_ =	swait.ge [sflag:s31], $0x2000  }
0x139: {  	[sflag:s31] =	ssyncset.done $0x0  }
0x13a: {  	[sflag:s31] =	ssyncadd.s32 $0xFFFFE000  }
0x13b: {  	[spmem:s1] =	stream.indirect.scatter.add.bf16 [tilespmem:s22], [sflag:$0x7], $0x40, s24, s18, $0xb8;
	[tilespmem:$0x1DA00] =	vst v63  }
0x13c: {  	_ =	swait.ge [sflag:s10], $0x2000  }
0x13d: {  	[sflag:s10] =	ssyncset.done $0x0  }
0x13e: {  	[sflag:s10] =	ssyncadd.s32 $0xFFFFE000  }
0x13f: {  	[spmem:s1] =	stream.indirect.scatter.add.bf16 [tilespmem:s25], [sflag:$0x8], $0x40, s28, s18, $0xb8;
	[tilespmem:$0x1DA00] =	vst v63  }
0x140: {  	_ =	swait.ge [sflag:s29], $0x2000  }
0x141: {  	[sflag:s29] =	ssyncset.done $0x0  }
0x142: {  	[sflag:s29] =	ssyncadd.s32 $0xFFFFE000  }
0x143: {  	_ =	swait.ge [sflag:s3], $0x2000  }
0x144: {  	[sflag:s3] =	ssyncset.done $0x0  }
0x145: {  	s30 =	sadd.s32 $0x1, s30;
	[sflag:s3] =	ssyncadd.s32 $0xFFFFE000  }
0x146: {  	p1 =	seq.s32 s30, $0x5;
	_ =	swait.ge [sflag:s12], $0x2000  }
.Ltmp7:
0x147: {  	[sflag:s12] =	ssyncset.done $0x0;
	(pc) =	sbr.rel @!p1 .LBB2_2-.Ltmp7, $4  }
0x148: {  	[sflag:s12] =	ssyncadd.s32 $0xFFFFE000  }
0x149: {  	_ =	swait.ge [sflag:s13], $0x2000  }
0x14a: {  	[sflag:s13] =	ssyncset.done $0x0  }
0x14b: {  	[sflag:s13] =	ssyncadd.s32 $0xFFFFE000  }
.Ltmp8:
0x14c: {  	(pc) =	sbr.rel .LBB2_10-.Ltmp8, $3  }
0x14d: {  	_ =	sdelay $0x1  }
0x14e: {  	s0 =	rddreg [dreg:$0x5]  }
0x14f: {  	s30 =	rddreg [dreg:$0x3]  }
.LBB2_11:
0x150: {  	_ =	sfence.sel $0x180000  }
0x151: {  	[bflag:$0x0] =	sbarrier.arrive $0xFFFF  }
0x152: {  	_ =	strace $0x9000004A  }
0x153: {  	s0 =	stileid.u32;
	[bflag:$0x2] =	sbarrier.arrive $0xFFFF  }
0x154: {  	p0 =	sne.s32 s0, $0x0;
	s0 =	rddreg [dreg:$0x2]  }
0x155: {  	s0 =	sadd.s32 @!p0 $0x100000, s0  }
0x156: {  	[sflag:s0] =	ssyncadd.tile.s32 @!p0 $0x1;
	_ =	shalt  }
.Lfunc_end2:
_tile_overlayer_lowered:
.L_overlay_start_2:
0x157: {  	(tag) =	ssettag $0x2  }
0x158: {  	s0 =	rddreg [dreg:$0x0];
	s2 =	stileid.u32  }
0x159: {  	s1 =	rddreg [dreg:$0x1];
	p0 =	sne.s32 s2, $0x0  }
0x15a: {  	s3 =	rddreg [dreg:$0x2];
	[bflag:$0x3] =	sbarrier.arrive $0xFFFF;
	s2 =	simm.s32 @!p0 $0x1C09  }
0x15b: {  	[timem:s3], [sflag:s2] =	dma.local @!p0 [hbm:s0], s1  }
0x15c: {  	s0 =	simm.s32 @!p0 $0x9  }
0x15d: {  	_ =	swait.ge @!p0 [sflag:s0], s1  }
0x15e: {  	s1 =	ssub.s32 @!p0 $0x0, s1;
	[sflag:s0] =	ssyncset.done @!p0 $0x0  }
0x15f: {  	[sflag:s0] =	ssyncadd.s32 @!p0 s1  }
0x160: {  	[bflag:$0x3] =	sbarrier.arrive $0xFFFF  }
0x161: {  	_ =	shalt  }

// kernel: kernel.15.cloned.1.call-start
scs
__scs_entry_jumppad:
0x0: {  	(pc) =	sbr.rel $0x88, $3  }
0x1: {  	(tag) =	ssettag $0x0;
	lr =	simm.s32 $0x1  }
0x2: {  	[smem:$0x3F97] =	sst lr;
	_ =	strace $0xD0000000  }
0x3: {  	_ = 	snop  }
0x4: {  	_ = 	snop  }
0x5: {  	_ = 	snop  }
0x6: {  	_ = 	snop  }
0x7: {  	_ = 	snop  }
__scs_overlays_trampoline_lowered:
0x8: {  	[smem:$0x3FA6] =	sst s0  }
0x9: {  	[smem:$0x3FA7] =	sst s1  }
0xa: {  	[smem:$0x3FA8] =	sst s2  }
0xb: {  	[smem:$0x3FA9] =	sst s3  }
0xc: {  	[smem:$0x3FAA] =	sst s4  }
0xd: {  	[smem:$0x3FAB] =	sst s5  }
0xe: {  	[smem:$0x3FAC] =	sst s6  }
0xf: {  	[smem:$0x3FAD] =	sst s7  }
0x10: {  	[smem:$0x3FAE] =	sst s8  }
0x11: {  	[smem:$0x3FAF] =	sst s9;
	s0 =	simm.s32 @!p0 $0x0  }
0x12: {  	s1 =	sld [smem:$0x3F95];
	s0 =	simm.s32 @p0 $0x1  }
0x13: {  	[smem:$0x3FB0] =	sst s0;
	s0 =	simm.s32 @!p1 $0x0  }
0x14: {  	s2 =	sld [smem:$0x3F94];
	s0 =	simm.s32 @p1 $0x1  }
0x15: {  	[smem:$0x3FB1] =	sst s0;
	s0 =	simm.s32 @!p2 $0x0  }
0x16: {  	s3 =	sld [smem:$0x3FDB];
	s0 =	simm.s32 @p2 $0x1  }
0x17: {  	s4 =	simm.s32 $0x1BF5;
	[smem:$0x3FB3] =	sst s0  }
0x18: {  	s0 =	sld [smem:$0x3F96];
	_ =	swait.ge [sflag:s4], $0x0  }
0x19: {  	s7 =	sld [smem:$0x3F97]  }
0x1a: {  	s8 =	sadd.s32 $0xFFFFE003, lr  }
0x1b: {  	s9 =	sadd.s32 $0xFFFFFEF7, lr;
	s5 =	simm.s32 $0xFFFFFFFF;
	p2 =	slt.u32 s8, $0xFFFFF086  }
0x1c: {  	p1 =	slt.u32 s9, $0xF7A;
	s5 =	simm.s32 @!p2 $0x0  }
0x1d: {  	s5 =	simm.s32 @p1 $0x1;
	p0 =	seq.s32 s7, s2  }
0x1e: {  	s7 =	smul.u32 @!p0 $0xF7A, s2;
	p2 =	seq.s32 @!p0 s5, $0x0  }
0x1f: {  	s9 =	smul.u32 $0xF7A, s1;
	s8 =	simm.s32 @!p0 $0x1BF5;
	p2 =	por !p2, p0  }
0x20: {  	[sflag:s8] =	ssyncset.s32 @!p0 $0xFFFFF086;
	s6 =	sadd.s32 @!p0 s3, s7;
	s7 =	simm.s32 @!p0 $0x108  }
0x21: {  	s3 =	sadd.s32 s3, s9;
	s6 =	sadd.s32 @!p0 $0x88, s6;
	s7 =	simm.s32 @p2 $0x1082  }
0x22: {  	[simem:s7], [sflag:s8] =	dma.local @!p0 [hbm:s6], $0xF7A  }
0x23: {  	s9 =	sor.u32 $0xD0000000, s2;
	s6 =	simm.s32 $0x108;
	_ =	swait.ge @!p0 [sflag:s8], $0x0  }
0x24: {  	s3 =	sadd.s32 $0x88, s3;
	s6 =	simm.s32 @!p1 $0x1082;
	[sflag:s4] =	ssyncset.s32 $0xFFFFF086  }
0x25: {  	[simem:s6], [sflag:s4] =	dma.local [hbm:s3], $0xF7A  }
0x26: {  	[smem:$0x3F97] =	sst s1;
	(tag) =	ssettag s2;
	_ =	strace s9  }
0x27: {  	s1 =	sld [smem:$0x3FA7]  }
0x28: {  	s2 =	sld [smem:$0x3FA8]  }
0x29: {  	s4 =	sld [smem:$0x3FAA]  }
0x2a: {  	p0 =	seq.s32 s5, $0x0;
	s5 =	sld [smem:$0x3FAB]  }
0x2b: {  	s6 =	sld [smem:$0x3FAC]  }
0x2c: {  	s7 =	sld [smem:$0x3FAD]  }
0x2d: {  	s3 =	simm.s32 $0x108;
	s8 =	sld [smem:$0x3FAE]  }
0x2e: {  	s3 =	simm.s32 @!p0 $0x1082;
	s9 =	sld [smem:$0x3FAF]  }
0x2f: {  	lr =	sadd.s32 s0, s3;
	s0 =	sld [smem:$0x3FA6]  }
0x30: {  	s3 =	sld [smem:$0x3FA9]  }
0x31: {  	[smem:$0x3FB2] =	sst s10  }
0x32: {  	s10 =	sld [smem:$0x3FB0];
	_ =	sdelay $0x3  }
0x33: {  	p0 =	seq.s32 s10, $0x1;
	s10 =	sld [smem:$0x3FB2];
	_ =	sdelay $0x3  }
0x34: {  	[smem:$0x3FB2] =	sst s10  }
0x35: {  	s10 =	sld [smem:$0x3FB1];
	_ =	sdelay $0x3  }
0x36: {  	p1 =	seq.s32 s10, $0x1;
	s10 =	sld [smem:$0x3FB2];
	_ =	sdelay $0x3  }
0x37: {  	[smem:$0x3FB2] =	sst s10  }
0x38: {  	s10 =	sld [smem:$0x3FB3]  }
0x39: {  	_ = 	snop;
	(pc) =	sbr.ind lr, $3  }
0x3a: {  	_ = 	snop  }
0x3b: {  	_ = 	snop  }
0x3c: {  	p2 =	seq.s32 s10, $0x1;
	s10 =	sld [smem:$0x3FB2]  }
0x3d: {  	_ =	shalt  }
0x3e: {  	_ =	shalt  }
0x3f: {  	_ =	shalt  }
0x40: {  	_ =	shalt  }
0x41: {  	_ =	shalt  }
0x42: {  	_ =	shalt  }
0x43: {  	_ =	shalt  }
0x44: {  	_ =	shalt  }
0x45: {  	_ =	shalt  }
0x46: {  	_ =	shalt  }
0x47: {  	_ =	shalt  }
0x48: {  	_ =	shalt  }
0x49: {  	_ =	shalt  }
0x4a: {  	_ =	shalt  }
0x4b: {  	_ =	shalt  }
0x4c: {  	_ =	shalt  }
0x4d: {  	_ =	shalt  }
0x4e: {  	_ =	shalt  }
0x4f: {  	_ =	shalt  }
0x50: {  	_ =	shalt  }
0x51: {  	_ =	shalt  }
0x52: {  	_ =	shalt  }
0x53: {  	_ =	shalt  }
0x54: {  	_ =	shalt  }
0x55: {  	_ =	shalt  }
0x56: {  	_ =	shalt  }
0x57: {  	_ =	shalt  }
0x58: {  	_ =	shalt  }
0x59: {  	_ =	shalt  }
0x5a: {  	_ =	shalt  }
0x5b: {  	_ =	shalt  }
0x5c: {  	_ =	shalt  }
0x5d: {  	_ =	shalt  }
0x5e: {  	_ =	shalt  }
0x5f: {  	_ =	shalt  }
0x60: {  	_ =	shalt  }
0x61: {  	_ =	shalt  }
0x62: {  	_ =	shalt  }
0x63: {  	_ =	shalt  }
0x64: {  	_ =	shalt  }
0x65: {  	_ =	shalt  }
0x66: {  	_ =	shalt  }
0x67: {  	_ =	shalt  }
0x68: {  	_ =	shalt  }
0x69: {  	_ =	shalt  }
0x6a: {  	_ =	shalt  }
0x6b: {  	_ =	shalt  }
0x6c: {  	_ =	shalt  }
0x6d: {  	_ =	shalt  }
0x6e: {  	_ =	shalt  }
0x6f: {  	_ =	shalt  }
0x70: {  	_ =	shalt  }
0x71: {  	_ =	shalt  }
0x72: {  	_ =	shalt  }
0x73: {  	_ =	shalt  }
0x74: {  	_ =	shalt  }
0x75: {  	_ =	shalt  }
0x76: {  	_ =	shalt  }
0x77: {  	_ =	shalt  }
0x78: {  	_ =	shalt  }
0x79: {  	_ =	shalt  }
0x7a: {  	_ =	shalt  }
0x7b: {  	_ =	shalt  }
0x7c: {  	_ =	shalt  }
0x7d: {  	_ =	shalt  }
0x7e: {  	_ =	shalt  }
0x7f: {  	_ =	shalt  }
0x80: {  	_ =	shalt  }
0x81: {  	_ =	shalt  }
0x82: {  	_ =	shalt  }
0x83: {  	_ =	shalt  }
0x84: {  	_ =	shalt  }
0x85: {  	_ =	shalt  }
0x86: {  	_ =	shalt  }
0x87: {  	_ =	shalt  }
.Lfunc_end0:
.L_simem_size_0:
called_computation.2_lowered:
.L_overlay_start_0:
0x88: {  	s2 =	sld [smem:$0x3FD9]  }
0x89: {  	s3 =	sld [smem:$0x3FFE];
	_ =	sdelay $0x1  }
0x8a: {  	s1 =	srdreg.scid  }
0x8b: {  	s0 =	sand.u32 $0x1, s1  }
0x8c: {  	s16 =	sshll.u32 s0, $0xA;
	s2 =	sadd.s32 s3, s2  }
0x8d: {  	s2 =	sadd.s32 s2, s16  }
0x8e: {  	[smem:$0x3FBE] =	sst s2  }
0x8f: {  	_ = 	snop  }
0x90: {  	(tm) =	ssettm $0x1  }
0x91: {  	s17 =	sld [smem:$0x3FFB];
	_ =	sdelay $0x3  }
0x92: {  	_ =	strace s17  }
0x93: {  	s2 =	sld [smem:$0x3FFC];
	_ =	sdelay $0x3  }
0x94: {  	_ =	strace s2  }
0x95: {  	s2 =	sld [smem:$0x3FFD];
	_ =	sdelay $0x3  }
0x96: {  	_ =	strace s2  }
0x97: {  	_ =	strace $0x8FFFFFFF  }
0x98: {  	s18 =	sld [smem:$0x3FDB];
	_ =	sdelay $0x1  }
0x99: {  	s19 =	simm.s32 $_scs_section_size  }
0x9a: {  	s4 =	simm.s32 $_size__tile_overlayer_lowered;
	s5 =	simm.s32 $_tile_overlayer_lowered  }
0x9b: {  	s22 =	simm.s32 $0x1BFF;
	s21 =	sshll.u32 s5, $0x1;
	s2 =	sadd.s32 s19, s18  }
0x9c: {  	s6 =	simm.s32 $0x0;
	s20 =	sshll.u32 s4, $0x1;
	s4 =	sadd.s32 s21, s2  }
0x9d: {  	[timem:s6], [sflag:s22] =	dma.local [hbm:s4], s20  }
0x9e: {  	_ =	swait.ge [sflag:s22], s20  }
0x9f: {  	s3 =	ssub.s32 $0x0, s20;
	[sflag:s22] =	ssyncset.done $0x0  }
0xa0: {  	[sflag:s22] =	ssyncadd.s32 s3;
	_ =	sdelay $0x1  }
0xa1: {  	s23 =	simm.s32 $0x1B8B  }
0xa2: {  	_ =	swait.ge [sflag:s23], $0x1  }
0xa3: {  	[sflag:s23] =	ssyncset.done $0x0  }
0xa4: {  	s25 =	simm.s32 $0x1B8E;
	s24 =	sld [smem:$0x3FFE];
	[sflag:s23] =	ssyncadd.s32 $0xFFFFFFFF  }
0xa5: {  	s26 =	simm.s32 $execute0_lowered;
	[smem:$0x3FD2] =	sst s25  }
0xa6: {  	s4 =	sshll.u32 s26, $0x1;
	_ =	strace $0x8000004C;
	[dreg:$0x1] =	wrdreg $0xFFFFFFFF  }
0xa7: {  	s28 =	simm.s32 $_size_execute0_lowered;
	s2 =	sadd.s32 s2, s4;
	[dreg:$0x0] =	wrdreg $0x0  }
0xa8: {  	s4 =	sshll.u32 s28, $0x1;
	[dreg:$0x2] =	wrdreg s2  }
0xa9: {  	[dreg:$0x3] =	wrdreg s4  }
0xaa: {  	[dreg:$0x4] =	wrdreg $0xC0  }
0xab: {  	_ =	task [dreg:s6], $0x5FFFF  }
0xac: {  	[dreg:$0x1] =	wrdreg $0xFFFFFFFF  }
0xad: {  	[dreg:$0x0] =	wrdreg $0x60  }
0xae: {  	[dreg:$0x2] =	wrdreg s24  }
0xaf: {  	[dreg:$0x3] =	wrdreg $0xA0000  }
0xb0: {  	[dreg:$0x4] =	wrdreg $0x9  }
0xb1: {  	_ =	task.clear_ibuf [dreg:s6], $0x5FFFF;
	_ =	strace $0x9000004C  }
0xb2: {  	s29 =	simm.s32 $0x9;
	_ =	strace $0x8000004E  }
0xb3: {  	_ =	swait.ge [sflag:s29], $0x1  }
0xb4: {  	[sflag:s29] =	ssyncadd.s32 $0xFFFFFFFF  }
0xb5: {  	_ =	strace $0x9000004E  }
0xb6: {  	_ =	sfence  }
0xb7: {  	s30 =	sld [smem:$0x0];
	_ =	sdelay $0x2  }
0xb8: {  	s31 =	sshll.u32 s1, $0xD;
	s1 =	sshrl.u32 s1, $0x2  }
0xb9: {  	s3 =	sand.u32 $0x4000, s31;
	s1 =	sadd.s32 s1, s30  }
0xba: {  	s0 =	sor.u32 s3, s0;
	s1 =	sshll.u32 s1, $0x11  }
0xbb: {  	s0 =	sor.u32 s1, s0  }
0xbc: {  	s0 =	sadd.s32 $0x8F2B, s0  }
0xbd: {  	[sflag:s0] =	ssyncadd.remote.s32 $0x1  }
0xbe: {  	_ =	sfence.sel $0xFFFF  }
0xbf: {  	[dreg:$0x0] =	wrdreg $0xFFFFFFFF;
	(pc) =	sbr.abs _section_cstart, $3  }
0xc0: {  	[dreg:$0x1] =	wrdreg $0xFFFFFFFF  }
0xc1: {  	_ =	task.clear_ibuf [dreg:s6], $0x2FFFF;
	_ =	strace $0x9FFFFFFF  }
0xc2: {  	(tm) =	ssettm $0x7FFFFFFF  }
0xc3: {  	_ =	shalt  }
tec
execute0_lowered:
.L_overlay_start_1:
0x0: {  	(tag) =	ssettag $0x1  }
0x1: {  	s0 =	rddreg [dreg:$0x0]  }
0x2: {  	s1 =	rddreg [dreg:$0x1];
	s30 =	simm.s32 $0x0  }
0x3: {  	s2 =	srdreg.scid;
	s10 =	stileid.u32;
	s16 =	simm.s32 $0x9  }
0x4: {  	s17 =	simm.s32 $0x1000;
	s18 =	simm.s32 $0x80;
	s19 =	simm.s32 $0x2000  }
0x5: {  	s29 =	simm.s32 $0x5;
	s31 =	simm.s32 $0x3;
	s12 =	simm.s32 $0x7  }
0x6: {  	s13 =	simm.s32 $0x8;
	s14 =	simm.s32 $0xF00;
	s15 =	simm.s32 $0x1E00  }
0x7: {  	s28 =	simm.s32 $0x1F80;
	[smem:$0x7FF] =	sst s30;
	s4 =	sadd.s32 $0xD200, s0  }
0x8: {  	s5 =	sadd.s32 $0x3200, s0;
	s6 =	sadd.s32 $0x24000, s0;
	s7 =	sadd.s32 $0x15C800, s0  }
0x9: {  	s2 =	sand.u32 $0x1, s2;
	s8 =	smul.u32 $0x27400, s10;
	s20 =	sadd.s32 $0x183A00, s0  }
0xa: {  	s9 =	sadd.s32 $0x21800, s0;
	s0 =	sadd.s32 $0x1AAE00, s0;
	s11 =	smul.u32 $0x5000, s10  }
0xb: {  	s26 =	sshll.u32 s10, $0x6;
	_ =	strace $0x8000004D;
	[dreg:$0x4] =	wrdreg s9  }
0xc: {  	s10 =	simm.s32 $0x4;
	s3 =	ssub.s32 $0x2, s2;
	[dreg:$0x5] =	wrdreg s20  }
0xd: {  	[dreg:$0x6] =	wrdreg s0;
	p0 =	seq.s32 s2, $0x1;
	s20 =	simm.s32 $0x4000  }
0xe: {  	s2 =	simm.s32 $0xF80;
	s21 =	sshrl.u32 s3, $0x1;
	s23 =	sshrl.u32 s8, $0x1  }
0xf: {  	s25 =	sshrl.u32 s8, $0x4;
	s8 =	sor.u32 $0x1C09, s26;
	s26 =	simm.s32 $0x2  }
.Ltmp0:
0x10: {  	s22 =	ssub.s32 s3, s21;
	s24 =	sadd.s32 s23, s1;
	(pc) =	sbr.rel .LBB2_1-.Ltmp0, $4  }
0x11: {  	[dreg:$0x7] =	wrdreg s25;
	s23 =	simm.s32 $0x1;
	s25 =	simm.s32 $0x8000  }
0x12: {  	s3 =	simm.s32 $0x6;
	[dreg:$0x9] =	wrdreg s8;
	s0 =	smax.u32 s22, $0x1  }
0x13: {  	s21 =	simm.s32 $0x1E80;
	s9 =	sshrl.u32 s24, $0x3;
	[dreg:$0x8] =	wrdreg s0  }
0x14: {  	s22 =	simm.s32 $0x6000;
	s24 =	simm.s32 $0x1F00;
	[dreg:$0xa] =	wrdreg s9  }
.LBB2_10:
0x15: {  	s8 =	rddreg [dreg:$0x7];
	[bflag:$0x0] =	sbarrier.arrive $0xFFFF  }
0x16: {  	s0 =	sadd.s32 s0, s8;
	s8 =	rddreg [dreg:$0x9]  }
0x17: {  	s9 =	rddreg [dreg:$0xa]  }
0x18: {  	[hbm:s0], [sflag:s8] =	dma.local [spmem:s9], $0x2740  }
0x19: {  	_ =	swait.ge [sflag:s16], $0x2740  }
0x1a: {  	s30 =	sadd.s32 $0x1, s30;
	s0 =	rddreg [dreg:$0x8]  }
0x1b: {  	p1 =	sne.s32 s30, s0  }
.Ltmp1:
0x1c: {  	_ = 	snop;
	(pc) =	sbr.rel @!p1 .LBB2_11-.Ltmp1, $3  }
0x1d: {  	_ =	sdelay $0x1  }
0x1e: {  	[sflag:s16] =	ssyncset.done $0x0  }
0x1f: {  	[sflag:s16] =	ssyncadd.s32 $0xFFFFD8C0  }
.LBB2_1:
0x20: {  	[dreg:$0x3] =	wrdreg s30  }
0x21: {  	s0 =	rddreg [dreg:$0x4]  }
0x22: {  	[spmem:s9], [sflag:s8] =	dma.local [hbm:s0], $0x2740  }
.Ltmp2:
0x23: {  	_ =	swait.ge [sflag:s16], $0x2740;
	(pc) =	sbr.rel @!p0 .LBB2_2-.Ltmp2, $4  }
0x24: {  	[sflag:s16] =	ssyncset.done $0x0  }
0x25: {  	[sflag:s16] =	ssyncadd.s32 $0xFFFFD8C0  }
0x26: {  	[bflag:$0x0] =	sbarrier.arrive $0xFFFF  }
0x27: {  	s30 =	simm.s32 $0x0;
	s0 =	simm.s32 $0x0  }
.LBB2_6:
0x28: {  	s8 =	sshll.u32 s0, $0xC  }
0x29: {  	s8 =	sadd.s32 s11, s8  }
0x2a: {  	s8 =	sshrl.u32 s8, $0x3  }
0x2b: {  	s30 =	simm.s32 $0x0;
	s9 =	sadd.s32 s4, s8  }
0x2c: {  	[tilespmem:s30], [sflag:$0x9] =	stream.linear.gather [hbm4b:s9+s30], $0x1000, $0x38;
	[tilespmem:$0x1DA00] =	vst v63  }
0x2d: {  	_ =	swait.ge [sflag:s16], $0x1000  }
0x2e: {  	[sflag:s16] =	ssyncset.done $0x0  }
0x2f: {  	s8 =	sadd.s32 s5, s8;
	[sflag:s16] =	ssyncadd.s32 $0xFFFFF000  }
0x30: {  	[tilespmem:s17], [sflag:$0x9] =	stream.linear.gather [hbm4b:s8+s30], $0x1000, $0x38;
	[tilespmem:$0x1DA00] =	vst v63  }
0x31: {  	_ =	swait.ge [sflag:s16], $0x1000  }
0x32: {  	[sflag:s16] =	ssyncset.done $0x0  }
0x33: {  	[sflag:s16] =	ssyncadd.s32 $0xFFFFF000  }
0x34: {  	[tilespmem:s19], [sflag:$0x1] =	stream.indirect.gather [hbm4b:s7+s18], $0x40, s30, s18, $0xb8;
	[tilespmem:$0x1DA00] =	vst v63  }
0x35: {  	_ = 	snop  }
0x36: {  	[tilespmem:s20], [sflag:$0x2] =	stream.indirect.gather [hbm4b:s7+s18], $0x40, s18, s18, $0xb8;
	[tilespmem:$0x1DA00] =	vst v63  }
0x37: {  	s9 =	simm.s32 $0x100  }
0x38: {  	[tilespmem:s22], [sflag:$0x3] =	stream.indirect.gather [hbm4b:s7+s18], $0x40, s9, s18, $0xb8;
	[tilespmem:$0x1DA00] =	vst v63  }
0x39: {  	_ =	swait.ge [sflag:s23], $0x2000  }
0x3a: {  	[sflag:s23] =	ssyncset.done $0x0  }
0x3b: {  	[sflag:s23] =	ssyncadd.s32 $0xFFFFE000  }
0x3c: {  	[spmem:s1] =	stream.indirect.scatter.add.bf16 [tilespmem:s19], [sflag:$0x5], $0x40, s17, s18, $0xb8;
	[tilespmem:$0x1DA00] =	vst v63  }
0x3d: {  	s9 =	simm.s32 $0x180  }
0x3e: {  	[tilespmem:s25], [sflag:$0x4] =	stream.indirect.gather [hbm4b:s7+s18], $0x40, s9, s18, $0xb8;
	[tilespmem:$0x1DA00] =	vst v63  }
0x3f: {  	_ =	swait.ge [sflag:s26], $0x2000  }
0x40: {  	[sflag:s26] =	ssyncset.done $0x0  }
0x41: {  	s9 =	simm.s32 $0x1080;
	[sflag:s26] =	ssyncadd.s32 $0xFFFFE000  }
0x42: {  	[spmem:s1] =	stream.indirect.scatter.add.bf16 [tilespmem:s20], [sflag:$0x6], $0x40, s9, s18, $0xb8;
	[tilespmem:$0x1DA00] =	vst v63  }
0x43: {  	_ =	swait.ge [sflag:s29], $0x2000  }
0x44: {  	[sflag:s29] =	ssyncset.done $0x0  }
0x45: {  	s9 =	simm.s32 $0x200;
	[sflag:s29] =	ssyncadd.s32 $0xFFFFE000  }
0x46: {  	[tilespmem:s19], [sflag:$0x1] =	stream.indirect.gather [hbm4b:s7+s18], $0x40, s9, s18, $0xb8;
	[tilespmem:$0x1DA00] =	vst v63  }
0x47: {  	_ =	swait.ge [sflag:s31], $0x2000  }
0x48: {  	[sflag:s31] =	ssyncset.done $0x0  }
0x49: {  	s9 =	simm.s32 $0x1100;
	[sflag:s31] =	ssyncadd.s32 $0xFFFFE000  }
0x4a: {  	[spmem:s1] =	stream.indirect.scatter.add.bf16 [tilespmem:s22], [sflag:$0x7], $0x40, s9, s18, $0xb8;
	[tilespmem:$0x1DA00] =	vst v63  }
0x4b: {  	_ =	swait.ge [sflag:s3], $0x2000  }
0x4c: {  	[sflag:s3] =	ssyncset.done $0x0  }
0x4d: {  	s9 =	simm.s32 $0x280;
	[sflag:s3] =	ssyncadd.s32 $0xFFFFE000  }
0x4e: {  	[tilespmem:s20], [sflag:$0x2] =	stream.indirect.gather [hbm4b:s7+s18], $0x40, s9, s18, $0xb8;
	[tilespmem:$0x1DA00] =	vst v63  }
0x4f: {  	_ =	swait.ge [sflag:s10], $0x2000  }
0x50: {  	[sflag:s10] =	ssyncset.done $0x0  }
0x51: {  	s9 =	simm.s32 $0x1180;
	[sflag:s10] =	ssyncadd.s32 $0xFFFFE000  }
0x52: {  	[spmem:s1] =	stream.indirect.scatter.add.bf16 [tilespmem:s25], [sflag:$0x8], $0x40, s9, s18, $0xb8;
	[tilespmem:$0x1DA00] =	vst v63  }
0x53: {  	_ =	swait.ge [sflag:s12], $0x2000  }
0x54: {  	[sflag:s12] =	ssyncset.done $0x0  }
0x55: {  	s9 =	simm.s32 $0x300;
	[sflag:s12] =	ssyncadd.s32 $0xFFFFE000  }
0x56: {  	[tilespmem:s22], [sflag:$0x3] =	stream.indirect.gather [hbm4b:s7+s18], $0x40, s9, s18, $0xb8;
	[tilespmem:$0x1DA00] =	vst v63  }
0x57: {  	_ =	swait.ge [sflag:s23], $0x2000  }
0x58: {  	[sflag:s23] =	ssyncset.done $0x0  }
0x59: {  	s9 =	simm.s32 $0x1200;
	[sflag:s23] =	ssyncadd.s32 $0xFFFFE000  }
0x5a: {  	[spmem:s1] =	stream.indirect.scatter.add.bf16 [tilespmem:s19], [sflag:$0x5], $0x40, s9, s18, $0xb8;
	[tilespmem:$0x1DA00] =	vst v63  }
0x5b: {  	_ =	swait.ge [sflag:s13], $0x2000  }
0x5c: {  	[sflag:s13] =	ssyncset.done $0x0  }
0x5d: {  	s9 =	simm.s32 $0x380;
	[sflag:s13] =	ssyncadd.s32 $0xFFFFE000  }
0x5e: {  	[tilespmem:s25], [sflag:$0x4] =	stream.indirect.gather [hbm4b:s7+s18], $0x40, s9, s18, $0xb8;
	[tilespmem:$0x1DA00] =	vst v63  }
0x5f: {  	_ =	swait.ge [sflag:s26], $0x2000  }
0x60: {  	[sflag:s26] =	ssyncset.done $0x0  }
0x61: {  	s9 =	simm.s32 $0x1280;
	[sflag:s26] =	ssyncadd.s32 $0xFFFFE000  }
0x62: {  	[spmem:s1] =	stream.indirect.scatter.add.bf16 [tilespmem:s20], [sflag:$0x6], $0x40, s9, s18, $0xb8;
	[tilespmem:$0x1DA00] =	vst v63  }
0x63: {  	_ =	swait.ge [sflag:s29], $0x2000  }
0x64: {  	[sflag:s29] =	ssyncset.done $0x0  }
0x65: {  	s9 =	simm.s32 $0x400;
	[sflag:s29] =	ssyncadd.s32 $0xFFFFE000  }
0x66: {  	[tilespmem:s19], [sflag:$0x1] =	stream.indirect.gather [hbm4b:s7+s18], $0x40, s9, s18, $0xb8;
	[tilespmem:$0x1DA00] =	vst v63  }
0x67: {  	_ =	swait.ge [sflag:s31], $0x2000  }
0x68: {  	[sflag:s31] =	ssyncset.done $0x0  }
0x69: {  	s9 =	simm.s32 $0x1300;
	[sflag:s31] =	ssyncadd.s32 $0xFFFFE000  }
0x6a: {  	[spmem:s1] =	stream.indirect.scatter.add.bf16 [tilespmem:s22], [sflag:$0x7], $0x40, s9, s18, $0xb8;
	[tilespmem:$0x1DA00] =	vst v63  }
0x6b: {  	_ =	swait.ge [sflag:s3], $0x2000  }
0x6c: {  	[sflag:s3] =	ssyncset.done $0x0  }
0x6d: {  	s9 =	simm.s32 $0x480;
	[sflag:s3] =	ssyncadd.s32 $0xFFFFE000  }
0x6e: {  	[tilespmem:s20], [sflag:$0x2] =	stream.indirect.gather [hbm4b:s7+s18], $0x40, s9, s18, $0xb8;
	[tilespmem:$0x1DA00] =	vst v63  }
0x6f: {  	_ =	swait.ge [sflag:s10], $0x2000  }
0x70: {  	[sflag:s10] =	ssyncset.done $0x0  }
0x71: {  	s30 =	simm.s32 $0x800;
	s9 =	simm.s32 $0x1380;
	[sflag:s10] =	ssyncadd.s32 $0xFFFFE000  }
.LBB2_7:
0x72: {  	[spmem:s1] =	stream.indirect.scatter.add.bf16 [tilespmem:s25], [sflag:$0x8], $0x40, s9, s18, $0xb8;
	[tilespmem:$0x1DA00] =	vst v63  }
0x73: {  	s8 =	smov.u32 s30  }
0x74: {  	p1 =	sne.s32 s30, $0x2800;
	s30 =	sadd.s32 $0x800, s30;
	_ =	swait.ge [sflag:s12], $0x2000  }
0x75: {  	s9 =	sshra.s32 s8, $0x2;
	[sflag:s12] =	ssyncset.done $0x0  }
0x76: {  	s8 =	sadd.s32 $0x300, s9;
	[sflag:s12] =	ssyncadd.s32 $0xFFFFE000  }
0x77: {  	[tilespmem:s22], [sflag:$0x3] =	stream.indirect.gather [hbm4b:s7+s18], $0x40, s8, s18, $0xb8;
	[tilespmem:$0x1DA00] =	vst v63  }
0x78: {  	_ =	swait.ge [sflag:s23], $0x2000  }
0x79: {  	[sflag:s23] =	ssyncset.done $0x0  }
0x7a: {  	s8 =	sadd.s32 $0x1200, s9;
	[sflag:s23] =	ssyncadd.s32 $0xFFFFE000  }
0x7b: {  	[spmem:s1] =	stream.indirect.scatter.add.bf16 [tilespmem:s19], [sflag:$0x5], $0x40, s8, s18, $0xb8;
	[tilespmem:$0x1DA00] =	vst v63  }
0x7c: {  	_ =	swait.ge [sflag:s13], $0x2000  }
0x7d: {  	[sflag:s13] =	ssyncset.done $0x0  }
0x7e: {  	s8 =	sadd.s32 $0x380, s9;
	[sflag:s13] =	ssyncadd.s32 $0xFFFFE000  }
0x7f: {  	[tilespmem:s25], [sflag:$0x4] =	stream.indirect.gather [hbm4b:s7+s18], $0x40, s8, s18, $0xb8;
	[tilespmem:$0x1DA00] =	vst v63  }
0x80: {  	_ =	swait.ge [sflag:s26], $0x2000  }
0x81: {  	[sflag:s26] =	ssyncset.done $0x0  }
0x82: {  	s8 =	sadd.s32 $0x1280, s9;
	[sflag:s26] =	ssyncadd.s32 $0xFFFFE000  }
0x83: {  	[spmem:s1] =	stream.indirect.scatter.add.bf16 [tilespmem:s20], [sflag:$0x6], $0x40, s8, s18, $0xb8;
	[tilespmem:$0x1DA00] =	vst v63  }
0x84: {  	_ =	swait.ge [sflag:s29], $0x2000  }
0x85: {  	[sflag:s29] =	ssyncset.done $0x0  }
0x86: {  	s8 =	sadd.s32 $0x400, s9;
	[sflag:s29] =	ssyncadd.s32 $0xFFFFE000  }
0x87: {  	[tilespmem:s19], [sflag:$0x1] =	stream.indirect.gather [hbm4b:s7+s18], $0x40, s8, s18, $0xb8;
	[tilespmem:$0x1DA00] =	vst v63  }
0x88: {  	_ =	swait.ge [sflag:s31], $0x2000  }
0x89: {  	[sflag:s31] =	ssyncset.done $0x0  }
0x8a: {  	s8 =	sadd.s32 $0x1300, s9;
	[sflag:s31] =	ssyncadd.s32 $0xFFFFE000  }
0x8b: {  	[spmem:s1] =	stream.indirect.scatter.add.bf16 [tilespmem:s22], [sflag:$0x7], $0x40, s8, s18, $0xb8;
	[tilespmem:$0x1DA00] =	vst v63  }
0x8c: {  	_ =	swait.ge [sflag:s3], $0x2000  }
0x8d: {  	[sflag:s3] =	ssyncset.done $0x0  }
.Ltmp3:
0x8e: {  	s8 =	sadd.s32 $0x480, s9;
	[sflag:s3] =	ssyncadd.s32 $0xFFFFE000;
	(pc) =	sbr.rel @p1 .LBB2_7-.Ltmp3, $4  }
0x8f: {  	[tilespmem:s20], [sflag:$0x2] =	stream.indirect.gather [hbm4b:s7+s18], $0x40, s8, s18, $0xb8;
	[tilespmem:$0x1DA00] =	vst v63  }
0x90: {  	_ =	swait.ge [sflag:s10], $0x2000  }
0x91: {  	[sflag:s10] =	ssyncset.done $0x0  }
0x92: {  	s9 =	sadd.s32 $0x1380, s9;
	[sflag:s10] =	ssyncadd.s32 $0xFFFFE000  }
0x93: {  	[spmem:s1] =	stream.indirect.scatter.add.bf16 [tilespmem:s25], [sflag:$0x8], $0x40, s9, s18, $0xb8;
	[tilespmem:$0x1DA00] =	vst v63  }
0x94: {  	_ =	swait.ge [sflag:s12], $0x2000  }
0x95: {  	[sflag:s12] =	ssyncset.done $0x0  }
0x96: {  	[sflag:s12] =	ssyncadd.s32 $0xFFFFE000  }
0x97: {  	[tilespmem:s22], [sflag:$0x3] =	stream.indirect.gather [hbm4b:s7+s18], $0x40, s14, s18, $0xb8;
	[tilespmem:$0x1DA00] =	vst v63  }
0x98: {  	_ =	swait.ge [sflag:s23], $0x2000  }
0x99: {  	[sflag:s23] =	ssyncset.done $0x0  }
0x9a: {  	[sflag:s23] =	ssyncadd.s32 $0xFFFFE000  }
0x9b: {  	[spmem:s1] =	stream.indirect.scatter.add.bf16 [tilespmem:s19], [sflag:$0x5], $0x40, s15, s18, $0xb8;
	[tilespmem:$0x1DA00] =	vst v63  }
0x9c: {  	_ =	swait.ge [sflag:s13], $0x2000  }
0x9d: {  	[sflag:s13] =	ssyncset.done $0x0  }
0x9e: {  	[sflag:s13] =	ssyncadd.s32 $0xFFFFE000  }
0x9f: {  	[tilespmem:s25], [sflag:$0x4] =	stream.indirect.gather [hbm4b:s7+s18], $0x40, s2, s18, $0xb8;
	[tilespmem:$0x1DA00] =	vst v63  }
0xa0: {  	_ =	swait.ge [sflag:s26], $0x2000  }
0xa1: {  	[sflag:s26] =	ssyncset.done $0x0  }
0xa2: {  	[sflag:s26] =	ssyncadd.s32 $0xFFFFE000  }
0xa3: {  	[spmem:s1] =	stream.indirect.scatter.add.bf16 [tilespmem:s20], [sflag:$0x6], $0x40, s21, s18, $0xb8;
	[tilespmem:$0x1DA00] =	vst v63  }
0xa4: {  	_ =	swait.ge [sflag:s31], $0x2000  }
0xa5: {  	[sflag:s31] =	ssyncset.done $0x0  }
0xa6: {  	[sflag:s31] =	ssyncadd.s32 $0xFFFFE000  }
0xa7: {  	[spmem:s1] =	stream.indirect.scatter.add.bf16 [tilespmem:s22], [sflag:$0x7], $0x40, s24, s18, $0xb8;
	[tilespmem:$0x1DA00] =	vst v63  }
0xa8: {  	_ =	swait.ge [sflag:s10], $0x2000  }
0xa9: {  	[sflag:s10] =	ssyncset.done $0x0  }
0xaa: {  	[sflag:s10] =	ssyncadd.s32 $0xFFFFE000  }
0xab: {  	[spmem:s1] =	stream.indirect.scatter.add.bf16 [tilespmem:s25], [sflag:$0x8], $0x40, s28, s18, $0xb8;
	[tilespmem:$0x1DA00] =	vst v63  }
0xac: {  	_ =	swait.ge [sflag:s29], $0x2000  }
0xad: {  	[sflag:s29] =	ssyncset.done $0x0  }
0xae: {  	[sflag:s29] =	ssyncadd.s32 $0xFFFFE000  }
0xaf: {  	_ =	swait.ge [sflag:s3], $0x2000  }
0xb0: {  	[sflag:s3] =	ssyncset.done $0x0  }
0xb1: {  	s0 =	sadd.s32 $0x1, s0;
	[sflag:s3] =	ssyncadd.s32 $0xFFFFE000  }
0xb2: {  	p1 =	sne.s32 s0, $0x5;
	_ =	swait.ge [sflag:s12], $0x2000  }
.Ltmp4:
0xb3: {  	[sflag:s12] =	ssyncset.done $0x0;
	(pc) =	sbr.rel @p1 .LBB2_6-.Ltmp4, $4  }
0xb4: {  	[sflag:s12] =	ssyncadd.s32 $0xFFFFE000  }
0xb5: {  	_ =	swait.ge [sflag:s13], $0x2000  }
0xb6: {  	[sflag:s13] =	ssyncset.done $0x0  }
0xb7: {  	[sflag:s13] =	ssyncadd.s32 $0xFFFFE000  }
.Ltmp5:
0xb8: {  	(pc) =	sbr.rel .LBB2_10-.Ltmp5, $3  }
0xb9: {  	_ =	sdelay $0x1  }
0xba: {  	s0 =	rddreg [dreg:$0x6]  }
0xbb: {  	s30 =	rddreg [dreg:$0x3]  }
.LBB2_2:
0xbc: {  	s0 =	sshll.u32 s30, $0xC  }
0xbd: {  	s0 =	sadd.s32 s11, s0  }
0xbe: {  	s0 =	sshrl.u32 s0, $0x3  }
0xbf: {  	s8 =	simm.s32 $0x0;
	s9 =	sadd.s32 s4, s0  }
0xc0: {  	[tilespmem:s8], [sflag:$0x9] =	stream.linear.gather [hbm4b:s9+s8], $0x1000, $0x38;
	[tilespmem:$0x1DA00] =	vst v63  }
0xc1: {  	_ =	swait.ge [sflag:s16], $0x1000  }
0xc2: {  	[sflag:s16] =	ssyncset.done $0x0  }
0xc3: {  	s0 =	sadd.s32 s5, s0;
	[sflag:s16] =	ssyncadd.s32 $0xFFFFF000  }
0xc4: {  	[tilespmem:s17], [sflag:$0x9] =	stream.linear.gather [hbm4b:s0+s8], $0x1000, $0x38;
	[tilespmem:$0x1DA00] =	vst v63  }
0xc5: {  	_ =	swait.ge [sflag:s16], $0x1000  }
0xc6: {  	[sflag:s16] =	ssyncset.done $0x0  }
0xc7: {  	[sflag:s16] =	ssyncadd.s32 $0xFFFFF000  }
0xc8: {  	[tilespmem:s19], [sflag:$0x1] =	stream.indirect.gather [hbm4b:s6+s18], $0x40, s8, s18, $0xb8;
	[tilespmem:$0x1DA00] =	vst v63  }
0xc9: {  	_ = 	snop  }
0xca: {  	[tilespmem:s20], [sflag:$0x2] =	stream.indirect.gather [hbm4b:s6+s18], $0x40, s18, s18, $0xb8;
	[tilespmem:$0x1DA00] =	vst v63  }
0xcb: {  	s8 =	simm.s32 $0x100  }
0xcc: {  	[tilespmem:s22], [sflag:$0x3] =	stream.indirect.gather [hbm4b:s6+s18], $0x40, s8, s18, $0xb8;
	[tilespmem:$0x1DA00] =	vst v63  }
0xcd: {  	_ =	swait.ge [sflag:s23], $0x2000  }
0xce: {  	[sflag:s23] =	ssyncset.done $0x0  }
0xcf: {  	[sflag:s23] =	ssyncadd.s32 $0xFFFFE000  }
0xd0: {  	[spmem:s1] =	stream.indirect.scatter.add.bf16 [tilespmem:s19], [sflag:$0x5], $0x40, s17, s18, $0xb8;
	[tilespmem:$0x1DA00] =	vst v63  }
0xd1: {  	s9 =	simm.s32 $0x180  }
0xd2: {  	[tilespmem:s25], [sflag:$0x4] =	stream.indirect.gather [hbm4b:s6+s18], $0x40, s9, s18, $0xb8;
	[tilespmem:$0x1DA00] =	vst v63  }
0xd3: {  	_ =	swait.ge [sflag:s26], $0x2000  }
0xd4: {  	[sflag:s26] =	ssyncset.done $0x0  }
0xd5: {  	s8 =	simm.s32 $0x1080;
	[sflag:s26] =	ssyncadd.s32 $0xFFFFE000  }
0xd6: {  	[spmem:s1] =	stream.indirect.scatter.add.bf16 [tilespmem:s20], [sflag:$0x6], $0x40, s8, s18, $0xb8;
	[tilespmem:$0x1DA00] =	vst v63  }
0xd7: {  	_ =	swait.ge [sflag:s29], $0x2000  }
0xd8: {  	[sflag:s29] =	ssyncset.done $0x0  }
0xd9: {  	s9 =	simm.s32 $0x200;
	[sflag:s29] =	ssyncadd.s32 $0xFFFFE000  }
0xda: {  	[tilespmem:s19], [sflag:$0x1] =	stream.indirect.gather [hbm4b:s6+s18], $0x40, s9, s18, $0xb8;
	[tilespmem:$0x1DA00] =	vst v63  }
0xdb: {  	_ =	swait.ge [sflag:s31], $0x2000  }
0xdc: {  	[sflag:s31] =	ssyncset.done $0x0  }
0xdd: {  	s8 =	simm.s32 $0x1100;
	[sflag:s31] =	ssyncadd.s32 $0xFFFFE000  }
0xde: {  	[spmem:s1] =	stream.indirect.scatter.add.bf16 [tilespmem:s22], [sflag:$0x7], $0x40, s8, s18, $0xb8;
	[tilespmem:$0x1DA00] =	vst v63  }
0xdf: {  	_ =	swait.ge [sflag:s3], $0x2000  }
0xe0: {  	[sflag:s3] =	ssyncset.done $0x0  }
0xe1: {  	s9 =	simm.s32 $0x280;
	[sflag:s3] =	ssyncadd.s32 $0xFFFFE000  }
0xe2: {  	[tilespmem:s20], [sflag:$0x2] =	stream.indirect.gather [hbm4b:s6+s18], $0x40, s9, s18, $0xb8;
	[tilespmem:$0x1DA00] =	vst v63  }
0xe3: {  	_ =	swait.ge [sflag:s10], $0x2000  }
0xe4: {  	[sflag:s10] =	ssyncset.done $0x0  }
0xe5: {  	s8 =	simm.s32 $0x1180;
	[sflag:s10] =	ssyncadd.s32 $0xFFFFE000  }
0xe6: {  	[spmem:s1] =	stream.indirect.scatter.add.bf16 [tilespmem:s25], [sflag:$0x8], $0x40, s8, s18, $0xb8;
	[tilespmem:$0x1DA00] =	vst v63  }
0xe7: {  	_ =	swait.ge [sflag:s12], $0x2000  }
0xe8: {  	[sflag:s12] =	ssyncset.done $0x0  }
0xe9: {  	s9 =	simm.s32 $0x300;
	[sflag:s12] =	ssyncadd.s32 $0xFFFFE000  }
0xea: {  	[tilespmem:s22], [sflag:$0x3] =	stream.indirect.gather [hbm4b:s6+s18], $0x40, s9, s18, $0xb8;
	[tilespmem:$0x1DA00] =	vst v63  }
0xeb: {  	_ =	swait.ge [sflag:s23], $0x2000  }
0xec: {  	[sflag:s23] =	ssyncset.done $0x0  }
0xed: {  	s8 =	simm.s32 $0x1200;
	[sflag:s23] =	ssyncadd.s32 $0xFFFFE000  }
0xee: {  	[spmem:s1] =	stream.indirect.scatter.add.bf16 [tilespmem:s19], [sflag:$0x5], $0x40, s8, s18, $0xb8;
	[tilespmem:$0x1DA00] =	vst v63  }
0xef: {  	_ =	swait.ge [sflag:s13], $0x2000  }
0xf0: {  	[sflag:s13] =	ssyncset.done $0x0  }
0xf1: {  	s9 =	simm.s32 $0x380;
	[sflag:s13] =	ssyncadd.s32 $0xFFFFE000  }
0xf2: {  	[tilespmem:s25], [sflag:$0x4] =	stream.indirect.gather [hbm4b:s6+s18], $0x40, s9, s18, $0xb8;
	[tilespmem:$0x1DA00] =	vst v63  }
0xf3: {  	_ =	swait.ge [sflag:s26], $0x2000  }
0xf4: {  	[sflag:s26] =	ssyncset.done $0x0  }
0xf5: {  	s8 =	simm.s32 $0x1280;
	[sflag:s26] =	ssyncadd.s32 $0xFFFFE000  }
0xf6: {  	[spmem:s1] =	stream.indirect.scatter.add.bf16 [tilespmem:s20], [sflag:$0x6], $0x40, s8, s18, $0xb8;
	[tilespmem:$0x1DA00] =	vst v63  }
0xf7: {  	_ =	swait.ge [sflag:s29], $0x2000  }
0xf8: {  	[sflag:s29] =	ssyncset.done $0x0  }
0xf9: {  	s9 =	simm.s32 $0x400;
	[sflag:s29] =	ssyncadd.s32 $0xFFFFE000  }
0xfa: {  	[tilespmem:s19], [sflag:$0x1] =	stream.indirect.gather [hbm4b:s6+s18], $0x40, s9, s18, $0xb8;
	[tilespmem:$0x1DA00] =	vst v63  }
0xfb: {  	_ =	swait.ge [sflag:s31], $0x2000  }
0xfc: {  	[sflag:s31] =	ssyncset.done $0x0  }
0xfd: {  	s8 =	simm.s32 $0x1300;
	[sflag:s31] =	ssyncadd.s32 $0xFFFFE000  }
0xfe: {  	[spmem:s1] =	stream.indirect.scatter.add.bf16 [tilespmem:s22], [sflag:$0x7], $0x40, s8, s18, $0xb8;
	[tilespmem:$0x1DA00] =	vst v63  }
0xff: {  	_ =	swait.ge [sflag:s3], $0x2000  }
0x100: {  	[sflag:s3] =	ssyncset.done $0x0  }
0x101: {  	s9 =	simm.s32 $0x480;
	[sflag:s3] =	ssyncadd.s32 $0xFFFFE000  }
0x102: {  	[tilespmem:s20], [sflag:$0x2] =	stream.indirect.gather [hbm4b:s6+s18], $0x40, s9, s18, $0xb8;
	[tilespmem:$0x1DA00] =	vst v63  }
0x103: {  	_ =	swait.ge [sflag:s10], $0x2000  }
0x104: {  	[sflag:s10] =	ssyncset.done $0x0  }
0x105: {  	s0 =	simm.s32 $0x800;
	s9 =	simm.s32 $0x1380;
	[sflag:s10] =	ssyncadd.s32 $0xFFFFE000  }
.LBB2_3:
0x106: {  	[spmem:s1] =	stream.indirect.scatter.add.bf16 [tilespmem:s25], [sflag:$0x8], $0x40, s9, s18, $0xb8;
	[tilespmem:$0x1DA00] =	vst v63  }
0x107: {  	s8 =	smov.u32 s0  }
0x108: {  	p1 =	sne.s32 s0, $0x2800;
	s0 =	sadd.s32 $0x800, s0;
	_ =	swait.ge [sflag:s12], $0x2000  }
0x109: {  	s9 =	sshra.s32 s8, $0x2;
	[sflag:s12] =	ssyncset.done $0x0  }
0x10a: {  	s8 =	sadd.s32 $0x300, s9;
	[sflag:s12] =	ssyncadd.s32 $0xFFFFE000  }
0x10b: {  	[tilespmem:s22], [sflag:$0x3] =	stream.indirect.gather [hbm4b:s6+s18], $0x40, s8, s18, $0xb8;
	[tilespmem:$0x1DA00] =	vst v63  }
0x10c: {  	_ =	swait.ge [sflag:s23], $0x2000  }
0x10d: {  	[sflag:s23] =	ssyncset.done $0x0  }
0x10e: {  	s8 =	sadd.s32 $0x1200, s9;
	[sflag:s23] =	ssyncadd.s32 $0xFFFFE000  }
0x10f: {  	[spmem:s1] =	stream.indirect.scatter.add.bf16 [tilespmem:s19], [sflag:$0x5], $0x40, s8, s18, $0xb8;
	[tilespmem:$0x1DA00] =	vst v63  }
0x110: {  	_ =	swait.ge [sflag:s13], $0x2000  }
0x111: {  	[sflag:s13] =	ssyncset.done $0x0  }
0x112: {  	s8 =	sadd.s32 $0x380, s9;
	[sflag:s13] =	ssyncadd.s32 $0xFFFFE000  }
0x113: {  	[tilespmem:s25], [sflag:$0x4] =	stream.indirect.gather [hbm4b:s6+s18], $0x40, s8, s18, $0xb8;
	[tilespmem:$0x1DA00] =	vst v63  }
0x114: {  	_ =	swait.ge [sflag:s26], $0x2000  }
0x115: {  	[sflag:s26] =	ssyncset.done $0x0  }
0x116: {  	s8 =	sadd.s32 $0x1280, s9;
	[sflag:s26] =	ssyncadd.s32 $0xFFFFE000  }
0x117: {  	[spmem:s1] =	stream.indirect.scatter.add.bf16 [tilespmem:s20], [sflag:$0x6], $0x40, s8, s18, $0xb8;
	[tilespmem:$0x1DA00] =	vst v63  }
0x118: {  	_ =	swait.ge [sflag:s29], $0x2000  }
0x119: {  	[sflag:s29] =	ssyncset.done $0x0  }
0x11a: {  	s8 =	sadd.s32 $0x400, s9;
	[sflag:s29] =	ssyncadd.s32 $0xFFFFE000  }
0x11b: {  	[tilespmem:s19], [sflag:$0x1] =	stream.indirect.gather [hbm4b:s6+s18], $0x40, s8, s18, $0xb8;
	[tilespmem:$0x1DA00] =	vst v63  }
0x11c: {  	_ =	swait.ge [sflag:s31], $0x2000  }
0x11d: {  	[sflag:s31] =	ssyncset.done $0x0  }
0x11e: {  	s8 =	sadd.s32 $0x1300, s9;
	[sflag:s31] =	ssyncadd.s32 $0xFFFFE000  }
0x11f: {  	[spmem:s1] =	stream.indirect.scatter.add.bf16 [tilespmem:s22], [sflag:$0x7], $0x40, s8, s18, $0xb8;
	[tilespmem:$0x1DA00] =	vst v63  }
0x120: {  	_ =	swait.ge [sflag:s3], $0x2000  }
0x121: {  	[sflag:s3] =	ssyncset.done $0x0  }
.Ltmp6:
0x122: {  	s8 =	sadd.s32 $0x480, s9;
	[sflag:s3] =	ssyncadd.s32 $0xFFFFE000;
	(pc) =	sbr.rel @p1 .LBB2_3-.Ltmp6, $4  }
0x123: {  	[tilespmem:s20], [sflag:$0x2] =	stream.indirect.gather [hbm4b:s6+s18], $0x40, s8, s18, $0xb8;
	[tilespmem:$0x1DA00] =	vst v63  }
0x124: {  	_ =	swait.ge [sflag:s10], $0x2000  }
0x125: {  	[sflag:s10] =	ssyncset.done $0x0  }
0x126: {  	s9 =	sadd.s32 $0x1380, s9;
	[sflag:s10] =	ssyncadd.s32 $0xFFFFE000  }
0x127: {  	[spmem:s1] =	stream.indirect.scatter.add.bf16 [tilespmem:s25], [sflag:$0x8], $0x40, s9, s18, $0xb8;
	[tilespmem:$0x1DA00] =	vst v63  }
0x128: {  	_ =	swait.ge [sflag:s12], $0x2000  }
0x129: {  	[sflag:s12] =	ssyncset.done $0x0  }
0x12a: {  	[sflag:s12] =	ssyncadd.s32 $0xFFFFE000  }
0x12b: {  	[tilespmem:s22], [sflag:$0x3] =	stream.indirect.gather [hbm4b:s6+s18], $0x40, s14, s18, $0xb8;
	[tilespmem:$0x1DA00] =	vst v63  }
0x12c: {  	_ =	swait.ge [sflag:s23], $0x2000  }
0x12d: {  	[sflag:s23] =	ssyncset.done $0x0  }
0x12e: {  	[sflag:s23] =	ssyncadd.s32 $0xFFFFE000  }
0x12f: {  	[spmem:s1] =	stream.indirect.scatter.add.bf16 [tilespmem:s19], [sflag:$0x5], $0x40, s15, s18, $0xb8;
	[tilespmem:$0x1DA00] =	vst v63  }
0x130: {  	_ =	swait.ge [sflag:s13], $0x2000  }
0x131: {  	[sflag:s13] =	ssyncset.done $0x0  }
0x132: {  	[sflag:s13] =	ssyncadd.s32 $0xFFFFE000  }
0x133: {  	[tilespmem:s25], [sflag:$0x4] =	stream.indirect.gather [hbm4b:s6+s18], $0x40, s2, s18, $0xb8;
	[tilespmem:$0x1DA00] =	vst v63  }
0x134: {  	_ =	swait.ge [sflag:s26], $0x2000  }
0x135: {  	[sflag:s26] =	ssyncset.done $0x0  }
0x136: {  	[sflag:s26] =	ssyncadd.s32 $0xFFFFE000  }
0x137: {  	[spmem:s1] =	stream.indirect.scatter.add.bf16 [tilespmem:s20], [sflag:$0x6], $0x40, s21, s18, $0xb8;
	[tilespmem:$0x1DA00] =	vst v63  }
0x138: {  	_ =	swait.ge [sflag:s31], $0x2000  }
0x139: {  	[sflag:s31] =	ssyncset.done $0x0  }
0x13a: {  	[sflag:s31] =	ssyncadd.s32 $0xFFFFE000  }
0x13b: {  	[spmem:s1] =	stream.indirect.scatter.add.bf16 [tilespmem:s22], [sflag:$0x7], $0x40, s24, s18, $0xb8;
	[tilespmem:$0x1DA00] =	vst v63  }
0x13c: {  	_ =	swait.ge [sflag:s10], $0x2000  }
0x13d: {  	[sflag:s10] =	ssyncset.done $0x0  }
0x13e: {  	[sflag:s10] =	ssyncadd.s32 $0xFFFFE000  }
0x13f: {  	[spmem:s1] =	stream.indirect.scatter.add.bf16 [tilespmem:s25], [sflag:$0x8], $0x40, s28, s18, $0xb8;
	[tilespmem:$0x1DA00] =	vst v63  }
0x140: {  	_ =	swait.ge [sflag:s29], $0x2000  }
0x141: {  	[sflag:s29] =	ssyncset.done $0x0  }
0x142: {  	[sflag:s29] =	ssyncadd.s32 $0xFFFFE000  }
0x143: {  	_ =	swait.ge [sflag:s3], $0x2000  }
0x144: {  	[sflag:s3] =	ssyncset.done $0x0  }
0x145: {  	s30 =	sadd.s32 $0x1, s30;
	[sflag:s3] =	ssyncadd.s32 $0xFFFFE000  }
0x146: {  	p1 =	seq.s32 s30, $0x5;
	_ =	swait.ge [sflag:s12], $0x2000  }
.Ltmp7:
0x147: {  	[sflag:s12] =	ssyncset.done $0x0;
	(pc) =	sbr.rel @!p1 .LBB2_2-.Ltmp7, $4  }
0x148: {  	[sflag:s12] =	ssyncadd.s32 $0xFFFFE000  }
0x149: {  	_ =	swait.ge [sflag:s13], $0x2000  }
0x14a: {  	[sflag:s13] =	ssyncset.done $0x0  }
0x14b: {  	[sflag:s13] =	ssyncadd.s32 $0xFFFFE000  }
.Ltmp8:
0x14c: {  	(pc) =	sbr.rel .LBB2_10-.Ltmp8, $3  }
0x14d: {  	_ =	sdelay $0x1  }
0x14e: {  	s0 =	rddreg [dreg:$0x5]  }
0x14f: {  	s30 =	rddreg [dreg:$0x3]  }
.LBB2_11:
0x150: {  	_ =	sfence.sel $0x180000  }
0x151: {  	[bflag:$0x0] =	sbarrier.arrive $0xFFFF  }
0x152: {  	_ =	strace $0x9000004D  }
0x153: {  	s0 =	stileid.u32;
	[bflag:$0x2] =	sbarrier.arrive $0xFFFF  }
0x154: {  	p0 =	sne.s32 s0, $0x0;
	s0 =	rddreg [dreg:$0x2]  }
0x155: {  	s0 =	sadd.s32 @!p0 $0x100000, s0  }
0x156: {  	[sflag:s0] =	ssyncadd.tile.s32 @!p0 $0x1;
	_ =	shalt  }
.Lfunc_end2:
_tile_overlayer_lowered:
.L_overlay_start_2:
0x157: {  	(tag) =	ssettag $0x2  }
0x158: {  	s0 =	rddreg [dreg:$0x0];
	s2 =	stileid.u32  }
0x159: {  	s1 =	rddreg [dreg:$0x1];
	p0 =	sne.s32 s2, $0x0  }
0x15a: {  	s3 =	rddreg [dreg:$0x2];
	[bflag:$0x3] =	sbarrier.arrive $0xFFFF;
	s2 =	simm.s32 @!p0 $0x1C09  }
0x15b: {  	[timem:s3], [sflag:s2] =	dma.local @!p0 [hbm:s0], s1  }
0x15c: {  	s0 =	simm.s32 @!p0 $0x9  }
0x15d: {  	_ =	swait.ge @!p0 [sflag:s0], s1  }
0x15e: {  	s1 =	ssub.s32 @!p0 $0x0, s1;
	[sflag:s0] =	ssyncset.done @!p0 $0x0  }
0x15f: {  	[sflag:s0] =	ssyncadd.s32 @!p0 s1  }
0x160: {  	[bflag:$0x3] =	sbarrier.arrive $0xFFFF  }
0x161: {  	_ =	shalt  }

// kernel: kernel.9.cloned.1.call-start
scs
__scs_entry_jumppad:
0x0: {  	(pc) =	sbr.rel $0x88, $3  }
0x1: {  	(tag) =	ssettag $0x0;
	lr =	simm.s32 $0x1  }
0x2: {  	[smem:$0x3F97] =	sst lr;
	_ =	strace $0xD0000000  }
0x3: {  	_ = 	snop  }
0x4: {  	_ = 	snop  }
0x5: {  	_ = 	snop  }
0x6: {  	_ = 	snop  }
0x7: {  	_ = 	snop  }
__scs_overlays_trampoline_lowered:
0x8: {  	[smem:$0x3FA6] =	sst s0  }
0x9: {  	[smem:$0x3FA7] =	sst s1  }
0xa: {  	[smem:$0x3FA8] =	sst s2  }
0xb: {  	[smem:$0x3FA9] =	sst s3  }
0xc: {  	[smem:$0x3FAA] =	sst s4  }
0xd: {  	[smem:$0x3FAB] =	sst s5  }
0xe: {  	[smem:$0x3FAC] =	sst s6  }
0xf: {  	[smem:$0x3FAD] =	sst s7  }
0x10: {  	[smem:$0x3FAE] =	sst s8  }
0x11: {  	[smem:$0x3FAF] =	sst s9;
	s0 =	simm.s32 @!p0 $0x0  }
0x12: {  	s1 =	sld [smem:$0x3F95];
	s0 =	simm.s32 @p0 $0x1  }
0x13: {  	[smem:$0x3FB0] =	sst s0;
	s0 =	simm.s32 @!p1 $0x0  }
0x14: {  	s2 =	sld [smem:$0x3F94];
	s0 =	simm.s32 @p1 $0x1  }
0x15: {  	[smem:$0x3FB1] =	sst s0;
	s0 =	simm.s32 @!p2 $0x0  }
0x16: {  	s3 =	sld [smem:$0x3FDB];
	s0 =	simm.s32 @p2 $0x1  }
0x17: {  	s4 =	simm.s32 $0x1BF5;
	[smem:$0x3FB3] =	sst s0  }
0x18: {  	s0 =	sld [smem:$0x3F96];
	_ =	swait.ge [sflag:s4], $0x0  }
0x19: {  	s7 =	sld [smem:$0x3F97]  }
0x1a: {  	s8 =	sadd.s32 $0xFFFFE003, lr  }
0x1b: {  	s9 =	sadd.s32 $0xFFFFFEF7, lr;
	s5 =	simm.s32 $0xFFFFFFFF;
	p2 =	slt.u32 s8, $0xFFFFF086  }
0x1c: {  	p1 =	slt.u32 s9, $0xF7A;
	s5 =	simm.s32 @!p2 $0x0  }
0x1d: {  	s5 =	simm.s32 @p1 $0x1;
	p0 =	seq.s32 s7, s2  }
0x1e: {  	s7 =	smul.u32 @!p0 $0xF7A, s2;
	p2 =	seq.s32 @!p0 s5, $0x0  }
0x1f: {  	s9 =	smul.u32 $0xF7A, s1;
	s8 =	simm.s32 @!p0 $0x1BF5;
	p2 =	por !p2, p0  }
0x20: {  	[sflag:s8] =	ssyncset.s32 @!p0 $0xFFFFF086;
	s6 =	sadd.s32 @!p0 s3, s7;
	s7 =	simm.s32 @!p0 $0x108  }
0x21: {  	s3 =	sadd.s32 s3, s9;
	s6 =	sadd.s32 @!p0 $0x88, s6;
	s7 =	simm.s32 @p2 $0x1082  }
0x22: {  	[simem:s7], [sflag:s8] =	dma.local @!p0 [hbm:s6], $0xF7A  }
0x23: {  	s9 =	sor.u32 $0xD0000000, s2;
	s6 =	simm.s32 $0x108;
	_ =	swait.ge @!p0 [sflag:s8], $0x0  }
0x24: {  	s3 =	sadd.s32 $0x88, s3;
	s6 =	simm.s32 @!p1 $0x1082;
	[sflag:s4] =	ssyncset.s32 $0xFFFFF086  }
0x25: {  	[simem:s6], [sflag:s4] =	dma.local [hbm:s3], $0xF7A  }
0x26: {  	[smem:$0x3F97] =	sst s1;
	(tag) =	ssettag s2;
	_ =	strace s9  }
0x27: {  	s1 =	sld [smem:$0x3FA7]  }
0x28: {  	s2 =	sld [smem:$0x3FA8]  }
0x29: {  	s4 =	sld [smem:$0x3FAA]  }
0x2a: {  	p0 =	seq.s32 s5, $0x0;
	s5 =	sld [smem:$0x3FAB]  }
0x2b: {  	s6 =	sld [smem:$0x3FAC]  }
0x2c: {  	s7 =	sld [smem:$0x3FAD]  }
0x2d: {  	s3 =	simm.s32 $0x108;
	s8 =	sld [smem:$0x3FAE]  }
0x2e: {  	s3 =	simm.s32 @!p0 $0x1082;
	s9 =	sld [smem:$0x3FAF]  }
0x2f: {  	lr =	sadd.s32 s0, s3;
	s0 =	sld [smem:$0x3FA6]  }
0x30: {  	s3 =	sld [smem:$0x3FA9]  }
0x31: {  	[smem:$0x3FB2] =	sst s10  }
0x32: {  	s10 =	sld [smem:$0x3FB0];
	_ =	sdelay $0x3  }
0x33: {  	p0 =	seq.s32 s10, $0x1;
	s10 =	sld [smem:$0x3FB2];
	_ =	sdelay $0x3  }
0x34: {  	[smem:$0x3FB2] =	sst s10  }
0x35: {  	s10 =	sld [smem:$0x3FB1];
	_ =	sdelay $0x3  }
0x36: {  	p1 =	seq.s32 s10, $0x1;
	s10 =	sld [smem:$0x3FB2];
	_ =	sdelay $0x3  }
0x37: {  	[smem:$0x3FB2] =	sst s10  }
0x38: {  	s10 =	sld [smem:$0x3FB3]  }
0x39: {  	_ = 	snop;
	(pc) =	sbr.ind lr, $3  }
0x3a: {  	_ = 	snop  }
0x3b: {  	_ = 	snop  }
0x3c: {  	p2 =	seq.s32 s10, $0x1;
	s10 =	sld [smem:$0x3FB2]  }
0x3d: {  	_ =	shalt  }
0x3e: {  	_ =	shalt  }
0x3f: {  	_ =	shalt  }
0x40: {  	_ =	shalt  }
0x41: {  	_ =	shalt  }
0x42: {  	_ =	shalt  }
0x43: {  	_ =	shalt  }
0x44: {  	_ =	shalt  }
0x45: {  	_ =	shalt  }
0x46: {  	_ =	shalt  }
0x47: {  	_ =	shalt  }
0x48: {  	_ =	shalt  }
0x49: {  	_ =	shalt  }
0x4a: {  	_ =	shalt  }
0x4b: {  	_ =	shalt  }
0x4c: {  	_ =	shalt  }
0x4d: {  	_ =	shalt  }
0x4e: {  	_ =	shalt  }
0x4f: {  	_ =	shalt  }
0x50: {  	_ =	shalt  }
0x51: {  	_ =	shalt  }
0x52: {  	_ =	shalt  }
0x53: {  	_ =	shalt  }
0x54: {  	_ =	shalt  }
0x55: {  	_ =	shalt  }
0x56: {  	_ =	shalt  }
0x57: {  	_ =	shalt  }
0x58: {  	_ =	shalt  }
0x59: {  	_ =	shalt  }
0x5a: {  	_ =	shalt  }
0x5b: {  	_ =	shalt  }
0x5c: {  	_ =	shalt  }
0x5d: {  	_ =	shalt  }
0x5e: {  	_ =	shalt  }
0x5f: {  	_ =	shalt  }
0x60: {  	_ =	shalt  }
0x61: {  	_ =	shalt  }
0x62: {  	_ =	shalt  }
0x63: {  	_ =	shalt  }
0x64: {  	_ =	shalt  }
0x65: {  	_ =	shalt  }
0x66: {  	_ =	shalt  }
0x67: {  	_ =	shalt  }
0x68: {  	_ =	shalt  }
0x69: {  	_ =	shalt  }
0x6a: {  	_ =	shalt  }
0x6b: {  	_ =	shalt  }
0x6c: {  	_ =	shalt  }
0x6d: {  	_ =	shalt  }
0x6e: {  	_ =	shalt  }
0x6f: {  	_ =	shalt  }
0x70: {  	_ =	shalt  }
0x71: {  	_ =	shalt  }
0x72: {  	_ =	shalt  }
0x73: {  	_ =	shalt  }
0x74: {  	_ =	shalt  }
0x75: {  	_ =	shalt  }
0x76: {  	_ =	shalt  }
0x77: {  	_ =	shalt  }
0x78: {  	_ =	shalt  }
0x79: {  	_ =	shalt  }
0x7a: {  	_ =	shalt  }
0x7b: {  	_ =	shalt  }
0x7c: {  	_ =	shalt  }
0x7d: {  	_ =	shalt  }
0x7e: {  	_ =	shalt  }
0x7f: {  	_ =	shalt  }
0x80: {  	_ =	shalt  }
0x81: {  	_ =	shalt  }
0x82: {  	_ =	shalt  }
0x83: {  	_ =	shalt  }
0x84: {  	_ =	shalt  }
0x85: {  	_ =	shalt  }
0x86: {  	_ =	shalt  }
0x87: {  	_ =	shalt  }
.Lfunc_end0:
.L_simem_size_0:
called_computation_lowered:
.L_overlay_start_0:
0x88: {  	s2 =	sld [smem:$0x3FD9]  }
0x89: {  	s3 =	sld [smem:$0x3FFE];
	_ =	sdelay $0x1  }
0x8a: {  	s1 =	srdreg.scid  }
0x8b: {  	s0 =	sand.u32 $0x1, s1  }
0x8c: {  	s16 =	sshll.u32 s0, $0xA;
	s2 =	sadd.s32 s3, s2  }
0x8d: {  	s2 =	sadd.s32 s2, s16  }
0x8e: {  	[smem:$0x3FBE] =	sst s2  }
0x8f: {  	_ = 	snop  }
0x90: {  	(tm) =	ssettm $0x1  }
0x91: {  	s17 =	sld [smem:$0x3FFB];
	_ =	sdelay $0x3  }
0x92: {  	_ =	strace s17  }
0x93: {  	s2 =	sld [smem:$0x3FFC];
	_ =	sdelay $0x3  }
0x94: {  	_ =	strace s2  }
0x95: {  	s2 =	sld [smem:$0x3FFD];
	_ =	sdelay $0x3  }
0x96: {  	_ =	strace s2  }
0x97: {  	_ =	strace $0x8FFFFFFF  }
0x98: {  	s18 =	sld [smem:$0x3FDB];
	_ =	sdelay $0x1  }
0x99: {  	s19 =	simm.s32 $_scs_section_size  }
0x9a: {  	s4 =	simm.s32 $_size__tile_overlayer_lowered;
	s5 =	simm.s32 $_tile_overlayer_lowered  }
0x9b: {  	s22 =	simm.s32 $0x1BFF;
	s21 =	sshll.u32 s5, $0x1;
	s2 =	sadd.s32 s19, s18  }
0x9c: {  	s6 =	simm.s32 $0x0;
	s20 =	sshll.u32 s4, $0x1;
	s4 =	sadd.s32 s21, s2  }
0x9d: {  	[timem:s6], [sflag:s22] =	dma.local [hbm:s4], s20  }
0x9e: {  	_ =	swait.ge [sflag:s22], s20  }
0x9f: {  	s3 =	ssub.s32 $0x0, s20;
	[sflag:s22] =	ssyncset.done $0x0  }
0xa0: {  	[sflag:s22] =	ssyncadd.s32 s3;
	_ =	sdelay $0x1  }
0xa1: {  	s23 =	simm.s32 $0x1B8B  }
0xa2: {  	_ =	swait.ge [sflag:s23], $0x1  }
0xa3: {  	[sflag:s23] =	ssyncset.done $0x0  }
0xa4: {  	s25 =	simm.s32 $0x1B8E;
	s24 =	sld [smem:$0x3FFE];
	[sflag:s23] =	ssyncadd.s32 $0xFFFFFFFF  }
0xa5: {  	s26 =	simm.s32 $execute0_lowered;
	[smem:$0x3FD2] =	sst s25  }
0xa6: {  	s4 =	sshll.u32 s26, $0x1;
	_ =	strace $0x80000046;
	[dreg:$0x1] =	wrdreg $0xFFFFFFFF  }
0xa7: {  	s28 =	simm.s32 $_size_execute0_lowered;
	s2 =	sadd.s32 s2, s4;
	[dreg:$0x0] =	wrdreg $0x0  }
0xa8: {  	s4 =	sshll.u32 s28, $0x1;
	[dreg:$0x2] =	wrdreg s2  }
0xa9: {  	[dreg:$0x3] =	wrdreg s4  }
0xaa: {  	[dreg:$0x4] =	wrdreg $0xC0  }
0xab: {  	_ =	task [dreg:s6], $0x5FFFF  }
0xac: {  	[dreg:$0x1] =	wrdreg $0xFFFFFFFF  }
0xad: {  	[dreg:$0x0] =	wrdreg $0x60  }
0xae: {  	[dreg:$0x2] =	wrdreg s24  }
0xaf: {  	[dreg:$0x3] =	wrdreg $0x2C000  }
0xb0: {  	[dreg:$0x4] =	wrdreg $0x9  }
0xb1: {  	_ =	task.clear_ibuf [dreg:s6], $0x5FFFF;
	_ =	strace $0x90000046  }
0xb2: {  	s29 =	simm.s32 $0x9;
	_ =	strace $0x80000048  }
0xb3: {  	_ =	swait.ge [sflag:s29], $0x1  }
0xb4: {  	[sflag:s29] =	ssyncadd.s32 $0xFFFFFFFF  }
0xb5: {  	_ =	strace $0x90000048  }
0xb6: {  	_ =	sfence  }
0xb7: {  	s30 =	sld [smem:$0x0];
	_ =	sdelay $0x2  }
0xb8: {  	s31 =	sshll.u32 s1, $0xD;
	s1 =	sshrl.u32 s1, $0x2  }
0xb9: {  	s3 =	sand.u32 $0x4000, s31;
	s1 =	sadd.s32 s1, s30  }
0xba: {  	s0 =	sor.u32 s3, s0;
	s1 =	sshll.u32 s1, $0x11  }
0xbb: {  	s0 =	sor.u32 s1, s0  }
0xbc: {  	s0 =	sadd.s32 $0x8F2B, s0  }
0xbd: {  	[sflag:s0] =	ssyncadd.remote.s32 $0x1  }
0xbe: {  	_ =	sfence.sel $0xFFFF  }
0xbf: {  	[dreg:$0x0] =	wrdreg $0xFFFFFFFF;
	(pc) =	sbr.abs _section_cstart, $3  }
0xc0: {  	[dreg:$0x1] =	wrdreg $0xFFFFFFFF  }
0xc1: {  	_ =	task.clear_ibuf [dreg:s6], $0x2FFFF;
	_ =	strace $0x9FFFFFFF  }
0xc2: {  	(tm) =	ssettm $0x7FFFFFFF  }
0xc3: {  	_ =	shalt  }
tec
execute0_lowered:
.L_overlay_start_1:
0x0: {  	(tag) =	ssettag $0x1  }
0x1: {  	s6 =	rddreg [dreg:$0x0]  }
0x2: {  	s0 =	srdreg.scid;
	s2 =	rddreg [dreg:$0x1];
	s3 =	simm.s32 $0x0  }
0x3: {  	s13 =	simm.s32 $0x80;
	s5 =	sand.u32 $0x1, s0;
	s0 =	stileid.u32  }
0x4: {  	s14 =	simm.s32 $0x0;
	[smem:$0x7FF] =	sst s3;
	s7 =	smul.u32 $0x2740, s0  }
0x5: {  	s1 =	sshll.u32 s5, $0x4;
	s8 =	smul.u32 $0x27400, s5;
	s10 =	ssub.s32 $0x2, s5  }
0x6: {  	s5 =	sadd.s32 $0x17400, s6;
	s11 =	sshll.u32 s0, $0x6;
	s1 =	sor.u32 s0, s1  }
0x7: {  	s31 =	sshrl.u32 s10, $0x1;
	s11 =	sor.u32 $0x1C01, s11;
	s4 =	smul.u32 $0x500, s1  }
0x8: {  	s1 =	rddreg [dreg:$0x2];
	_ =	strace $0x80000047;
	s8 =	sadd.s32 s7, s8  }
0x9: {  	s10 =	ssub.s32 s10, s31;
	s12 =	sadd.s32 s7, s2;
	s8 =	sshrl.u32 s8, $0x3  }
0xa: {  	s12 =	sshrl.u32 s12, $0x3;
	s9 =	sadd.s32 s4, s6;
	s8 =	sadd.s32 s8, s6  }
0xb: {  	s4 =	sadd.s32 $0x17200, s6;
	s6 =	sadd.s32 $0x3200, s9;
	s7 =	sadd.s32 $0x17A00, s8  }
0xc: {  	s8 =	smax.u32 s10, $0x1;
	s9 =	simm.s32 $0x2800;
	s10 =	simm.s32 $0x1  }
.LBB2_1:
0xd: {  	[tilespmem:s9], [sflag:$0x1] =	stream.linear.gather [hbm4b:s4+s3], $0x400, $0x38;
	[tilespmem:$0x5340] =	vst v63  }
0xe: {  	_ =	swait.ge [sflag:s10], $0x400  }
0xf: {  	[sflag:s10] =	ssyncset.done $0x0  }
0x10: {  	[sflag:s10] =	ssyncadd.s32 $0xFFFFFC00  }
0x11: {  	[spmem:s12], [sflag:s11] =	dma.local [hbm:s5], $0x4E8  }
0x12: {  	_ =	swait.ge [sflag:s10], $0x4E8  }
0x13: {  	[sflag:s10] =	ssyncset.done $0x0  }
0x14: {  	[sflag:s10] =	ssyncadd.s32 $0xFFFFFB18  }
0x15: {  	[tilespmem:s3], [sflag:$0x1] =	stream.linear.gather [hbm4b:s6+s3], $0x2800, $0x38;
	[tilespmem:$0x5340] =	vst v63  }
0x16: {  	_ =	swait.ge [sflag:s10], $0x2800  }
0x17: {  	[sflag:s10] =	ssyncset.done $0x0  }
0x18: {  	[sflag:s10] =	ssyncadd.s32 $0xFFFFD800  }
0x19: {  	s15 =	simm.s32 $0x0;
	[bflag:$0x0] =	sbarrier.arrive $0xFFFF  }
0x1a: {  	[spmem:s2] =	stream.indirect.scatter.add.s32 [tilespmem:s9], [sflag:$0x1], $0x8, s15, s13, $0xb8;
	[tilespmem:$0x5340] =	vst v63  }
0x1b: {  	_ =	swait.ge [sflag:s10], $0x400  }
0x1c: {  	s15 =	simm.s32 $0x200;
	[sflag:s10] =	ssyncset.done $0x0  }
.LBB2_2:
0x1d: {  	s16 =	sshra.s32 s15, $0x2;
	[sflag:s10] =	ssyncadd.s32 $0xFFFFFC00;
	p0 =	sne.s32 s15, $0x9E00  }
0x1e: {  	[spmem:s2] =	stream.indirect.scatter.add.s32 [tilespmem:s9], [sflag:$0x1], $0x8, s16, s13, $0xb8;
	[tilespmem:$0x5340] =	vst v63  }
.Ltmp0:
0x1f: {  	_ = 	snop;
	(pc) =	sbr.rel @p0 .LBB2_2-.Ltmp0, $4  }
0x20: {  	_ = 	snop  }
0x21: {  	s15 =	sadd.s32 $0x200, s15  }
0x22: {  	_ =	swait.ge [sflag:s10], $0x400  }
0x23: {  	[sflag:s10] =	ssyncset.done $0x0  }
0x24: {  	s14 =	sadd.s32 $0x1, s14  }
0x25: {  	[sflag:s10] =	ssyncadd.s32 $0xFFFFFC00;
	p0 =	sne.s32 s14, s8  }
.Ltmp1:
0x26: {  	[bflag:$0x0] =	sbarrier.arrive $0xFFFF;
	(pc) =	sbr.rel @p0 .LBB2_1-.Ltmp1, $4  }
0x27: {  	[hbm:s7], [sflag:s11] =	dma.local [spmem:s12], $0x4E8  }
0x28: {  	_ =	swait.ge [sflag:s10], $0x4E8  }
0x29: {  	[sflag:s10] =	ssyncset.done $0x0  }
0x2a: {  	[sflag:s10] =	ssyncadd.s32 $0xFFFFFB18  }
0x2b: {  	_ =	sfence.sel $0x180000  }
0x2c: {  	[bflag:$0x0] =	sbarrier.arrive $0xFFFF  }
0x2d: {  	p0 =	sne.s32 s0, $0x0;
	_ =	strace $0x90000047  }
0x2e: {  	s0 =	sadd.s32 @!p0 $0x100000, s1;
	[bflag:$0x2] =	sbarrier.arrive $0xFFFF  }
0x2f: {  	[sflag:s0] =	ssyncadd.tile.s32 @!p0 $0x1;
	_ =	shalt  }
.Lfunc_end2:
_tile_overlayer_lowered:
.L_overlay_start_2:
0x30: {  	(tag) =	ssettag $0x2  }
0x31: {  	s0 =	rddreg [dreg:$0x0];
	s2 =	stileid.u32  }
0x32: {  	s1 =	rddreg [dreg:$0x1];
	p0 =	sne.s32 s2, $0x0  }
0x33: {  	s3 =	rddreg [dreg:$0x2];
	[bflag:$0x3] =	sbarrier.arrive $0xFFFF;
	s2 =	simm.s32 @!p0 $0x1C01  }
0x34: {  	[timem:s3], [sflag:s2] =	dma.local @!p0 [hbm:s0], s1  }
0x35: {  	s0 =	simm.s32 @!p0 $0x1  }
0x36: {  	_ =	swait.ge @!p0 [sflag:s0], s1  }
0x37: {  	s1 =	ssub.s32 @!p0 $0x0, s1;
	[sflag:s0] =	ssyncset.done @!p0 $0x0  }
0x38: {  	[sflag:s0] =	ssyncadd.s32 @!p0 s1  }
0x39: {  	[bflag:$0x3] =	sbarrier.arrive $0xFFFF  }
0x3a: {  	_ =	shalt  }

</sc_bundles>
